<compile_context>
chip_gen: v7x
topology: tpu7x:2x2x1
jax: 0.10.2.dev20260603
libtpu: 0.0.44.dev20260713+nightly
codegen_flags: <defaults>
</compile_context>

<pallas_src>
import functools

import jax
import jax.numpy as jnp
from jax import lax
from jax.experimental import pallas as pl
from jax.experimental.pallas import tpu as pltpu
from jax.experimental.pallas import tpu_sc as plsc

BLK = 2000

NC = 2
NS = 16
CH = 125
NBUF = 5


def _leaky(x):
    return jnp.where(x >= 0, x, 0.01 * x)


def _row_spec(width):
    return pl.BlockSpec((BLK, width), lambda i: (i, 0))


def _full_spec(shape):
    return pl.BlockSpec(shape, lambda i: tuple(0 for _ in shape))


def _part_spec(width):
    return pl.BlockSpec((NC, BLK, width), lambda i: (0, i, 0))


def _tc1_body(des, num, cat, Wd, bd, Wn, bn, Wc, bc, Wdi, Wni, Wci, bi,
              Wl1p, B1p, Wr1, b1, y1p_ref, r1_ref):
    d = _leaky(jnp.dot(des[...], Wd[...], preferred_element_type=jnp.float32, precision=jax.lax.Precision.HIGHEST) + bd[...])
    n = _leaky(jnp.dot(num[...], Wn[...], preferred_element_type=jnp.float32, precision=jax.lax.Precision.HIGHEST) + bn[...])
    c = _leaky(jnp.dot(cat[...], Wc[...], preferred_element_type=jnp.float32, precision=jax.lax.Precision.HIGHEST) + bc[...])
    x = _leaky(jnp.dot(d, Wdi[...], preferred_element_type=jnp.float32, precision=jax.lax.Precision.HIGHEST)
               + jnp.dot(n, Wni[...], preferred_element_type=jnp.float32, precision=jax.lax.Precision.HIGHEST)
               + jnp.dot(c, Wci[...], preferred_element_type=jnp.float32, precision=jax.lax.Precision.HIGHEST)
               + bi[...])
    y1p_ref[...] = jnp.dot(x, Wl1p[...], preferred_element_type=jnp.float32, precision=jax.lax.Precision.HIGHEST) + B1p[...]
    r1_ref[...] = jnp.dot(x, Wr1[...], preferred_element_type=jnp.float32, precision=jax.lax.Precision.HIGHEST) + b1[...]


def _tc1(n_nodes, des, num, cat, Wd, bd, Wn, bn, Wc, bc, Wdi, Wni, Wci, bi,
         Wl1p, B1p, Wr1, b1):
    grid = (n_nodes // BLK,)
    return pl.pallas_call(
        _tc1_body,
        grid=grid,
        in_specs=[
            _row_spec(768), _row_spec(4), _row_spec(3),
            _full_spec((768, 32)), _full_spec((1, 32)),
            _full_spec((4, 42)), _full_spec((1, 42)),
            _full_spec((3, 42)), _full_spec((1, 42)),
            _full_spec((32, 128)), _full_spec((42, 128)), _full_spec((42, 128)),
            _full_spec((1, 128)),
            _full_spec((128, 80)), _full_spec((1, 80)),
            _full_spec((128, 64)), _full_spec((1, 64)),
        ],
        out_specs=[_row_spec(80), _row_spec(64)],
        out_shape=[
            jax.ShapeDtypeStruct((n_nodes, 80), jnp.float32),
            jax.ShapeDtypeStruct((n_nodes, 64), jnp.float32),
        ],
    )(des, num, cat, Wd, bd, Wn, bn, Wc, bc, Wdi, Wni, Wci, bi,
      Wl1p, B1p, Wr1, b1)


def _tc2_body(p, r1, Wr2, b2, h1_ref, r2_ref, rc_ref):
    agg = p[0] + p[1]
    rc = 1.0 / jnp.maximum(agg[:, 64:65], 1.0)
    h = jnp.maximum(agg[:, :64] * rc + r1[...], 0.0)
    h1_ref[...] = h
    r2_ref[...] = jnp.dot(h, Wr2[...], preferred_element_type=jnp.float32, precision=jax.lax.Precision.HIGHEST) + b2[...]
    rc_ref[...] = rc


def _tc2(n_nodes, p, r1, Wr2, b2):
    return pl.pallas_call(
        _tc2_body,
        grid=(n_nodes // BLK,),
        in_specs=[_part_spec(80), _row_spec(64),
                  _full_spec((64, 128)), _full_spec((1, 128))],
        out_specs=[_row_spec(64), _row_spec(128), _row_spec(1)],
        out_shape=[
            jax.ShapeDtypeStruct((n_nodes, 64), jnp.float32),
            jax.ShapeDtypeStruct((n_nodes, 128), jnp.float32),
            jax.ShapeDtypeStruct((n_nodes, 1), jnp.float32),
        ],
    )(p, r1, Wr2, b2)


def _tc3_body(p, rc, r2, Wl2, Wl3, Wr3, b3, y3_ref, r3_ref):
    agg = p[...] * rc[...]
    x2 = jnp.maximum(jnp.dot(agg, Wl2[...], preferred_element_type=jnp.float32, precision=jax.lax.Precision.HIGHEST)
                     + r2[...], 0.0)
    y3_ref[...] = jnp.dot(x2, Wl3[...], preferred_element_type=jnp.float32, precision=jax.lax.Precision.HIGHEST)
    r3_ref[...] = jnp.dot(x2, Wr3[...], preferred_element_type=jnp.float32, precision=jax.lax.Precision.HIGHEST) + b3[...]


def _tc3(n_nodes, p, rc, r2, Wl2, Wl3, Wr3, b3):
    return pl.pallas_call(
        _tc3_body,
        grid=(n_nodes // BLK,),
        in_specs=[_row_spec(64), _row_spec(1), _row_spec(128),
                  _full_spec((64, 128)), _full_spec((128, 64)),
                  _full_spec((128, 64)), _full_spec((1, 64))],
        out_specs=[_row_spec(64), _row_spec(64)],
        out_shape=[
            jax.ShapeDtypeStruct((n_nodes, 64), jnp.float32),
            jax.ShapeDtypeStruct((n_nodes, 64), jnp.float32),
        ],
    )(p, rc, r2, Wl2, Wl3, Wr3, b3)


def _tc4_body(p, rc, r3, Wr4, b4, h3_ref, r4_ref):
    h = jnp.maximum(p[...] * rc[...] + r3[...], 0.0)
    h3_ref[...] = h
    r4_ref[...] = jnp.dot(h, Wr4[...], preferred_element_type=jnp.float32, precision=jax.lax.Precision.HIGHEST) + b4[...]


def _tc4(n_nodes, p, rc, r3, Wr4, b4):
    return pl.pallas_call(
        _tc4_body,
        grid=(n_nodes // BLK,),
        in_specs=[_row_spec(64), _row_spec(1), _row_spec(64),
                  _full_spec((64, 128)), _full_spec((1, 128))],
        out_specs=[_row_spec(64), _row_spec(128)],
        out_shape=[
            jax.ShapeDtypeStruct((n_nodes, 64), jnp.float32),
            jax.ShapeDtypeStruct((n_nodes, 128), jnp.float32),
        ],
    )(p, rc, r3, Wr4, b4)


def _tc5_body(p, rc, r4, Wl4, Wo1, bo1, Wo2, bo2, out_ref):
    agg = p[...] * rc[...]
    x4 = jnp.maximum(jnp.dot(agg, Wl4[...], preferred_element_type=jnp.float32, precision=jax.lax.Precision.HIGHEST)
                     + r4[...], 0.0)
    z = _leaky(jnp.dot(x4, Wo1[...], preferred_element_type=jnp.float32, precision=jax.lax.Precision.HIGHEST) + bo1[...])
    out_ref[...] = jnp.dot(z, Wo2[...], preferred_element_type=jnp.float32, precision=jax.lax.Precision.HIGHEST) + bo2[...]


def _tc5(n_nodes, p, rc, r4, Wl4, Wo1, bo1, Wo2, bo2):
    return pl.pallas_call(
        _tc5_body,
        grid=(n_nodes // BLK,),
        in_specs=[_row_spec(64), _row_spec(1), _row_spec(128),
                  _full_spec((64, 128)), _full_spec((128, 128)),
                  _full_spec((1, 128)), _full_spec((128, 2)), _full_spec((1, 2))],
        out_specs=[_row_spec(2)],
        out_shape=[jax.ShapeDtypeStruct((n_nodes, 2), jnp.float32)],
    )(p, rc, r4, Wl4, Wo1, bo1, Wo2, bo2)[0]


@functools.lru_cache(maxsize=None)
def _make_sc_agg(n_nodes, width, n_edges):
    epc = n_edges // (NC * NS)
    n_ch = epc // CH
    n_rounds = n_ch // NBUF
    npad = -(-n_nodes // (NS * 8)) * (NS * 8)
    rpt = npad // NS
    mesh = plsc.VectorSubcoreMesh(core_axis_name="c", subcore_axis_name="s",
                                  num_cores=NC, num_subcores=NS)

    @functools.partial(
        pl.kernel,
        mesh=mesh,
        out_type=jax.ShapeDtypeStruct((NC, npad, width), jnp.float32),
        scratch_types=(
            [pltpu.VMEM((n_ch, CH), jnp.int32)] * 2
            + [pltpu.VMEM((CH, width), jnp.float32)] * NBUF
            + [pltpu.VMEM_SHARED((npad, width), jnp.float32)]
            + [pltpu.SemaphoreType.DMA] * (NBUF + 1)
        ),
        compiler_params=pltpu.CompilerParams(use_tc_tiling_on_sc=False),
    )
    def agg(x_hbm, edges_hbm, zeros_hbm, out_hbm, *scr):
        sidx, didx = scr[0], scr[1]
        rows = scr[2:2 + NBUF]
        acc = scr[2 + NBUF]
        gsem = scr[3 + NBUF:3 + 2 * NBUF]
        isem = scr[3 + 2 * NBUF]
        c = lax.axis_index("c")
        s = lax.axis_index("s")
        tile = c * NS + s
        chunk0 = tile * n_ch
        row0 = s * rpt

        pltpu.async_copy(edges_hbm.at[0, pl.ds(chunk0, n_ch)], sidx, isem)
        pltpu.async_copy(edges_hbm.at[1, pl.ds(chunk0, n_ch)], didx, isem)
        pltpu.sync_copy(zeros_hbm.at[pl.ds(row0, rpt)], acc.at[pl.ds(row0, rpt)])
        pltpu.make_async_copy(edges_hbm.at[0, pl.ds(chunk0, n_ch)], sidx, isem).wait()
        pltpu.make_async_copy(edges_hbm.at[1, pl.ds(chunk0, n_ch)], didx, isem).wait()
        plsc.subcore_barrier()

        def gather(i, b):
            return pltpu.async_copy(x_hbm.at[sidx.at[i]], rows[b], gsem[b])

        def scatter(i, b):
            pltpu.make_async_copy(x_hbm.at[sidx.at[i]], rows[b], gsem[b]).wait()
            pltpu.sync_copy(rows[b], acc.at[didx.at[i]], add=True)

        for b in range(NBUF):
            gather(b, b)

        def body(r, _):
            i0 = r * NBUF
            for b in range(NBUF):
                scatter(i0 + b, b)
                gather(i0 + NBUF + b, b)
            return 0

        lax.fori_loop(0, n_rounds - 1, body, 0)
        i0 = (n_rounds - 1) * NBUF
        for b in range(NBUF):
            scatter(i0 + b, b)

        plsc.subcore_barrier()
        pltpu.sync_copy(acc.at[pl.ds(row0, rpt)],
                        out_hbm.at[c, pl.ds(row0, rpt)])

    return agg


@functools.lru_cache(maxsize=None)
def _make_sc_agg_split(n_nodes, n_edges):
    half = 32
    eps = n_edges // NS
    n_ch = eps // CH
    n_rounds = n_ch // NBUF
    npad = -(-n_nodes // (NS * 8)) * (NS * 8)
    rpt = npad // NS
    mesh = plsc.VectorSubcoreMesh(core_axis_name="c", subcore_axis_name="s",
                                  num_cores=NC, num_subcores=NS)

    @functools.partial(
        pl.kernel,
        mesh=mesh,
        out_type=jax.ShapeDtypeStruct((npad, 2 * half), jnp.float32),
        scratch_types=(
            [pltpu.VMEM((n_ch, CH), jnp.int32)] * 2
            + [pltpu.VMEM((CH, half), jnp.float32)] * NBUF
            + [pltpu.VMEM_SHARED((npad, half), jnp.float32)]
            + [pltpu.SemaphoreType.DMA] * (NBUF + 1)
        ),
        compiler_params=pltpu.CompilerParams(use_tc_tiling_on_sc=False),
    )
    def agg(x2_hbm, srcab_hbm, edges_hbm, zeros_hbm, out_hbm, *scr):
        sidx, didx = scr[0], scr[1]
        rows = scr[2:2 + NBUF]
        acc = scr[2 + NBUF]
        gsem = scr[3 + NBUF:3 + 2 * NBUF]
        isem = scr[3 + 2 * NBUF]
        c = lax.axis_index("c")
        s = lax.axis_index("s")
        chunk0 = s * n_ch
        row0 = s * rpt

        pltpu.async_copy(srcab_hbm.at[c, pl.ds(chunk0, n_ch)], sidx, isem)
        pltpu.async_copy(edges_hbm.at[1, pl.ds(chunk0, n_ch)], didx, isem)
        pltpu.sync_copy(zeros_hbm.at[pl.ds(row0, rpt)], acc.at[pl.ds(row0, rpt)])
        pltpu.make_async_copy(srcab_hbm.at[c, pl.ds(chunk0, n_ch)], sidx, isem).wait()
        pltpu.make_async_copy(edges_hbm.at[1, pl.ds(chunk0, n_ch)], didx, isem).wait()
        plsc.subcore_barrier()

        def gather(i, b):
            return pltpu.async_copy(x2_hbm.at[sidx.at[i]], rows[b], gsem[b])

        def scatter(i, b):
            pltpu.make_async_copy(x2_hbm.at[sidx.at[i]], rows[b], gsem[b]).wait()
            pltpu.sync_copy(rows[b], acc.at[didx.at[i]], add=True)

        for b in range(NBUF):
            gather(b, b)

        def body(r, _):
            i0 = r * NBUF
            for b in range(NBUF):
                scatter(i0 + b, b)
                gather(i0 + NBUF + b, b)
            return 0

        lax.fori_loop(0, n_rounds - 1, body, 0)
        i0 = (n_rounds - 1) * NBUF
        for b in range(NBUF):
            scatter(i0 + b, b)

        plsc.subcore_barrier()
        pltpu.sync_copy(acc.at[pl.ds(row0, rpt)],
                        out_hbm.at[pl.ds(row0, rpt), pl.ds(c * half, half)])

    return agg


def _sc_agg(x, edges3, srcab=None):
    n_nodes, width = x.shape
    n_edges = edges3.shape[1] * edges3.shape[2]
    npad = -(-n_nodes // (NS * 8)) * (NS * 8)
    if width == 64 and srcab is not None:
        zeros = jnp.zeros((npad, 32), jnp.float32)
        x2 = x.reshape(2 * n_nodes, 32)
        return _make_sc_agg_split(n_nodes, n_edges)(x2, srcab, edges3, zeros)
    zeros = jnp.zeros((npad, width), jnp.float32)
    return _make_sc_agg(n_nodes, width, n_edges)(x, edges3, zeros)


def kernel(des, tweet, num_prop, cat_prop, edge_index, W_des, b_des, W_num,
           b_num, W_cat, b_cat, W_in, b_in, s1a_Wl, s1a_Wr, s1a_b, s1b_Wl,
           s1b_Wr, s1b_b, s2a_Wl, s2a_Wr, s2a_b, s2b_Wl, s2b_Wr, s2b_b,
           W_o1, b_o1, W_o2, b_o2):
    n_nodes = des.shape[0]
    n_edges = edge_index.shape[1]
    edges3 = edge_index.reshape(2, n_edges // CH, CH)
    src2 = edge_index[0] * 2
    srcab = jnp.stack([src2, src2 + 1]).reshape(2, n_edges // CH, CH)

    Wl1p = jnp.concatenate([s1a_Wl, jnp.zeros((128, 16), jnp.float32)], axis=1)
    B1p = jnp.concatenate([jnp.zeros((1, 64), jnp.float32),
                           jnp.ones((1, 16), jnp.float32)], axis=1)

    y1p, r1 = _tc1(
        n_nodes, des, num_prop, cat_prop,
        W_des, b_des.reshape(1, -1), W_num, b_num.reshape(1, -1),
        W_cat, b_cat.reshape(1, -1),
        W_in[:32], W_in[32:74], W_in[74:116], b_in.reshape(1, -1),
        Wl1p, B1p, s1a_Wr, s1a_b.reshape(1, -1))

    p1 = _sc_agg(y1p, edges3)
    h1, r2, rc = _tc2(n_nodes, p1, r1, s1b_Wr, s1b_b.reshape(1, -1))

    p2 = _sc_agg(h1, edges3, srcab)
    y3, r3 = _tc3(n_nodes, p2, rc, r2, s1b_Wl, s2a_Wl, s2a_Wr,
                  s2a_b.reshape(1, -1))

    p3 = _sc_agg(y3, edges3, srcab)
    h3, r4 = _tc4(n_nodes, p3, rc, r3, s2b_Wr, s2b_b.reshape(1, -1))

    p4 = _sc_agg(h3, edges3, srcab)
    out = _tc5(n_nodes, p4, rc, r4, s2b_Wl, W_o1, b_o1.reshape(1, -1),
               W_o2, b_o2.reshape(1, -1))
    return out

# --- scband reference (transcript-rebuilt; emitter-appended) ---
"""Pipeline reference for scband-bot-graph-sage-80573586473705 (READ-ONLY COPY).

The authoritative reference and input builder live on the scoring server;
editing this copy changes nothing except your own understanding.
"""

import jax, jax.numpy as jnp
import numpy as np

N = 10000
E = 320000

def _leaky(x):
    return jax.nn.leaky_relu(x, negative_slope=0.01)

def _sage_conv(x, src, dst, Wl, Wr, b, n_nodes):
    # PyG SAGEConv with mean aggregation: out = mean_{j in N(i)} x_j @ Wl + x_i @ Wr + b
    msgs = jnp.take(x, src, axis=0)
    agg = jax.ops.segment_sum(msgs, dst, num_segments=n_nodes)
    cnt = jax.ops.segment_sum(jnp.ones((src.shape[0], 1), x.dtype), dst, num_segments=n_nodes)
    agg = agg / jnp.maximum(cnt, 1.0)
    return agg @ Wl + x @ Wr + b

def setup_inputs(seed: int = 0):
    key = jax.random.key(seed)
    ks = jax.random.split(key, 40)
    def p(i, shape, scale=0.05):
        return jax.random.normal(ks[i], shape, dtype=jnp.float32) * scale
    inp = {}
    inp["des"] = jax.random.normal(ks[0], (N, 768), dtype=jnp.float32)
    inp["tweet"] = jax.random.normal(ks[1], (N, 768), dtype=jnp.float32)
    inp["num_prop"] = jax.random.normal(ks[2], (N, 4), dtype=jnp.float32)
    inp["cat_prop"] = jax.random.normal(ks[3], (N, 3), dtype=jnp.float32)
    inp["edge_index"] = jax.random.randint(ks[4], (2, E), 0, N, dtype=jnp.int32)
    inp["W_des"] = p(5, (768, 32)); inp["b_des"] = jnp.zeros((32,), jnp.float32)
    inp["W_num"] = p(6, (4, 42)); inp["b_num"] = jnp.zeros((42,), jnp.float32)
    inp["W_cat"] = p(7, (3, 42)); inp["b_cat"] = jnp.zeros((42,), jnp.float32)
    inp["W_in"] = p(8, (116, 128)); inp["b_in"] = jnp.zeros((128,), jnp.float32)
    inp["s1a_Wl"] = p(9, (128, 64)); inp["s1a_Wr"] = p(10, (128, 64)); inp["s1a_b"] = jnp.zeros((64,), jnp.float32)
    inp["s1b_Wl"] = p(11, (64, 128)); inp["s1b_Wr"] = p(12, (64, 128)); inp["s1b_b"] = jnp.zeros((128,), jnp.float32)
    inp["s2a_Wl"] = p(13, (128, 64)); inp["s2a_Wr"] = p(14, (128, 64)); inp["s2a_b"] = jnp.zeros((64,), jnp.float32)
    inp["s2b_Wl"] = p(15, (64, 128)); inp["s2b_Wr"] = p(16, (64, 128)); inp["s2b_b"] = jnp.zeros((128,), jnp.float32)
    inp["W_o1"] = p(17, (128, 128)); inp["b_o1"] = jnp.zeros((128,), jnp.float32)
    inp["W_o2"] = p(18, (128, 2)); inp["b_o2"] = jnp.zeros((2,), jnp.float32)
    return inp

def reference(des, tweet, num_prop, cat_prop, edge_index, W_des, b_des, W_num, b_num, W_cat, b_cat, W_in, b_in, s1a_Wl, s1a_Wr, s1a_b, s1b_Wl, s1b_Wr, s1b_b, s2a_Wl, s2a_Wr, s2a_b, s2b_Wl, s2b_Wr, s2b_b, W_o1, b_o1, W_o2, b_o2):
    src = edge_index[0]
    dst = edge_index[1]
    n_nodes = des.shape[0]
    d = _leaky(des @ W_des + b_des)
    n = _leaky(num_prop @ W_num + b_num)
    c = _leaky(cat_prop @ W_cat + b_cat)
    x = jnp.concatenate((d, n, c), axis=1)
    x = _leaky(x @ W_in + b_in)
    # sage1: two SAGEConv layers with relu between (PyG GraphSAGE default act)
    h = _sage_conv(x, src, dst, s1a_Wl, s1a_Wr, s1a_b, n_nodes)
    h = jax.nn.relu(h)
    h = _sage_conv(h, src, dst, s1b_Wl, s1b_Wr, s1b_b, n_nodes)
    x = jax.nn.relu(h)
    # sage2
    h = _sage_conv(x, src, dst, s2a_Wl, s2a_Wr, s2a_b, n_nodes)
    h = jax.nn.relu(h)
    h = _sage_conv(h, src, dst, s2b_Wl, s2b_Wr, s2b_b, n_nodes)
    x = jax.nn.relu(h)
    x = _leaky(x @ W_o1 + b_o1)
    out = x @ W_o2 + b_o2
    return out

if __name__ == "__main__":
    import jax
    _d = setup_inputs()
    print(jax.jit(kernel)(*tuple(_d.values())))

</pallas_src>

<mosaic_0001>
#map = affine_map<(d0, d1) -> (0, 0)>
#map1 = affine_map<(d0, d1) -> (0, 0, 0)>
module attributes {stable_mosaic.version = 14 : i64} {
  func.func @agg(%arg0: i32, %arg1: i32, %arg2: memref<10000x80xf32, #tpu.memory_space<hbm>>, %arg3: memref<2x2560x125xi32, #tpu.memory_space<hbm>>, %arg4: memref<10112x80xf32, #tpu.memory_space<hbm>>, %arg5: memref<2x10112x80xf32, #tpu.memory_space<hbm>>, %arg6: memref<80x125xi32, #tpu.memory_space<vmem>>, %arg7: memref<80x125xi32, #tpu.memory_space<vmem>>, %arg8: memref<125x80xf32, #tpu.memory_space<vmem>>, %arg9: memref<125x80xf32, #tpu.memory_space<vmem>>, %arg10: memref<125x80xf32, #tpu.memory_space<vmem>>, %arg11: memref<125x80xf32, #tpu.memory_space<vmem>>, %arg12: memref<125x80xf32, #tpu.memory_space<vmem>>, %arg13: memref<10112x80xf32, #tpu.memory_space<vmem_shared>>, %arg14: memref<!tpu.dma_semaphore, #tpu.memory_space<semaphore_mem>>, %arg15: memref<!tpu.dma_semaphore, #tpu.memory_space<semaphore_mem>>, %arg16: memref<!tpu.dma_semaphore, #tpu.memory_space<semaphore_mem>>, %arg17: memref<!tpu.dma_semaphore, #tpu.memory_space<semaphore_mem>>, %arg18: memref<!tpu.dma_semaphore, #tpu.memory_space<semaphore_mem>>, %arg19: memref<!tpu.dma_semaphore, #tpu.memory_space<semaphore_mem>>) attributes {dimension_semantics = [#tpu.dimension_semantics<core_parallel>, #tpu.dimension_semantics<subcore_parallel>], iteration_bounds = array<i64: 2, 16>, scalar_prefetch = 0 : i64, scratch_operands = 14 : i64, tpu.core_type = #tpu.core_type<sc_vector_subcore>, window_params = [{transform_indices = #map}, {transform_indices = #map1}, {transform_indices = #map}, {transform_indices = #map1}]} {
    %mul3A = arith.constant 16 : i32
    %mul3A_0 = arith.muli %arg0, %mul3A : i32
    %add3A = arith.addi %mul3A_0, %arg1 : i32
    %mul3A_1 = arith.constant 80 : i32
    %mul3A_2 = arith.muli %add3A, %mul3A_1 : i32
    %mul3A_3 = arith.constant 632 : i32
    %mul3A_4 = arith.muli %arg1, %mul3A_3 : i32
    %dma_start3A = arith.constant 0 : i32
    %dma_start3A_5 = arith.constant 0 : i32
    %dma_start3A_6 = tpu.memref_slice %arg3[%dma_start3A, %mul3A_2, %dma_start3A_5] : memref<2x2560x125xi32, #tpu.memory_space<hbm>> -> memref<1x80x125xi32, #tpu.memory_space<hbm>>
    %dma_start3A_7 = tpu.memref_squeeze %dma_start3A_6 : memref<1x80x125xi32, #tpu.memory_space<hbm>> -> memref<80x125xi32, #tpu.memory_space<hbm>>
    %dma_start3A_8 = arith.constant 0 : i32
    %dma_start3A_9 = tpu.memref_slice %arg3[%dma_start3A, %mul3A_2, %dma_start3A_8] : memref<2x2560x125xi32, #tpu.memory_space<hbm>> -> memref<1x80x125xi32, #tpu.memory_space<hbm>>
    %dma_start3A_10 = tpu.memref_squeeze %dma_start3A_9 : memref<1x80x125xi32, #tpu.memory_space<hbm>> -> memref<80x125xi32, #tpu.memory_space<hbm>>
    tpu.enqueue_dma source(%dma_start3A_10 : memref<80x125xi32, #tpu.memory_space<hbm>>) target(%arg6 : memref<80x125xi32, #tpu.memory_space<vmem>>) target_semaphore(%arg19 : memref<!tpu.dma_semaphore, #tpu.memory_space<semaphore_mem>>)
    %dma_start3A_11 = arith.constant 1 : i32
    %dma_start3A_12 = arith.constant 0 : i32
    %dma_start3A_13 = tpu.memref_slice %arg3[%dma_start3A_11, %mul3A_2, %dma_start3A_12] : memref<2x2560x125xi32, #tpu.memory_space<hbm>> -> memref<1x80x125xi32, #tpu.memory_space<hbm>>
    %dma_start3A_14 = tpu.memref_squeeze %dma_start3A_13 : memref<1x80x125xi32, #tpu.memory_space<hbm>> -> memref<80x125xi32, #tpu.memory_space<hbm>>
    %dma_start3A_15 = arith.constant 0 : i32
    %dma_start3A_16 = tpu.memref_slice %arg3[%dma_start3A_11, %mul3A_2, %dma_start3A_15] : memref<2x2560x125xi32, #tpu.memory_space<hbm>> -> memref<1x80x125xi32, #tpu.memory_space<hbm>>
    %dma_start3A_17 = tpu.memref_squeeze %dma_start3A_16 : memref<1x80x125xi32, #tpu.memory_space<hbm>> -> memref<80x125xi32, #tpu.memory_space<hbm>>
    tpu.enqueue_dma source(%dma_start3A_17 : memref<80x125xi32, #tpu.memory_space<hbm>>) target(%arg7 : memref<80x125xi32, #tpu.memory_space<vmem>>) target_semaphore(%arg19 : memref<!tpu.dma_semaphore, #tpu.memory_space<semaphore_mem>>)
    "tpu.region"() ({
      %run_scoped3A_112 = tpu.sem_alloc : memref<!tpu.dma_semaphore, #tpu.memory_space<semaphore_mem>>
      %dma_start3A_113 = arith.constant 0 : i32
      %dma_start3A_114 = tpu.memref_slice %arg13[%mul3A_4, %dma_start3A_113] : memref<10112x80xf32, #tpu.memory_space<vmem_shared>> -> memref<632x80xf32, #tpu.memory_space<vmem_shared>>
      %dma_start3A_115 = arith.constant 0 : i32
      %dma_start3A_116 = tpu.memref_slice %arg4[%mul3A_4, %dma_start3A_115] : memref<10112x80xf32, #tpu.memory_space<hbm>> -> memref<632x80xf32, #tpu.memory_space<hbm>>
      tpu.enqueue_dma source(%dma_start3A_116 : memref<632x80xf32, #tpu.memory_space<hbm>>) target(%dma_start3A_114 : memref<632x80xf32, #tpu.memory_space<vmem_shared>>) target_semaphore(%run_scoped3A_112 : memref<!tpu.dma_semaphore, #tpu.memory_space<semaphore_mem>>)
      %dma_wait3A_117 = arith.constant 0 : i32
      %dma_wait3A_118 = tpu.memref_slice %arg13[%mul3A_4, %dma_wait3A_117] : memref<10112x80xf32, #tpu.memory_space<vmem_shared>> -> memref<632x80xf32, #tpu.memory_space<vmem_shared>>
      %dma_wait3A_119 = arith.constant 0 : i32
      %dma_wait3A_120 = tpu.memref_slice %arg4[%mul3A_4, %dma_wait3A_119] : memref<10112x80xf32, #tpu.memory_space<hbm>> -> memref<632x80xf32, #tpu.memory_space<hbm>>
      tpu.wait_dma2 semaphore(%run_scoped3A_112 : memref<!tpu.dma_semaphore, #tpu.memory_space<semaphore_mem>>) src(%dma_wait3A_120 : memref<632x80xf32, #tpu.memory_space<hbm>>) dst(%dma_wait3A_118 : memref<632x80xf32, #tpu.memory_space<vmem_shared>>)
      tpu.yield
    }) : () -> ()
    %dma_wait3A = arith.constant 0 : i32
    %dma_wait3A_18 = arith.constant 0 : i32
    %dma_wait3A_19 = tpu.memref_slice %arg3[%dma_wait3A, %mul3A_2, %dma_wait3A_18] : memref<2x2560x125xi32, #tpu.memory_space<hbm>> -> memref<1x80x125xi32, #tpu.memory_space<hbm>>
    %dma_wait3A_20 = tpu.memref_squeeze %dma_wait3A_19 : memref<1x80x125xi32, #tpu.memory_space<hbm>> -> memref<80x125xi32, #tpu.memory_space<hbm>>
    %dma_wait3A_21 = arith.constant 0 : i32
    %dma_wait3A_22 = tpu.memref_slice %arg3[%dma_wait3A, %mul3A_2, %dma_wait3A_21] : memref<2x2560x125xi32, #tpu.memory_space<hbm>> -> memref<1x80x125xi32, #tpu.memory_space<hbm>>
    %dma_wait3A_23 = tpu.memref_squeeze %dma_wait3A_22 : memref<1x80x125xi32, #tpu.memory_space<hbm>> -> memref<80x125xi32, #tpu.memory_space<hbm>>
    tpu.wait_dma2 semaphore(%arg19 : memref<!tpu.dma_semaphore, #tpu.memory_space<semaphore_mem>>) src(%dma_wait3A_23 : memref<80x125xi32, #tpu.memory_space<hbm>>) dst(%arg6 : memref<80x125xi32, #tpu.memory_space<vmem>>)
    %dma_wait3A_24 = arith.constant 1 : i32
    %dma_wait3A_25 = arith.constant 0 : i32
    %dma_wait3A_26 = tpu.memref_slice %arg3[%dma_wait3A_24, %mul3A_2, %dma_wait3A_25] : memref<2x2560x125xi32, #tpu.memory_space<hbm>> -> memref<1x80x125xi32, #tpu.memory_space<hbm>>
    %dma_wait3A_27 = tpu.memref_squeeze %dma_wait3A_26 : memref<1x80x125xi32, #tpu.memory_space<hbm>> -> memref<80x125xi32, #tpu.memory_space<hbm>>
    %dma_wait3A_28 = arith.constant 0 : i32
    %dma_wait3A_29 = tpu.memref_slice %arg3[%dma_wait3A_24, %mul3A_2, %dma_wait3A_28] : memref<2x2560x125xi32, #tpu.memory_space<hbm>> -> memref<1x80x125xi32, #tpu.memory_space<hbm>>
    %dma_wait3A_30 = tpu.memref_squeeze %dma_wait3A_29 : memref<1x80x125xi32, #tpu.memory_space<hbm>> -> memref<80x125xi32, #tpu.memory_space<hbm>>
    tpu.wait_dma2 semaphore(%arg19 : memref<!tpu.dma_semaphore, #tpu.memory_space<semaphore_mem>>) src(%dma_wait3A_30 : memref<80x125xi32, #tpu.memory_space<hbm>>) dst(%arg7 : memref<80x125xi32, #tpu.memory_space<vmem>>)
    %barrier3A = arith.constant 0 : index
    tpu.barrier barrier_id(%barrier3A)
    %dma_start3A_31 = arith.constant 0 : i32
    %dma_start3A_32 = arith.constant 0 : i32
    %dma_start3A_33 = tpu.memref_slice %arg6[%dma_start3A_31, %dma_start3A_32] : memref<80x125xi32, #tpu.memory_space<vmem>> -> memref<1x125xi32, #tpu.memory_space<vmem>>
    %dma_start3A_34 = tpu.memref_squeeze %dma_start3A_33 : memref<1x125xi32, #tpu.memory_space<vmem>> -> memref<125xi32, #tpu.memory_space<vmem>>
    %dma_start3A_35 = arith.constant 0 : i32
    %dma_start3A_36 = arith.constant 0 : i32
    %dma_start3A_37 = tpu.memref_slice %arg2[%dma_start3A_35, %dma_start3A_36] : memref<10000x80xf32, #tpu.memory_space<hbm>> -> memref<10000x80xf32, #tpu.memory_space<hbm>>
    tpu.enqueue_indirect_dma source(%dma_start3A_37 : memref<10000x80xf32, #tpu.memory_space<hbm>>) target(%arg8 : memref<125x80xf32, #tpu.memory_space<vmem>>) offsets(%dma_start3A_34 : memref<125xi32, #tpu.memory_space<vmem>>) semaphore(%arg14 : memref<!tpu.dma_semaphore, #tpu.memory_space<semaphore_mem>>)
    %dma_start3A_38 = arith.constant 1 : i32
    %dma_start3A_39 = arith.constant 0 : i32
    %dma_start3A_40 = tpu.memref_slice %arg6[%dma_start3A_38, %dma_start3A_39] : memref<80x125xi32, #tpu.memory_space<vmem>> -> memref<1x125xi32, #tpu.memory_space<vmem>>
    %dma_start3A_41 = tpu.memref_squeeze %dma_start3A_40 : memref<1x125xi32, #tpu.memory_space<vmem>> -> memref<125xi32, #tpu.memory_space<vmem>>
    %dma_start3A_42 = arith.constant 0 : i32
    %dma_start3A_43 = arith.constant 0 : i32
    %dma_start3A_44 = tpu.memref_slice %arg2[%dma_start3A_42, %dma_start3A_43] : memref<10000x80xf32, #tpu.memory_space<hbm>> -> memref<10000x80xf32, #tpu.memory_space<hbm>>
    tpu.enqueue_indirect_dma source(%dma_start3A_44 : memref<10000x80xf32, #tpu.memory_space<hbm>>) target(%arg9 : memref<125x80xf32, #tpu.memory_space<vmem>>) offsets(%dma_start3A_41 : memref<125xi32, #tpu.memory_space<vmem>>) semaphore(%arg15 : memref<!tpu.dma_semaphore, #tpu.memory_space<semaphore_mem>>)
    %dma_start3A_45 = arith.constant 2 : i32
    %dma_start3A_46 = arith.constant 0 : i32
    %dma_start3A_47 = tpu.memref_slice %arg6[%dma_start3A_45, %dma_start3A_46] : memref<80x125xi32, #tpu.memory_space<vmem>> -> memref<1x125xi32, #tpu.memory_space<vmem>>
    %dma_start3A_48 = tpu.memref_squeeze %dma_start3A_47 : memref<1x125xi32, #tpu.memory_space<vmem>> -> memref<125xi32, #tpu.memory_space<vmem>>
    %dma_start3A_49 = arith.constant 0 : i32
    %dma_start3A_50 = arith.constant 0 : i32
    %dma_start3A_51 = tpu.memref_slice %arg2[%dma_start3A_49, %dma_start3A_50] : memref<10000x80xf32, #tpu.memory_space<hbm>> -> memref<10000x80xf32, #tpu.memory_space<hbm>>
    tpu.enqueue_indirect_dma source(%dma_start3A_51 : memref<10000x80xf32, #tpu.memory_space<hbm>>) target(%arg10 : memref<125x80xf32, #tpu.memory_space<vmem>>) offsets(%dma_start3A_48 : memref<125xi32, #tpu.memory_space<vmem>>) semaphore(%arg16 : memref<!tpu.dma_semaphore, #tpu.memory_space<semaphore_mem>>)
    %dma_start3A_52 = arith.constant 3 : i32
    %dma_start3A_53 = arith.constant 0 : i32
    %dma_start3A_54 = tpu.memref_slice %arg6[%dma_start3A_52, %dma_start3A_53] : memref<80x125xi32, #tpu.memory_space<vmem>> -> memref<1x125xi32, #tpu.memory_space<vmem>>
    %dma_start3A_55 = tpu.memref_squeeze %dma_start3A_54 : memref<1x125xi32, #tpu.memory_space<vmem>> -> memref<125xi32, #tpu.memory_space<vmem>>
    %dma_start3A_56 = arith.constant 0 : i32
    %dma_start3A_57 = arith.constant 0 : i32
    %dma_start3A_58 = tpu.memref_slice %arg2[%dma_start3A_56, %dma_start3A_57] : memref<10000x80xf32, #tpu.memory_space<hbm>> -> memref<10000x80xf32, #tpu.memory_space<hbm>>
    tpu.enqueue_indirect_dma source(%dma_start3A_58 : memref<10000x80xf32, #tpu.memory_space<hbm>>) target(%arg11 : memref<125x80xf32, #tpu.memory_space<vmem>>) offsets(%dma_start3A_55 : memref<125xi32, #tpu.memory_space<vmem>>) semaphore(%arg17 : memref<!tpu.dma_semaphore, #tpu.memory_space<semaphore_mem>>)
    %dma_start3A_59 = arith.constant 4 : i32
    %dma_start3A_60 = arith.constant 0 : i32
    %dma_start3A_61 = tpu.memref_slice %arg6[%dma_start3A_59, %dma_start3A_60] : memref<80x125xi32, #tpu.memory_space<vmem>> -> memref<1x125xi32, #tpu.memory_space<vmem>>
    %dma_start3A_62 = tpu.memref_squeeze %dma_start3A_61 : memref<1x125xi32, #tpu.memory_space<vmem>> -> memref<125xi32, #tpu.memory_space<vmem>>
    %dma_start3A_63 = arith.constant 0 : i32
    %dma_start3A_64 = arith.constant 0 : i32
    %dma_start3A_65 = tpu.memref_slice %arg2[%dma_start3A_63, %dma_start3A_64] : memref<10000x80xf32, #tpu.memory_space<hbm>> -> memref<10000x80xf32, #tpu.memory_space<hbm>>
    tpu.enqueue_indirect_dma source(%dma_start3A_65 : memref<10000x80xf32, #tpu.memory_space<hbm>>) target(%arg12 : memref<125x80xf32, #tpu.memory_space<vmem>>) offsets(%dma_start3A_62 : memref<125xi32, #tpu.memory_space<vmem>>) semaphore(%arg18 : memref<!tpu.dma_semaphore, #tpu.memory_space<semaphore_mem>>)
    %scan3A = arith.constant 0 : i32
    %scan3A_66 = arith.constant 0 : i32
    %scan3A_67 = arith.constant 15 : i32
    %scan3A_68 = arith.addi %scan3A_66, %scan3A_67 : i32
    %scan3A_69 = arith.constant 1 : i32
    %scan3A_70 = scf.for %scan3A_112 = %scan3A_66 to %scan3A_68 step %scan3A_69 iter_args(%scan3A_113 = %scan3A) -> (i32)  : i32 {
      %mul3A_114 = arith.constant 5 : i32
      %mul3A_115 = arith.muli %scan3A_112, %mul3A_114 : i32
      %add3A_116 = arith.constant 0 : i32
      %add3A_117 = arith.addi %mul3A_115, %add3A_116 : i32
      %dma_wait3A_118 = arith.constant 0 : i32
      %dma_wait3A_119 = tpu.memref_slice %arg6[%add3A_117, %dma_wait3A_118] : memref<80x125xi32, #tpu.memory_space<vmem>> -> memref<1x125xi32, #tpu.memory_space<vmem>>
      %dma_wait3A_120 = tpu.memref_squeeze %dma_wait3A_119 : memref<1x125xi32, #tpu.memory_space<vmem>> -> memref<125xi32, #tpu.memory_space<vmem>>
      %dma_wait3A_121 = arith.constant 0 : i32
      %dma_wait3A_122 = arith.constant 0 : i32
      %dma_wait3A_123 = tpu.memref_slice %arg2[%dma_wait3A_121, %dma_wait3A_122] : memref<10000x80xf32, #tpu.memory_space<hbm>> -> memref<10000x80xf32, #tpu.memory_space<hbm>>
      tpu.wait_indirect_dma semaphore(%arg14 : memref<!tpu.dma_semaphore, #tpu.memory_space<semaphore_mem>>) src(%dma_wait3A_123 : memref<10000x80xf32, #tpu.memory_space<hbm>>) dst(%arg8 : memref<125x80xf32, #tpu.memory_space<vmem>>)
      "tpu.region"() ({
        %run_scoped3A_207 = tpu.sem_alloc : memref<!tpu.dma_semaphore, #tpu.memory_space<semaphore_mem>>
        %dma_start3A_208 = arith.constant 0 : i32
        %dma_start3A_209 = tpu.memref_slice %arg7[%add3A_117, %dma_start3A_208] : memref<80x125xi32, #tpu.memory_space<vmem>> -> memref<1x125xi32, #tpu.memory_space<vmem>>
        %dma_start3A_210 = tpu.memref_squeeze %dma_start3A_209 : memref<1x125xi32, #tpu.memory_space<vmem>> -> memref<125xi32, #tpu.memory_space<vmem>>
        %dma_start3A_211 = arith.constant 0 : i32
        %dma_start3A_212 = arith.constant 0 : i32
        %dma_start3A_213 = tpu.memref_slice %arg13[%dma_start3A_211, %dma_start3A_212] : memref<10112x80xf32, #tpu.memory_space<vmem_shared>> -> memref<10112x80xf32, #tpu.memory_space<vmem_shared>>
        tpu.enqueue_indirect_dma source(%arg8 : memref<125x80xf32, #tpu.memory_space<vmem>>) target(%dma_start3A_213 : memref<10112x80xf32, #tpu.memory_space<vmem_shared>>) offsets(%dma_start3A_210 : memref<125xi32, #tpu.memory_space<vmem>>) semaphore(%run_scoped3A_207 : memref<!tpu.dma_semaphore, #tpu.memory_space<semaphore_mem>>) {add = true}
        %dma_wait3A_214 = arith.constant 0 : i32
        %dma_wait3A_215 = tpu.memref_slice %arg7[%add3A_117, %dma_wait3A_214] : memref<80x125xi32, #tpu.memory_space<vmem>> -> memref<1x125xi32, #tpu.memory_space<vmem>>
        %dma_wait3A_216 = tpu.memref_squeeze %dma_wait3A_215 : memref<1x125xi32, #tpu.memory_space<vmem>> -> memref<125xi32, #tpu.memory_space<vmem>>
        %dma_wait3A_217 = arith.constant 0 : i32
        %dma_wait3A_218 = arith.constant 0 : i32
        %dma_wait3A_219 = tpu.memref_slice %arg13[%dma_wait3A_217, %dma_wait3A_218] : memref<10112x80xf32, #tpu.memory_space<vmem_shared>> -> memref<10112x80xf32, #tpu.memory_space<vmem_shared>>
        tpu.wait_indirect_dma semaphore(%run_scoped3A_207 : memref<!tpu.dma_semaphore, #tpu.memory_space<semaphore_mem>>) src(%arg8 : memref<125x80xf32, #tpu.memory_space<vmem>>) dst(%dma_wait3A_219 : memref<10112x80xf32, #tpu.memory_space<vmem_shared>>)
        tpu.yield
      }) : () -> ()
      %add3A_124 = arith.constant 5 : i32
      %add3A_125 = arith.addi %mul3A_115, %add3A_124 : i32
      %add3A_126 = arith.constant 0 : i32
      %add3A_127 = arith.addi %add3A_125, %add3A_126 : i32
      %dma_start3A_128 = arith.constant 0 : i32
      %dma_start3A_129 = tpu.memref_slice %arg6[%add3A_127, %dma_start3A_128] : memref<80x125xi32, #tpu.memory_space<vmem>> -> memref<1x125xi32, #tpu.memory_space<vmem>>
      %dma_start3A_130 = tpu.memref_squeeze %dma_start3A_129 : memref<1x125xi32, #tpu.memory_space<vmem>> -> memref<125xi32, #tpu.memory_space<vmem>>
      %dma_start3A_131 = arith.constant 0 : i32
      %dma_start3A_132 = arith.constant 0 : i32
      %dma_start3A_133 = tpu.memref_slice %arg2[%dma_start3A_131, %dma_start3A_132] : memref<10000x80xf32, #tpu.memory_space<hbm>> -> memref<10000x80xf32, #tpu.memory_space<hbm>>
      tpu.enqueue_indirect_dma source(%dma_start3A_133 : memref<10000x80xf32, #tpu.memory_space<hbm>>) target(%arg8 : memref<125x80xf32, #tpu.memory_space<vmem>>) offsets(%dma_start3A_130 : memref<125xi32, #tpu.memory_space<vmem>>) semaphore(%arg14 : memref<!tpu.dma_semaphore, #tpu.memory_space<semaphore_mem>>)
      %add3A_134 = arith.constant 1 : i32
      %add3A_135 = arith.addi %mul3A_115, %add3A_134 : i32
      %dma_wait3A_136 = arith.constant 0 : i32
      %dma_wait3A_137 = tpu.memref_slice %arg6[%add3A_135, %dma_wait3A_136] : memref<80x125xi32, #tpu.memory_space<vmem>> -> memref<1x125xi32, #tpu.memory_space<vmem>>
      %dma_wait3A_138 = tpu.memref_squeeze %dma_wait3A_137 : memref<1x125xi32, #tpu.memory_space<vmem>> -> memref<125xi32, #tpu.memory_space<vmem>>
      %dma_wait3A_139 = arith.constant 0 : i32
      %dma_wait3A_140 = arith.constant 0 : i32
      %dma_wait3A_141 = tpu.memref_slice %arg2[%dma_wait3A_139, %dma_wait3A_140] : memref<10000x80xf32, #tpu.memory_space<hbm>> -> memref<10000x80xf32, #tpu.memory_space<hbm>>
      tpu.wait_indirect_dma semaphore(%arg15 : memref<!tpu.dma_semaphore, #tpu.memory_space<semaphore_mem>>) src(%dma_wait3A_141 : memref<10000x80xf32, #tpu.memory_space<hbm>>) dst(%arg9 : memref<125x80xf32, #tpu.memory_space<vmem>>)
      "tpu.region"() ({
        %run_scoped3A_207 = tpu.sem_alloc : memref<!tpu.dma_semaphore, #tpu.memory_space<semaphore_mem>>
        %dma_start3A_208 = arith.constant 0 : i32
        %dma_start3A_209 = tpu.memref_slice %arg7[%add3A_135, %dma_start3A_208] : memref<80x125xi32, #tpu.memory_space<vmem>> -> memref<1x125xi32, #tpu.memory_space<vmem>>
        %dma_start3A_210 = tpu.memref_squeeze %dma_start3A_209 : memref<1x125xi32, #tpu.memory_space<vmem>> -> memref<125xi32, #tpu.memory_space<vmem>>
        %dma_start3A_211 = arith.constant 0 : i32
        %dma_start3A_212 = arith.constant 0 : i32
        %dma_start3A_213 = tpu.memref_slice %arg13[%dma_start3A_211, %dma_start3A_212] : memref<10112x80xf32, #tpu.memory_space<vmem_shared>> -> memref<10112x80xf32, #tpu.memory_space<vmem_shared>>
        tpu.enqueue_indirect_dma source(%arg9 : memref<125x80xf32, #tpu.memory_space<vmem>>) target(%dma_start3A_213 : memref<10112x80xf32, #tpu.memory_space<vmem_shared>>) offsets(%dma_start3A_210 : memref<125xi32, #tpu.memory_space<vmem>>) semaphore(%run_scoped3A_207 : memref<!tpu.dma_semaphore, #tpu.memory_space<semaphore_mem>>) {add = true}
        %dma_wait3A_214 = arith.constant 0 : i32
        %dma_wait3A_215 = tpu.memref_slice %arg7[%add3A_135, %dma_wait3A_214] : memref<80x125xi32, #tpu.memory_space<vmem>> -> memref<1x125xi32, #tpu.memory_space<vmem>>
        %dma_wait3A_216 = tpu.memref_squeeze %dma_wait3A_215 : memref<1x125xi32, #tpu.memory_space<vmem>> -> memref<125xi32, #tpu.memory_space<vmem>>
        %dma_wait3A_217 = arith.constant 0 : i32
        %dma_wait3A_218 = arith.constant 0 : i32
        %dma_wait3A_219 = tpu.memref_slice %arg13[%dma_wait3A_217, %dma_wait3A_218] : memref<10112x80xf32, #tpu.memory_space<vmem_shared>> -> memref<10112x80xf32, #tpu.memory_space<vmem_shared>>
        tpu.wait_indirect_dma semaphore(%run_scoped3A_207 : memref<!tpu.dma_semaphore, #tpu.memory_space<semaphore_mem>>) src(%arg9 : memref<125x80xf32, #tpu.memory_space<vmem>>) dst(%dma_wait3A_219 : memref<10112x80xf32, #tpu.memory_space<vmem_shared>>)
        tpu.yield
      }) : () -> ()
      %add3A_142 = arith.constant 5 : i32
      %add3A_143 = arith.addi %mul3A_115, %add3A_142 : i32
      %add3A_144 = arith.constant 1 : i32
      %add3A_145 = arith.addi %add3A_143, %add3A_144 : i32
      %dma_start3A_146 = arith.constant 0 : i32
      %dma_start3A_147 = tpu.memref_slice %arg6[%add3A_145, %dma_start3A_146] : memref<80x125xi32, #tpu.memory_space<vmem>> -> memref<1x125xi32, #tpu.memory_space<vmem>>
      %dma_start3A_148 = tpu.memref_squeeze %dma_start3A_147 : memref<1x125xi32, #tpu.memory_space<vmem>> -> memref<125xi32, #tpu.memory_space<vmem>>
      %dma_start3A_149 = arith.constant 0 : i32
      %dma_start3A_150 = arith.constant 0 : i32
      %dma_start3A_151 = tpu.memref_slice %arg2[%dma_start3A_149, %dma_start3A_150] : memref<10000x80xf32, #tpu.memory_space<hbm>> -> memref<10000x80xf32, #tpu.memory_space<hbm>>
      tpu.enqueue_indirect_dma source(%dma_start3A_151 : memref<10000x80xf32, #tpu.memory_space<hbm>>) target(%arg9 : memref<125x80xf32, #tpu.memory_space<vmem>>) offsets(%dma_start3A_148 : memref<125xi32, #tpu.memory_space<vmem>>) semaphore(%arg15 : memref<!tpu.dma_semaphore, #tpu.memory_space<semaphore_mem>>)
      %add3A_152 = arith.constant 2 : i32
      %add3A_153 = arith.addi %mul3A_115, %add3A_152 : i32
      %dma_wait3A_154 = arith.constant 0 : i32
      %dma_wait3A_155 = tpu.memref_slice %arg6[%add3A_153, %dma_wait3A_154] : memref<80x125xi32, #tpu.memory_space<vmem>> -> memref<1x125xi32, #tpu.memory_space<vmem>>
      %dma_wait3A_156 = tpu.memref_squeeze %dma_wait3A_155 : memref<1x125xi32, #tpu.memory_space<vmem>> -> memref<125xi32, #tpu.memory_space<vmem>>
      %dma_wait3A_157 = arith.constant 0 : i32
      %dma_wait3A_158 = arith.constant 0 : i32
      %dma_wait3A_159 = tpu.memref_slice %arg2[%dma_wait3A_157, %dma_wait3A_158] : memref<10000x80xf32, #tpu.memory_space<hbm>> -> memref<10000x80xf32, #tpu.memory_space<hbm>>
      tpu.wait_indirect_dma semaphore(%arg16 : memref<!tpu.dma_semaphore, #tpu.memory_space<semaphore_mem>>) src(%dma_wait3A_159 : memref<10000x80xf32, #tpu.memory_space<hbm>>) dst(%arg10 : memref<125x80xf32, #tpu.memory_space<vmem>>)
      "tpu.region"() ({
        %run_scoped3A_207 = tpu.sem_alloc : memref<!tpu.dma_semaphore, #tpu.memory_space<semaphore_mem>>
        %dma_start3A_208 = arith.constant 0 : i32
        %dma_start3A_209 = tpu.memref_slice %arg7[%add3A_153, %dma_start3A_208] : memref<80x125xi32, #tpu.memory_space<vmem>> -> memref<1x125xi32, #tpu.memory_space<vmem>>
        %dma_start3A_210 = tpu.memref_squeeze %dma_start3A_209 : memref<1x125xi32, #tpu.memory_space<vmem>> -> memref<125xi32, #tpu.memory_space<vmem>>
        %dma_start3A_211 = arith.constant 0 : i32
        %dma_start3A_212 = arith.constant 0 : i32
        %dma_start3A_213 = tpu.memref_slice %arg13[%dma_start3A_211, %dma_start3A_212] : memref<10112x80xf32, #tpu.memory_space<vmem_shared>> -> memref<10112x80xf32, #tpu.memory_space<vmem_shared>>
        tpu.enqueue_indirect_dma source(%arg10 : memref<125x80xf32, #tpu.memory_space<vmem>>) target(%dma_start3A_213 : memref<10112x80xf32, #tpu.memory_space<vmem_shared>>) offsets(%dma_start3A_210 : memref<125xi32, #tpu.memory_space<vmem>>) semaphore(%run_scoped3A_207 : memref<!tpu.dma_semaphore, #tpu.memory_space<semaphore_mem>>) {add = true}
        %dma_wait3A_214 = arith.constant 0 : i32
        %dma_wait3A_215 = tpu.memref_slice %arg7[%add3A_153, %dma_wait3A_214] : memref<80x125xi32, #tpu.memory_space<vmem>> -> memref<1x125xi32, #tpu.memory_space<vmem>>
        %dma_wait3A_216 = tpu.memref_squeeze %dma_wait3A_215 : memref<1x125xi32, #tpu.memory_space<vmem>> -> memref<125xi32, #tpu.memory_space<vmem>>
        %dma_wait3A_217 = arith.constant 0 : i32
        %dma_wait3A_218 = arith.constant 0 : i32
        %dma_wait3A_219 = tpu.memref_slice %arg13[%dma_wait3A_217, %dma_wait3A_218] : memref<10112x80xf32, #tpu.memory_space<vmem_shared>> -> memref<10112x80xf32, #tpu.memory_space<vmem_shared>>
        tpu.wait_indirect_dma semaphore(%run_scoped3A_207 : memref<!tpu.dma_semaphore, #tpu.memory_space<semaphore_mem>>) src(%arg10 : memref<125x80xf32, #tpu.memory_space<vmem>>) dst(%dma_wait3A_219 : memref<10112x80xf32, #tpu.memory_space<vmem_shared>>)
        tpu.yield
      }) : () -> ()
      %add3A_160 = arith.constant 5 : i32
      %add3A_161 = arith.addi %mul3A_115, %add3A_160 : i32
      %add3A_162 = arith.constant 2 : i32
      %add3A_163 = arith.addi %add3A_161, %add3A_162 : i32
      %dma_start3A_164 = arith.constant 0 : i32
      %dma_start3A_165 = tpu.memref_slice %arg6[%add3A_163, %dma_start3A_164] : memref<80x125xi32, #tpu.memory_space<vmem>> -> memref<1x125xi32, #tpu.memory_space<vmem>>
      %dma_start3A_166 = tpu.memref_squeeze %dma_start3A_165 : memref<1x125xi32, #tpu.memory_space<vmem>> -> memref<125xi32, #tpu.memory_space<vmem>>
      %dma_start3A_167 = arith.constant 0 : i32
      %dma_start3A_168 = arith.constant 0 : i32
      %dma_start3A_169 = tpu.memref_slice %arg2[%dma_start3A_167, %dma_start3A_168] : memref<10000x80xf32, #tpu.memory_space<hbm>> -> memref<10000x80xf32, #tpu.memory_space<hbm>>
      tpu.enqueue_indirect_dma source(%dma_start3A_169 : memref<10000x80xf32, #tpu.memory_space<hbm>>) target(%arg10 : memref<125x80xf32, #tpu.memory_space<vmem>>) offsets(%dma_start3A_166 : memref<125xi32, #tpu.memory_space<vmem>>) semaphore(%arg16 : memref<!tpu.dma_semaphore, #tpu.memory_space<semaphore_mem>>)
      %add3A_170 = arith.constant 3 : i32
      %add3A_171 = arith.addi %mul3A_115, %add3A_170 : i32
      %dma_wait3A_172 = arith.constant 0 : i32
      %dma_wait3A_173 = tpu.memref_slice %arg6[%add3A_171, %dma_wait3A_172] : memref<80x125xi32, #tpu.memory_space<vmem>> -> memref<1x125xi32, #tpu.memory_space<vmem>>
      %dma_wait3A_174 = tpu.memref_squeeze %dma_wait3A_173 : memref<1x125xi32, #tpu.memory_space<vmem>> -> memref<125xi32, #tpu.memory_space<vmem>>
      %dma_wait3A_175 = arith.constant 0 : i32
      %dma_wait3A_176 = arith.constant 0 : i32
      %dma_wait3A_177 = tpu.memref_slice %arg2[%dma_wait3A_175, %dma_wait3A_176] : memref<10000x80xf32, #tpu.memory_space<hbm>> -> memref<10000x80xf32, #tpu.memory_space<hbm>>
      tpu.wait_indirect_dma semaphore(%arg17 : memref<!tpu.dma_semaphore, #tpu.memory_space<semaphore_mem>>) src(%dma_wait3A_177 : memref<10000x80xf32, #tpu.memory_space<hbm>>) dst(%arg11 : memref<125x80xf32, #tpu.memory_space<vmem>>)
      "tpu.region"() ({
        %run_scoped3A_207 = tpu.sem_alloc : memref<!tpu.dma_semaphore, #tpu.memory_space<semaphore_mem>>
        %dma_start3A_208 = arith.constant 0 : i32
        %dma_start3A_209 = tpu.memref_slice %arg7[%add3A_171, %dma_start3A_208] : memref<80x125xi32, #tpu.memory_space<vmem>> -> memref<1x125xi32, #tpu.memory_space<vmem>>
        %dma_start3A_210 = tpu.memref_squeeze %dma_start3A_209 : memref<1x125xi32, #tpu.memory_space<vmem>> -> memref<125xi32, #tpu.memory_space<vmem>>
        %dma_start3A_211 = arith.constant 0 : i32
        %dma_start3A_212 = arith.constant 0 : i32
        %dma_start3A_213 = tpu.memref_slice %arg13[%dma_start3A_211, %dma_start3A_212] : memref<10112x80xf32, #tpu.memory_space<vmem_shared>> -> memref<10112x80xf32, #tpu.memory_space<vmem_shared>>
        tpu.enqueue_indirect_dma source(%arg11 : memref<125x80xf32, #tpu.memory_space<vmem>>) target(%dma_start3A_213 : memref<10112x80xf32, #tpu.memory_space<vmem_shared>>) offsets(%dma_start3A_210 : memref<125xi32, #tpu.memory_space<vmem>>) semaphore(%run_scoped3A_207 : memref<!tpu.dma_semaphore, #tpu.memory_space<semaphore_mem>>) {add = true}
        %dma_wait3A_214 = arith.constant 0 : i32
        %dma_wait3A_215 = tpu.memref_slice %arg7[%add3A_171, %dma_wait3A_214] : memref<80x125xi32, #tpu.memory_space<vmem>> -> memref<1x125xi32, #tpu.memory_space<vmem>>
        %dma_wait3A_216 = tpu.memref_squeeze %dma_wait3A_215 : memref<1x125xi32, #tpu.memory_space<vmem>> -> memref<125xi32, #tpu.memory_space<vmem>>
        %dma_wait3A_217 = arith.constant 0 : i32
        %dma_wait3A_218 = arith.constant 0 : i32
        %dma_wait3A_219 = tpu.memref_slice %arg13[%dma_wait3A_217, %dma_wait3A_218] : memref<10112x80xf32, #tpu.memory_space<vmem_shared>> -> memref<10112x80xf32, #tpu.memory_space<vmem_shared>>
        tpu.wait_indirect_dma semaphore(%run_scoped3A_207 : memref<!tpu.dma_semaphore, #tpu.memory_space<semaphore_mem>>) src(%arg11 : memref<125x80xf32, #tpu.memory_space<vmem>>) dst(%dma_wait3A_219 : memref<10112x80xf32, #tpu.memory_space<vmem_shared>>)
        tpu.yield
      }) : () -> ()
      %add3A_178 = arith.constant 5 : i32
      %add3A_179 = arith.addi %mul3A_115, %add3A_178 : i32
      %add3A_180 = arith.constant 3 : i32
      %add3A_181 = arith.addi %add3A_179, %add3A_180 : i32
      %dma_start3A_182 = arith.constant 0 : i32
      %dma_start3A_183 = tpu.memref_slice %arg6[%add3A_181, %dma_start3A_182] : memref<80x125xi32, #tpu.memory_space<vmem>> -> memref<1x125xi32, #tpu.memory_space<vmem>>
      %dma_start3A_184 = tpu.memref_squeeze %dma_start3A_183 : memref<1x125xi32, #tpu.memory_space<vmem>> -> memref<125xi32, #tpu.memory_space<vmem>>
      %dma_start3A_185 = arith.constant 0 : i32
      %dma_start3A_186 = arith.constant 0 : i32
      %dma_start3A_187 = tpu.memref_slice %arg2[%dma_start3A_185, %dma_start3A_186] : memref<10000x80xf32, #tpu.memory_space<hbm>> -> memref<10000x80xf32, #tpu.memory_space<hbm>>
      tpu.enqueue_indirect_dma source(%dma_start3A_187 : memref<10000x80xf32, #tpu.memory_space<hbm>>) target(%arg11 : memref<125x80xf32, #tpu.memory_space<vmem>>) offsets(%dma_start3A_184 : memref<125xi32, #tpu.memory_space<vmem>>) semaphore(%arg17 : memref<!tpu.dma_semaphore, #tpu.memory_space<semaphore_mem>>)
      %add3A_188 = arith.constant 4 : i32
      %add3A_189 = arith.addi %mul3A_115, %add3A_188 : i32
      %dma_wait3A_190 = arith.constant 0 : i32
      %dma_wait3A_191 = tpu.memref_slice %arg6[%add3A_189, %dma_wait3A_190] : memref<80x125xi32, #tpu.memory_space<vmem>> -> memref<1x125xi32, #tpu.memory_space<vmem>>
      %dma_wait3A_192 = tpu.memref_squeeze %dma_wait3A_191 : memref<1x125xi32, #tpu.memory_space<vmem>> -> memref<125xi32, #tpu.memory_space<vmem>>
      %dma_wait3A_193 = arith.constant 0 : i32
      %dma_wait3A_194 = arith.constant 0 : i32
      %dma_wait3A_195 = tpu.memref_slice %arg2[%dma_wait3A_193, %dma_wait3A_194] : memref<10000x80xf32, #tpu.memory_space<hbm>> -> memref<10000x80xf32, #tpu.memory_space<hbm>>
      tpu.wait_indirect_dma semaphore(%arg18 : memref<!tpu.dma_semaphore, #tpu.memory_space<semaphore_mem>>) src(%dma_wait3A_195 : memref<10000x80xf32, #tpu.memory_space<hbm>>) dst(%arg12 : memref<125x80xf32, #tpu.memory_space<vmem>>)
      "tpu.region"() ({
        %run_scoped3A_207 = tpu.sem_alloc : memref<!tpu.dma_semaphore, #tpu.memory_space<semaphore_mem>>
        %dma_start3A_208 = arith.constant 0 : i32
        %dma_start3A_209 = tpu.memref_slice %arg7[%add3A_189, %dma_start3A_208] : memref<80x125xi32, #tpu.memory_space<vmem>> -> memref<1x125xi32, #tpu.memory_space<vmem>>
        %dma_start3A_210 = tpu.memref_squeeze %dma_start3A_209 : memref<1x125xi32, #tpu.memory_space<vmem>> -> memref<125xi32, #tpu.memory_space<vmem>>
        %dma_start3A_211 = arith.constant 0 : i32
        %dma_start3A_212 = arith.constant 0 : i32
        %dma_start3A_213 = tpu.memref_slice %arg13[%dma_start3A_211, %dma_start3A_212] : memref<10112x80xf32, #tpu.memory_space<vmem_shared>> -> memref<10112x80xf32, #tpu.memory_space<vmem_shared>>
        tpu.enqueue_indirect_dma source(%arg12 : memref<125x80xf32, #tpu.memory_space<vmem>>) target(%dma_start3A_213 : memref<10112x80xf32, #tpu.memory_space<vmem_shared>>) offsets(%dma_start3A_210 : memref<125xi32, #tpu.memory_space<vmem>>) semaphore(%run_scoped3A_207 : memref<!tpu.dma_semaphore, #tpu.memory_space<semaphore_mem>>) {add = true}
        %dma_wait3A_214 = arith.constant 0 : i32
        %dma_wait3A_215 = tpu.memref_slice %arg7[%add3A_189, %dma_wait3A_214] : memref<80x125xi32, #tpu.memory_space<vmem>> -> memref<1x125xi32, #tpu.memory_space<vmem>>
        %dma_wait3A_216 = tpu.memref_squeeze %dma_wait3A_215 : memref<1x125xi32, #tpu.memory_space<vmem>> -> memref<125xi32, #tpu.memory_space<vmem>>
        %dma_wait3A_217 = arith.constant 0 : i32
        %dma_wait3A_218 = arith.constant 0 : i32
        %dma_wait3A_219 = tpu.memref_slice %arg13[%dma_wait3A_217, %dma_wait3A_218] : memref<10112x80xf32, #tpu.memory_space<vmem_shared>> -> memref<10112x80xf32, #tpu.memory_space<vmem_shared>>
        tpu.wait_indirect_dma semaphore(%run_scoped3A_207 : memref<!tpu.dma_semaphore, #tpu.memory_space<semaphore_mem>>) src(%arg12 : memref<125x80xf32, #tpu.memory_space<vmem>>) dst(%dma_wait3A_219 : memref<10112x80xf32, #tpu.memory_space<vmem_shared>>)
        tpu.yield
      }) : () -> ()
      %add3A_196 = arith.constant 5 : i32
      %add3A_197 = arith.addi %mul3A_115, %add3A_196 : i32
      %add3A_198 = arith.constant 4 : i32
      %add3A_199 = arith.addi %add3A_197, %add3A_198 : i32
      %dma_start3A_200 = arith.constant 0 : i32
      %dma_start3A_201 = tpu.memref_slice %arg6[%add3A_199, %dma_start3A_200] : memref<80x125xi32, #tpu.memory_space<vmem>> -> memref<1x125xi32, #tpu.memory_space<vmem>>
      %dma_start3A_202 = tpu.memref_squeeze %dma_start3A_201 : memref<1x125xi32, #tpu.memory_space<vmem>> -> memref<125xi32, #tpu.memory_space<vmem>>
      %dma_start3A_203 = arith.constant 0 : i32
      %dma_start3A_204 = arith.constant 0 : i32
      %dma_start3A_205 = tpu.memref_slice %arg2[%dma_start3A_203, %dma_start3A_204] : memref<10000x80xf32, #tpu.memory_space<hbm>> -> memref<10000x80xf32, #tpu.memory_space<hbm>>
      tpu.enqueue_indirect_dma source(%dma_start3A_205 : memref<10000x80xf32, #tpu.memory_space<hbm>>) target(%arg12 : memref<125x80xf32, #tpu.memory_space<vmem>>) offsets(%dma_start3A_202 : memref<125xi32, #tpu.memory_space<vmem>>) semaphore(%arg18 : memref<!tpu.dma_semaphore, #tpu.memory_space<semaphore_mem>>)
      %scan3A_206 = arith.constant 0 : i32
      scf.yield %scan3A_206 : i32
    }
    %scan3A_71 = arith.constant 15 : i32
    %dma_wait3A_72 = arith.constant 75 : i32
    %dma_wait3A_73 = arith.constant 0 : i32
    %dma_wait3A_74 = tpu.memref_slice %arg6[%dma_wait3A_72, %dma_wait3A_73] : memref<80x125xi32, #tpu.memory_space<vmem>> -> memref<1x125xi32, #tpu.memory_space<vmem>>
    %dma_wait3A_75 = tpu.memref_squeeze %dma_wait3A_74 : memref<1x125xi32, #tpu.memory_space<vmem>> -> memref<125xi32, #tpu.memory_space<vmem>>
    %dma_wait3A_76 = arith.constant 0 : i32
    %dma_wait3A_77 = arith.constant 0 : i32
    %dma_wait3A_78 = tpu.memref_slice %arg2[%dma_wait3A_76, %dma_wait3A_77] : memref<10000x80xf32, #tpu.memory_space<hbm>> -> memref<10000x80xf32, #tpu.memory_space<hbm>>
    tpu.wait_indirect_dma semaphore(%arg14 : memref<!tpu.dma_semaphore, #tpu.memory_space<semaphore_mem>>) src(%dma_wait3A_78 : memref<10000x80xf32, #tpu.memory_space<hbm>>) dst(%arg8 : memref<125x80xf32, #tpu.memory_space<vmem>>)
    %run_scoped3A = arith.constant 75 : i32
    "tpu.region"() ({
      %run_scoped3A_112 = tpu.sem_alloc : memref<!tpu.dma_semaphore, #tpu.memory_space<semaphore_mem>>
      %dma_start3A_113 = arith.constant 0 : i32
      %dma_start3A_114 = tpu.memref_slice %arg7[%run_scoped3A, %dma_start3A_113] : memref<80x125xi32, #tpu.memory_space<vmem>> -> memref<1x125xi32, #tpu.memory_space<vmem>>
      %dma_start3A_115 = tpu.memref_squeeze %dma_start3A_114 : memref<1x125xi32, #tpu.memory_space<vmem>> -> memref<125xi32, #tpu.memory_space<vmem>>
      %dma_start3A_116 = arith.constant 0 : i32
      %dma_start3A_117 = arith.constant 0 : i32
      %dma_start3A_118 = tpu.memref_slice %arg13[%dma_start3A_116, %dma_start3A_117] : memref<10112x80xf32, #tpu.memory_space<vmem_shared>> -> memref<10112x80xf32, #tpu.memory_space<vmem_shared>>
      tpu.enqueue_indirect_dma source(%arg8 : memref<125x80xf32, #tpu.memory_space<vmem>>) target(%dma_start3A_118 : memref<10112x80xf32, #tpu.memory_space<vmem_shared>>) offsets(%dma_start3A_115 : memref<125xi32, #tpu.memory_space<vmem>>) semaphore(%run_scoped3A_112 : memref<!tpu.dma_semaphore, #tpu.memory_space<semaphore_mem>>) {add = true}
      %dma_wait3A_119 = arith.constant 0 : i32
      %dma_wait3A_120 = tpu.memref_slice %arg7[%run_scoped3A, %dma_wait3A_119] : memref<80x125xi32, #tpu.memory_space<vmem>> -> memref<1x125xi32, #tpu.memory_space<vmem>>
      %dma_wait3A_121 = tpu.memref_squeeze %dma_wait3A_120 : memref<1x125xi32, #tpu.memory_space<vmem>> -> memref<125xi32, #tpu.memory_space<vmem>>
      %dma_wait3A_122 = arith.constant 0 : i32
      %dma_wait3A_123 = arith.constant 0 : i32
      %dma_wait3A_124 = tpu.memref_slice %arg13[%dma_wait3A_122, %dma_wait3A_123] : memref<10112x80xf32, #tpu.memory_space<vmem_shared>> -> memref<10112x80xf32, #tpu.memory_space<vmem_shared>>
      tpu.wait_indirect_dma semaphore(%run_scoped3A_112 : memref<!tpu.dma_semaphore, #tpu.memory_space<semaphore_mem>>) src(%arg8 : memref<125x80xf32, #tpu.memory_space<vmem>>) dst(%dma_wait3A_124 : memref<10112x80xf32, #tpu.memory_space<vmem_shared>>)
      tpu.yield
    }) : () -> ()
    %dma_wait3A_79 = arith.constant 76 : i32
    %dma_wait3A_80 = arith.constant 0 : i32
    %dma_wait3A_81 = tpu.memref_slice %arg6[%dma_wait3A_79, %dma_wait3A_80] : memref<80x125xi32, #tpu.memory_space<vmem>> -> memref<1x125xi32, #tpu.memory_space<vmem>>
    %dma_wait3A_82 = tpu.memref_squeeze %dma_wait3A_81 : memref<1x125xi32, #tpu.memory_space<vmem>> -> memref<125xi32, #tpu.memory_space<vmem>>
    %dma_wait3A_83 = arith.constant 0 : i32
    %dma_wait3A_84 = arith.constant 0 : i32
    %dma_wait3A_85 = tpu.memref_slice %arg2[%dma_wait3A_83, %dma_wait3A_84] : memref<10000x80xf32, #tpu.memory_space<hbm>> -> memref<10000x80xf32, #tpu.memory_space<hbm>>
    tpu.wait_indirect_dma semaphore(%arg15 : memref<!tpu.dma_semaphore, #tpu.memory_space<semaphore_mem>>) src(%dma_wait3A_85 : memref<10000x80xf32, #tpu.memory_space<hbm>>) dst(%arg9 : memref<125x80xf32, #tpu.memory_space<vmem>>)
    %run_scoped3A_86 = arith.constant 76 : i32
    "tpu.region"() ({
      %run_scoped3A_112 = tpu.sem_alloc : memref<!tpu.dma_semaphore, #tpu.memory_space<semaphore_mem>>
      %dma_start3A_113 = arith.constant 0 : i32
      %dma_start3A_114 = tpu.memref_slice %arg7[%run_scoped3A_86, %dma_start3A_113] : memref<80x125xi32, #tpu.memory_space<vmem>> -> memref<1x125xi32, #tpu.memory_space<vmem>>
      %dma_start3A_115 = tpu.memref_squeeze %dma_start3A_114 : memref<1x125xi32, #tpu.memory_space<vmem>> -> memref<125xi32, #tpu.memory_space<vmem>>
      %dma_start3A_116 = arith.constant 0 : i32
      %dma_start3A_117 = arith.constant 0 : i32
      %dma_start3A_118 = tpu.memref_slice %arg13[%dma_start3A_116, %dma_start3A_117] : memref<10112x80xf32, #tpu.memory_space<vmem_shared>> -> memref<10112x80xf32, #tpu.memory_space<vmem_shared>>
      tpu.enqueue_indirect_dma source(%arg9 : memref<125x80xf32, #tpu.memory_space<vmem>>) target(%dma_start3A_118 : memref<10112x80xf32, #tpu.memory_space<vmem_shared>>) offsets(%dma_start3A_115 : memref<125xi32, #tpu.memory_space<vmem>>) semaphore(%run_scoped3A_112 : memref<!tpu.dma_semaphore, #tpu.memory_space<semaphore_mem>>) {add = true}
      %dma_wait3A_119 = arith.constant 0 : i32
      %dma_wait3A_120 = tpu.memref_slice %arg7[%run_scoped3A_86, %dma_wait3A_119] : memref<80x125xi32, #tpu.memory_space<vmem>> -> memref<1x125xi32, #tpu.memory_space<vmem>>
      %dma_wait3A_121 = tpu.memref_squeeze %dma_wait3A_120 : memref<1x125xi32, #tpu.memory_space<vmem>> -> memref<125xi32, #tpu.memory_space<vmem>>
      %dma_wait3A_122 = arith.constant 0 : i32
      %dma_wait3A_123 = arith.constant 0 : i32
      %dma_wait3A_124 = tpu.memref_slice %arg13[%dma_wait3A_122, %dma_wait3A_123] : memref<10112x80xf32, #tpu.memory_space<vmem_shared>> -> memref<10112x80xf32, #tpu.memory_space<vmem_shared>>
      tpu.wait_indirect_dma semaphore(%run_scoped3A_112 : memref<!tpu.dma_semaphore, #tpu.memory_space<semaphore_mem>>) src(%arg9 : memref<125x80xf32, #tpu.memory_space<vmem>>) dst(%dma_wait3A_124 : memref<10112x80xf32, #tpu.memory_space<vmem_shared>>)
      tpu.yield
    }) : () -> ()
    %dma_wait3A_87 = arith.constant 77 : i32
    %dma_wait3A_88 = arith.constant 0 : i32
    %dma_wait3A_89 = tpu.memref_slice %arg6[%dma_wait3A_87, %dma_wait3A_88] : memref<80x125xi32, #tpu.memory_space<vmem>> -> memref<1x125xi32, #tpu.memory_space<vmem>>
    %dma_wait3A_90 = tpu.memref_squeeze %dma_wait3A_89 : memref<1x125xi32, #tpu.memory_space<vmem>> -> memref<125xi32, #tpu.memory_space<vmem>>
    %dma_wait3A_91 = arith.constant 0 : i32
    %dma_wait3A_92 = arith.constant 0 : i32
    %dma_wait3A_93 = tpu.memref_slice %arg2[%dma_wait3A_91, %dma_wait3A_92] : memref<10000x80xf32, #tpu.memory_space<hbm>> -> memref<10000x80xf32, #tpu.memory_space<hbm>>
    tpu.wait_indirect_dma semaphore(%arg16 : memref<!tpu.dma_semaphore, #tpu.memory_space<semaphore_mem>>) src(%dma_wait3A_93 : memref<10000x80xf32, #tpu.memory_space<hbm>>) dst(%arg10 : memref<125x80xf32, #tpu.memory_space<vmem>>)
    %run_scoped3A_94 = arith.constant 77 : i32
    "tpu.region"() ({
      %run_scoped3A_112 = tpu.sem_alloc : memref<!tpu.dma_semaphore, #tpu.memory_space<semaphore_mem>>
      %dma_start3A_113 = arith.constant 0 : i32
      %dma_start3A_114 = tpu.memref_slice %arg7[%run_scoped3A_94, %dma_start3A_113] : memref<80x125xi32, #tpu.memory_space<vmem>> -> memref<1x125xi32, #tpu.memory_space<vmem>>
      %dma_start3A_115 = tpu.memref_squeeze %dma_start3A_114 : memref<1x125xi32, #tpu.memory_space<vmem>> -> memref<125xi32, #tpu.memory_space<vmem>>
      %dma_start3A_116 = arith.constant 0 : i32
      %dma_start3A_117 = arith.constant 0 : i32
      %dma_start3A_118 = tpu.memref_slice %arg13[%dma_start3A_116, %dma_start3A_117] : memref<10112x80xf32, #tpu.memory_space<vmem_shared>> -> memref<10112x80xf32, #tpu.memory_space<vmem_shared>>
      tpu.enqueue_indirect_dma source(%arg10 : memref<125x80xf32, #tpu.memory_space<vmem>>) target(%dma_start3A_118 : memref<10112x80xf32, #tpu.memory_space<vmem_shared>>) offsets(%dma_start3A_115 : memref<125xi32, #tpu.memory_space<vmem>>) semaphore(%run_scoped3A_112 : memref<!tpu.dma_semaphore, #tpu.memory_space<semaphore_mem>>) {add = true}
      %dma_wait3A_119 = arith.constant 0 : i32
      %dma_wait3A_120 = tpu.memref_slice %arg7[%run_scoped3A_94, %dma_wait3A_119] : memref<80x125xi32, #tpu.memory_space<vmem>> -> memref<1x125xi32, #tpu.memory_space<vmem>>
      %dma_wait3A_121 = tpu.memref_squeeze %dma_wait3A_120 : memref<1x125xi32, #tpu.memory_space<vmem>> -> memref<125xi32, #tpu.memory_space<vmem>>
      %dma_wait3A_122 = arith.constant 0 : i32
      %dma_wait3A_123 = arith.constant 0 : i32
      %dma_wait3A_124 = tpu.memref_slice %arg13[%dma_wait3A_122, %dma_wait3A_123] : memref<10112x80xf32, #tpu.memory_space<vmem_shared>> -> memref<10112x80xf32, #tpu.memory_space<vmem_shared>>
      tpu.wait_indirect_dma semaphore(%run_scoped3A_112 : memref<!tpu.dma_semaphore, #tpu.memory_space<semaphore_mem>>) src(%arg10 : memref<125x80xf32, #tpu.memory_space<vmem>>) dst(%dma_wait3A_124 : memref<10112x80xf32, #tpu.memory_space<vmem_shared>>)
      tpu.yield
    }) : () -> ()
    %dma_wait3A_95 = arith.constant 78 : i32
    %dma_wait3A_96 = arith.constant 0 : i32
    %dma_wait3A_97 = tpu.memref_slice %arg6[%dma_wait3A_95, %dma_wait3A_96] : memref<80x125xi32, #tpu.memory_space<vmem>> -> memref<1x125xi32, #tpu.memory_space<vmem>>
    %dma_wait3A_98 = tpu.memref_squeeze %dma_wait3A_97 : memref<1x125xi32, #tpu.memory_space<vmem>> -> memref<125xi32, #tpu.memory_space<vmem>>
    %dma_wait3A_99 = arith.constant 0 : i32
    %dma_wait3A_100 = arith.constant 0 : i32
    %dma_wait3A_101 = tpu.memref_slice %arg2[%dma_wait3A_99, %dma_wait3A_100] : memref<10000x80xf32, #tpu.memory_space<hbm>> -> memref<10000x80xf32, #tpu.memory_space<hbm>>
    tpu.wait_indirect_dma semaphore(%arg17 : memref<!tpu.dma_semaphore, #tpu.memory_space<semaphore_mem>>) src(%dma_wait3A_101 : memref<10000x80xf32, #tpu.memory_space<hbm>>) dst(%arg11 : memref<125x80xf32, #tpu.memory_space<vmem>>)
    %run_scoped3A_102 = arith.constant 78 : i32
    "tpu.region"() ({
      %run_scoped3A_112 = tpu.sem_alloc : memref<!tpu.dma_semaphore, #tpu.memory_space<semaphore_mem>>
      %dma_start3A_113 = arith.constant 0 : i32
      %dma_start3A_114 = tpu.memref_slice %arg7[%run_scoped3A_102, %dma_start3A_113] : memref<80x125xi32, #tpu.memory_space<vmem>> -> memref<1x125xi32, #tpu.memory_space<vmem>>
      %dma_start3A_115 = tpu.memref_squeeze %dma_start3A_114 : memref<1x125xi32, #tpu.memory_space<vmem>> -> memref<125xi32, #tpu.memory_space<vmem>>
      %dma_start3A_116 = arith.constant 0 : i32
      %dma_start3A_117 = arith.constant 0 : i32
      %dma_start3A_118 = tpu.memref_slice %arg13[%dma_start3A_116, %dma_start3A_117] : memref<10112x80xf32, #tpu.memory_space<vmem_shared>> -> memref<10112x80xf32, #tpu.memory_space<vmem_shared>>
      tpu.enqueue_indirect_dma source(%arg11 : memref<125x80xf32, #tpu.memory_space<vmem>>) target(%dma_start3A_118 : memref<10112x80xf32, #tpu.memory_space<vmem_shared>>) offsets(%dma_start3A_115 : memref<125xi32, #tpu.memory_space<vmem>>) semaphore(%run_scoped3A_112 : memref<!tpu.dma_semaphore, #tpu.memory_space<semaphore_mem>>) {add = true}
      %dma_wait3A_119 = arith.constant 0 : i32
      %dma_wait3A_120 = tpu.memref_slice %arg7[%run_scoped3A_102, %dma_wait3A_119] : memref<80x125xi32, #tpu.memory_space<vmem>> -> memref<1x125xi32, #tpu.memory_space<vmem>>
      %dma_wait3A_121 = tpu.memref_squeeze %dma_wait3A_120 : memref<1x125xi32, #tpu.memory_space<vmem>> -> memref<125xi32, #tpu.memory_space<vmem>>
      %dma_wait3A_122 = arith.constant 0 : i32
      %dma_wait3A_123 = arith.constant 0 : i32
      %dma_wait3A_124 = tpu.memref_slice %arg13[%dma_wait3A_122, %dma_wait3A_123] : memref<10112x80xf32, #tpu.memory_space<vmem_shared>> -> memref<10112x80xf32, #tpu.memory_space<vmem_shared>>
      tpu.wait_indirect_dma semaphore(%run_scoped3A_112 : memref<!tpu.dma_semaphore, #tpu.memory_space<semaphore_mem>>) src(%arg11 : memref<125x80xf32, #tpu.memory_space<vmem>>) dst(%dma_wait3A_124 : memref<10112x80xf32, #tpu.memory_space<vmem_shared>>)
      tpu.yield
    }) : () -> ()
    %dma_wait3A_103 = arith.constant 79 : i32
    %dma_wait3A_104 = arith.constant 0 : i32
    %dma_wait3A_105 = tpu.memref_slice %arg6[%dma_wait3A_103, %dma_wait3A_104] : memref<80x125xi32, #tpu.memory_space<vmem>> -> memref<1x125xi32, #tpu.memory_space<vmem>>
    %dma_wait3A_106 = tpu.memref_squeeze %dma_wait3A_105 : memref<1x125xi32, #tpu.memory_space<vmem>> -> memref<125xi32, #tpu.memory_space<vmem>>
    %dma_wait3A_107 = arith.constant 0 : i32
    %dma_wait3A_108 = arith.constant 0 : i32
    %dma_wait3A_109 = tpu.memref_slice %arg2[%dma_wait3A_107, %dma_wait3A_108] : memref<10000x80xf32, #tpu.memory_space<hbm>> -> memref<10000x80xf32, #tpu.memory_space<hbm>>
    tpu.wait_indirect_dma semaphore(%arg18 : memref<!tpu.dma_semaphore, #tpu.memory_space<semaphore_mem>>) src(%dma_wait3A_109 : memref<10000x80xf32, #tpu.memory_space<hbm>>) dst(%arg12 : memref<125x80xf32, #tpu.memory_space<vmem>>)
    %run_scoped3A_110 = arith.constant 79 : i32
    "tpu.region"() ({
      %run_scoped3A_112 = tpu.sem_alloc : memref<!tpu.dma_semaphore, #tpu.memory_space<semaphore_mem>>
      %dma_start3A_113 = arith.constant 0 : i32
      %dma_start3A_114 = tpu.memref_slice %arg7[%run_scoped3A_110, %dma_start3A_113] : memref<80x125xi32, #tpu.memory_space<vmem>> -> memref<1x125xi32, #tpu.memory_space<vmem>>
      %dma_start3A_115 = tpu.memref_squeeze %dma_start3A_114 : memref<1x125xi32, #tpu.memory_space<vmem>> -> memref<125xi32, #tpu.memory_space<vmem>>
      %dma_start3A_116 = arith.constant 0 : i32
      %dma_start3A_117 = arith.constant 0 : i32
      %dma_start3A_118 = tpu.memref_slice %arg13[%dma_start3A_116, %dma_start3A_117] : memref<10112x80xf32, #tpu.memory_space<vmem_shared>> -> memref<10112x80xf32, #tpu.memory_space<vmem_shared>>
      tpu.enqueue_indirect_dma source(%arg12 : memref<125x80xf32, #tpu.memory_space<vmem>>) target(%dma_start3A_118 : memref<10112x80xf32, #tpu.memory_space<vmem_shared>>) offsets(%dma_start3A_115 : memref<125xi32, #tpu.memory_space<vmem>>) semaphore(%run_scoped3A_112 : memref<!tpu.dma_semaphore, #tpu.memory_space<semaphore_mem>>) {add = true}
      %dma_wait3A_119 = arith.constant 0 : i32
      %dma_wait3A_120 = tpu.memref_slice %arg7[%run_scoped3A_110, %dma_wait3A_119] : memref<80x125xi32, #tpu.memory_space<vmem>> -> memref<1x125xi32, #tpu.memory_space<vmem>>
      %dma_wait3A_121 = tpu.memref_squeeze %dma_wait3A_120 : memref<1x125xi32, #tpu.memory_space<vmem>> -> memref<125xi32, #tpu.memory_space<vmem>>
      %dma_wait3A_122 = arith.constant 0 : i32
      %dma_wait3A_123 = arith.constant 0 : i32
      %dma_wait3A_124 = tpu.memref_slice %arg13[%dma_wait3A_122, %dma_wait3A_123] : memref<10112x80xf32, #tpu.memory_space<vmem_shared>> -> memref<10112x80xf32, #tpu.memory_space<vmem_shared>>
      tpu.wait_indirect_dma semaphore(%run_scoped3A_112 : memref<!tpu.dma_semaphore, #tpu.memory_space<semaphore_mem>>) src(%arg12 : memref<125x80xf32, #tpu.memory_space<vmem>>) dst(%dma_wait3A_124 : memref<10112x80xf32, #tpu.memory_space<vmem_shared>>)
      tpu.yield
    }) : () -> ()
    %barrier3A_111 = arith.constant 0 : index
    tpu.barrier barrier_id(%barrier3A_111)
    "tpu.region"() ({
      %run_scoped3A_112 = tpu.sem_alloc : memref<!tpu.dma_semaphore, #tpu.memory_space<semaphore_mem>>
      %dma_start3A_113 = arith.constant 0 : i32
      %dma_start3A_114 = tpu.memref_slice %arg5[%arg0, %mul3A_4, %dma_start3A_113] : memref<2x10112x80xf32, #tpu.memory_space<hbm>> -> memref<1x632x80xf32, #tpu.memory_space<hbm>>
      %dma_start3A_115 = tpu.memref_squeeze %dma_start3A_114 : memref<1x632x80xf32, #tpu.memory_space<hbm>> -> memref<632x80xf32, #tpu.memory_space<hbm>>
      %dma_start3A_116 = arith.constant 0 : i32
      %dma_start3A_117 = tpu.memref_slice %arg13[%mul3A_4, %dma_start3A_116] : memref<10112x80xf32, #tpu.memory_space<vmem_shared>> -> memref<632x80xf32, #tpu.memory_space<vmem_shared>>
      tpu.enqueue_dma source(%dma_start3A_117 : memref<632x80xf32, #tpu.memory_space<vmem_shared>>) target(%dma_start3A_115 : memref<632x80xf32, #tpu.memory_space<hbm>>) target_semaphore(%run_scoped3A_112 : memref<!tpu.dma_semaphore, #tpu.memory_space<semaphore_mem>>)
      %dma_wait3A_118 = arith.constant 0 : i32
      %dma_wait3A_119 = tpu.memref_slice %arg5[%arg0, %mul3A_4, %dma_wait3A_118] : memref<2x10112x80xf32, #tpu.memory_space<hbm>> -> memref<1x632x80xf32, #tpu.memory_space<hbm>>
      %dma_wait3A_120 = tpu.memref_squeeze %dma_wait3A_119 : memref<1x632x80xf32, #tpu.memory_space<hbm>> -> memref<632x80xf32, #tpu.memory_space<hbm>>
      %dma_wait3A_121 = arith.constant 0 : i32
      %dma_wait3A_122 = tpu.memref_slice %arg13[%mul3A_4, %dma_wait3A_121] : memref<10112x80xf32, #tpu.memory_space<vmem_shared>> -> memref<632x80xf32, #tpu.memory_space<vmem_shared>>
      tpu.wait_dma2 semaphore(%run_scoped3A_112 : memref<!tpu.dma_semaphore, #tpu.memory_space<semaphore_mem>>) src(%dma_wait3A_122 : memref<632x80xf32, #tpu.memory_space<vmem_shared>>) dst(%dma_wait3A_120 : memref<632x80xf32, #tpu.memory_space<hbm>>)
      tpu.yield
    }) : () -> ()
    return
  }
}

#map = affine_map<(d0, d1) -> (0, 0)>
#map1 = affine_map<(d0, d1) -> (0, 0, 0)>
module attributes {stable_mosaic.version = 14 : i64} {
  func.func @agg(%arg0: i32, %arg1: i32, %arg2: memref<20000x32xf32, #tpu.memory_space<hbm>>, %arg3: memref<2x2560x125xi32, #tpu.memory_space<hbm>>, %arg4: memref<2x2560x125xi32, #tpu.memory_space<hbm>>, %arg5: memref<10112x32xf32, #tpu.memory_space<hbm>>, %arg6: memref<10112x64xf32, #tpu.memory_space<hbm>>, %arg7: memref<160x125xi32, #tpu.memory_space<vmem>>, %arg8: memref<160x125xi32, #tpu.memory_space<vmem>>, %arg9: memref<125x32xf32, #tpu.memory_space<vmem>>, %arg10: memref<125x32xf32, #tpu.memory_space<vmem>>, %arg11: memref<125x32xf32, #tpu.memory_space<vmem>>, %arg12: memref<125x32xf32, #tpu.memory_space<vmem>>, %arg13: memref<125x32xf32, #tpu.memory_space<vmem>>, %arg14: memref<10112x32xf32, #tpu.memory_space<vmem_shared>>, %arg15: memref<!tpu.dma_semaphore, #tpu.memory_space<semaphore_mem>>, %arg16: memref<!tpu.dma_semaphore, #tpu.memory_space<semaphore_mem>>, %arg17: memref<!tpu.dma_semaphore, #tpu.memory_space<semaphore_mem>>, %arg18: memref<!tpu.dma_semaphore, #tpu.memory_space<semaphore_mem>>, %arg19: memref<!tpu.dma_semaphore, #tpu.memory_space<semaphore_mem>>, %arg20: memref<!tpu.dma_semaphore, #tpu.memory_space<semaphore_mem>>) attributes {dimension_semantics = [#tpu.dimension_semantics<core_parallel>, #tpu.dimension_semantics<subcore_parallel>], iteration_bounds = array<i64: 2, 16>, scalar_prefetch = 0 : i64, scratch_operands = 14 : i64, tpu.core_type = #tpu.core_type<sc_vector_subcore>, window_params = [{transform_indices = #map}, {transform_indices = #map1}, {transform_indices = #map1}, {transform_indices = #map}, {transform_indices = #map}]} {
    %mul3A = arith.constant 160 : i32
    %mul3A_0 = arith.muli %arg1, %mul3A : i32
    %mul3A_1 = arith.constant 632 : i32
    %mul3A_2 = arith.muli %arg1, %mul3A_1 : i32
    %dma_start3A = arith.constant 0 : i32
    %dma_start3A_3 = tpu.memref_slice %arg3[%arg0, %mul3A_0, %dma_start3A] : memref<2x2560x125xi32, #tpu.memory_space<hbm>> -> memref<1x160x125xi32, #tpu.memory_space<hbm>>
    %dma_start3A_4 = tpu.memref_squeeze %dma_start3A_3 : memref<1x160x125xi32, #tpu.memory_space<hbm>> -> memref<160x125xi32, #tpu.memory_space<hbm>>
    %dma_start3A_5 = arith.constant 0 : i32
    %dma_start3A_6 = tpu.memref_slice %arg3[%arg0, %mul3A_0, %dma_start3A_5] : memref<2x2560x125xi32, #tpu.memory_space<hbm>> -> memref<1x160x125xi32, #tpu.memory_space<hbm>>
    %dma_start3A_7 = tpu.memref_squeeze %dma_start3A_6 : memref<1x160x125xi32, #tpu.memory_space<hbm>> -> memref<160x125xi32, #tpu.memory_space<hbm>>
    tpu.enqueue_dma source(%dma_start3A_7 : memref<160x125xi32, #tpu.memory_space<hbm>>) target(%arg7 : memref<160x125xi32, #tpu.memory_space<vmem>>) target_semaphore(%arg20 : memref<!tpu.dma_semaphore, #tpu.memory_space<semaphore_mem>>)
    %dma_start3A_8 = arith.constant 1 : i32
    %dma_start3A_9 = arith.constant 0 : i32
    %dma_start3A_10 = tpu.memref_slice %arg4[%dma_start3A_8, %mul3A_0, %dma_start3A_9] : memref<2x2560x125xi32, #tpu.memory_space<hbm>> -> memref<1x160x125xi32, #tpu.memory_space<hbm>>
    %dma_start3A_11 = tpu.memref_squeeze %dma_start3A_10 : memref<1x160x125xi32, #tpu.memory_space<hbm>> -> memref<160x125xi32, #tpu.memory_space<hbm>>
    %dma_start3A_12 = arith.constant 0 : i32
    %dma_start3A_13 = tpu.memref_slice %arg4[%dma_start3A_8, %mul3A_0, %dma_start3A_12] : memref<2x2560x125xi32, #tpu.memory_space<hbm>> -> memref<1x160x125xi32, #tpu.memory_space<hbm>>
    %dma_start3A_14 = tpu.memref_squeeze %dma_start3A_13 : memref<1x160x125xi32, #tpu.memory_space<hbm>> -> memref<160x125xi32, #tpu.memory_space<hbm>>
    tpu.enqueue_dma source(%dma_start3A_14 : memref<160x125xi32, #tpu.memory_space<hbm>>) target(%arg8 : memref<160x125xi32, #tpu.memory_space<vmem>>) target_semaphore(%arg20 : memref<!tpu.dma_semaphore, #tpu.memory_space<semaphore_mem>>)
    "tpu.region"() ({
      %run_scoped3A_110 = tpu.sem_alloc : memref<!tpu.dma_semaphore, #tpu.memory_space<semaphore_mem>>
      %dma_start3A_111 = arith.constant 0 : i32
      %dma_start3A_112 = tpu.memref_slice %arg14[%mul3A_2, %dma_start3A_111] : memref<10112x32xf32, #tpu.memory_space<vmem_shared>> -> memref<632x32xf32, #tpu.memory_space<vmem_shared>>
      %dma_start3A_113 = arith.constant 0 : i32
      %dma_start3A_114 = tpu.memref_slice %arg5[%mul3A_2, %dma_start3A_113] : memref<10112x32xf32, #tpu.memory_space<hbm>> -> memref<632x32xf32, #tpu.memory_space<hbm>>
      tpu.enqueue_dma source(%dma_start3A_114 : memref<632x32xf32, #tpu.memory_space<hbm>>) target(%dma_start3A_112 : memref<632x32xf32, #tpu.memory_space<vmem_shared>>) target_semaphore(%run_scoped3A_110 : memref<!tpu.dma_semaphore, #tpu.memory_space<semaphore_mem>>)
      %dma_wait3A_115 = arith.constant 0 : i32
      %dma_wait3A_116 = tpu.memref_slice %arg14[%mul3A_2, %dma_wait3A_115] : memref<10112x32xf32, #tpu.memory_space<vmem_shared>> -> memref<632x32xf32, #tpu.memory_space<vmem_shared>>
      %dma_wait3A_117 = arith.constant 0 : i32
      %dma_wait3A_118 = tpu.memref_slice %arg5[%mul3A_2, %dma_wait3A_117] : memref<10112x32xf32, #tpu.memory_space<hbm>> -> memref<632x32xf32, #tpu.memory_space<hbm>>
      tpu.wait_dma2 semaphore(%run_scoped3A_110 : memref<!tpu.dma_semaphore, #tpu.memory_space<semaphore_mem>>) src(%dma_wait3A_118 : memref<632x32xf32, #tpu.memory_space<hbm>>) dst(%dma_wait3A_116 : memref<632x32xf32, #tpu.memory_space<vmem_shared>>)
      tpu.yield
    }) : () -> ()
    %dma_wait3A = arith.constant 0 : i32
    %dma_wait3A_15 = tpu.memref_slice %arg3[%arg0, %mul3A_0, %dma_wait3A] : memref<2x2560x125xi32, #tpu.memory_space<hbm>> -> memref<1x160x125xi32, #tpu.memory_space<hbm>>
    %dma_wait3A_16 = tpu.memref_squeeze %dma_wait3A_15 : memref<1x160x125xi32, #tpu.memory_space<hbm>> -> memref<160x125xi32, #tpu.memory_space<hbm>>
    %dma_wait3A_17 = arith.constant 0 : i32
    %dma_wait3A_18 = tpu.memref_slice %arg3[%arg0, %mul3A_0, %dma_wait3A_17] : memref<2x2560x125xi32, #tpu.memory_space<hbm>> -> memref<1x160x125xi32, #tpu.memory_space<hbm>>
    %dma_wait3A_19 = tpu.memref_squeeze %dma_wait3A_18 : memref<1x160x125xi32, #tpu.memory_space<hbm>> -> memref<160x125xi32, #tpu.memory_space<hbm>>
    tpu.wait_dma2 semaphore(%arg20 : memref<!tpu.dma_semaphore, #tpu.memory_space<semaphore_mem>>) src(%dma_wait3A_19 : memref<160x125xi32, #tpu.memory_space<hbm>>) dst(%arg7 : memref<160x125xi32, #tpu.memory_space<vmem>>)
    %dma_wait3A_20 = arith.constant 1 : i32
    %dma_wait3A_21 = arith.constant 0 : i32
    %dma_wait3A_22 = tpu.memref_slice %arg4[%dma_wait3A_20, %mul3A_0, %dma_wait3A_21] : memref<2x2560x125xi32, #tpu.memory_space<hbm>> -> memref<1x160x125xi32, #tpu.memory_space<hbm>>
    %dma_wait3A_23 = tpu.memref_squeeze %dma_wait3A_22 : memref<1x160x125xi32, #tpu.memory_space<hbm>> -> memref<160x125xi32, #tpu.memory_space<hbm>>
    %dma_wait3A_24 = arith.constant 0 : i32
    %dma_wait3A_25 = tpu.memref_slice %arg4[%dma_wait3A_20, %mul3A_0, %dma_wait3A_24] : memref<2x2560x125xi32, #tpu.memory_space<hbm>> -> memref<1x160x125xi32, #tpu.memory_space<hbm>>
    %dma_wait3A_26 = tpu.memref_squeeze %dma_wait3A_25 : memref<1x160x125xi32, #tpu.memory_space<hbm>> -> memref<160x125xi32, #tpu.memory_space<hbm>>
    tpu.wait_dma2 semaphore(%arg20 : memref<!tpu.dma_semaphore, #tpu.memory_space<semaphore_mem>>) src(%dma_wait3A_26 : memref<160x125xi32, #tpu.memory_space<hbm>>) dst(%arg8 : memref<160x125xi32, #tpu.memory_space<vmem>>)
    %barrier3A = arith.constant 0 : index
    tpu.barrier barrier_id(%barrier3A)
    %dma_start3A_27 = arith.constant 0 : i32
    %dma_start3A_28 = arith.constant 0 : i32
    %dma_start3A_29 = tpu.memref_slice %arg7[%dma_start3A_27, %dma_start3A_28] : memref<160x125xi32, #tpu.memory_space<vmem>> -> memref<1x125xi32, #tpu.memory_space<vmem>>
    %dma_start3A_30 = tpu.memref_squeeze %dma_start3A_29 : memref<1x125xi32, #tpu.memory_space<vmem>> -> memref<125xi32, #tpu.memory_space<vmem>>
    %dma_start3A_31 = arith.constant 0 : i32
    %dma_start3A_32 = arith.constant 0 : i32
    %dma_start3A_33 = tpu.memref_slice %arg2[%dma_start3A_31, %dma_start3A_32] : memref<20000x32xf32, #tpu.memory_space<hbm>> -> memref<20000x32xf32, #tpu.memory_space<hbm>>
    tpu.enqueue_indirect_dma source(%dma_start3A_33 : memref<20000x32xf32, #tpu.memory_space<hbm>>) target(%arg9 : memref<125x32xf32, #tpu.memory_space<vmem>>) offsets(%dma_start3A_30 : memref<125xi32, #tpu.memory_space<vmem>>) semaphore(%arg15 : memref<!tpu.dma_semaphore, #tpu.memory_space<semaphore_mem>>)
    %dma_start3A_34 = arith.constant 1 : i32
    %dma_start3A_35 = arith.constant 0 : i32
    %dma_start3A_36 = tpu.memref_slice %arg7[%dma_start3A_34, %dma_start3A_35] : memref<160x125xi32, #tpu.memory_space<vmem>> -> memref<1x125xi32, #tpu.memory_space<vmem>>
    %dma_start3A_37 = tpu.memref_squeeze %dma_start3A_36 : memref<1x125xi32, #tpu.memory_space<vmem>> -> memref<125xi32, #tpu.memory_space<vmem>>
    %dma_start3A_38 = arith.constant 0 : i32
    %dma_start3A_39 = arith.constant 0 : i32
    %dma_start3A_40 = tpu.memref_slice %arg2[%dma_start3A_38, %dma_start3A_39] : memref<20000x32xf32, #tpu.memory_space<hbm>> -> memref<20000x32xf32, #tpu.memory_space<hbm>>
    tpu.enqueue_indirect_dma source(%dma_start3A_40 : memref<20000x32xf32, #tpu.memory_space<hbm>>) target(%arg10 : memref<125x32xf32, #tpu.memory_space<vmem>>) offsets(%dma_start3A_37 : memref<125xi32, #tpu.memory_space<vmem>>) semaphore(%arg16 : memref<!tpu.dma_semaphore, #tpu.memory_space<semaphore_mem>>)
    %dma_start3A_41 = arith.constant 2 : i32
    %dma_start3A_42 = arith.constant 0 : i32
    %dma_start3A_43 = tpu.memref_slice %arg7[%dma_start3A_41, %dma_start3A_42] : memref<160x125xi32, #tpu.memory_space<vmem>> -> memref<1x125xi32, #tpu.memory_space<vmem>>
    %dma_start3A_44 = tpu.memref_squeeze %dma_start3A_43 : memref<1x125xi32, #tpu.memory_space<vmem>> -> memref<125xi32, #tpu.memory_space<vmem>>
    %dma_start3A_45 = arith.constant 0 : i32
    %dma_start3A_46 = arith.constant 0 : i32
    %dma_start3A_47 = tpu.memref_slice %arg2[%dma_start3A_45, %dma_start3A_46] : memref<20000x32xf32, #tpu.memory_space<hbm>> -> memref<20000x32xf32, #tpu.memory_space<hbm>>
    tpu.enqueue_indirect_dma source(%dma_start3A_47 : memref<20000x32xf32, #tpu.memory_space<hbm>>) target(%arg11 : memref<125x32xf32, #tpu.memory_space<vmem>>) offsets(%dma_start3A_44 : memref<125xi32, #tpu.memory_space<vmem>>) semaphore(%arg17 : memref<!tpu.dma_semaphore, #tpu.memory_space<semaphore_mem>>)
    %dma_start3A_48 = arith.constant 3 : i32
    %dma_start3A_49 = arith.constant 0 : i32
    %dma_start3A_50 = tpu.memref_slice %arg7[%dma_start3A_48, %dma_start3A_49] : memref<160x125xi32, #tpu.memory_space<vmem>> -> memref<1x125xi32, #tpu.memory_space<vmem>>
    %dma_start3A_51 = tpu.memref_squeeze %dma_start3A_50 : memref<1x125xi32, #tpu.memory_space<vmem>> -> memref<125xi32, #tpu.memory_space<vmem>>
    %dma_start3A_52 = arith.constant 0 : i32
    %dma_start3A_53 = arith.constant 0 : i32
    %dma_start3A_54 = tpu.memref_slice %arg2[%dma_start3A_52, %dma_start3A_53] : memref<20000x32xf32, #tpu.memory_space<hbm>> -> memref<20000x32xf32, #tpu.memory_space<hbm>>
    tpu.enqueue_indirect_dma source(%dma_start3A_54 : memref<20000x32xf32, #tpu.memory_space<hbm>>) target(%arg12 : memref<125x32xf32, #tpu.memory_space<vmem>>) offsets(%dma_start3A_51 : memref<125xi32, #tpu.memory_space<vmem>>) semaphore(%arg18 : memref<!tpu.dma_semaphore, #tpu.memory_space<semaphore_mem>>)
    %dma_start3A_55 = arith.constant 4 : i32
    %dma_start3A_56 = arith.constant 0 : i32
    %dma_start3A_57 = tpu.memref_slice %arg7[%dma_start3A_55, %dma_start3A_56] : memref<160x125xi32, #tpu.memory_space<vmem>> -> memref<1x125xi32, #tpu.memory_space<vmem>>
    %dma_start3A_58 = tpu.memref_squeeze %dma_start3A_57 : memref<1x125xi32, #tpu.memory_space<vmem>> -> memref<125xi32, #tpu.memory_space<vmem>>
    %dma_start3A_59 = arith.constant 0 : i32
    %dma_start3A_60 = arith.constant 0 : i32
    %dma_start3A_61 = tpu.memref_slice %arg2[%dma_start3A_59, %dma_start3A_60] : memref<20000x32xf32, #tpu.memory_space<hbm>> -> memref<20000x32xf32, #tpu.memory_space<hbm>>
    tpu.enqueue_indirect_dma source(%dma_start3A_61 : memref<20000x32xf32, #tpu.memory_space<hbm>>) target(%arg13 : memref<125x32xf32, #tpu.memory_space<vmem>>) offsets(%dma_start3A_58 : memref<125xi32, #tpu.memory_space<vmem>>) semaphore(%arg19 : memref<!tpu.dma_semaphore, #tpu.memory_space<semaphore_mem>>)
    %scan3A = arith.constant 0 : i32
    %scan3A_62 = arith.constant 0 : i32
    %scan3A_63 = arith.constant 31 : i32
    %scan3A_64 = arith.addi %scan3A_62, %scan3A_63 : i32
    %scan3A_65 = arith.constant 1 : i32
    %scan3A_66 = scf.for %scan3A_110 = %scan3A_62 to %scan3A_64 step %scan3A_65 iter_args(%scan3A_111 = %scan3A) -> (i32)  : i32 {
      %mul3A_112 = arith.constant 5 : i32
      %mul3A_113 = arith.muli %scan3A_110, %mul3A_112 : i32
      %add3A = arith.constant 0 : i32
      %add3A_114 = arith.addi %mul3A_113, %add3A : i32
      %dma_wait3A_115 = arith.constant 0 : i32
      %dma_wait3A_116 = tpu.memref_slice %arg7[%add3A_114, %dma_wait3A_115] : memref<160x125xi32, #tpu.memory_space<vmem>> -> memref<1x125xi32, #tpu.memory_space<vmem>>
      %dma_wait3A_117 = tpu.memref_squeeze %dma_wait3A_116 : memref<1x125xi32, #tpu.memory_space<vmem>> -> memref<125xi32, #tpu.memory_space<vmem>>
      %dma_wait3A_118 = arith.constant 0 : i32
      %dma_wait3A_119 = arith.constant 0 : i32
      %dma_wait3A_120 = tpu.memref_slice %arg2[%dma_wait3A_118, %dma_wait3A_119] : memref<20000x32xf32, #tpu.memory_space<hbm>> -> memref<20000x32xf32, #tpu.memory_space<hbm>>
      tpu.wait_indirect_dma semaphore(%arg15 : memref<!tpu.dma_semaphore, #tpu.memory_space<semaphore_mem>>) src(%dma_wait3A_120 : memref<20000x32xf32, #tpu.memory_space<hbm>>) dst(%arg9 : memref<125x32xf32, #tpu.memory_space<vmem>>)
      "tpu.region"() ({
        %run_scoped3A_204 = tpu.sem_alloc : memref<!tpu.dma_semaphore, #tpu.memory_space<semaphore_mem>>
        %dma_start3A_205 = arith.constant 0 : i32
        %dma_start3A_206 = tpu.memref_slice %arg8[%add3A_114, %dma_start3A_205] : memref<160x125xi32, #tpu.memory_space<vmem>> -> memref<1x125xi32, #tpu.memory_space<vmem>>
        %dma_start3A_207 = tpu.memref_squeeze %dma_start3A_206 : memref<1x125xi32, #tpu.memory_space<vmem>> -> memref<125xi32, #tpu.memory_space<vmem>>
        %dma_start3A_208 = arith.constant 0 : i32
        %dma_start3A_209 = arith.constant 0 : i32
        %dma_start3A_210 = tpu.memref_slice %arg14[%dma_start3A_208, %dma_start3A_209] : memref<10112x32xf32, #tpu.memory_space<vmem_shared>> -> memref<10112x32xf32, #tpu.memory_space<vmem_shared>>
        tpu.enqueue_indirect_dma source(%arg9 : memref<125x32xf32, #tpu.memory_space<vmem>>) target(%dma_start3A_210 : memref<10112x32xf32, #tpu.memory_space<vmem_shared>>) offsets(%dma_start3A_207 : memref<125xi32, #tpu.memory_space<vmem>>) semaphore(%run_scoped3A_204 : memref<!tpu.dma_semaphore, #tpu.memory_space<semaphore_mem>>) {add = true}
        %dma_wait3A_211 = arith.constant 0 : i32
        %dma_wait3A_212 = tpu.memref_slice %arg8[%add3A_114, %dma_wait3A_211] : memref<160x125xi32, #tpu.memory_space<vmem>> -> memref<1x125xi32, #tpu.memory_space<vmem>>
        %dma_wait3A_213 = tpu.memref_squeeze %dma_wait3A_212 : memref<1x125xi32, #tpu.memory_space<vmem>> -> memref<125xi32, #tpu.memory_space<vmem>>
        %dma_wait3A_214 = arith.constant 0 : i32
        %dma_wait3A_215 = arith.constant 0 : i32
        %dma_wait3A_216 = tpu.memref_slice %arg14[%dma_wait3A_214, %dma_wait3A_215] : memref<10112x32xf32, #tpu.memory_space<vmem_shared>> -> memref<10112x32xf32, #tpu.memory_space<vmem_shared>>
        tpu.wait_indirect_dma semaphore(%run_scoped3A_204 : memref<!tpu.dma_semaphore, #tpu.memory_space<semaphore_mem>>) src(%arg9 : memref<125x32xf32, #tpu.memory_space<vmem>>) dst(%dma_wait3A_216 : memref<10112x32xf32, #tpu.memory_space<vmem_shared>>)
        tpu.yield
      }) : () -> ()
      %add3A_121 = arith.constant 5 : i32
      %add3A_122 = arith.addi %mul3A_113, %add3A_121 : i32
      %add3A_123 = arith.constant 0 : i32
      %add3A_124 = arith.addi %add3A_122, %add3A_123 : i32
      %dma_start3A_125 = arith.constant 0 : i32
      %dma_start3A_126 = tpu.memref_slice %arg7[%add3A_124, %dma_start3A_125] : memref<160x125xi32, #tpu.memory_space<vmem>> -> memref<1x125xi32, #tpu.memory_space<vmem>>
      %dma_start3A_127 = tpu.memref_squeeze %dma_start3A_126 : memref<1x125xi32, #tpu.memory_space<vmem>> -> memref<125xi32, #tpu.memory_space<vmem>>
      %dma_start3A_128 = arith.constant 0 : i32
      %dma_start3A_129 = arith.constant 0 : i32
      %dma_start3A_130 = tpu.memref_slice %arg2[%dma_start3A_128, %dma_start3A_129] : memref<20000x32xf32, #tpu.memory_space<hbm>> -> memref<20000x32xf32, #tpu.memory_space<hbm>>
      tpu.enqueue_indirect_dma source(%dma_start3A_130 : memref<20000x32xf32, #tpu.memory_space<hbm>>) target(%arg9 : memref<125x32xf32, #tpu.memory_space<vmem>>) offsets(%dma_start3A_127 : memref<125xi32, #tpu.memory_space<vmem>>) semaphore(%arg15 : memref<!tpu.dma_semaphore, #tpu.memory_space<semaphore_mem>>)
      %add3A_131 = arith.constant 1 : i32
      %add3A_132 = arith.addi %mul3A_113, %add3A_131 : i32
      %dma_wait3A_133 = arith.constant 0 : i32
      %dma_wait3A_134 = tpu.memref_slice %arg7[%add3A_132, %dma_wait3A_133] : memref<160x125xi32, #tpu.memory_space<vmem>> -> memref<1x125xi32, #tpu.memory_space<vmem>>
      %dma_wait3A_135 = tpu.memref_squeeze %dma_wait3A_134 : memref<1x125xi32, #tpu.memory_space<vmem>> -> memref<125xi32, #tpu.memory_space<vmem>>
      %dma_wait3A_136 = arith.constant 0 : i32
      %dma_wait3A_137 = arith.constant 0 : i32
      %dma_wait3A_138 = tpu.memref_slice %arg2[%dma_wait3A_136, %dma_wait3A_137] : memref<20000x32xf32, #tpu.memory_space<hbm>> -> memref<20000x32xf32, #tpu.memory_space<hbm>>
      tpu.wait_indirect_dma semaphore(%arg16 : memref<!tpu.dma_semaphore, #tpu.memory_space<semaphore_mem>>) src(%dma_wait3A_138 : memref<20000x32xf32, #tpu.memory_space<hbm>>) dst(%arg10 : memref<125x32xf32, #tpu.memory_space<vmem>>)
      "tpu.region"() ({
        %run_scoped3A_204 = tpu.sem_alloc : memref<!tpu.dma_semaphore, #tpu.memory_space<semaphore_mem>>
        %dma_start3A_205 = arith.constant 0 : i32
        %dma_start3A_206 = tpu.memref_slice %arg8[%add3A_132, %dma_start3A_205] : memref<160x125xi32, #tpu.memory_space<vmem>> -> memref<1x125xi32, #tpu.memory_space<vmem>>
        %dma_start3A_207 = tpu.memref_squeeze %dma_start3A_206 : memref<1x125xi32, #tpu.memory_space<vmem>> -> memref<125xi32, #tpu.memory_space<vmem>>
        %dma_start3A_208 = arith.constant 0 : i32
        %dma_start3A_209 = arith.constant 0 : i32
        %dma_start3A_210 = tpu.memref_slice %arg14[%dma_start3A_208, %dma_start3A_209] : memref<10112x32xf32, #tpu.memory_space<vmem_shared>> -> memref<10112x32xf32, #tpu.memory_space<vmem_shared>>
        tpu.enqueue_indirect_dma source(%arg10 : memref<125x32xf32, #tpu.memory_space<vmem>>) target(%dma_start3A_210 : memref<10112x32xf32, #tpu.memory_space<vmem_shared>>) offsets(%dma_start3A_207 : memref<125xi32, #tpu.memory_space<vmem>>) semaphore(%run_scoped3A_204 : memref<!tpu.dma_semaphore, #tpu.memory_space<semaphore_mem>>) {add = true}
        %dma_wait3A_211 = arith.constant 0 : i32
        %dma_wait3A_212 = tpu.memref_slice %arg8[%add3A_132, %dma_wait3A_211] : memref<160x125xi32, #tpu.memory_space<vmem>> -> memref<1x125xi32, #tpu.memory_space<vmem>>
        %dma_wait3A_213 = tpu.memref_squeeze %dma_wait3A_212 : memref<1x125xi32, #tpu.memory_space<vmem>> -> memref<125xi32, #tpu.memory_space<vmem>>
        %dma_wait3A_214 = arith.constant 0 : i32
        %dma_wait3A_215 = arith.constant 0 : i32
        %dma_wait3A_216 = tpu.memref_slice %arg14[%dma_wait3A_214, %dma_wait3A_215] : memref<10112x32xf32, #tpu.memory_space<vmem_shared>> -> memref<10112x32xf32, #tpu.memory_space<vmem_shared>>
        tpu.wait_indirect_dma semaphore(%run_scoped3A_204 : memref<!tpu.dma_semaphore, #tpu.memory_space<semaphore_mem>>) src(%arg10 : memref<125x32xf32, #tpu.memory_space<vmem>>) dst(%dma_wait3A_216 : memref<10112x32xf32, #tpu.memory_space<vmem_shared>>)
        tpu.yield
      }) : () -> ()
      %add3A_139 = arith.constant 5 : i32
      %add3A_140 = arith.addi %mul3A_113, %add3A_139 : i32
      %add3A_141 = arith.constant 1 : i32
      %add3A_142 = arith.addi %add3A_140, %add3A_141 : i32
      %dma_start3A_143 = arith.constant 0 : i32
      %dma_start3A_144 = tpu.memref_slice %arg7[%add3A_142, %dma_start3A_143] : memref<160x125xi32, #tpu.memory_space<vmem>> -> memref<1x125xi32, #tpu.memory_space<vmem>>
      %dma_start3A_145 = tpu.memref_squeeze %dma_start3A_144 : memref<1x125xi32, #tpu.memory_space<vmem>> -> memref<125xi32, #tpu.memory_space<vmem>>
      %dma_start3A_146 = arith.constant 0 : i32
      %dma_start3A_147 = arith.constant 0 : i32
      %dma_start3A_148 = tpu.memref_slice %arg2[%dma_start3A_146, %dma_start3A_147] : memref<20000x32xf32, #tpu.memory_space<hbm>> -> memref<20000x32xf32, #tpu.memory_space<hbm>>
      tpu.enqueue_indirect_dma source(%dma_start3A_148 : memref<20000x32xf32, #tpu.memory_space<hbm>>) target(%arg10 : memref<125x32xf32, #tpu.memory_space<vmem>>) offsets(%dma_start3A_145 : memref<125xi32, #tpu.memory_space<vmem>>) semaphore(%arg16 : memref<!tpu.dma_semaphore, #tpu.memory_space<semaphore_mem>>)
      %add3A_149 = arith.constant 2 : i32
      %add3A_150 = arith.addi %mul3A_113, %add3A_149 : i32
      %dma_wait3A_151 = arith.constant 0 : i32
      %dma_wait3A_152 = tpu.memref_slice %arg7[%add3A_150, %dma_wait3A_151] : memref<160x125xi32, #tpu.memory_space<vmem>> -> memref<1x125xi32, #tpu.memory_space<vmem>>
      %dma_wait3A_153 = tpu.memref_squeeze %dma_wait3A_152 : memref<1x125xi32, #tpu.memory_space<vmem>> -> memref<125xi32, #tpu.memory_space<vmem>>
      %dma_wait3A_154 = arith.constant 0 : i32
      %dma_wait3A_155 = arith.constant 0 : i32
      %dma_wait3A_156 = tpu.memref_slice %arg2[%dma_wait3A_154, %dma_wait3A_155] : memref<20000x32xf32, #tpu.memory_space<hbm>> -> memref<20000x32xf32, #tpu.memory_space<hbm>>
      tpu.wait_indirect_dma semaphore(%arg17 : memref<!tpu.dma_semaphore, #tpu.memory_space<semaphore_mem>>) src(%dma_wait3A_156 : memref<20000x32xf32, #tpu.memory_space<hbm>>) dst(%arg11 : memref<125x32xf32, #tpu.memory_space<vmem>>)
      "tpu.region"() ({
        %run_scoped3A_204 = tpu.sem_alloc : memref<!tpu.dma_semaphore, #tpu.memory_space<semaphore_mem>>
        %dma_start3A_205 = arith.constant 0 : i32
        %dma_start3A_206 = tpu.memref_slice %arg8[%add3A_150, %dma_start3A_205] : memref<160x125xi32, #tpu.memory_space<vmem>> -> memref<1x125xi32, #tpu.memory_space<vmem>>
        %dma_start3A_207 = tpu.memref_squeeze %dma_start3A_206 : memref<1x125xi32, #tpu.memory_space<vmem>> -> memref<125xi32, #tpu.memory_space<vmem>>
        %dma_start3A_208 = arith.constant 0 : i32
        %dma_start3A_209 = arith.constant 0 : i32
        %dma_start3A_210 = tpu.memref_slice %arg14[%dma_start3A_208, %dma_start3A_209] : memref<10112x32xf32, #tpu.memory_space<vmem_shared>> -> memref<10112x32xf32, #tpu.memory_space<vmem_shared>>
        tpu.enqueue_indirect_dma source(%arg11 : memref<125x32xf32, #tpu.memory_space<vmem>>) target(%dma_start3A_210 : memref<10112x32xf32, #tpu.memory_space<vmem_shared>>) offsets(%dma_start3A_207 : memref<125xi32, #tpu.memory_space<vmem>>) semaphore(%run_scoped3A_204 : memref<!tpu.dma_semaphore, #tpu.memory_space<semaphore_mem>>) {add = true}
        %dma_wait3A_211 = arith.constant 0 : i32
        %dma_wait3A_212 = tpu.memref_slice %arg8[%add3A_150, %dma_wait3A_211] : memref<160x125xi32, #tpu.memory_space<vmem>> -> memref<1x125xi32, #tpu.memory_space<vmem>>
        %dma_wait3A_213 = tpu.memref_squeeze %dma_wait3A_212 : memref<1x125xi32, #tpu.memory_space<vmem>> -> memref<125xi32, #tpu.memory_space<vmem>>
        %dma_wait3A_214 = arith.constant 0 : i32
        %dma_wait3A_215 = arith.constant 0 : i32
        %dma_wait3A_216 = tpu.memref_slice %arg14[%dma_wait3A_214, %dma_wait3A_215] : memref<10112x32xf32, #tpu.memory_space<vmem_shared>> -> memref<10112x32xf32, #tpu.memory_space<vmem_shared>>
        tpu.wait_indirect_dma semaphore(%run_scoped3A_204 : memref<!tpu.dma_semaphore, #tpu.memory_space<semaphore_mem>>) src(%arg11 : memref<125x32xf32, #tpu.memory_space<vmem>>) dst(%dma_wait3A_216 : memref<10112x32xf32, #tpu.memory_space<vmem_shared>>)
        tpu.yield
      }) : () -> ()
      %add3A_157 = arith.constant 5 : i32
      %add3A_158 = arith.addi %mul3A_113, %add3A_157 : i32
      %add3A_159 = arith.constant 2 : i32
      %add3A_160 = arith.addi %add3A_158, %add3A_159 : i32
      %dma_start3A_161 = arith.constant 0 : i32
      %dma_start3A_162 = tpu.memref_slice %arg7[%add3A_160, %dma_start3A_161] : memref<160x125xi32, #tpu.memory_space<vmem>> -> memref<1x125xi32, #tpu.memory_space<vmem>>
      %dma_start3A_163 = tpu.memref_squeeze %dma_start3A_162 : memref<1x125xi32, #tpu.memory_space<vmem>> -> memref<125xi32, #tpu.memory_space<vmem>>
      %dma_start3A_164 = arith.constant 0 : i32
      %dma_start3A_165 = arith.constant 0 : i32
      %dma_start3A_166 = tpu.memref_slice %arg2[%dma_start3A_164, %dma_start3A_165] : memref<20000x32xf32, #tpu.memory_space<hbm>> -> memref<20000x32xf32, #tpu.memory_space<hbm>>
      tpu.enqueue_indirect_dma source(%dma_start3A_166 : memref<20000x32xf32, #tpu.memory_space<hbm>>) target(%arg11 : memref<125x32xf32, #tpu.memory_space<vmem>>) offsets(%dma_start3A_163 : memref<125xi32, #tpu.memory_space<vmem>>) semaphore(%arg17 : memref<!tpu.dma_semaphore, #tpu.memory_space<semaphore_mem>>)
      %add3A_167 = arith.constant 3 : i32
      %add3A_168 = arith.addi %mul3A_113, %add3A_167 : i32
      %dma_wait3A_169 = arith.constant 0 : i32
      %dma_wait3A_170 = tpu.memref_slice %arg7[%add3A_168, %dma_wait3A_169] : memref<160x125xi32, #tpu.memory_space<vmem>> -> memref<1x125xi32, #tpu.memory_space<vmem>>
      %dma_wait3A_171 = tpu.memref_squeeze %dma_wait3A_170 : memref<1x125xi32, #tpu.memory_space<vmem>> -> memref<125xi32, #tpu.memory_space<vmem>>
      %dma_wait3A_172 = arith.constant 0 : i32
      %dma_wait3A_173 = arith.constant 0 : i32
      %dma_wait3A_174 = tpu.memref_slice %arg2[%dma_wait3A_172, %dma_wait3A_173] : memref<20000x32xf32, #tpu.memory_space<hbm>> -> memref<20000x32xf32, #tpu.memory_space<hbm>>
      tpu.wait_indirect_dma semaphore(%arg18 : memref<!tpu.dma_semaphore, #tpu.memory_space<semaphore_mem>>) src(%dma_wait3A_174 : memref<20000x32xf32, #tpu.memory_space<hbm>>) dst(%arg12 : memref<125x32xf32, #tpu.memory_space<vmem>>)
      "tpu.region"() ({
        %run_scoped3A_204 = tpu.sem_alloc : memref<!tpu.dma_semaphore, #tpu.memory_space<semaphore_mem>>
        %dma_start3A_205 = arith.constant 0 : i32
        %dma_start3A_206 = tpu.memref_slice %arg8[%add3A_168, %dma_start3A_205] : memref<160x125xi32, #tpu.memory_space<vmem>> -> memref<1x125xi32, #tpu.memory_space<vmem>>
        %dma_start3A_207 = tpu.memref_squeeze %dma_start3A_206 : memref<1x125xi32, #tpu.memory_space<vmem>> -> memref<125xi32, #tpu.memory_space<vmem>>
        %dma_start3A_208 = arith.constant 0 : i32
        %dma_start3A_209 = arith.constant 0 : i32
        %dma_start3A_210 = tpu.memref_slice %arg14[%dma_start3A_208, %dma_start3A_209] : memref<10112x32xf32, #tpu.memory_space<vmem_shared>> -> memref<10112x32xf32, #tpu.memory_space<vmem_shared>>
        tpu.enqueue_indirect_dma source(%arg12 : memref<125x32xf32, #tpu.memory_space<vmem>>) target(%dma_start3A_210 : memref<10112x32xf32, #tpu.memory_space<vmem_shared>>) offsets(%dma_start3A_207 : memref<125xi32, #tpu.memory_space<vmem>>) semaphore(%run_scoped3A_204 : memref<!tpu.dma_semaphore, #tpu.memory_space<semaphore_mem>>) {add = true}
        %dma_wait3A_211 = arith.constant 0 : i32
        %dma_wait3A_212 = tpu.memref_slice %arg8[%add3A_168, %dma_wait3A_211] : memref<160x125xi32, #tpu.memory_space<vmem>> -> memref<1x125xi32, #tpu.memory_space<vmem>>
        %dma_wait3A_213 = tpu.memref_squeeze %dma_wait3A_212 : memref<1x125xi32, #tpu.memory_space<vmem>> -> memref<125xi32, #tpu.memory_space<vmem>>
        %dma_wait3A_214 = arith.constant 0 : i32
        %dma_wait3A_215 = arith.constant 0 : i32
        %dma_wait3A_216 = tpu.memref_slice %arg14[%dma_wait3A_214, %dma_wait3A_215] : memref<10112x32xf32, #tpu.memory_space<vmem_shared>> -> memref<10112x32xf32, #tpu.memory_space<vmem_shared>>
        tpu.wait_indirect_dma semaphore(%run_scoped3A_204 : memref<!tpu.dma_semaphore, #tpu.memory_space<semaphore_mem>>) src(%arg12 : memref<125x32xf32, #tpu.memory_space<vmem>>) dst(%dma_wait3A_216 : memref<10112x32xf32, #tpu.memory_space<vmem_shared>>)
        tpu.yield
      }) : () -> ()
      %add3A_175 = arith.constant 5 : i32
      %add3A_176 = arith.addi %mul3A_113, %add3A_175 : i32
      %add3A_177 = arith.constant 3 : i32
      %add3A_178 = arith.addi %add3A_176, %add3A_177 : i32
      %dma_start3A_179 = arith.constant 0 : i32
      %dma_start3A_180 = tpu.memref_slice %arg7[%add3A_178, %dma_start3A_179] : memref<160x125xi32, #tpu.memory_space<vmem>> -> memref<1x125xi32, #tpu.memory_space<vmem>>
      %dma_start3A_181 = tpu.memref_squeeze %dma_start3A_180 : memref<1x125xi32, #tpu.memory_space<vmem>> -> memref<125xi32, #tpu.memory_space<vmem>>
      %dma_start3A_182 = arith.constant 0 : i32
      %dma_start3A_183 = arith.constant 0 : i32
      %dma_start3A_184 = tpu.memref_slice %arg2[%dma_start3A_182, %dma_start3A_183] : memref<20000x32xf32, #tpu.memory_space<hbm>> -> memref<20000x32xf32, #tpu.memory_space<hbm>>
      tpu.enqueue_indirect_dma source(%dma_start3A_184 : memref<20000x32xf32, #tpu.memory_space<hbm>>) target(%arg12 : memref<125x32xf32, #tpu.memory_space<vmem>>) offsets(%dma_start3A_181 : memref<125xi32, #tpu.memory_space<vmem>>) semaphore(%arg18 : memref<!tpu.dma_semaphore, #tpu.memory_space<semaphore_mem>>)
      %add3A_185 = arith.constant 4 : i32
      %add3A_186 = arith.addi %mul3A_113, %add3A_185 : i32
      %dma_wait3A_187 = arith.constant 0 : i32
      %dma_wait3A_188 = tpu.memref_slice %arg7[%add3A_186, %dma_wait3A_187] : memref<160x125xi32, #tpu.memory_space<vmem>> -> memref<1x125xi32, #tpu.memory_space<vmem>>
      %dma_wait3A_189 = tpu.memref_squeeze %dma_wait3A_188 : memref<1x125xi32, #tpu.memory_space<vmem>> -> memref<125xi32, #tpu.memory_space<vmem>>
      %dma_wait3A_190 = arith.constant 0 : i32
      %dma_wait3A_191 = arith.constant 0 : i32
      %dma_wait3A_192 = tpu.memref_slice %arg2[%dma_wait3A_190, %dma_wait3A_191] : memref<20000x32xf32, #tpu.memory_space<hbm>> -> memref<20000x32xf32, #tpu.memory_space<hbm>>
      tpu.wait_indirect_dma semaphore(%arg19 : memref<!tpu.dma_semaphore, #tpu.memory_space<semaphore_mem>>) src(%dma_wait3A_192 : memref<20000x32xf32, #tpu.memory_space<hbm>>) dst(%arg13 : memref<125x32xf32, #tpu.memory_space<vmem>>)
      "tpu.region"() ({
        %run_scoped3A_204 = tpu.sem_alloc : memref<!tpu.dma_semaphore, #tpu.memory_space<semaphore_mem>>
        %dma_start3A_205 = arith.constant 0 : i32
        %dma_start3A_206 = tpu.memref_slice %arg8[%add3A_186, %dma_start3A_205] : memref<160x125xi32, #tpu.memory_space<vmem>> -> memref<1x125xi32, #tpu.memory_space<vmem>>
        %dma_start3A_207 = tpu.memref_squeeze %dma_start3A_206 : memref<1x125xi32, #tpu.memory_space<vmem>> -> memref<125xi32, #tpu.memory_space<vmem>>
        %dma_start3A_208 = arith.constant 0 : i32
        %dma_start3A_209 = arith.constant 0 : i32
        %dma_start3A_210 = tpu.memref_slice %arg14[%dma_start3A_208, %dma_start3A_209] : memref<10112x32xf32, #tpu.memory_space<vmem_shared>> -> memref<10112x32xf32, #tpu.memory_space<vmem_shared>>
        tpu.enqueue_indirect_dma source(%arg13 : memref<125x32xf32, #tpu.memory_space<vmem>>) target(%dma_start3A_210 : memref<10112x32xf32, #tpu.memory_space<vmem_shared>>) offsets(%dma_start3A_207 : memref<125xi32, #tpu.memory_space<vmem>>) semaphore(%run_scoped3A_204 : memref<!tpu.dma_semaphore, #tpu.memory_space<semaphore_mem>>) {add = true}
        %dma_wait3A_211 = arith.constant 0 : i32
        %dma_wait3A_212 = tpu.memref_slice %arg8[%add3A_186, %dma_wait3A_211] : memref<160x125xi32, #tpu.memory_space<vmem>> -> memref<1x125xi32, #tpu.memory_space<vmem>>
        %dma_wait3A_213 = tpu.memref_squeeze %dma_wait3A_212 : memref<1x125xi32, #tpu.memory_space<vmem>> -> memref<125xi32, #tpu.memory_space<vmem>>
        %dma_wait3A_214 = arith.constant 0 : i32
        %dma_wait3A_215 = arith.constant 0 : i32
        %dma_wait3A_216 = tpu.memref_slice %arg14[%dma_wait3A_214, %dma_wait3A_215] : memref<10112x32xf32, #tpu.memory_space<vmem_shared>> -> memref<10112x32xf32, #tpu.memory_space<vmem_shared>>
        tpu.wait_indirect_dma semaphore(%run_scoped3A_204 : memref<!tpu.dma_semaphore, #tpu.memory_space<semaphore_mem>>) src(%arg13 : memref<125x32xf32, #tpu.memory_space<vmem>>) dst(%dma_wait3A_216 : memref<10112x32xf32, #tpu.memory_space<vmem_shared>>)
        tpu.yield
      }) : () -> ()
      %add3A_193 = arith.constant 5 : i32
      %add3A_194 = arith.addi %mul3A_113, %add3A_193 : i32
      %add3A_195 = arith.constant 4 : i32
      %add3A_196 = arith.addi %add3A_194, %add3A_195 : i32
      %dma_start3A_197 = arith.constant 0 : i32
      %dma_start3A_198 = tpu.memref_slice %arg7[%add3A_196, %dma_start3A_197] : memref<160x125xi32, #tpu.memory_space<vmem>> -> memref<1x125xi32, #tpu.memory_space<vmem>>
      %dma_start3A_199 = tpu.memref_squeeze %dma_start3A_198 : memref<1x125xi32, #tpu.memory_space<vmem>> -> memref<125xi32, #tpu.memory_space<vmem>>
      %dma_start3A_200 = arith.constant 0 : i32
      %dma_start3A_201 = arith.constant 0 : i32
      %dma_start3A_202 = tpu.memref_slice %arg2[%dma_start3A_200, %dma_start3A_201] : memref<20000x32xf32, #tpu.memory_space<hbm>> -> memref<20000x32xf32, #tpu.memory_space<hbm>>
      tpu.enqueue_indirect_dma source(%dma_start3A_202 : memref<20000x32xf32, #tpu.memory_space<hbm>>) target(%arg13 : memref<125x32xf32, #tpu.memory_space<vmem>>) offsets(%dma_start3A_199 : memref<125xi32, #tpu.memory_space<vmem>>) semaphore(%arg19 : memref<!tpu.dma_semaphore, #tpu.memory_space<semaphore_mem>>)
      %scan3A_203 = arith.constant 0 : i32
      scf.yield %scan3A_203 : i32
    }
    %scan3A_67 = arith.constant 31 : i32
    %dma_wait3A_68 = arith.constant 155 : i32
    %dma_wait3A_69 = arith.constant 0 : i32
    %dma_wait3A_70 = tpu.memref_slice %arg7[%dma_wait3A_68, %dma_wait3A_69] : memref<160x125xi32, #tpu.memory_space<vmem>> -> memref<1x125xi32, #tpu.memory_space<vmem>>
    %dma_wait3A_71 = tpu.memref_squeeze %dma_wait3A_70 : memref<1x125xi32, #tpu.memory_space<vmem>> -> memref<125xi32, #tpu.memory_space<vmem>>
    %dma_wait3A_72 = arith.constant 0 : i32
    %dma_wait3A_73 = arith.constant 0 : i32
    %dma_wait3A_74 = tpu.memref_slice %arg2[%dma_wait3A_72, %dma_wait3A_73] : memref<20000x32xf32, #tpu.memory_space<hbm>> -> memref<20000x32xf32, #tpu.memory_space<hbm>>
    tpu.wait_indirect_dma semaphore(%arg15 : memref<!tpu.dma_semaphore, #tpu.memory_space<semaphore_mem>>) src(%dma_wait3A_74 : memref<20000x32xf32, #tpu.memory_space<hbm>>) dst(%arg9 : memref<125x32xf32, #tpu.memory_space<vmem>>)
    %run_scoped3A = arith.constant 155 : i32
    "tpu.region"() ({
      %run_scoped3A_110 = tpu.sem_alloc : memref<!tpu.dma_semaphore, #tpu.memory_space<semaphore_mem>>
      %dma_start3A_111 = arith.constant 0 : i32
      %dma_start3A_112 = tpu.memref_slice %arg8[%run_scoped3A, %dma_start3A_111] : memref<160x125xi32, #tpu.memory_space<vmem>> -> memref<1x125xi32, #tpu.memory_space<vmem>>
      %dma_start3A_113 = tpu.memref_squeeze %dma_start3A_112 : memref<1x125xi32, #tpu.memory_space<vmem>> -> memref<125xi32, #tpu.memory_space<vmem>>
      %dma_start3A_114 = arith.constant 0 : i32
      %dma_start3A_115 = arith.constant 0 : i32
      %dma_start3A_116 = tpu.memref_slice %arg14[%dma_start3A_114, %dma_start3A_115] : memref<10112x32xf32, #tpu.memory_space<vmem_shared>> -> memref<10112x32xf32, #tpu.memory_space<vmem_shared>>
      tpu.enqueue_indirect_dma source(%arg9 : memref<125x32xf32, #tpu.memory_space<vmem>>) target(%dma_start3A_116 : memref<10112x32xf32, #tpu.memory_space<vmem_shared>>) offsets(%dma_start3A_113 : memref<125xi32, #tpu.memory_space<vmem>>) semaphore(%run_scoped3A_110 : memref<!tpu.dma_semaphore, #tpu.memory_space<semaphore_mem>>) {add = true}
      %dma_wait3A_117 = arith.constant 0 : i32
      %dma_wait3A_118 = tpu.memref_slice %arg8[%run_scoped3A, %dma_wait3A_117] : memref<160x125xi32, #tpu.memory_space<vmem>> -> memref<1x125xi32, #tpu.memory_space<vmem>>
      %dma_wait3A_119 = tpu.memref_squeeze %dma_wait3A_118 : memref<1x125xi32, #tpu.memory_space<vmem>> -> memref<125xi32, #tpu.memory_space<vmem>>
      %dma_wait3A_120 = arith.constant 0 : i32
      %dma_wait3A_121 = arith.constant 0 : i32
      %dma_wait3A_122 = tpu.memref_slice %arg14[%dma_wait3A_120, %dma_wait3A_121] : memref<10112x32xf32, #tpu.memory_space<vmem_shared>> -> memref<10112x32xf32, #tpu.memory_space<vmem_shared>>
      tpu.wait_indirect_dma semaphore(%run_scoped3A_110 : memref<!tpu.dma_semaphore, #tpu.memory_space<semaphore_mem>>) src(%arg9 : memref<125x32xf32, #tpu.memory_space<vmem>>) dst(%dma_wait3A_122 : memref<10112x32xf32, #tpu.memory_space<vmem_shared>>)
      tpu.yield
    }) : () -> ()
    %dma_wait3A_75 = arith.constant 156 : i32
    %dma_wait3A_76 = arith.constant 0 : i32
    %dma_wait3A_77 = tpu.memref_slice %arg7[%dma_wait3A_75, %dma_wait3A_76] : memref<160x125xi32, #tpu.memory_space<vmem>> -> memref<1x125xi32, #tpu.memory_space<vmem>>
    %dma_wait3A_78 = tpu.memref_squeeze %dma_wait3A_77 : memref<1x125xi32, #tpu.memory_space<vmem>> -> memref<125xi32, #tpu.memory_space<vmem>>
    %dma_wait3A_79 = arith.constant 0 : i32
    %dma_wait3A_80 = arith.constant 0 : i32
    %dma_wait3A_81 = tpu.memref_slice %arg2[%dma_wait3A_79, %dma_wait3A_80] : memref<20000x32xf32, #tpu.memory_space<hbm>> -> memref<20000x32xf32, #tpu.memory_space<hbm>>
    tpu.wait_indirect_dma semaphore(%arg16 : memref<!tpu.dma_semaphore, #tpu.memory_space<semaphore_mem>>) src(%dma_wait3A_81 : memref<20000x32xf32, #tpu.memory_space<hbm>>) dst(%arg10 : memref<125x32xf32, #tpu.memory_space<vmem>>)
    %run_scoped3A_82 = arith.constant 156 : i32
    "tpu.region"() ({
      %run_scoped3A_110 = tpu.sem_alloc : memref<!tpu.dma_semaphore, #tpu.memory_space<semaphore_mem>>
      %dma_start3A_111 = arith.constant 0 : i32
      %dma_start3A_112 = tpu.memref_slice %arg8[%run_scoped3A_82, %dma_start3A_111] : memref<160x125xi32, #tpu.memory_space<vmem>> -> memref<1x125xi32, #tpu.memory_space<vmem>>
      %dma_start3A_113 = tpu.memref_squeeze %dma_start3A_112 : memref<1x125xi32, #tpu.memory_space<vmem>> -> memref<125xi32, #tpu.memory_space<vmem>>
      %dma_start3A_114 = arith.constant 0 : i32
      %dma_start3A_115 = arith.constant 0 : i32
      %dma_start3A_116 = tpu.memref_slice %arg14[%dma_start3A_114, %dma_start3A_115] : memref<10112x32xf32, #tpu.memory_space<vmem_shared>> -> memref<10112x32xf32, #tpu.memory_space<vmem_shared>>
      tpu.enqueue_indirect_dma source(%arg10 : memref<125x32xf32, #tpu.memory_space<vmem>>) target(%dma_start3A_116 : memref<10112x32xf32, #tpu.memory_space<vmem_shared>>) offsets(%dma_start3A_113 : memref<125xi32, #tpu.memory_space<vmem>>) semaphore(%run_scoped3A_110 : memref<!tpu.dma_semaphore, #tpu.memory_space<semaphore_mem>>) {add = true}
      %dma_wait3A_117 = arith.constant 0 : i32
      %dma_wait3A_118 = tpu.memref_slice %arg8[%run_scoped3A_82, %dma_wait3A_117] : memref<160x125xi32, #tpu.memory_space<vmem>> -> memref<1x125xi32, #tpu.memory_space<vmem>>
      %dma_wait3A_119 = tpu.memref_squeeze %dma_wait3A_118 : memref<1x125xi32, #tpu.memory_space<vmem>> -> memref<125xi32, #tpu.memory_space<vmem>>
      %dma_wait3A_120 = arith.constant 0 : i32
      %dma_wait3A_121 = arith.constant 0 : i32
      %dma_wait3A_122 = tpu.memref_slice %arg14[%dma_wait3A_120, %dma_wait3A_121] : memref<10112x32xf32, #tpu.memory_space<vmem_shared>> -> memref<10112x32xf32, #tpu.memory_space<vmem_shared>>
      tpu.wait_indirect_dma semaphore(%run_scoped3A_110 : memref<!tpu.dma_semaphore, #tpu.memory_space<semaphore_mem>>) src(%arg10 : memref<125x32xf32, #tpu.memory_space<vmem>>) dst(%dma_wait3A_122 : memref<10112x32xf32, #tpu.memory_space<vmem_shared>>)
      tpu.yield
    }) : () -> ()
    %dma_wait3A_83 = arith.constant 157 : i32
    %dma_wait3A_84 = arith.constant 0 : i32
    %dma_wait3A_85 = tpu.memref_slice %arg7[%dma_wait3A_83, %dma_wait3A_84] : memref<160x125xi32, #tpu.memory_space<vmem>> -> memref<1x125xi32, #tpu.memory_space<vmem>>
    %dma_wait3A_86 = tpu.memref_squeeze %dma_wait3A_85 : memref<1x125xi32, #tpu.memory_space<vmem>> -> memref<125xi32, #tpu.memory_space<vmem>>
    %dma_wait3A_87 = arith.constant 0 : i32
    %dma_wait3A_88 = arith.constant 0 : i32
    %dma_wait3A_89 = tpu.memref_slice %arg2[%dma_wait3A_87, %dma_wait3A_88] : memref<20000x32xf32, #tpu.memory_space<hbm>> -> memref<20000x32xf32, #tpu.memory_space<hbm>>
    tpu.wait_indirect_dma semaphore(%arg17 : memref<!tpu.dma_semaphore, #tpu.memory_space<semaphore_mem>>) src(%dma_wait3A_89 : memref<20000x32xf32, #tpu.memory_space<hbm>>) dst(%arg11 : memref<125x32xf32, #tpu.memory_space<vmem>>)
    %run_scoped3A_90 = arith.constant 157 : i32
    "tpu.region"() ({
      %run_scoped3A_110 = tpu.sem_alloc : memref<!tpu.dma_semaphore, #tpu.memory_space<semaphore_mem>>
      %dma_start3A_111 = arith.constant 0 : i32
      %dma_start3A_112 = tpu.memref_slice %arg8[%run_scoped3A_90, %dma_start3A_111] : memref<160x125xi32, #tpu.memory_space<vmem>> -> memref<1x125xi32, #tpu.memory_space<vmem>>
      %dma_start3A_113 = tpu.memref_squeeze %dma_start3A_112 : memref<1x125xi32, #tpu.memory_space<vmem>> -> memref<125xi32, #tpu.memory_space<vmem>>
      %dma_start3A_114 = arith.constant 0 : i32
      %dma_start3A_115 = arith.constant 0 : i32
      %dma_start3A_116 = tpu.memref_slice %arg14[%dma_start3A_114, %dma_start3A_115] : memref<10112x32xf32, #tpu.memory_space<vmem_shared>> -> memref<10112x32xf32, #tpu.memory_space<vmem_shared>>
      tpu.enqueue_indirect_dma source(%arg11 : memref<125x32xf32, #tpu.memory_space<vmem>>) target(%dma_start3A_116 : memref<10112x32xf32, #tpu.memory_space<vmem_shared>>) offsets(%dma_start3A_113 : memref<125xi32, #tpu.memory_space<vmem>>) semaphore(%run_scoped3A_110 : memref<!tpu.dma_semaphore, #tpu.memory_space<semaphore_mem>>) {add = true}
      %dma_wait3A_117 = arith.constant 0 : i32
      %dma_wait3A_118 = tpu.memref_slice %arg8[%run_scoped3A_90, %dma_wait3A_117] : memref<160x125xi32, #tpu.memory_space<vmem>> -> memref<1x125xi32, #tpu.memory_space<vmem>>
      %dma_wait3A_119 = tpu.memref_squeeze %dma_wait3A_118 : memref<1x125xi32, #tpu.memory_space<vmem>> -> memref<125xi32, #tpu.memory_space<vmem>>
      %dma_wait3A_120 = arith.constant 0 : i32
      %dma_wait3A_121 = arith.constant 0 : i32
      %dma_wait3A_122 = tpu.memref_slice %arg14[%dma_wait3A_120, %dma_wait3A_121] : memref<10112x32xf32, #tpu.memory_space<vmem_shared>> -> memref<10112x32xf32, #tpu.memory_space<vmem_shared>>
      tpu.wait_indirect_dma semaphore(%run_scoped3A_110 : memref<!tpu.dma_semaphore, #tpu.memory_space<semaphore_mem>>) src(%arg11 : memref<125x32xf32, #tpu.memory_space<vmem>>) dst(%dma_wait3A_122 : memref<10112x32xf32, #tpu.memory_space<vmem_shared>>)
      tpu.yield
    }) : () -> ()
    %dma_wait3A_91 = arith.constant 158 : i32
    %dma_wait3A_92 = arith.constant 0 : i32
    %dma_wait3A_93 = tpu.memref_slice %arg7[%dma_wait3A_91, %dma_wait3A_92] : memref<160x125xi32, #tpu.memory_space<vmem>> -> memref<1x125xi32, #tpu.memory_space<vmem>>
    %dma_wait3A_94 = tpu.memref_squeeze %dma_wait3A_93 : memref<1x125xi32, #tpu.memory_space<vmem>> -> memref<125xi32, #tpu.memory_space<vmem>>
    %dma_wait3A_95 = arith.constant 0 : i32
    %dma_wait3A_96 = arith.constant 0 : i32
    %dma_wait3A_97 = tpu.memref_slice %arg2[%dma_wait3A_95, %dma_wait3A_96] : memref<20000x32xf32, #tpu.memory_space<hbm>> -> memref<20000x32xf32, #tpu.memory_space<hbm>>
    tpu.wait_indirect_dma semaphore(%arg18 : memref<!tpu.dma_semaphore, #tpu.memory_space<semaphore_mem>>) src(%dma_wait3A_97 : memref<20000x32xf32, #tpu.memory_space<hbm>>) dst(%arg12 : memref<125x32xf32, #tpu.memory_space<vmem>>)
    %run_scoped3A_98 = arith.constant 158 : i32
    "tpu.region"() ({
      %run_scoped3A_110 = tpu.sem_alloc : memref<!tpu.dma_semaphore, #tpu.memory_space<semaphore_mem>>
      %dma_start3A_111 = arith.constant 0 : i32
      %dma_start3A_112 = tpu.memref_slice %arg8[%run_scoped3A_98, %dma_start3A_111] : memref<160x125xi32, #tpu.memory_space<vmem>> -> memref<1x125xi32, #tpu.memory_space<vmem>>
      %dma_start3A_113 = tpu.memref_squeeze %dma_start3A_112 : memref<1x125xi32, #tpu.memory_space<vmem>> -> memref<125xi32, #tpu.memory_space<vmem>>
      %dma_start3A_114 = arith.constant 0 : i32
      %dma_start3A_115 = arith.constant 0 : i32
      %dma_start3A_116 = tpu.memref_slice %arg14[%dma_start3A_114, %dma_start3A_115] : memref<10112x32xf32, #tpu.memory_space<vmem_shared>> -> memref<10112x32xf32, #tpu.memory_space<vmem_shared>>
      tpu.enqueue_indirect_dma source(%arg12 : memref<125x32xf32, #tpu.memory_space<vmem>>) target(%dma_start3A_116 : memref<10112x32xf32, #tpu.memory_space<vmem_shared>>) offsets(%dma_start3A_113 : memref<125xi32, #tpu.memory_space<vmem>>) semaphore(%run_scoped3A_110 : memref<!tpu.dma_semaphore, #tpu.memory_space<semaphore_mem>>) {add = true}
      %dma_wait3A_117 = arith.constant 0 : i32
      %dma_wait3A_118 = tpu.memref_slice %arg8[%run_scoped3A_98, %dma_wait3A_117] : memref<160x125xi32, #tpu.memory_space<vmem>> -> memref<1x125xi32, #tpu.memory_space<vmem>>
      %dma_wait3A_119 = tpu.memref_squeeze %dma_wait3A_118 : memref<1x125xi32, #tpu.memory_space<vmem>> -> memref<125xi32, #tpu.memory_space<vmem>>
      %dma_wait3A_120 = arith.constant 0 : i32
      %dma_wait3A_121 = arith.constant 0 : i32
      %dma_wait3A_122 = tpu.memref_slice %arg14[%dma_wait3A_120, %dma_wait3A_121] : memref<10112x32xf32, #tpu.memory_space<vmem_shared>> -> memref<10112x32xf32, #tpu.memory_space<vmem_shared>>
      tpu.wait_indirect_dma semaphore(%run_scoped3A_110 : memref<!tpu.dma_semaphore, #tpu.memory_space<semaphore_mem>>) src(%arg12 : memref<125x32xf32, #tpu.memory_space<vmem>>) dst(%dma_wait3A_122 : memref<10112x32xf32, #tpu.memory_space<vmem_shared>>)
      tpu.yield
    }) : () -> ()
    %dma_wait3A_99 = arith.constant 159 : i32
    %dma_wait3A_100 = arith.constant 0 : i32
    %dma_wait3A_101 = tpu.memref_slice %arg7[%dma_wait3A_99, %dma_wait3A_100] : memref<160x125xi32, #tpu.memory_space<vmem>> -> memref<1x125xi32, #tpu.memory_space<vmem>>
    %dma_wait3A_102 = tpu.memref_squeeze %dma_wait3A_101 : memref<1x125xi32, #tpu.memory_space<vmem>> -> memref<125xi32, #tpu.memory_space<vmem>>
    %dma_wait3A_103 = arith.constant 0 : i32
    %dma_wait3A_104 = arith.constant 0 : i32
    %dma_wait3A_105 = tpu.memref_slice %arg2[%dma_wait3A_103, %dma_wait3A_104] : memref<20000x32xf32, #tpu.memory_space<hbm>> -> memref<20000x32xf32, #tpu.memory_space<hbm>>
    tpu.wait_indirect_dma semaphore(%arg19 : memref<!tpu.dma_semaphore, #tpu.memory_space<semaphore_mem>>) src(%dma_wait3A_105 : memref<20000x32xf32, #tpu.memory_space<hbm>>) dst(%arg13 : memref<125x32xf32, #tpu.memory_space<vmem>>)
    %run_scoped3A_106 = arith.constant 159 : i32
    "tpu.region"() ({
      %run_scoped3A_110 = tpu.sem_alloc : memref<!tpu.dma_semaphore, #tpu.memory_space<semaphore_mem>>
      %dma_start3A_111 = arith.constant 0 : i32
      %dma_start3A_112 = tpu.memref_slice %arg8[%run_scoped3A_106, %dma_start3A_111] : memref<160x125xi32, #tpu.memory_space<vmem>> -> memref<1x125xi32, #tpu.memory_space<vmem>>
      %dma_start3A_113 = tpu.memref_squeeze %dma_start3A_112 : memref<1x125xi32, #tpu.memory_space<vmem>> -> memref<125xi32, #tpu.memory_space<vmem>>
      %dma_start3A_114 = arith.constant 0 : i32
      %dma_start3A_115 = arith.constant 0 : i32
      %dma_start3A_116 = tpu.memref_slice %arg14[%dma_start3A_114, %dma_start3A_115] : memref<10112x32xf32, #tpu.memory_space<vmem_shared>> -> memref<10112x32xf32, #tpu.memory_space<vmem_shared>>
      tpu.enqueue_indirect_dma source(%arg13 : memref<125x32xf32, #tpu.memory_space<vmem>>) target(%dma_start3A_116 : memref<10112x32xf32, #tpu.memory_space<vmem_shared>>) offsets(%dma_start3A_113 : memref<125xi32, #tpu.memory_space<vmem>>) semaphore(%run_scoped3A_110 : memref<!tpu.dma_semaphore, #tpu.memory_space<semaphore_mem>>) {add = true}
      %dma_wait3A_117 = arith.constant 0 : i32
      %dma_wait3A_118 = tpu.memref_slice %arg8[%run_scoped3A_106, %dma_wait3A_117] : memref<160x125xi32, #tpu.memory_space<vmem>> -> memref<1x125xi32, #tpu.memory_space<vmem>>
      %dma_wait3A_119 = tpu.memref_squeeze %dma_wait3A_118 : memref<1x125xi32, #tpu.memory_space<vmem>> -> memref<125xi32, #tpu.memory_space<vmem>>
      %dma_wait3A_120 = arith.constant 0 : i32
      %dma_wait3A_121 = arith.constant 0 : i32
      %dma_wait3A_122 = tpu.memref_slice %arg14[%dma_wait3A_120, %dma_wait3A_121] : memref<10112x32xf32, #tpu.memory_space<vmem_shared>> -> memref<10112x32xf32, #tpu.memory_space<vmem_shared>>
      tpu.wait_indirect_dma semaphore(%run_scoped3A_110 : memref<!tpu.dma_semaphore, #tpu.memory_space<semaphore_mem>>) src(%arg13 : memref<125x32xf32, #tpu.memory_space<vmem>>) dst(%dma_wait3A_122 : memref<10112x32xf32, #tpu.memory_space<vmem_shared>>)
      tpu.yield
    }) : () -> ()
    %barrier3A_107 = arith.constant 0 : index
    tpu.barrier barrier_id(%barrier3A_107)
    %mul3A_108 = arith.constant 32 : i32
    %mul3A_109 = arith.muli %arg0, %mul3A_108 : i32
    "tpu.region"() ({
      %run_scoped3A_110 = tpu.sem_alloc : memref<!tpu.dma_semaphore, #tpu.memory_space<semaphore_mem>>
      %dma_start3A_111 = tpu.memref_slice %arg6[%mul3A_2, %mul3A_109] : memref<10112x64xf32, #tpu.memory_space<hbm>> -> memref<632x32xf32, #tpu.memory_space<hbm>>
      %dma_start3A_112 = arith.constant 0 : i32
      %dma_start3A_113 = tpu.memref_slice %arg14[%mul3A_2, %dma_start3A_112] : memref<10112x32xf32, #tpu.memory_space<vmem_shared>> -> memref<632x32xf32, #tpu.memory_space<vmem_shared>>
      tpu.enqueue_dma source(%dma_start3A_113 : memref<632x32xf32, #tpu.memory_space<vmem_shared>>) target(%dma_start3A_111 : memref<632x32xf32, #tpu.memory_space<hbm>>) target_semaphore(%run_scoped3A_110 : memref<!tpu.dma_semaphore, #tpu.memory_space<semaphore_mem>>)
      %dma_wait3A_114 = tpu.memref_slice %arg6[%mul3A_2, %mul3A_109] : memref<10112x64xf32, #tpu.memory_space<hbm>> -> memref<632x32xf32, #tpu.memory_space<hbm>>
      %dma_wait3A_115 = arith.constant 0 : i32
      %dma_wait3A_116 = tpu.memref_slice %arg14[%mul3A_2, %dma_wait3A_115] : memref<10112x32xf32, #tpu.memory_space<vmem_shared>> -> memref<632x32xf32, #tpu.memory_space<vmem_shared>>
      tpu.wait_dma2 semaphore(%run_scoped3A_110 : memref<!tpu.dma_semaphore, #tpu.memory_space<semaphore_mem>>) src(%dma_wait3A_116 : memref<632x32xf32, #tpu.memory_space<vmem_shared>>) dst(%dma_wait3A_114 : memref<632x32xf32, #tpu.memory_space<hbm>>)
      tpu.yield
    }) : () -> ()
    return
  }
}

#map = affine_map<(d0, d1) -> (0, 0)>
#map1 = affine_map<(d0, d1) -> (0, 0, 0)>
module attributes {stable_mosaic.version = 14 : i64} {
  func.func @agg(%arg0: i32, %arg1: i32, %arg2: memref<20000x32xf32, #tpu.memory_space<hbm>>, %arg3: memref<2x2560x125xi32, #tpu.memory_space<hbm>>, %arg4: memref<2x2560x125xi32, #tpu.memory_space<hbm>>, %arg5: memref<10112x32xf32, #tpu.memory_space<hbm>>, %arg6: memref<10112x64xf32, #tpu.memory_space<hbm>>, %arg7: memref<160x125xi32, #tpu.memory_space<vmem>>, %arg8: memref<160x125xi32, #tpu.memory_space<vmem>>, %arg9: memref<125x32xf32, #tpu.memory_space<vmem>>, %arg10: memref<125x32xf32, #tpu.memory_space<vmem>>, %arg11: memref<125x32xf32, #tpu.memory_space<vmem>>, %arg12: memref<125x32xf32, #tpu.memory_space<vmem>>, %arg13: memref<125x32xf32, #tpu.memory_space<vmem>>, %arg14: memref<10112x32xf32, #tpu.memory_space<vmem_shared>>, %arg15: memref<!tpu.dma_semaphore, #tpu.memory_space<semaphore_mem>>, %arg16: memref<!tpu.dma_semaphore, #tpu.memory_space<semaphore_mem>>, %arg17: memref<!tpu.dma_semaphore, #tpu.memory_space<semaphore_mem>>, %arg18: memref<!tpu.dma_semaphore, #tpu.memory_space<semaphore_mem>>, %arg19: memref<!tpu.dma_semaphore, #tpu.memory_space<semaphore_mem>>, %arg20: memref<!tpu.dma_semaphore, #tpu.memory_space<semaphore_mem>>) attributes {dimension_semantics = [#tpu.dimension_semantics<core_parallel>, #tpu.dimension_semantics<subcore_parallel>], iteration_bounds = array<i64: 2, 16>, scalar_prefetch = 0 : i64, scratch_operands = 14 : i64, tpu.core_type = #tpu.core_type<sc_vector_subcore>, window_params = [{transform_indices = #map}, {transform_indices = #map1}, {transform_indices = #map1}, {transform_indices = #map}, {transform_indices = #map}]} {
    %mul3A = arith.constant 160 : i32
    %mul3A_0 = arith.muli %arg1, %mul3A : i32
    %mul3A_1 = arith.constant 632 : i32
    %mul3A_2 = arith.muli %arg1, %mul3A_1 : i32
    %dma_start3A = arith.constant 0 : i32
    %dma_start3A_3 = tpu.memref_slice %arg3[%arg0, %mul3A_0, %dma_start3A] : memref<2x2560x125xi32, #tpu.memory_space<hbm>> -> memref<1x160x125xi32, #tpu.memory_space<hbm>>
    %dma_start3A_4 = tpu.memref_squeeze %dma_start3A_3 : memref<1x160x125xi32, #tpu.memory_space<hbm>> -> memref<160x125xi32, #tpu.memory_space<hbm>>
    %dma_start3A_5 = arith.constant 0 : i32
    %dma_start3A_6 = tpu.memref_slice %arg3[%arg0, %mul3A_0, %dma_start3A_5] : memref<2x2560x125xi32, #tpu.memory_space<hbm>> -> memref<1x160x125xi32, #tpu.memory_space<hbm>>
    %dma_start3A_7 = tpu.memref_squeeze %dma_start3A_6 : memref<1x160x125xi32, #tpu.memory_space<hbm>> -> memref<160x125xi32, #tpu.memory_space<hbm>>
    tpu.enqueue_dma source(%dma_start3A_7 : memref<160x125xi32, #tpu.memory_space<hbm>>) target(%arg7 : memref<160x125xi32, #tpu.memory_space<vmem>>) target_semaphore(%arg20 : memref<!tpu.dma_semaphore, #tpu.memory_space<semaphore_mem>>)
    %dma_start3A_8 = arith.constant 1 : i32
    %dma_start3A_9 = arith.constant 0 : i32
    %dma_start3A_10 = tpu.memref_slice %arg4[%dma_start3A_8, %mul3A_0, %dma_start3A_9] : memref<2x2560x125xi32, #tpu.memory_space<hbm>> -> memref<1x160x125xi32, #tpu.memory_space<hbm>>
    %dma_start3A_11 = tpu.memref_squeeze %dma_start3A_10 : memref<1x160x125xi32, #tpu.memory_space<hbm>> -> memref<160x125xi32, #tpu.memory_space<hbm>>
    %dma_start3A_12 = arith.constant 0 : i32
    %dma_start3A_13 = tpu.memref_slice %arg4[%dma_start3A_8, %mul3A_0, %dma_start3A_12] : memref<2x2560x125xi32, #tpu.memory_space<hbm>> -> memref<1x160x125xi32, #tpu.memory_space<hbm>>
    %dma_start3A_14 = tpu.memref_squeeze %dma_start3A_13 : memref<1x160x125xi32, #tpu.memory_space<hbm>> -> memref<160x125xi32, #tpu.memory_space<hbm>>
    tpu.enqueue_dma source(%dma_start3A_14 : memref<160x125xi32, #tpu.memory_space<hbm>>) target(%arg8 : memref<160x125xi32, #tpu.memory_space<vmem>>) target_semaphore(%arg20 : memref<!tpu.dma_semaphore, #tpu.memory_space<semaphore_mem>>)
    "tpu.region"() ({
      %run_scoped3A_110 = tpu.sem_alloc : memref<!tpu.dma_semaphore, #tpu.memory_space<semaphore_mem>>
      %dma_start3A_111 = arith.constant 0 : i32
      %dma_start3A_112 = tpu.memref_slice %arg14[%mul3A_2, %dma_start3A_111] : memref<10112x32xf32, #tpu.memory_space<vmem_shared>> -> memref<632x32xf32, #tpu.memory_space<vmem_shared>>
      %dma_start3A_113 = arith.constant 0 : i32
      %dma_start3A_114 = tpu.memref_slice %arg5[%mul3A_2, %dma_start3A_113] : memref<10112x32xf32, #tpu.memory_space<hbm>> -> memref<632x32xf32, #tpu.memory_space<hbm>>
      tpu.enqueue_dma source(%dma_start3A_114 : memref<632x32xf32, #tpu.memory_space<hbm>>) target(%dma_start3A_112 : memref<632x32xf32, #tpu.memory_space<vmem_shared>>) target_semaphore(%run_scoped3A_110 : memref<!tpu.dma_semaphore, #tpu.memory_space<semaphore_mem>>)
      %dma_wait3A_115 = arith.constant 0 : i32
      %dma_wait3A_116 = tpu.memref_slice %arg14[%mul3A_2, %dma_wait3A_115] : memref<10112x32xf32, #tpu.memory_space<vmem_shared>> -> memref<632x32xf32, #tpu.memory_space<vmem_shared>>
      %dma_wait3A_117 = arith.constant 0 : i32
      %dma_wait3A_118 = tpu.memref_slice %arg5[%mul3A_2, %dma_wait3A_117] : memref<10112x32xf32, #tpu.memory_space<hbm>> -> memref<632x32xf32, #tpu.memory_space<hbm>>
      tpu.wait_dma2 semaphore(%run_scoped3A_110 : memref<!tpu.dma_semaphore, #tpu.memory_space<semaphore_mem>>) src(%dma_wait3A_118 : memref<632x32xf32, #tpu.memory_space<hbm>>) dst(%dma_wait3A_116 : memref<632x32xf32, #tpu.memory_space<vmem_shared>>)
      tpu.yield
    }) : () -> ()
    %dma_wait3A = arith.constant 0 : i32
    %dma_wait3A_15 = tpu.memref_slice %arg3[%arg0, %mul3A_0, %dma_wait3A] : memref<2x2560x125xi32, #tpu.memory_space<hbm>> -> memref<1x160x125xi32, #tpu.memory_space<hbm>>
    %dma_wait3A_16 = tpu.memref_squeeze %dma_wait3A_15 : memref<1x160x125xi32, #tpu.memory_space<hbm>> -> memref<160x125xi32, #tpu.memory_space<hbm>>
    %dma_wait3A_17 = arith.constant 0 : i32
    %dma_wait3A_18 = tpu.memref_slice %arg3[%arg0, %mul3A_0, %dma_wait3A_17] : memref<2x2560x125xi32, #tpu.memory_space<hbm>> -> memref<1x160x125xi32, #tpu.memory_space<hbm>>
    %dma_wait3A_19 = tpu.memref_squeeze %dma_wait3A_18 : memref<1x160x125xi32, #tpu.memory_space<hbm>> -> memref<160x125xi32, #tpu.memory_space<hbm>>
    tpu.wait_dma2 semaphore(%arg20 : memref<!tpu.dma_semaphore, #tpu.memory_space<semaphore_mem>>) src(%dma_wait3A_19 : memref<160x125xi32, #tpu.memory_space<hbm>>) dst(%arg7 : memref<160x125xi32, #tpu.memory_space<vmem>>)
    %dma_wait3A_20 = arith.constant 1 : i32
    %dma_wait3A_21 = arith.constant 0 : i32
    %dma_wait3A_22 = tpu.memref_slice %arg4[%dma_wait3A_20, %mul3A_0, %dma_wait3A_21] : memref<2x2560x125xi32, #tpu.memory_space<hbm>> -> memref<1x160x125xi32, #tpu.memory_space<hbm>>
    %dma_wait3A_23 = tpu.memref_squeeze %dma_wait3A_22 : memref<1x160x125xi32, #tpu.memory_space<hbm>> -> memref<160x125xi32, #tpu.memory_space<hbm>>
    %dma_wait3A_24 = arith.constant 0 : i32
    %dma_wait3A_25 = tpu.memref_slice %arg4[%dma_wait3A_20, %mul3A_0, %dma_wait3A_24] : memref<2x2560x125xi32, #tpu.memory_space<hbm>> -> memref<1x160x125xi32, #tpu.memory_space<hbm>>
    %dma_wait3A_26 = tpu.memref_squeeze %dma_wait3A_25 : memref<1x160x125xi32, #tpu.memory_space<hbm>> -> memref<160x125xi32, #tpu.memory_space<hbm>>
    tpu.wait_dma2 semaphore(%arg20 : memref<!tpu.dma_semaphore, #tpu.memory_space<semaphore_mem>>) src(%dma_wait3A_26 : memref<160x125xi32, #tpu.memory_space<hbm>>) dst(%arg8 : memref<160x125xi32, #tpu.memory_space<vmem>>)
    %barrier3A = arith.constant 0 : index
    tpu.barrier barrier_id(%barrier3A)
    %dma_start3A_27 = arith.constant 0 : i32
    %dma_start3A_28 = arith.constant 0 : i32
    %dma_start3A_29 = tpu.memref_slice %arg7[%dma_start3A_27, %dma_start3A_28] : memref<160x125xi32, #tpu.memory_space<vmem>> -> memref<1x125xi32, #tpu.memory_space<vmem>>
    %dma_start3A_30 = tpu.memref_squeeze %dma_start3A_29 : memref<1x125xi32, #tpu.memory_space<vmem>> -> memref<125xi32, #tpu.memory_space<vmem>>
    %dma_start3A_31 = arith.constant 0 : i32
    %dma_start3A_32 = arith.constant 0 : i32
    %dma_start3A_33 = tpu.memref_slice %arg2[%dma_start3A_31, %dma_start3A_32] : memref<20000x32xf32, #tpu.memory_space<hbm>> -> memref<20000x32xf32, #tpu.memory_space<hbm>>
    tpu.enqueue_indirect_dma source(%dma_start3A_33 : memref<20000x32xf32, #tpu.memory_space<hbm>>) target(%arg9 : memref<125x32xf32, #tpu.memory_space<vmem>>) offsets(%dma_start3A_30 : memref<125xi32, #tpu.memory_space<vmem>>) semaphore(%arg15 : memref<!tpu.dma_semaphore, #tpu.memory_space<semaphore_mem>>)
    %dma_start3A_34 = arith.constant 1 : i32
    %dma_start3A_35 = arith.constant 0 : i32
    %dma_start3A_36 = tpu.memref_slice %arg7[%dma_start3A_34, %dma_start3A_35] : memref<160x125xi32, #tpu.memory_space<vmem>> -> memref<1x125xi32, #tpu.memory_space<vmem>>
    %dma_start3A_37 = tpu.memref_squeeze %dma_start3A_36 : memref<1x125xi32, #tpu.memory_space<vmem>> -> memref<125xi32, #tpu.memory_space<vmem>>
    %dma_start3A_38 = arith.constant 0 : i32
    %dma_start3A_39 = arith.constant 0 : i32
    %dma_start3A_40 = tpu.memref_slice %arg2[%dma_start3A_38, %dma_start3A_39] : memref<20000x32xf32, #tpu.memory_space<hbm>> -> memref<20000x32xf32, #tpu.memory_space<hbm>>
    tpu.enqueue_indirect_dma source(%dma_start3A_40 : memref<20000x32xf32, #tpu.memory_space<hbm>>) target(%arg10 : memref<125x32xf32, #tpu.memory_space<vmem>>) offsets(%dma_start3A_37 : memref<125xi32, #tpu.memory_space<vmem>>) semaphore(%arg16 : memref<!tpu.dma_semaphore, #tpu.memory_space<semaphore_mem>>)
    %dma_start3A_41 = arith.constant 2 : i32
    %dma_start3A_42 = arith.constant 0 : i32
    %dma_start3A_43 = tpu.memref_slice %arg7[%dma_start3A_41, %dma_start3A_42] : memref<160x125xi32, #tpu.memory_space<vmem>> -> memref<1x125xi32, #tpu.memory_space<vmem>>
    %dma_start3A_44 = tpu.memref_squeeze %dma_start3A_43 : memref<1x125xi32, #tpu.memory_space<vmem>> -> memref<125xi32, #tpu.memory_space<vmem>>
    %dma_start3A_45 = arith.constant 0 : i32
    %dma_start3A_46 = arith.constant 0 : i32
    %dma_start3A_47 = tpu.memref_slice %arg2[%dma_start3A_45, %dma_start3A_46] : memref<20000x32xf32, #tpu.memory_space<hbm>> -> memref<20000x32xf32, #tpu.memory_space<hbm>>
    tpu.enqueue_indirect_dma source(%dma_start3A_47 : memref<20000x32xf32, #tpu.memory_space<hbm>>) target(%arg11 : memref<125x32xf32, #tpu.memory_space<vmem>>) offsets(%dma_start3A_44 : memref<125xi32, #tpu.memory_space<vmem>>) semaphore(%arg17 : memref<!tpu.dma_semaphore, #tpu.memory_space<semaphore_mem>>)
    %dma_start3A_48 = arith.constant 3 : i32
    %dma_start3A_49 = arith.constant 0 : i32
    %dma_start3A_50 = tpu.memref_slice %arg7[%dma_start3A_48, %dma_start3A_49] : memref<160x125xi32, #tpu.memory_space<vmem>> -> memref<1x125xi32, #tpu.memory_space<vmem>>
    %dma_start3A_51 = tpu.memref_squeeze %dma_start3A_50 : memref<1x125xi32, #tpu.memory_space<vmem>> -> memref<125xi32, #tpu.memory_space<vmem>>
    %dma_start3A_52 = arith.constant 0 : i32
    %dma_start3A_53 = arith.constant 0 : i32
    %dma_start3A_54 = tpu.memref_slice %arg2[%dma_start3A_52, %dma_start3A_53] : memref<20000x32xf32, #tpu.memory_space<hbm>> -> memref<20000x32xf32, #tpu.memory_space<hbm>>
    tpu.enqueue_indirect_dma source(%dma_start3A_54 : memref<20000x32xf32, #tpu.memory_space<hbm>>) target(%arg12 : memref<125x32xf32, #tpu.memory_space<vmem>>) offsets(%dma_start3A_51 : memref<125xi32, #tpu.memory_space<vmem>>) semaphore(%arg18 : memref<!tpu.dma_semaphore, #tpu.memory_space<semaphore_mem>>)
    %dma_start3A_55 = arith.constant 4 : i32
    %dma_start3A_56 = arith.constant 0 : i32
    %dma_start3A_57 = tpu.memref_slice %arg7[%dma_start3A_55, %dma_start3A_56] : memref<160x125xi32, #tpu.memory_space<vmem>> -> memref<1x125xi32, #tpu.memory_space<vmem>>
    %dma_start3A_58 = tpu.memref_squeeze %dma_start3A_57 : memref<1x125xi32, #tpu.memory_space<vmem>> -> memref<125xi32, #tpu.memory_space<vmem>>
    %dma_start3A_59 = arith.constant 0 : i32
    %dma_start3A_60 = arith.constant 0 : i32
    %dma_start3A_61 = tpu.memref_slice %arg2[%dma_start3A_59, %dma_start3A_60] : memref<20000x32xf32, #tpu.memory_space<hbm>> -> memref<20000x32xf32, #tpu.memory_space<hbm>>
    tpu.enqueue_indirect_dma source(%dma_start3A_61 : memref<20000x32xf32, #tpu.memory_space<hbm>>) target(%arg13 : memref<125x32xf32, #tpu.memory_space<vmem>>) offsets(%dma_start3A_58 : memref<125xi32, #tpu.memory_space<vmem>>) semaphore(%arg19 : memref<!tpu.dma_semaphore, #tpu.memory_space<semaphore_mem>>)
    %scan3A = arith.constant 0 : i32
    %scan3A_62 = arith.constant 0 : i32
    %scan3A_63 = arith.constant 31 : i32
    %scan3A_64 = arith.addi %scan3A_62, %scan3A_63 : i32
    %scan3A_65 = arith.constant 1 : i32
    %scan3A_66 = scf.for %scan3A_110 = %scan3A_62 to %scan3A_64 step %scan3A_65 iter_args(%scan3A_111 = %scan3A) -> (i32)  : i32 {
      %mul3A_112 = arith.constant 5 : i32
      %mul3A_113 = arith.muli %scan3A_110, %mul3A_112 : i32
      %add3A = arith.constant 0 : i32
      %add3A_114 = arith.addi %mul3A_113, %add3A : i32
      %dma_wait3A_115 = arith.constant 0 : i32
      %dma_wait3A_116 = tpu.memref_slice %arg7[%add3A_114, %dma_wait3A_115] : memref<160x125xi32, #tpu.memory_space<vmem>> -> memref<1x125xi32, #tpu.memory_space<vmem>>
      %dma_wait3A_117 = tpu.memref_squeeze %dma_wait3A_116 : memref<1x125xi32, #tpu.memory_space<vmem>> -> memref<125xi32, #tpu.memory_space<vmem>>
      %dma_wait3A_118 = arith.constant 0 : i32
      %dma_wait3A_119 = arith.constant 0 : i32
      %dma_wait3A_120 = tpu.memref_slice %arg2[%dma_wait3A_118, %dma_wait3A_119] : memref<20000x32xf32, #tpu.memory_space<hbm>> -> memref<20000x32xf32, #tpu.memory_space<hbm>>
      tpu.wait_indirect_dma semaphore(%arg15 : memref<!tpu.dma_semaphore, #tpu.memory_space<semaphore_mem>>) src(%dma_wait3A_120 : memref<20000x32xf32, #tpu.memory_space<hbm>>) dst(%arg9 : memref<125x32xf32, #tpu.memory_space<vmem>>)
      "tpu.region"() ({
        %run_scoped3A_204 = tpu.sem_alloc : memref<!tpu.dma_semaphore, #tpu.memory_space<semaphore_mem>>
        %dma_start3A_205 = arith.constant 0 : i32
        %dma_start3A_206 = tpu.memref_slice %arg8[%add3A_114, %dma_start3A_205] : memref<160x125xi32, #tpu.memory_space<vmem>> -> memref<1x125xi32, #tpu.memory_space<vmem>>
        %dma_start3A_207 = tpu.memref_squeeze %dma_start3A_206 : memref<1x125xi32, #tpu.memory_space<vmem>> -> memref<125xi32, #tpu.memory_space<vmem>>
        %dma_start3A_208 = arith.constant 0 : i32
        %dma_start3A_209 = arith.constant 0 : i32
        %dma_start3A_210 = tpu.memref_slice %arg14[%dma_start3A_208, %dma_start3A_209] : memref<10112x32xf32, #tpu.memory_space<vmem_shared>> -> memref<10112x32xf32, #tpu.memory_space<vmem_shared>>
        tpu.enqueue_indirect_dma source(%arg9 : memref<125x32xf32, #tpu.memory_space<vmem>>) target(%dma_start3A_210 : memref<10112x32xf32, #tpu.memory_space<vmem_shared>>) offsets(%dma_start3A_207 : memref<125xi32, #tpu.memory_space<vmem>>) semaphore(%run_scoped3A_204 : memref<!tpu.dma_semaphore, #tpu.memory_space<semaphore_mem>>) {add = true}
        %dma_wait3A_211 = arith.constant 0 : i32
        %dma_wait3A_212 = tpu.memref_slice %arg8[%add3A_114, %dma_wait3A_211] : memref<160x125xi32, #tpu.memory_space<vmem>> -> memref<1x125xi32, #tpu.memory_space<vmem>>
        %dma_wait3A_213 = tpu.memref_squeeze %dma_wait3A_212 : memref<1x125xi32, #tpu.memory_space<vmem>> -> memref<125xi32, #tpu.memory_space<vmem>>
        %dma_wait3A_214 = arith.constant 0 : i32
        %dma_wait3A_215 = arith.constant 0 : i32
        %dma_wait3A_216 = tpu.memref_slice %arg14[%dma_wait3A_214, %dma_wait3A_215] : memref<10112x32xf32, #tpu.memory_space<vmem_shared>> -> memref<10112x32xf32, #tpu.memory_space<vmem_shared>>
        tpu.wait_indirect_dma semaphore(%run_scoped3A_204 : memref<!tpu.dma_semaphore, #tpu.memory_space<semaphore_mem>>) src(%arg9 : memref<125x32xf32, #tpu.memory_space<vmem>>) dst(%dma_wait3A_216 : memref<10112x32xf32, #tpu.memory_space<vmem_shared>>)
        tpu.yield
      }) : () -> ()
      %add3A_121 = arith.constant 5 : i32
      %add3A_122 = arith.addi %mul3A_113, %add3A_121 : i32
      %add3A_123 = arith.constant 0 : i32
      %add3A_124 = arith.addi %add3A_122, %add3A_123 : i32
      %dma_start3A_125 = arith.constant 0 : i32
      %dma_start3A_126 = tpu.memref_slice %arg7[%add3A_124, %dma_start3A_125] : memref<160x125xi32, #tpu.memory_space<vmem>> -> memref<1x125xi32, #tpu.memory_space<vmem>>
      %dma_start3A_127 = tpu.memref_squeeze %dma_start3A_126 : memref<1x125xi32, #tpu.memory_space<vmem>> -> memref<125xi32, #tpu.memory_space<vmem>>
      %dma_start3A_128 = arith.constant 0 : i32
      %dma_start3A_129 = arith.constant 0 : i32
      %dma_start3A_130 = tpu.memref_slice %arg2[%dma_start3A_128, %dma_start3A_129] : memref<20000x32xf32, #tpu.memory_space<hbm>> -> memref<20000x32xf32, #tpu.memory_space<hbm>>
      tpu.enqueue_indirect_dma source(%dma_start3A_130 : memref<20000x32xf32, #tpu.memory_space<hbm>>) target(%arg9 : memref<125x32xf32, #tpu.memory_space<vmem>>) offsets(%dma_start3A_127 : memref<125xi32, #tpu.memory_space<vmem>>) semaphore(%arg15 : memref<!tpu.dma_semaphore, #tpu.memory_space<semaphore_mem>>)
      %add3A_131 = arith.constant 1 : i32
      %add3A_132 = arith.addi %mul3A_113, %add3A_131 : i32
      %dma_wait3A_133 = arith.constant 0 : i32
      %dma_wait3A_134 = tpu.memref_slice %arg7[%add3A_132, %dma_wait3A_133] : memref<160x125xi32, #tpu.memory_space<vmem>> -> memref<1x125xi32, #tpu.memory_space<vmem>>
      %dma_wait3A_135 = tpu.memref_squeeze %dma_wait3A_134 : memref<1x125xi32, #tpu.memory_space<vmem>> -> memref<125xi32, #tpu.memory_space<vmem>>
      %dma_wait3A_136 = arith.constant 0 : i32
      %dma_wait3A_137 = arith.constant 0 : i32
      %dma_wait3A_138 = tpu.memref_slice %arg2[%dma_wait3A_136, %dma_wait3A_137] : memref<20000x32xf32, #tpu.memory_space<hbm>> -> memref<20000x32xf32, #tpu.memory_space<hbm>>
      tpu.wait_indirect_dma semaphore(%arg16 : memref<!tpu.dma_semaphore, #tpu.memory_space<semaphore_mem>>) src(%dma_wait3A_138 : memref<20000x32xf32, #tpu.memory_space<hbm>>) dst(%arg10 : memref<125x32xf32, #tpu.memory_space<vmem>>)
      "tpu.region"() ({
        %run_scoped3A_204 = tpu.sem_alloc : memref<!tpu.dma_semaphore, #tpu.memory_space<semaphore_mem>>
        %dma_start3A_205 = arith.constant 0 : i32
        %dma_start3A_206 = tpu.memref_slice %arg8[%add3A_132, %dma_start3A_205] : memref<160x125xi32, #tpu.memory_space<vmem>> -> memref<1x125xi32, #tpu.memory_space<vmem>>
        %dma_start3A_207 = tpu.memref_squeeze %dma_start3A_206 : memref<1x125xi32, #tpu.memory_space<vmem>> -> memref<125xi32, #tpu.memory_space<vmem>>
        %dma_start3A_208 = arith.constant 0 : i32
        %dma_start3A_209 = arith.constant 0 : i32
        %dma_start3A_210 = tpu.memref_slice %arg14[%dma_start3A_208, %dma_start3A_209] : memref<10112x32xf32, #tpu.memory_space<vmem_shared>> -> memref<10112x32xf32, #tpu.memory_space<vmem_shared>>
        tpu.enqueue_indirect_dma source(%arg10 : memref<125x32xf32, #tpu.memory_space<vmem>>) target(%dma_start3A_210 : memref<10112x32xf32, #tpu.memory_space<vmem_shared>>) offsets(%dma_start3A_207 : memref<125xi32, #tpu.memory_space<vmem>>) semaphore(%run_scoped3A_204 : memref<!tpu.dma_semaphore, #tpu.memory_space<semaphore_mem>>) {add = true}
        %dma_wait3A_211 = arith.constant 0 : i32
        %dma_wait3A_212 = tpu.memref_slice %arg8[%add3A_132, %dma_wait3A_211] : memref<160x125xi32, #tpu.memory_space<vmem>> -> memref<1x125xi32, #tpu.memory_space<vmem>>
        %dma_wait3A_213 = tpu.memref_squeeze %dma_wait3A_212 : memref<1x125xi32, #tpu.memory_space<vmem>> -> memref<125xi32, #tpu.memory_space<vmem>>
        %dma_wait3A_214 = arith.constant 0 : i32
        %dma_wait3A_215 = arith.constant 0 : i32
        %dma_wait3A_216 = tpu.memref_slice %arg14[%dma_wait3A_214, %dma_wait3A_215] : memref<10112x32xf32, #tpu.memory_space<vmem_shared>> -> memref<10112x32xf32, #tpu.memory_space<vmem_shared>>
        tpu.wait_indirect_dma semaphore(%run_scoped3A_204 : memref<!tpu.dma_semaphore, #tpu.memory_space<semaphore_mem>>) src(%arg10 : memref<125x32xf32, #tpu.memory_space<vmem>>) dst(%dma_wait3A_216 : memref<10112x32xf32, #tpu.memory_space<vmem_shared>>)
        tpu.yield
      }) : () -> ()
      %add3A_139 = arith.constant 5 : i32
      %add3A_140 = arith.addi %mul3A_113, %add3A_139 : i32
      %add3A_141 = arith.constant 1 : i32
      %add3A_142 = arith.addi %add3A_140, %add3A_141 : i32
      %dma_start3A_143 = arith.constant 0 : i32
      %dma_start3A_144 = tpu.memref_slice %arg7[%add3A_142, %dma_start3A_143] : memref<160x125xi32, #tpu.memory_space<vmem>> -> memref<1x125xi32, #tpu.memory_space<vmem>>
      %dma_start3A_145 = tpu.memref_squeeze %dma_start3A_144 : memref<1x125xi32, #tpu.memory_space<vmem>> -> memref<125xi32, #tpu.memory_space<vmem>>
      %dma_start3A_146 = arith.constant 0 : i32
      %dma_start3A_147 = arith.constant 0 : i32
      %dma_start3A_148 = tpu.memref_slice %arg2[%dma_start3A_146, %dma_start3A_147] : memref<20000x32xf32, #tpu.memory_space<hbm>> -> memref<20000x32xf32, #tpu.memory_space<hbm>>
      tpu.enqueue_indirect_dma source(%dma_start3A_148 : memref<20000x32xf32, #tpu.memory_space<hbm>>) target(%arg10 : memref<125x32xf32, #tpu.memory_space<vmem>>) offsets(%dma_start3A_145 : memref<125xi32, #tpu.memory_space<vmem>>) semaphore(%arg16 : memref<!tpu.dma_semaphore, #tpu.memory_space<semaphore_mem>>)
      %add3A_149 = arith.constant 2 : i32
      %add3A_150 = arith.addi %mul3A_113, %add3A_149 : i32
      %dma_wait3A_151 = arith.constant 0 : i32
      %dma_wait3A_152 = tpu.memref_slice %arg7[%add3A_150, %dma_wait3A_151] : memref<160x125xi32, #tpu.memory_space<vmem>> -> memref<1x125xi32, #tpu.memory_space<vmem>>
      %dma_wait3A_153 = tpu.memref_squeeze %dma_wait3A_152 : memref<1x125xi32, #tpu.memory_space<vmem>> -> memref<125xi32, #tpu.memory_space<vmem>>
      %dma_wait3A_154 = arith.constant 0 : i32
      %dma_wait3A_155 = arith.constant 0 : i32
      %dma_wait3A_156 = tpu.memref_slice %arg2[%dma_wait3A_154, %dma_wait3A_155] : memref<20000x32xf32, #tpu.memory_space<hbm>> -> memref<20000x32xf32, #tpu.memory_space<hbm>>
      tpu.wait_indirect_dma semaphore(%arg17 : memref<!tpu.dma_semaphore, #tpu.memory_space<semaphore_mem>>) src(%dma_wait3A_156 : memref<20000x32xf32, #tpu.memory_space<hbm>>) dst(%arg11 : memref<125x32xf32, #tpu.memory_space<vmem>>)
      "tpu.region"() ({
        %run_scoped3A_204 = tpu.sem_alloc : memref<!tpu.dma_semaphore, #tpu.memory_space<semaphore_mem>>
        %dma_start3A_205 = arith.constant 0 : i32
        %dma_start3A_206 = tpu.memref_slice %arg8[%add3A_150, %dma_start3A_205] : memref<160x125xi32, #tpu.memory_space<vmem>> -> memref<1x125xi32, #tpu.memory_space<vmem>>
        %dma_start3A_207 = tpu.memref_squeeze %dma_start3A_206 : memref<1x125xi32, #tpu.memory_space<vmem>> -> memref<125xi32, #tpu.memory_space<vmem>>
        %dma_start3A_208 = arith.constant 0 : i32
        %dma_start3A_209 = arith.constant 0 : i32
        %dma_start3A_210 = tpu.memref_slice %arg14[%dma_start3A_208, %dma_start3A_209] : memref<10112x32xf32, #tpu.memory_space<vmem_shared>> -> memref<10112x32xf32, #tpu.memory_space<vmem_shared>>
        tpu.enqueue_indirect_dma source(%arg11 : memref<125x32xf32, #tpu.memory_space<vmem>>) target(%dma_start3A_210 : memref<10112x32xf32, #tpu.memory_space<vmem_shared>>) offsets(%dma_start3A_207 : memref<125xi32, #tpu.memory_space<vmem>>) semaphore(%run_scoped3A_204 : memref<!tpu.dma_semaphore, #tpu.memory_space<semaphore_mem>>) {add = true}
        %dma_wait3A_211 = arith.constant 0 : i32
        %dma_wait3A_212 = tpu.memref_slice %arg8[%add3A_150, %dma_wait3A_211] : memref<160x125xi32, #tpu.memory_space<vmem>> -> memref<1x125xi32, #tpu.memory_space<vmem>>
        %dma_wait3A_213 = tpu.memref_squeeze %dma_wait3A_212 : memref<1x125xi32, #tpu.memory_space<vmem>> -> memref<125xi32, #tpu.memory_space<vmem>>
        %dma_wait3A_214 = arith.constant 0 : i32
        %dma_wait3A_215 = arith.constant 0 : i32
        %dma_wait3A_216 = tpu.memref_slice %arg14[%dma_wait3A_214, %dma_wait3A_215] : memref<10112x32xf32, #tpu.memory_space<vmem_shared>> -> memref<10112x32xf32, #tpu.memory_space<vmem_shared>>
        tpu.wait_indirect_dma semaphore(%run_scoped3A_204 : memref<!tpu.dma_semaphore, #tpu.memory_space<semaphore_mem>>) src(%arg11 : memref<125x32xf32, #tpu.memory_space<vmem>>) dst(%dma_wait3A_216 : memref<10112x32xf32, #tpu.memory_space<vmem_shared>>)
        tpu.yield
      }) : () -> ()
      %add3A_157 = arith.constant 5 : i32
      %add3A_158 = arith.addi %mul3A_113, %add3A_157 : i32
      %add3A_159 = arith.constant 2 : i32
      %add3A_160 = arith.addi %add3A_158, %add3A_159 : i32
      %dma_start3A_161 = arith.constant 0 : i32
      %dma_start3A_162 = tpu.memref_slice %arg7[%add3A_160, %dma_start3A_161] : memref<160x125xi32, #tpu.memory_space<vmem>> -> memref<1x125xi32, #tpu.memory_space<vmem>>
      %dma_start3A_163 = tpu.memref_squeeze %dma_start3A_162 : memref<1x125xi32, #tpu.memory_space<vmem>> -> memref<125xi32, #tpu.memory_space<vmem>>
      %dma_start3A_164 = arith.constant 0 : i32
      %dma_start3A_165 = arith.constant 0 : i32
      %dma_start3A_166 = tpu.memref_slice %arg2[%dma_start3A_164, %dma_start3A_165] : memref<20000x32xf32, #tpu.memory_space<hbm>> -> memref<20000x32xf32, #tpu.memory_space<hbm>>
      tpu.enqueue_indirect_dma source(%dma_start3A_166 : memref<20000x32xf32, #tpu.memory_space<hbm>>) target(%arg11 : memref<125x32xf32, #tpu.memory_space<vmem>>) offsets(%dma_start3A_163 : memref<125xi32, #tpu.memory_space<vmem>>) semaphore(%arg17 : memref<!tpu.dma_semaphore, #tpu.memory_space<semaphore_mem>>)
      %add3A_167 = arith.constant 3 : i32
      %add3A_168 = arith.addi %mul3A_113, %add3A_167 : i32
      %dma_wait3A_169 = arith.constant 0 : i32
      %dma_wait3A_170 = tpu.memref_slice %arg7[%add3A_168, %dma_wait3A_169] : memref<160x125xi32, #tpu.memory_space<vmem>> -> memref<1x125xi32, #tpu.memory_space<vmem>>
      %dma_wait3A_171 = tpu.memref_squeeze %dma_wait3A_170 : memref<1x125xi32, #tpu.memory_space<vmem>> -> memref<125xi32, #tpu.memory_space<vmem>>
      %dma_wait3A_172 = arith.constant 0 : i32
      %dma_wait3A_173 = arith.constant 0 : i32
      %dma_wait3A_174 = tpu.memref_slice %arg2[%dma_wait3A_172, %dma_wait3A_173] : memref<20000x32xf32, #tpu.memory_space<hbm>> -> memref<20000x32xf32, #tpu.memory_space<hbm>>
      tpu.wait_indirect_dma semaphore(%arg18 : memref<!tpu.dma_semaphore, #tpu.memory_space<semaphore_mem>>) src(%dma_wait3A_174 : memref<20000x32xf32, #tpu.memory_space<hbm>>) dst(%arg12 : memref<125x32xf32, #tpu.memory_space<vmem>>)
      "tpu.region"() ({
        %run_scoped3A_204 = tpu.sem_alloc : memref<!tpu.dma_semaphore, #tpu.memory_space<semaphore_mem>>
        %dma_start3A_205 = arith.constant 0 : i32
        %dma_start3A_206 = tpu.memref_slice %arg8[%add3A_168, %dma_start3A_205] : memref<160x125xi32, #tpu.memory_space<vmem>> -> memref<1x125xi32, #tpu.memory_space<vmem>>
        %dma_start3A_207 = tpu.memref_squeeze %dma_start3A_206 : memref<1x125xi32, #tpu.memory_space<vmem>> -> memref<125xi32, #tpu.memory_space<vmem>>
        %dma_start3A_208 = arith.constant 0 : i32
        %dma_start3A_209 = arith.constant 0 : i32
        %dma_start3A_210 = tpu.memref_slice %arg14[%dma_start3A_208, %dma_start3A_209] : memref<10112x32xf32, #tpu.memory_space<vmem_shared>> -> memref<10112x32xf32, #tpu.memory_space<vmem_shared>>
        tpu.enqueue_indirect_dma source(%arg12 : memref<125x32xf32, #tpu.memory_space<vmem>>) target(%dma_start3A_210 : memref<10112x32xf32, #tpu.memory_space<vmem_shared>>) offsets(%dma_start3A_207 : memref<125xi32, #tpu.memory_space<vmem>>) semaphore(%run_scoped3A_204 : memref<!tpu.dma_semaphore, #tpu.memory_space<semaphore_mem>>) {add = true}
        %dma_wait3A_211 = arith.constant 0 : i32
        %dma_wait3A_212 = tpu.memref_slice %arg8[%add3A_168, %dma_wait3A_211] : memref<160x125xi32, #tpu.memory_space<vmem>> -> memref<1x125xi32, #tpu.memory_space<vmem>>
        %dma_wait3A_213 = tpu.memref_squeeze %dma_wait3A_212 : memref<1x125xi32, #tpu.memory_space<vmem>> -> memref<125xi32, #tpu.memory_space<vmem>>
        %dma_wait3A_214 = arith.constant 0 : i32
        %dma_wait3A_215 = arith.constant 0 : i32
        %dma_wait3A_216 = tpu.memref_slice %arg14[%dma_wait3A_214, %dma_wait3A_215] : memref<10112x32xf32, #tpu.memory_space<vmem_shared>> -> memref<10112x32xf32, #tpu.memory_space<vmem_shared>>
        tpu.wait_indirect_dma semaphore(%run_scoped3A_204 : memref<!tpu.dma_semaphore, #tpu.memory_space<semaphore_mem>>) src(%arg12 : memref<125x32xf32, #tpu.memory_space<vmem>>) dst(%dma_wait3A_216 : memref<10112x32xf32, #tpu.memory_space<vmem_shared>>)
        tpu.yield
      }) : () -> ()
      %add3A_175 = arith.constant 5 : i32
      %add3A_176 = arith.addi %mul3A_113, %add3A_175 : i32
      %add3A_177 = arith.constant 3 : i32
      %add3A_178 = arith.addi %add3A_176, %add3A_177 : i32
      %dma_start3A_179 = arith.constant 0 : i32
      %dma_start3A_180 = tpu.memref_slice %arg7[%add3A_178, %dma_start3A_179] : memref<160x125xi32, #tpu.memory_space<vmem>> -> memref<1x125xi32, #tpu.memory_space<vmem>>
      %dma_start3A_181 = tpu.memref_squeeze %dma_start3A_180 : memref<1x125xi32, #tpu.memory_space<vmem>> -> memref<125xi32, #tpu.memory_space<vmem>>
      %dma_start3A_182 = arith.constant 0 : i32
      %dma_start3A_183 = arith.constant 0 : i32
      %dma_start3A_184 = tpu.memref_slice %arg2[%dma_start3A_182, %dma_start3A_183] : memref<20000x32xf32, #tpu.memory_space<hbm>> -> memref<20000x32xf32, #tpu.memory_space<hbm>>
      tpu.enqueue_indirect_dma source(%dma_start3A_184 : memref<20000x32xf32, #tpu.memory_space<hbm>>) target(%arg12 : memref<125x32xf32, #tpu.memory_space<vmem>>) offsets(%dma_start3A_181 : memref<125xi32, #tpu.memory_space<vmem>>) semaphore(%arg18 : memref<!tpu.dma_semaphore, #tpu.memory_space<semaphore_mem>>)
      %add3A_185 = arith.constant 4 : i32
      %add3A_186 = arith.addi %mul3A_113, %add3A_185 : i32
      %dma_wait3A_187 = arith.constant 0 : i32
      %dma_wait3A_188 = tpu.memref_slice %arg7[%add3A_186, %dma_wait3A_187] : memref<160x125xi32, #tpu.memory_space<vmem>> -> memref<1x125xi32, #tpu.memory_space<vmem>>
      %dma_wait3A_189 = tpu.memref_squeeze %dma_wait3A_188 : memref<1x125xi32, #tpu.memory_space<vmem>> -> memref<125xi32, #tpu.memory_space<vmem>>
      %dma_wait3A_190 = arith.constant 0 : i32
      %dma_wait3A_191 = arith.constant 0 : i32
      %dma_wait3A_192 = tpu.memref_slice %arg2[%dma_wait3A_190, %dma_wait3A_191] : memref<20000x32xf32, #tpu.memory_space<hbm>> -> memref<20000x32xf32, #tpu.memory_space<hbm>>
      tpu.wait_indirect_dma semaphore(%arg19 : memref<!tpu.dma_semaphore, #tpu.memory_space<semaphore_mem>>) src(%dma_wait3A_192 : memref<20000x32xf32, #tpu.memory_space<hbm>>) dst(%arg13 : memref<125x32xf32, #tpu.memory_space<vmem>>)
      "tpu.region"() ({
        %run_scoped3A_204 = tpu.sem_alloc : memref<!tpu.dma_semaphore, #tpu.memory_space<semaphore_mem>>
        %dma_start3A_205 = arith.constant 0 : i32
        %dma_start3A_206 = tpu.memref_slice %arg8[%add3A_186, %dma_start3A_205] : memref<160x125xi32, #tpu.memory_space<vmem>> -> memref<1x125xi32, #tpu.memory_space<vmem>>
        %dma_start3A_207 = tpu.memref_squeeze %dma_start3A_206 : memref<1x125xi32, #tpu.memory_space<vmem>> -> memref<125xi32, #tpu.memory_space<vmem>>
        %dma_start3A_208 = arith.constant 0 : i32
        %dma_start3A_209 = arith.constant 0 : i32
        %dma_start3A_210 = tpu.memref_slice %arg14[%dma_start3A_208, %dma_start3A_209] : memref<10112x32xf32, #tpu.memory_space<vmem_shared>> -> memref<10112x32xf32, #tpu.memory_space<vmem_shared>>
        tpu.enqueue_indirect_dma source(%arg13 : memref<125x32xf32, #tpu.memory_space<vmem>>) target(%dma_start3A_210 : memref<10112x32xf32, #tpu.memory_space<vmem_shared>>) offsets(%dma_start3A_207 : memref<125xi32, #tpu.memory_space<vmem>>) semaphore(%run_scoped3A_204 : memref<!tpu.dma_semaphore, #tpu.memory_space<semaphore_mem>>) {add = true}
        %dma_wait3A_211 = arith.constant 0 : i32
        %dma_wait3A_212 = tpu.memref_slice %arg8[%add3A_186, %dma_wait3A_211] : memref<160x125xi32, #tpu.memory_space<vmem>> -> memref<1x125xi32, #tpu.memory_space<vmem>>
        %dma_wait3A_213 = tpu.memref_squeeze %dma_wait3A_212 : memref<1x125xi32, #tpu.memory_space<vmem>> -> memref<125xi32, #tpu.memory_space<vmem>>
        %dma_wait3A_214 = arith.constant 0 : i32
        %dma_wait3A_215 = arith.constant 0 : i32
        %dma_wait3A_216 = tpu.memref_slice %arg14[%dma_wait3A_214, %dma_wait3A_215] : memref<10112x32xf32, #tpu.memory_space<vmem_shared>> -> memref<10112x32xf32, #tpu.memory_space<vmem_shared>>
        tpu.wait_indirect_dma semaphore(%run_scoped3A_204 : memref<!tpu.dma_semaphore, #tpu.memory_space<semaphore_mem>>) src(%arg13 : memref<125x32xf32, #tpu.memory_space<vmem>>) dst(%dma_wait3A_216 : memref<10112x32xf32, #tpu.memory_space<vmem_shared>>)
        tpu.yield
      }) : () -> ()
      %add3A_193 = arith.constant 5 : i32
      %add3A_194 = arith.addi %mul3A_113, %add3A_193 : i32
      %add3A_195 = arith.constant 4 : i32
      %add3A_196 = arith.addi %add3A_194, %add3A_195 : i32
      %dma_start3A_197 = arith.constant 0 : i32
      %dma_start3A_198 = tpu.memref_slice %arg7[%add3A_196, %dma_start3A_197] : memref<160x125xi32, #tpu.memory_space<vmem>> -> memref<1x125xi32, #tpu.memory_space<vmem>>
      %dma_start3A_199 = tpu.memref_squeeze %dma_start3A_198 : memref<1x125xi32, #tpu.memory_space<vmem>> -> memref<125xi32, #tpu.memory_space<vmem>>
      %dma_start3A_200 = arith.constant 0 : i32
      %dma_start3A_201 = arith.constant 0 : i32
      %dma_start3A_202 = tpu.memref_slice %arg2[%dma_start3A_200, %dma_start3A_201] : memref<20000x32xf32, #tpu.memory_space<hbm>> -> memref<20000x32xf32, #tpu.memory_space<hbm>>
      tpu.enqueue_indirect_dma source(%dma_start3A_202 : memref<20000x32xf32, #tpu.memory_space<hbm>>) target(%arg13 : memref<125x32xf32, #tpu.memory_space<vmem>>) offsets(%dma_start3A_199 : memref<125xi32, #tpu.memory_space<vmem>>) semaphore(%arg19 : memref<!tpu.dma_semaphore, #tpu.memory_space<semaphore_mem>>)
      %scan3A_203 = arith.constant 0 : i32
      scf.yield %scan3A_203 : i32
    }
    %scan3A_67 = arith.constant 31 : i32
    %dma_wait3A_68 = arith.constant 155 : i32
    %dma_wait3A_69 = arith.constant 0 : i32
    %dma_wait3A_70 = tpu.memref_slice %arg7[%dma_wait3A_68, %dma_wait3A_69] : memref<160x125xi32, #tpu.memory_space<vmem>> -> memref<1x125xi32, #tpu.memory_space<vmem>>
    %dma_wait3A_71 = tpu.memref_squeeze %dma_wait3A_70 : memref<1x125xi32, #tpu.memory_space<vmem>> -> memref<125xi32, #tpu.memory_space<vmem>>
    %dma_wait3A_72 = arith.constant 0 : i32
    %dma_wait3A_73 = arith.constant 0 : i32
    %dma_wait3A_74 = tpu.memref_slice %arg2[%dma_wait3A_72, %dma_wait3A_73] : memref<20000x32xf32, #tpu.memory_space<hbm>> -> memref<20000x32xf32, #tpu.memory_space<hbm>>
    tpu.wait_indirect_dma semaphore(%arg15 : memref<!tpu.dma_semaphore, #tpu.memory_space<semaphore_mem>>) src(%dma_wait3A_74 : memref<20000x32xf32, #tpu.memory_space<hbm>>) dst(%arg9 : memref<125x32xf32, #tpu.memory_space<vmem>>)
    %run_scoped3A = arith.constant 155 : i32
    "tpu.region"() ({
      %run_scoped3A_110 = tpu.sem_alloc : memref<!tpu.dma_semaphore, #tpu.memory_space<semaphore_mem>>
      %dma_start3A_111 = arith.constant 0 : i32
      %dma_start3A_112 = tpu.memref_slice %arg8[%run_scoped3A, %dma_start3A_111] : memref<160x125xi32, #tpu.memory_space<vmem>> -> memref<1x125xi32, #tpu.memory_space<vmem>>
      %dma_start3A_113 = tpu.memref_squeeze %dma_start3A_112 : memref<1x125xi32, #tpu.memory_space<vmem>> -> memref<125xi32, #tpu.memory_space<vmem>>
      %dma_start3A_114 = arith.constant 0 : i32
      %dma_start3A_115 = arith.constant 0 : i32
      %dma_start3A_116 = tpu.memref_slice %arg14[%dma_start3A_114, %dma_start3A_115] : memref<10112x32xf32, #tpu.memory_space<vmem_shared>> -> memref<10112x32xf32, #tpu.memory_space<vmem_shared>>
      tpu.enqueue_indirect_dma source(%arg9 : memref<125x32xf32, #tpu.memory_space<vmem>>) target(%dma_start3A_116 : memref<10112x32xf32, #tpu.memory_space<vmem_shared>>) offsets(%dma_start3A_113 : memref<125xi32, #tpu.memory_space<vmem>>) semaphore(%run_scoped3A_110 : memref<!tpu.dma_semaphore, #tpu.memory_space<semaphore_mem>>) {add = true}
      %dma_wait3A_117 = arith.constant 0 : i32
      %dma_wait3A_118 = tpu.memref_slice %arg8[%run_scoped3A, %dma_wait3A_117] : memref<160x125xi32, #tpu.memory_space<vmem>> -> memref<1x125xi32, #tpu.memory_space<vmem>>
      %dma_wait3A_119 = tpu.memref_squeeze %dma_wait3A_118 : memref<1x125xi32, #tpu.memory_space<vmem>> -> memref<125xi32, #tpu.memory_space<vmem>>
      %dma_wait3A_120 = arith.constant 0 : i32
      %dma_wait3A_121 = arith.constant 0 : i32
      %dma_wait3A_122 = tpu.memref_slice %arg14[%dma_wait3A_120, %dma_wait3A_121] : memref<10112x32xf32, #tpu.memory_space<vmem_shared>> -> memref<10112x32xf32, #tpu.memory_space<vmem_shared>>
      tpu.wait_indirect_dma semaphore(%run_scoped3A_110 : memref<!tpu.dma_semaphore, #tpu.memory_space<semaphore_mem>>) src(%arg9 : memref<125x32xf32, #tpu.memory_space<vmem>>) dst(%dma_wait3A_122 : memref<10112x32xf32, #tpu.memory_space<vmem_shared>>)
      tpu.yield
    }) : () -> ()
    %dma_wait3A_75 = arith.constant 156 : i32
    %dma_wait3A_76 = arith.constant 0 : i32
    %dma_wait3A_77 = tpu.memref_slice %arg7[%dma_wait3A_75, %dma_wait3A_76] : memref<160x125xi32, #tpu.memory_space<vmem>> -> memref<1x125xi32, #tpu.memory_space<vmem>>
    %dma_wait3A_78 = tpu.memref_squeeze %dma_wait3A_77 : memref<1x125xi32, #tpu.memory_space<vmem>> -> memref<125xi32, #tpu.memory_space<vmem>>
    %dma_wait3A_79 = arith.constant 0 : i32
    %dma_wait3A_80 = arith.constant 0 : i32
    %dma_wait3A_81 = tpu.memref_slice %arg2[%dma_wait3A_79, %dma_wait3A_80] : memref<20000x32xf32, #tpu.memory_space<hbm>> -> memref<20000x32xf32, #tpu.memory_space<hbm>>
    tpu.wait_indirect_dma semaphore(%arg16 : memref<!tpu.dma_semaphore, #tpu.memory_space<semaphore_mem>>) src(%dma_wait3A_81 : memref<20000x32xf32, #tpu.memory_space<hbm>>) dst(%arg10 : memref<125x32xf32, #tpu.memory_space<vmem>>)
    %run_scoped3A_82 = arith.constant 156 : i32
    "tpu.region"() ({
      %run_scoped3A_110 = tpu.sem_alloc : memref<!tpu.dma_semaphore, #tpu.memory_space<semaphore_mem>>
      %dma_start3A_111 = arith.constant 0 : i32
      %dma_start3A_112 = tpu.memref_slice %arg8[%run_scoped3A_82, %dma_start3A_111] : memref<160x125xi32, #tpu.memory_space<vmem>> -> memref<1x125xi32, #tpu.memory_space<vmem>>
      %dma_start3A_113 = tpu.memref_squeeze %dma_start3A_112 : memref<1x125xi32, #tpu.memory_space<vmem>> -> memref<125xi32, #tpu.memory_space<vmem>>
      %dma_start3A_114 = arith.constant 0 : i32
      %dma_start3A_115 = arith.constant 0 : i32
      %dma_start3A_116 = tpu.memref_slice %arg14[%dma_start3A_114, %dma_start3A_115] : memref<10112x32xf32, #tpu.memory_space<vmem_shared>> -> memref<10112x32xf32, #tpu.memory_space<vmem_shared>>
      tpu.enqueue_indirect_dma source(%arg10 : memref<125x32xf32, #tpu.memory_space<vmem>>) target(%dma_start3A_116 : memref<10112x32xf32, #tpu.memory_space<vmem_shared>>) offsets(%dma_start3A_113 : memref<125xi32, #tpu.memory_space<vmem>>) semaphore(%run_scoped3A_110 : memref<!tpu.dma_semaphore, #tpu.memory_space<semaphore_mem>>) {add = true}
      %dma_wait3A_117 = arith.constant 0 : i32
      %dma_wait3A_118 = tpu.memref_slice %arg8[%run_scoped3A_82, %dma_wait3A_117] : memref<160x125xi32, #tpu.memory_space<vmem>> -> memref<1x125xi32, #tpu.memory_space<vmem>>
      %dma_wait3A_119 = tpu.memref_squeeze %dma_wait3A_118 : memref<1x125xi32, #tpu.memory_space<vmem>> -> memref<125xi32, #tpu.memory_space<vmem>>
      %dma_wait3A_120 = arith.constant 0 : i32
      %dma_wait3A_121 = arith.constant 0 : i32
      %dma_wait3A_122 = tpu.memref_slice %arg14[%dma_wait3A_120, %dma_wait3A_121] : memref<10112x32xf32, #tpu.memory_space<vmem_shared>> -> memref<10112x32xf32, #tpu.memory_space<vmem_shared>>
      tpu.wait_indirect_dma semaphore(%run_scoped3A_110 : memref<!tpu.dma_semaphore, #tpu.memory_space<semaphore_mem>>) src(%arg10 : memref<125x32xf32, #tpu.memory_space<vmem>>) dst(%dma_wait3A_122 : memref<10112x32xf32, #tpu.memory_space<vmem_shared>>)
      tpu.yield
    }) : () -> ()
    %dma_wait3A_83 = arith.constant 157 : i32
    %dma_wait3A_84 = arith.constant 0 : i32
    %dma_wait3A_85 = tpu.memref_slice %arg7[%dma_wait3A_83, %dma_wait3A_84] : memref<160x125xi32, #tpu.memory_space<vmem>> -> memref<1x125xi32, #tpu.memory_space<vmem>>
    %dma_wait3A_86 = tpu.memref_squeeze %dma_wait3A_85 : memref<1x125xi32, #tpu.memory_space<vmem>> -> memref<125xi32, #tpu.memory_space<vmem>>
    %dma_wait3A_87 = arith.constant 0 : i32
    %dma_wait3A_88 = arith.constant 0 : i32
    %dma_wait3A_89 = tpu.memref_slice %arg2[%dma_wait3A_87, %dma_wait3A_88] : memref<20000x32xf32, #tpu.memory_space<hbm>> -> memref<20000x32xf32, #tpu.memory_space<hbm>>
    tpu.wait_indirect_dma semaphore(%arg17 : memref<!tpu.dma_semaphore, #tpu.memory_space<semaphore_mem>>) src(%dma_wait3A_89 : memref<20000x32xf32, #tpu.memory_space<hbm>>) dst(%arg11 : memref<125x32xf32, #tpu.memory_space<vmem>>)
    %run_scoped3A_90 = arith.constant 157 : i32
    "tpu.region"() ({
      %run_scoped3A_110 = tpu.sem_alloc : memref<!tpu.dma_semaphore, #tpu.memory_space<semaphore_mem>>
      %dma_start3A_111 = arith.constant 0 : i32
      %dma_start3A_112 = tpu.memref_slice %arg8[%run_scoped3A_90, %dma_start3A_111] : memref<160x125xi32, #tpu.memory_space<vmem>> -> memref<1x125xi32, #tpu.memory_space<vmem>>
      %dma_start3A_113 = tpu.memref_squeeze %dma_start3A_112 : memref<1x125xi32, #tpu.memory_space<vmem>> -> memref<125xi32, #tpu.memory_space<vmem>>
      %dma_start3A_114 = arith.constant 0 : i32
      %dma_start3A_115 = arith.constant 0 : i32
      %dma_start3A_116 = tpu.memref_slice %arg14[%dma_start3A_114, %dma_start3A_115] : memref<10112x32xf32, #tpu.memory_space<vmem_shared>> -> memref<10112x32xf32, #tpu.memory_space<vmem_shared>>
      tpu.enqueue_indirect_dma source(%arg11 : memref<125x32xf32, #tpu.memory_space<vmem>>) target(%dma_start3A_116 : memref<10112x32xf32, #tpu.memory_space<vmem_shared>>) offsets(%dma_start3A_113 : memref<125xi32, #tpu.memory_space<vmem>>) semaphore(%run_scoped3A_110 : memref<!tpu.dma_semaphore, #tpu.memory_space<semaphore_mem>>) {add = true}
      %dma_wait3A_117 = arith.constant 0 : i32
      %dma_wait3A_118 = tpu.memref_slice %arg8[%run_scoped3A_90, %dma_wait3A_117] : memref<160x125xi32, #tpu.memory_space<vmem>> -> memref<1x125xi32, #tpu.memory_space<vmem>>
      %dma_wait3A_119 = tpu.memref_squeeze %dma_wait3A_118 : memref<1x125xi32, #tpu.memory_space<vmem>> -> memref<125xi32, #tpu.memory_space<vmem>>
      %dma_wait3A_120 = arith.constant 0 : i32
      %dma_wait3A_121 = arith.constant 0 : i32
      %dma_wait3A_122 = tpu.memref_slice %arg14[%dma_wait3A_120, %dma_wait3A_121] : memref<10112x32xf32, #tpu.memory_space<vmem_shared>> -> memref<10112x32xf32, #tpu.memory_space<vmem_shared>>
      tpu.wait_indirect_dma semaphore(%run_scoped3A_110 : memref<!tpu.dma_semaphore, #tpu.memory_space<semaphore_mem>>) src(%arg11 : memref<125x32xf32, #tpu.memory_space<vmem>>) dst(%dma_wait3A_122 : memref<10112x32xf32, #tpu.memory_space<vmem_shared>>)
      tpu.yield
    }) : () -> ()
    %dma_wait3A_91 = arith.constant 158 : i32
    %dma_wait3A_92 = arith.constant 0 : i32
    %dma_wait3A_93 = tpu.memref_slice %arg7[%dma_wait3A_91, %dma_wait3A_92] : memref<160x125xi32, #tpu.memory_space<vmem>> -> memref<1x125xi32, #tpu.memory_space<vmem>>
    %dma_wait3A_94 = tpu.memref_squeeze %dma_wait3A_93 : memref<1x125xi32, #tpu.memory_space<vmem>> -> memref<125xi32, #tpu.memory_space<vmem>>
    %dma_wait3A_95 = arith.constant 0 : i32
    %dma_wait3A_96 = arith.constant 0 : i32
    %dma_wait3A_97 = tpu.memref_slice %arg2[%dma_wait3A_95, %dma_wait3A_96] : memref<20000x32xf32, #tpu.memory_space<hbm>> -> memref<20000x32xf32, #tpu.memory_space<hbm>>
    tpu.wait_indirect_dma semaphore(%arg18 : memref<!tpu.dma_semaphore, #tpu.memory_space<semaphore_mem>>) src(%dma_wait3A_97 : memref<20000x32xf32, #tpu.memory_space<hbm>>) dst(%arg12 : memref<125x32xf32, #tpu.memory_space<vmem>>)
    %run_scoped3A_98 = arith.constant 158 : i32
    "tpu.region"() ({
      %run_scoped3A_110 = tpu.sem_alloc : memref<!tpu.dma_semaphore, #tpu.memory_space<semaphore_mem>>
      %dma_start3A_111 = arith.constant 0 : i32
      %dma_start3A_112 = tpu.memref_slice %arg8[%run_scoped3A_98, %dma_start3A_111] : memref<160x125xi32, #tpu.memory_space<vmem>> -> memref<1x125xi32, #tpu.memory_space<vmem>>
      %dma_start3A_113 = tpu.memref_squeeze %dma_start3A_112 : memref<1x125xi32, #tpu.memory_space<vmem>> -> memref<125xi32, #tpu.memory_space<vmem>>
      %dma_start3A_114 = arith.constant 0 : i32
      %dma_start3A_115 = arith.constant 0 : i32
      %dma_start3A_116 = tpu.memref_slice %arg14[%dma_start3A_114, %dma_start3A_115] : memref<10112x32xf32, #tpu.memory_space<vmem_shared>> -> memref<10112x32xf32, #tpu.memory_space<vmem_shared>>
      tpu.enqueue_indirect_dma source(%arg12 : memref<125x32xf32, #tpu.memory_space<vmem>>) target(%dma_start3A_116 : memref<10112x32xf32, #tpu.memory_space<vmem_shared>>) offsets(%dma_start3A_113 : memref<125xi32, #tpu.memory_space<vmem>>) semaphore(%run_scoped3A_110 : memref<!tpu.dma_semaphore, #tpu.memory_space<semaphore_mem>>) {add = true}
      %dma_wait3A_117 = arith.constant 0 : i32
      %dma_wait3A_118 = tpu.memref_slice %arg8[%run_scoped3A_98, %dma_wait3A_117] : memref<160x125xi32, #tpu.memory_space<vmem>> -> memref<1x125xi32, #tpu.memory_space<vmem>>
      %dma_wait3A_119 = tpu.memref_squeeze %dma_wait3A_118 : memref<1x125xi32, #tpu.memory_space<vmem>> -> memref<125xi32, #tpu.memory_space<vmem>>
      %dma_wait3A_120 = arith.constant 0 : i32
      %dma_wait3A_121 = arith.constant 0 : i32
      %dma_wait3A_122 = tpu.memref_slice %arg14[%dma_wait3A_120, %dma_wait3A_121] : memref<10112x32xf32, #tpu.memory_space<vmem_shared>> -> memref<10112x32xf32, #tpu.memory_space<vmem_shared>>
      tpu.wait_indirect_dma semaphore(%run_scoped3A_110 : memref<!tpu.dma_semaphore, #tpu.memory_space<semaphore_mem>>) src(%arg12 : memref<125x32xf32, #tpu.memory_space<vmem>>) dst(%dma_wait3A_122 : memref<10112x32xf32, #tpu.memory_space<vmem_shared>>)
      tpu.yield
    }) : () -> ()
    %dma_wait3A_99 = arith.constant 159 : i32
    %dma_wait3A_100 = arith.constant 0 : i32
    %dma_wait3A_101 = tpu.memref_slice %arg7[%dma_wait3A_99, %dma_wait3A_100] : memref<160x125xi32, #tpu.memory_space<vmem>> -> memref<1x125xi32, #tpu.memory_space<vmem>>
    %dma_wait3A_102 = tpu.memref_squeeze %dma_wait3A_101 : memref<1x125xi32, #tpu.memory_space<vmem>> -> memref<125xi32, #tpu.memory_space<vmem>>
    %dma_wait3A_103 = arith.constant 0 : i32
    %dma_wait3A_104 = arith.constant 0 : i32
    %dma_wait3A_105 = tpu.memref_slice %arg2[%dma_wait3A_103, %dma_wait3A_104] : memref<20000x32xf32, #tpu.memory_space<hbm>> -> memref<20000x32xf32, #tpu.memory_space<hbm>>
    tpu.wait_indirect_dma semaphore(%arg19 : memref<!tpu.dma_semaphore, #tpu.memory_space<semaphore_mem>>) src(%dma_wait3A_105 : memref<20000x32xf32, #tpu.memory_space<hbm>>) dst(%arg13 : memref<125x32xf32, #tpu.memory_space<vmem>>)
    %run_scoped3A_106 = arith.constant 159 : i32
    "tpu.region"() ({
      %run_scoped3A_110 = tpu.sem_alloc : memref<!tpu.dma_semaphore, #tpu.memory_space<semaphore_mem>>
      %dma_start3A_111 = arith.constant 0 : i32
      %dma_start3A_112 = tpu.memref_slice %arg8[%run_scoped3A_106, %dma_start3A_111] : memref<160x125xi32, #tpu.memory_space<vmem>> -> memref<1x125xi32, #tpu.memory_space<vmem>>
      %dma_start3A_113 = tpu.memref_squeeze %dma_start3A_112 : memref<1x125xi32, #tpu.memory_space<vmem>> -> memref<125xi32, #tpu.memory_space<vmem>>
      %dma_start3A_114 = arith.constant 0 : i32
      %dma_start3A_115 = arith.constant 0 : i32
      %dma_start3A_116 = tpu.memref_slice %arg14[%dma_start3A_114, %dma_start3A_115] : memref<10112x32xf32, #tpu.memory_space<vmem_shared>> -> memref<10112x32xf32, #tpu.memory_space<vmem_shared>>
      tpu.enqueue_indirect_dma source(%arg13 : memref<125x32xf32, #tpu.memory_space<vmem>>) target(%dma_start3A_116 : memref<10112x32xf32, #tpu.memory_space<vmem_shared>>) offsets(%dma_start3A_113 : memref<125xi32, #tpu.memory_space<vmem>>) semaphore(%run_scoped3A_110 : memref<!tpu.dma_semaphore, #tpu.memory_space<semaphore_mem>>) {add = true}
      %dma_wait3A_117 = arith.constant 0 : i32
      %dma_wait3A_118 = tpu.memref_slice %arg8[%run_scoped3A_106, %dma_wait3A_117] : memref<160x125xi32, #tpu.memory_space<vmem>> -> memref<1x125xi32, #tpu.memory_space<vmem>>
      %dma_wait3A_119 = tpu.memref_squeeze %dma_wait3A_118 : memref<1x125xi32, #tpu.memory_space<vmem>> -> memref<125xi32, #tpu.memory_space<vmem>>
      %dma_wait3A_120 = arith.constant 0 : i32
      %dma_wait3A_121 = arith.constant 0 : i32
      %dma_wait3A_122 = tpu.memref_slice %arg14[%dma_wait3A_120, %dma_wait3A_121] : memref<10112x32xf32, #tpu.memory_space<vmem_shared>> -> memref<10112x32xf32, #tpu.memory_space<vmem_shared>>
      tpu.wait_indirect_dma semaphore(%run_scoped3A_110 : memref<!tpu.dma_semaphore, #tpu.memory_space<semaphore_mem>>) src(%arg13 : memref<125x32xf32, #tpu.memory_space<vmem>>) dst(%dma_wait3A_122 : memref<10112x32xf32, #tpu.memory_space<vmem_shared>>)
      tpu.yield
    }) : () -> ()
    %barrier3A_107 = arith.constant 0 : index
    tpu.barrier barrier_id(%barrier3A_107)
    %mul3A_108 = arith.constant 32 : i32
    %mul3A_109 = arith.muli %arg0, %mul3A_108 : i32
    "tpu.region"() ({
      %run_scoped3A_110 = tpu.sem_alloc : memref<!tpu.dma_semaphore, #tpu.memory_space<semaphore_mem>>
      %dma_start3A_111 = tpu.memref_slice %arg6[%mul3A_2, %mul3A_109] : memref<10112x64xf32, #tpu.memory_space<hbm>> -> memref<632x32xf32, #tpu.memory_space<hbm>>
      %dma_start3A_112 = arith.constant 0 : i32
      %dma_start3A_113 = tpu.memref_slice %arg14[%mul3A_2, %dma_start3A_112] : memref<10112x32xf32, #tpu.memory_space<vmem_shared>> -> memref<632x32xf32, #tpu.memory_space<vmem_shared>>
      tpu.enqueue_dma source(%dma_start3A_113 : memref<632x32xf32, #tpu.memory_space<vmem_shared>>) target(%dma_start3A_111 : memref<632x32xf32, #tpu.memory_space<hbm>>) target_semaphore(%run_scoped3A_110 : memref<!tpu.dma_semaphore, #tpu.memory_space<semaphore_mem>>)
      %dma_wait3A_114 = tpu.memref_slice %arg6[%mul3A_2, %mul3A_109] : memref<10112x64xf32, #tpu.memory_space<hbm>> -> memref<632x32xf32, #tpu.memory_space<hbm>>
      %dma_wait3A_115 = arith.constant 0 : i32
      %dma_wait3A_116 = tpu.memref_slice %arg14[%mul3A_2, %dma_wait3A_115] : memref<10112x32xf32, #tpu.memory_space<vmem_shared>> -> memref<632x32xf32, #tpu.memory_space<vmem_shared>>
      tpu.wait_dma2 semaphore(%run_scoped3A_110 : memref<!tpu.dma_semaphore, #tpu.memory_space<semaphore_mem>>) src(%dma_wait3A_116 : memref<632x32xf32, #tpu.memory_space<vmem_shared>>) dst(%dma_wait3A_114 : memref<632x32xf32, #tpu.memory_space<hbm>>)
      tpu.yield
    }) : () -> ()
    return
  }
}

#map = affine_map<(d0, d1) -> (0, 0)>
#map1 = affine_map<(d0, d1) -> (0, 0, 0)>
module attributes {stable_mosaic.version = 14 : i64} {
  func.func @agg(%arg0: i32, %arg1: i32, %arg2: memref<20000x32xf32, #tpu.memory_space<hbm>>, %arg3: memref<2x2560x125xi32, #tpu.memory_space<hbm>>, %arg4: memref<2x2560x125xi32, #tpu.memory_space<hbm>>, %arg5: memref<10112x32xf32, #tpu.memory_space<hbm>>, %arg6: memref<10112x64xf32, #tpu.memory_space<hbm>>, %arg7: memref<160x125xi32, #tpu.memory_space<vmem>>, %arg8: memref<160x125xi32, #tpu.memory_space<vmem>>, %arg9: memref<125x32xf32, #tpu.memory_space<vmem>>, %arg10: memref<125x32xf32, #tpu.memory_space<vmem>>, %arg11: memref<125x32xf32, #tpu.memory_space<vmem>>, %arg12: memref<125x32xf32, #tpu.memory_space<vmem>>, %arg13: memref<125x32xf32, #tpu.memory_space<vmem>>, %arg14: memref<10112x32xf32, #tpu.memory_space<vmem_shared>>, %arg15: memref<!tpu.dma_semaphore, #tpu.memory_space<semaphore_mem>>, %arg16: memref<!tpu.dma_semaphore, #tpu.memory_space<semaphore_mem>>, %arg17: memref<!tpu.dma_semaphore, #tpu.memory_space<semaphore_mem>>, %arg18: memref<!tpu.dma_semaphore, #tpu.memory_space<semaphore_mem>>, %arg19: memref<!tpu.dma_semaphore, #tpu.memory_space<semaphore_mem>>, %arg20: memref<!tpu.dma_semaphore, #tpu.memory_space<semaphore_mem>>) attributes {dimension_semantics = [#tpu.dimension_semantics<core_parallel>, #tpu.dimension_semantics<subcore_parallel>], iteration_bounds = array<i64: 2, 16>, scalar_prefetch = 0 : i64, scratch_operands = 14 : i64, tpu.core_type = #tpu.core_type<sc_vector_subcore>, window_params = [{transform_indices = #map}, {transform_indices = #map1}, {transform_indices = #map1}, {transform_indices = #map}, {transform_indices = #map}]} {
    %mul3A = arith.constant 160 : i32
    %mul3A_0 = arith.muli %arg1, %mul3A : i32
    %mul3A_1 = arith.constant 632 : i32
    %mul3A_2 = arith.muli %arg1, %mul3A_1 : i32
    %dma_start3A = arith.constant 0 : i32
    %dma_start3A_3 = tpu.memref_slice %arg3[%arg0, %mul3A_0, %dma_start3A] : memref<2x2560x125xi32, #tpu.memory_space<hbm>> -> memref<1x160x125xi32, #tpu.memory_space<hbm>>
    %dma_start3A_4 = tpu.memref_squeeze %dma_start3A_3 : memref<1x160x125xi32, #tpu.memory_space<hbm>> -> memref<160x125xi32, #tpu.memory_space<hbm>>
    %dma_start3A_5 = arith.constant 0 : i32
    %dma_start3A_6 = tpu.memref_slice %arg3[%arg0, %mul3A_0, %dma_start3A_5] : memref<2x2560x125xi32, #tpu.memory_space<hbm>> -> memref<1x160x125xi32, #tpu.memory_space<hbm>>
    %dma_start3A_7 = tpu.memref_squeeze %dma_start3A_6 : memref<1x160x125xi32, #tpu.memory_space<hbm>> -> memref<160x125xi32, #tpu.memory_space<hbm>>
    tpu.enqueue_dma source(%dma_start3A_7 : memref<160x125xi32, #tpu.memory_space<hbm>>) target(%arg7 : memref<160x125xi32, #tpu.memory_space<vmem>>) target_semaphore(%arg20 : memref<!tpu.dma_semaphore, #tpu.memory_space<semaphore_mem>>)
    %dma_start3A_8 = arith.constant 1 : i32
    %dma_start3A_9 = arith.constant 0 : i32
    %dma_start3A_10 = tpu.memref_slice %arg4[%dma_start3A_8, %mul3A_0, %dma_start3A_9] : memref<2x2560x125xi32, #tpu.memory_space<hbm>> -> memref<1x160x125xi32, #tpu.memory_space<hbm>>
    %dma_start3A_11 = tpu.memref_squeeze %dma_start3A_10 : memref<1x160x125xi32, #tpu.memory_space<hbm>> -> memref<160x125xi32, #tpu.memory_space<hbm>>
    %dma_start3A_12 = arith.constant 0 : i32
    %dma_start3A_13 = tpu.memref_slice %arg4[%dma_start3A_8, %mul3A_0, %dma_start3A_12] : memref<2x2560x125xi32, #tpu.memory_space<hbm>> -> memref<1x160x125xi32, #tpu.memory_space<hbm>>
    %dma_start3A_14 = tpu.memref_squeeze %dma_start3A_13 : memref<1x160x125xi32, #tpu.memory_space<hbm>> -> memref<160x125xi32, #tpu.memory_space<hbm>>
    tpu.enqueue_dma source(%dma_start3A_14 : memref<160x125xi32, #tpu.memory_space<hbm>>) target(%arg8 : memref<160x125xi32, #tpu.memory_space<vmem>>) target_semaphore(%arg20 : memref<!tpu.dma_semaphore, #tpu.memory_space<semaphore_mem>>)
    "tpu.region"() ({
      %run_scoped3A_110 = tpu.sem_alloc : memref<!tpu.dma_semaphore, #tpu.memory_space<semaphore_mem>>
      %dma_start3A_111 = arith.constant 0 : i32
      %dma_start3A_112 = tpu.memref_slice %arg14[%mul3A_2, %dma_start3A_111] : memref<10112x32xf32, #tpu.memory_space<vmem_shared>> -> memref<632x32xf32, #tpu.memory_space<vmem_shared>>
      %dma_start3A_113 = arith.constant 0 : i32
      %dma_start3A_114 = tpu.memref_slice %arg5[%mul3A_2, %dma_start3A_113] : memref<10112x32xf32, #tpu.memory_space<hbm>> -> memref<632x32xf32, #tpu.memory_space<hbm>>
      tpu.enqueue_dma source(%dma_start3A_114 : memref<632x32xf32, #tpu.memory_space<hbm>>) target(%dma_start3A_112 : memref<632x32xf32, #tpu.memory_space<vmem_shared>>) target_semaphore(%run_scoped3A_110 : memref<!tpu.dma_semaphore, #tpu.memory_space<semaphore_mem>>)
      %dma_wait3A_115 = arith.constant 0 : i32
      %dma_wait3A_116 = tpu.memref_slice %arg14[%mul3A_2, %dma_wait3A_115] : memref<10112x32xf32, #tpu.memory_space<vmem_shared>> -> memref<632x32xf32, #tpu.memory_space<vmem_shared>>
      %dma_wait3A_117 = arith.constant 0 : i32
      %dma_wait3A_118 = tpu.memref_slice %arg5[%mul3A_2, %dma_wait3A_117] : memref<10112x32xf32, #tpu.memory_space<hbm>> -> memref<632x32xf32, #tpu.memory_space<hbm>>
      tpu.wait_dma2 semaphore(%run_scoped3A_110 : memref<!tpu.dma_semaphore, #tpu.memory_space<semaphore_mem>>) src(%dma_wait3A_118 : memref<632x32xf32, #tpu.memory_space<hbm>>) dst(%dma_wait3A_116 : memref<632x32xf32, #tpu.memory_space<vmem_shared>>)
      tpu.yield
    }) : () -> ()
    %dma_wait3A = arith.constant 0 : i32
    %dma_wait3A_15 = tpu.memref_slice %arg3[%arg0, %mul3A_0, %dma_wait3A] : memref<2x2560x125xi32, #tpu.memory_space<hbm>> -> memref<1x160x125xi32, #tpu.memory_space<hbm>>
    %dma_wait3A_16 = tpu.memref_squeeze %dma_wait3A_15 : memref<1x160x125xi32, #tpu.memory_space<hbm>> -> memref<160x125xi32, #tpu.memory_space<hbm>>
    %dma_wait3A_17 = arith.constant 0 : i32
    %dma_wait3A_18 = tpu.memref_slice %arg3[%arg0, %mul3A_0, %dma_wait3A_17] : memref<2x2560x125xi32, #tpu.memory_space<hbm>> -> memref<1x160x125xi32, #tpu.memory_space<hbm>>
    %dma_wait3A_19 = tpu.memref_squeeze %dma_wait3A_18 : memref<1x160x125xi32, #tpu.memory_space<hbm>> -> memref<160x125xi32, #tpu.memory_space<hbm>>
    tpu.wait_dma2 semaphore(%arg20 : memref<!tpu.dma_semaphore, #tpu.memory_space<semaphore_mem>>) src(%dma_wait3A_19 : memref<160x125xi32, #tpu.memory_space<hbm>>) dst(%arg7 : memref<160x125xi32, #tpu.memory_space<vmem>>)
    %dma_wait3A_20 = arith.constant 1 : i32
    %dma_wait3A_21 = arith.constant 0 : i32
    %dma_wait3A_22 = tpu.memref_slice %arg4[%dma_wait3A_20, %mul3A_0, %dma_wait3A_21] : memref<2x2560x125xi32, #tpu.memory_space<hbm>> -> memref<1x160x125xi32, #tpu.memory_space<hbm>>
    %dma_wait3A_23 = tpu.memref_squeeze %dma_wait3A_22 : memref<1x160x125xi32, #tpu.memory_space<hbm>> -> memref<160x125xi32, #tpu.memory_space<hbm>>
    %dma_wait3A_24 = arith.constant 0 : i32
    %dma_wait3A_25 = tpu.memref_slice %arg4[%dma_wait3A_20, %mul3A_0, %dma_wait3A_24] : memref<2x2560x125xi32, #tpu.memory_space<hbm>> -> memref<1x160x125xi32, #tpu.memory_space<hbm>>
    %dma_wait3A_26 = tpu.memref_squeeze %dma_wait3A_25 : memref<1x160x125xi32, #tpu.memory_space<hbm>> -> memref<160x125xi32, #tpu.memory_space<hbm>>
    tpu.wait_dma2 semaphore(%arg20 : memref<!tpu.dma_semaphore, #tpu.memory_space<semaphore_mem>>) src(%dma_wait3A_26 : memref<160x125xi32, #tpu.memory_space<hbm>>) dst(%arg8 : memref<160x125xi32, #tpu.memory_space<vmem>>)
    %barrier3A = arith.constant 0 : index
    tpu.barrier barrier_id(%barrier3A)
    %dma_start3A_27 = arith.constant 0 : i32
    %dma_start3A_28 = arith.constant 0 : i32
    %dma_start3A_29 = tpu.memref_slice %arg7[%dma_start3A_27, %dma_start3A_28] : memref<160x125xi32, #tpu.memory_space<vmem>> -> memref<1x125xi32, #tpu.memory_space<vmem>>
    %dma_start3A_30 = tpu.memref_squeeze %dma_start3A_29 : memref<1x125xi32, #tpu.memory_space<vmem>> -> memref<125xi32, #tpu.memory_space<vmem>>
    %dma_start3A_31 = arith.constant 0 : i32
    %dma_start3A_32 = arith.constant 0 : i32
    %dma_start3A_33 = tpu.memref_slice %arg2[%dma_start3A_31, %dma_start3A_32] : memref<20000x32xf32, #tpu.memory_space<hbm>> -> memref<20000x32xf32, #tpu.memory_space<hbm>>
    tpu.enqueue_indirect_dma source(%dma_start3A_33 : memref<20000x32xf32, #tpu.memory_space<hbm>>) target(%arg9 : memref<125x32xf32, #tpu.memory_space<vmem>>) offsets(%dma_start3A_30 : memref<125xi32, #tpu.memory_space<vmem>>) semaphore(%arg15 : memref<!tpu.dma_semaphore, #tpu.memory_space<semaphore_mem>>)
    %dma_start3A_34 = arith.constant 1 : i32
    %dma_start3A_35 = arith.constant 0 : i32
    %dma_start3A_36 = tpu.memref_slice %arg7[%dma_start3A_34, %dma_start3A_35] : memref<160x125xi32, #tpu.memory_space<vmem>> -> memref<1x125xi32, #tpu.memory_space<vmem>>
    %dma_start3A_37 = tpu.memref_squeeze %dma_start3A_36 : memref<1x125xi32, #tpu.memory_space<vmem>> -> memref<125xi32, #tpu.memory_space<vmem>>
    %dma_start3A_38 = arith.constant 0 : i32
    %dma_start3A_39 = arith.constant 0 : i32
    %dma_start3A_40 = tpu.memref_slice %arg2[%dma_start3A_38, %dma_start3A_39] : memref<20000x32xf32, #tpu.memory_space<hbm>> -> memref<20000x32xf32, #tpu.memory_space<hbm>>
    tpu.enqueue_indirect_dma source(%dma_start3A_40 : memref<20000x32xf32, #tpu.memory_space<hbm>>) target(%arg10 : memref<125x32xf32, #tpu.memory_space<vmem>>) offsets(%dma_start3A_37 : memref<125xi32, #tpu.memory_space<vmem>>) semaphore(%arg16 : memref<!tpu.dma_semaphore, #tpu.memory_space<semaphore_mem>>)
    %dma_start3A_41 = arith.constant 2 : i32
    %dma_start3A_42 = arith.constant 0 : i32
    %dma_start3A_43 = tpu.memref_slice %arg7[%dma_start3A_41, %dma_start3A_42] : memref<160x125xi32, #tpu.memory_space<vmem>> -> memref<1x125xi32, #tpu.memory_space<vmem>>
    %dma_start3A_44 = tpu.memref_squeeze %dma_start3A_43 : memref<1x125xi32, #tpu.memory_space<vmem>> -> memref<125xi32, #tpu.memory_space<vmem>>
    %dma_start3A_45 = arith.constant 0 : i32
    %dma_start3A_46 = arith.constant 0 : i32
    %dma_start3A_47 = tpu.memref_slice %arg2[%dma_start3A_45, %dma_start3A_46] : memref<20000x32xf32, #tpu.memory_space<hbm>> -> memref<20000x32xf32, #tpu.memory_space<hbm>>
    tpu.enqueue_indirect_dma source(%dma_start3A_47 : memref<20000x32xf32, #tpu.memory_space<hbm>>) target(%arg11 : memref<125x32xf32, #tpu.memory_space<vmem>>) offsets(%dma_start3A_44 : memref<125xi32, #tpu.memory_space<vmem>>) semaphore(%arg17 : memref<!tpu.dma_semaphore, #tpu.memory_space<semaphore_mem>>)
    %dma_start3A_48 = arith.constant 3 : i32
    %dma_start3A_49 = arith.constant 0 : i32
    %dma_start3A_50 = tpu.memref_slice %arg7[%dma_start3A_48, %dma_start3A_49] : memref<160x125xi32, #tpu.memory_space<vmem>> -> memref<1x125xi32, #tpu.memory_space<vmem>>
    %dma_start3A_51 = tpu.memref_squeeze %dma_start3A_50 : memref<1x125xi32, #tpu.memory_space<vmem>> -> memref<125xi32, #tpu.memory_space<vmem>>
    %dma_start3A_52 = arith.constant 0 : i32
    %dma_start3A_53 = arith.constant 0 : i32
    %dma_start3A_54 = tpu.memref_slice %arg2[%dma_start3A_52, %dma_start3A_53] : memref<20000x32xf32, #tpu.memory_space<hbm>> -> memref<20000x32xf32, #tpu.memory_space<hbm>>
    tpu.enqueue_indirect_dma source(%dma_start3A_54 : memref<20000x32xf32, #tpu.memory_space<hbm>>) target(%arg12 : memref<125x32xf32, #tpu.memory_space<vmem>>) offsets(%dma_start3A_51 : memref<125xi32, #tpu.memory_space<vmem>>) semaphore(%arg18 : memref<!tpu.dma_semaphore, #tpu.memory_space<semaphore_mem>>)
    %dma_start3A_55 = arith.constant 4 : i32
    %dma_start3A_56 = arith.constant 0 : i32
    %dma_start3A_57 = tpu.memref_slice %arg7[%dma_start3A_55, %dma_start3A_56] : memref<160x125xi32, #tpu.memory_space<vmem>> -> memref<1x125xi32, #tpu.memory_space<vmem>>
    %dma_start3A_58 = tpu.memref_squeeze %dma_start3A_57 : memref<1x125xi32, #tpu.memory_space<vmem>> -> memref<125xi32, #tpu.memory_space<vmem>>
    %dma_start3A_59 = arith.constant 0 : i32
    %dma_start3A_60 = arith.constant 0 : i32
    %dma_start3A_61 = tpu.memref_slice %arg2[%dma_start3A_59, %dma_start3A_60] : memref<20000x32xf32, #tpu.memory_space<hbm>> -> memref<20000x32xf32, #tpu.memory_space<hbm>>
    tpu.enqueue_indirect_dma source(%dma_start3A_61 : memref<20000x32xf32, #tpu.memory_space<hbm>>) target(%arg13 : memref<125x32xf32, #tpu.memory_space<vmem>>) offsets(%dma_start3A_58 : memref<125xi32, #tpu.memory_space<vmem>>) semaphore(%arg19 : memref<!tpu.dma_semaphore, #tpu.memory_space<semaphore_mem>>)
    %scan3A = arith.constant 0 : i32
    %scan3A_62 = arith.constant 0 : i32
    %scan3A_63 = arith.constant 31 : i32
    %scan3A_64 = arith.addi %scan3A_62, %scan3A_63 : i32
    %scan3A_65 = arith.constant 1 : i32
    %scan3A_66 = scf.for %scan3A_110 = %scan3A_62 to %scan3A_64 step %scan3A_65 iter_args(%scan3A_111 = %scan3A) -> (i32)  : i32 {
      %mul3A_112 = arith.constant 5 : i32
      %mul3A_113 = arith.muli %scan3A_110, %mul3A_112 : i32
      %add3A = arith.constant 0 : i32
      %add3A_114 = arith.addi %mul3A_113, %add3A : i32
      %dma_wait3A_115 = arith.constant 0 : i32
      %dma_wait3A_116 = tpu.memref_slice %arg7[%add3A_114, %dma_wait3A_115] : memref<160x125xi32, #tpu.memory_space<vmem>> -> memref<1x125xi32, #tpu.memory_space<vmem>>
      %dma_wait3A_117 = tpu.memref_squeeze %dma_wait3A_116 : memref<1x125xi32, #tpu.memory_space<vmem>> -> memref<125xi32, #tpu.memory_space<vmem>>
      %dma_wait3A_118 = arith.constant 0 : i32
      %dma_wait3A_119 = arith.constant 0 : i32
      %dma_wait3A_120 = tpu.memref_slice %arg2[%dma_wait3A_118, %dma_wait3A_119] : memref<20000x32xf32, #tpu.memory_space<hbm>> -> memref<20000x32xf32, #tpu.memory_space<hbm>>
      tpu.wait_indirect_dma semaphore(%arg15 : memref<!tpu.dma_semaphore, #tpu.memory_space<semaphore_mem>>) src(%dma_wait3A_120 : memref<20000x32xf32, #tpu.memory_space<hbm>>) dst(%arg9 : memref<125x32xf32, #tpu.memory_space<vmem>>)
      "tpu.region"() ({
        %run_scoped3A_204 = tpu.sem_alloc : memref<!tpu.dma_semaphore, #tpu.memory_space<semaphore_mem>>
        %dma_start3A_205 = arith.constant 0 : i32
        %dma_start3A_206 = tpu.memref_slice %arg8[%add3A_114, %dma_start3A_205] : memref<160x125xi32, #tpu.memory_space<vmem>> -> memref<1x125xi32, #tpu.memory_space<vmem>>
        %dma_start3A_207 = tpu.memref_squeeze %dma_start3A_206 : memref<1x125xi32, #tpu.memory_space<vmem>> -> memref<125xi32, #tpu.memory_space<vmem>>
        %dma_start3A_208 = arith.constant 0 : i32
        %dma_start3A_209 = arith.constant 0 : i32
        %dma_start3A_210 = tpu.memref_slice %arg14[%dma_start3A_208, %dma_start3A_209] : memref<10112x32xf32, #tpu.memory_space<vmem_shared>> -> memref<10112x32xf32, #tpu.memory_space<vmem_shared>>
        tpu.enqueue_indirect_dma source(%arg9 : memref<125x32xf32, #tpu.memory_space<vmem>>) target(%dma_start3A_210 : memref<10112x32xf32, #tpu.memory_space<vmem_shared>>) offsets(%dma_start3A_207 : memref<125xi32, #tpu.memory_space<vmem>>) semaphore(%run_scoped3A_204 : memref<!tpu.dma_semaphore, #tpu.memory_space<semaphore_mem>>) {add = true}
        %dma_wait3A_211 = arith.constant 0 : i32
        %dma_wait3A_212 = tpu.memref_slice %arg8[%add3A_114, %dma_wait3A_211] : memref<160x125xi32, #tpu.memory_space<vmem>> -> memref<1x125xi32, #tpu.memory_space<vmem>>
        %dma_wait3A_213 = tpu.memref_squeeze %dma_wait3A_212 : memref<1x125xi32, #tpu.memory_space<vmem>> -> memref<125xi32, #tpu.memory_space<vmem>>
        %dma_wait3A_214 = arith.constant 0 : i32
        %dma_wait3A_215 = arith.constant 0 : i32
        %dma_wait3A_216 = tpu.memref_slice %arg14[%dma_wait3A_214, %dma_wait3A_215] : memref<10112x32xf32, #tpu.memory_space<vmem_shared>> -> memref<10112x32xf32, #tpu.memory_space<vmem_shared>>
        tpu.wait_indirect_dma semaphore(%run_scoped3A_204 : memref<!tpu.dma_semaphore, #tpu.memory_space<semaphore_mem>>) src(%arg9 : memref<125x32xf32, #tpu.memory_space<vmem>>) dst(%dma_wait3A_216 : memref<10112x32xf32, #tpu.memory_space<vmem_shared>>)
        tpu.yield
      }) : () -> ()
      %add3A_121 = arith.constant 5 : i32
      %add3A_122 = arith.addi %mul3A_113, %add3A_121 : i32
      %add3A_123 = arith.constant 0 : i32
      %add3A_124 = arith.addi %add3A_122, %add3A_123 : i32
      %dma_start3A_125 = arith.constant 0 : i32
      %dma_start3A_126 = tpu.memref_slice %arg7[%add3A_124, %dma_start3A_125] : memref<160x125xi32, #tpu.memory_space<vmem>> -> memref<1x125xi32, #tpu.memory_space<vmem>>
      %dma_start3A_127 = tpu.memref_squeeze %dma_start3A_126 : memref<1x125xi32, #tpu.memory_space<vmem>> -> memref<125xi32, #tpu.memory_space<vmem>>
      %dma_start3A_128 = arith.constant 0 : i32
      %dma_start3A_129 = arith.constant 0 : i32
      %dma_start3A_130 = tpu.memref_slice %arg2[%dma_start3A_128, %dma_start3A_129] : memref<20000x32xf32, #tpu.memory_space<hbm>> -> memref<20000x32xf32, #tpu.memory_space<hbm>>
      tpu.enqueue_indirect_dma source(%dma_start3A_130 : memref<20000x32xf32, #tpu.memory_space<hbm>>) target(%arg9 : memref<125x32xf32, #tpu.memory_space<vmem>>) offsets(%dma_start3A_127 : memref<125xi32, #tpu.memory_space<vmem>>) semaphore(%arg15 : memref<!tpu.dma_semaphore, #tpu.memory_space<semaphore_mem>>)
      %add3A_131 = arith.constant 1 : i32
      %add3A_132 = arith.addi %mul3A_113, %add3A_131 : i32
      %dma_wait3A_133 = arith.constant 0 : i32
      %dma_wait3A_134 = tpu.memref_slice %arg7[%add3A_132, %dma_wait3A_133] : memref<160x125xi32, #tpu.memory_space<vmem>> -> memref<1x125xi32, #tpu.memory_space<vmem>>
      %dma_wait3A_135 = tpu.memref_squeeze %dma_wait3A_134 : memref<1x125xi32, #tpu.memory_space<vmem>> -> memref<125xi32, #tpu.memory_space<vmem>>
      %dma_wait3A_136 = arith.constant 0 : i32
      %dma_wait3A_137 = arith.constant 0 : i32
      %dma_wait3A_138 = tpu.memref_slice %arg2[%dma_wait3A_136, %dma_wait3A_137] : memref<20000x32xf32, #tpu.memory_space<hbm>> -> memref<20000x32xf32, #tpu.memory_space<hbm>>
      tpu.wait_indirect_dma semaphore(%arg16 : memref<!tpu.dma_semaphore, #tpu.memory_space<semaphore_mem>>) src(%dma_wait3A_138 : memref<20000x32xf32, #tpu.memory_space<hbm>>) dst(%arg10 : memref<125x32xf32, #tpu.memory_space<vmem>>)
      "tpu.region"() ({
        %run_scoped3A_204 = tpu.sem_alloc : memref<!tpu.dma_semaphore, #tpu.memory_space<semaphore_mem>>
        %dma_start3A_205 = arith.constant 0 : i32
        %dma_start3A_206 = tpu.memref_slice %arg8[%add3A_132, %dma_start3A_205] : memref<160x125xi32, #tpu.memory_space<vmem>> -> memref<1x125xi32, #tpu.memory_space<vmem>>
        %dma_start3A_207 = tpu.memref_squeeze %dma_start3A_206 : memref<1x125xi32, #tpu.memory_space<vmem>> -> memref<125xi32, #tpu.memory_space<vmem>>
        %dma_start3A_208 = arith.constant 0 : i32
        %dma_start3A_209 = arith.constant 0 : i32
        %dma_start3A_210 = tpu.memref_slice %arg14[%dma_start3A_208, %dma_start3A_209] : memref<10112x32xf32, #tpu.memory_space<vmem_shared>> -> memref<10112x32xf32, #tpu.memory_space<vmem_shared>>
        tpu.enqueue_indirect_dma source(%arg10 : memref<125x32xf32, #tpu.memory_space<vmem>>) target(%dma_start3A_210 : memref<10112x32xf32, #tpu.memory_space<vmem_shared>>) offsets(%dma_start3A_207 : memref<125xi32, #tpu.memory_space<vmem>>) semaphore(%run_scoped3A_204 : memref<!tpu.dma_semaphore, #tpu.memory_space<semaphore_mem>>) {add = true}
        %dma_wait3A_211 = arith.constant 0 : i32
        %dma_wait3A_212 = tpu.memref_slice %arg8[%add3A_132, %dma_wait3A_211] : memref<160x125xi32, #tpu.memory_space<vmem>> -> memref<1x125xi32, #tpu.memory_space<vmem>>
        %dma_wait3A_213 = tpu.memref_squeeze %dma_wait3A_212 : memref<1x125xi32, #tpu.memory_space<vmem>> -> memref<125xi32, #tpu.memory_space<vmem>>
        %dma_wait3A_214 = arith.constant 0 : i32
        %dma_wait3A_215 = arith.constant 0 : i32
        %dma_wait3A_216 = tpu.memref_slice %arg14[%dma_wait3A_214, %dma_wait3A_215] : memref<10112x32xf32, #tpu.memory_space<vmem_shared>> -> memref<10112x32xf32, #tpu.memory_space<vmem_shared>>
        tpu.wait_indirect_dma semaphore(%run_scoped3A_204 : memref<!tpu.dma_semaphore, #tpu.memory_space<semaphore_mem>>) src(%arg10 : memref<125x32xf32, #tpu.memory_space<vmem>>) dst(%dma_wait3A_216 : memref<10112x32xf32, #tpu.memory_space<vmem_shared>>)
        tpu.yield
      }) : () -> ()
      %add3A_139 = arith.constant 5 : i32
      %add3A_140 = arith.addi %mul3A_113, %add3A_139 : i32
      %add3A_141 = arith.constant 1 : i32
      %add3A_142 = arith.addi %add3A_140, %add3A_141 : i32
      %dma_start3A_143 = arith.constant 0 : i32
      %dma_start3A_144 = tpu.memref_slice %arg7[%add3A_142, %dma_start3A_143] : memref<160x125xi32, #tpu.memory_space<vmem>> -> memref<1x125xi32, #tpu.memory_space<vmem>>
      %dma_start3A_145 = tpu.memref_squeeze %dma_start3A_144 : memref<1x125xi32, #tpu.memory_space<vmem>> -> memref<125xi32, #tpu.memory_space<vmem>>
      %dma_start3A_146 = arith.constant 0 : i32
      %dma_start3A_147 = arith.constant 0 : i32
      %dma_start3A_148 = tpu.memref_slice %arg2[%dma_start3A_146, %dma_start3A_147] : memref<20000x32xf32, #tpu.memory_space<hbm>> -> memref<20000x32xf32, #tpu.memory_space<hbm>>
      tpu.enqueue_indirect_dma source(%dma_start3A_148 : memref<20000x32xf32, #tpu.memory_space<hbm>>) target(%arg10 : memref<125x32xf32, #tpu.memory_space<vmem>>) offsets(%dma_start3A_145 : memref<125xi32, #tpu.memory_space<vmem>>) semaphore(%arg16 : memref<!tpu.dma_semaphore, #tpu.memory_space<semaphore_mem>>)
      %add3A_149 = arith.constant 2 : i32
      %add3A_150 = arith.addi %mul3A_113, %add3A_149 : i32
      %dma_wait3A_151 = arith.constant 0 : i32
      %dma_wait3A_152 = tpu.memref_slice %arg7[%add3A_150, %dma_wait3A_151] : memref<160x125xi32, #tpu.memory_space<vmem>> -> memref<1x125xi32, #tpu.memory_space<vmem>>
      %dma_wait3A_153 = tpu.memref_squeeze %dma_wait3A_152 : memref<1x125xi32, #tpu.memory_space<vmem>> -> memref<125xi32, #tpu.memory_space<vmem>>
      %dma_wait3A_154 = arith.constant 0 : i32
      %dma_wait3A_155 = arith.constant 0 : i32
      %dma_wait3A_156 = tpu.memref_slice %arg2[%dma_wait3A_154, %dma_wait3A_155] : memref<20000x32xf32, #tpu.memory_space<hbm>> -> memref<20000x32xf32, #tpu.memory_space<hbm>>
      tpu.wait_indirect_dma semaphore(%arg17 : memref<!tpu.dma_semaphore, #tpu.memory_space<semaphore_mem>>) src(%dma_wait3A_156 : memref<20000x32xf32, #tpu.memory_space<hbm>>) dst(%arg11 : memref<125x32xf32, #tpu.memory_space<vmem>>)
      "tpu.region"() ({
        %run_scoped3A_204 = tpu.sem_alloc : memref<!tpu.dma_semaphore, #tpu.memory_space<semaphore_mem>>
        %dma_start3A_205 = arith.constant 0 : i32
        %dma_start3A_206 = tpu.memref_slice %arg8[%add3A_150, %dma_start3A_205] : memref<160x125xi32, #tpu.memory_space<vmem>> -> memref<1x125xi32, #tpu.memory_space<vmem>>
        %dma_start3A_207 = tpu.memref_squeeze %dma_start3A_206 : memref<1x125xi32, #tpu.memory_space<vmem>> -> memref<125xi32, #tpu.memory_space<vmem>>
        %dma_start3A_208 = arith.constant 0 : i32
        %dma_start3A_209 = arith.constant 0 : i32
        %dma_start3A_210 = tpu.memref_slice %arg14[%dma_start3A_208, %dma_start3A_209] : memref<10112x32xf32, #tpu.memory_space<vmem_shared>> -> memref<10112x32xf32, #tpu.memory_space<vmem_shared>>
        tpu.enqueue_indirect_dma source(%arg11 : memref<125x32xf32, #tpu.memory_space<vmem>>) target(%dma_start3A_210 : memref<10112x32xf32, #tpu.memory_space<vmem_shared>>) offsets(%dma_start3A_207 : memref<125xi32, #tpu.memory_space<vmem>>) semaphore(%run_scoped3A_204 : memref<!tpu.dma_semaphore, #tpu.memory_space<semaphore_mem>>) {add = true}
        %dma_wait3A_211 = arith.constant 0 : i32
        %dma_wait3A_212 = tpu.memref_slice %arg8[%add3A_150, %dma_wait3A_211] : memref<160x125xi32, #tpu.memory_space<vmem>> -> memref<1x125xi32, #tpu.memory_space<vmem>>
        %dma_wait3A_213 = tpu.memref_squeeze %dma_wait3A_212 : memref<1x125xi32, #tpu.memory_space<vmem>> -> memref<125xi32, #tpu.memory_space<vmem>>
        %dma_wait3A_214 = arith.constant 0 : i32
        %dma_wait3A_215 = arith.constant 0 : i32
        %dma_wait3A_216 = tpu.memref_slice %arg14[%dma_wait3A_214, %dma_wait3A_215] : memref<10112x32xf32, #tpu.memory_space<vmem_shared>> -> memref<10112x32xf32, #tpu.memory_space<vmem_shared>>
        tpu.wait_indirect_dma semaphore(%run_scoped3A_204 : memref<!tpu.dma_semaphore, #tpu.memory_space<semaphore_mem>>) src(%arg11 : memref<125x32xf32, #tpu.memory_space<vmem>>) dst(%dma_wait3A_216 : memref<10112x32xf32, #tpu.memory_space<vmem_shared>>)
        tpu.yield
      }) : () -> ()
      %add3A_157 = arith.constant 5 : i32
      %add3A_158 = arith.addi %mul3A_113, %add3A_157 : i32
      %add3A_159 = arith.constant 2 : i32
      %add3A_160 = arith.addi %add3A_158, %add3A_159 : i32
      %dma_start3A_161 = arith.constant 0 : i32
      %dma_start3A_162 = tpu.memref_slice %arg7[%add3A_160, %dma_start3A_161] : memref<160x125xi32, #tpu.memory_space<vmem>> -> memref<1x125xi32, #tpu.memory_space<vmem>>
      %dma_start3A_163 = tpu.memref_squeeze %dma_start3A_162 : memref<1x125xi32, #tpu.memory_space<vmem>> -> memref<125xi32, #tpu.memory_space<vmem>>
      %dma_start3A_164 = arith.constant 0 : i32
      %dma_start3A_165 = arith.constant 0 : i32
      %dma_start3A_166 = tpu.memref_slice %arg2[%dma_start3A_164, %dma_start3A_165] : memref<20000x32xf32, #tpu.memory_space<hbm>> -> memref<20000x32xf32, #tpu.memory_space<hbm>>
      tpu.enqueue_indirect_dma source(%dma_start3A_166 : memref<20000x32xf32, #tpu.memory_space<hbm>>) target(%arg11 : memref<125x32xf32, #tpu.memory_space<vmem>>) offsets(%dma_start3A_163 : memref<125xi32, #tpu.memory_space<vmem>>) semaphore(%arg17 : memref<!tpu.dma_semaphore, #tpu.memory_space<semaphore_mem>>)
      %add3A_167 = arith.constant 3 : i32
      %add3A_168 = arith.addi %mul3A_113, %add3A_167 : i32
      %dma_wait3A_169 = arith.constant 0 : i32
      %dma_wait3A_170 = tpu.memref_slice %arg7[%add3A_168, %dma_wait3A_169] : memref<160x125xi32, #tpu.memory_space<vmem>> -> memref<1x125xi32, #tpu.memory_space<vmem>>
      %dma_wait3A_171 = tpu.memref_squeeze %dma_wait3A_170 : memref<1x125xi32, #tpu.memory_space<vmem>> -> memref<125xi32, #tpu.memory_space<vmem>>
      %dma_wait3A_172 = arith.constant 0 : i32
      %dma_wait3A_173 = arith.constant 0 : i32
      %dma_wait3A_174 = tpu.memref_slice %arg2[%dma_wait3A_172, %dma_wait3A_173] : memref<20000x32xf32, #tpu.memory_space<hbm>> -> memref<20000x32xf32, #tpu.memory_space<hbm>>
      tpu.wait_indirect_dma semaphore(%arg18 : memref<!tpu.dma_semaphore, #tpu.memory_space<semaphore_mem>>) src(%dma_wait3A_174 : memref<20000x32xf32, #tpu.memory_space<hbm>>) dst(%arg12 : memref<125x32xf32, #tpu.memory_space<vmem>>)
      "tpu.region"() ({
        %run_scoped3A_204 = tpu.sem_alloc : memref<!tpu.dma_semaphore, #tpu.memory_space<semaphore_mem>>
        %dma_start3A_205 = arith.constant 0 : i32
        %dma_start3A_206 = tpu.memref_slice %arg8[%add3A_168, %dma_start3A_205] : memref<160x125xi32, #tpu.memory_space<vmem>> -> memref<1x125xi32, #tpu.memory_space<vmem>>
        %dma_start3A_207 = tpu.memref_squeeze %dma_start3A_206 : memref<1x125xi32, #tpu.memory_space<vmem>> -> memref<125xi32, #tpu.memory_space<vmem>>
        %dma_start3A_208 = arith.constant 0 : i32
        %dma_start3A_209 = arith.constant 0 : i32
        %dma_start3A_210 = tpu.memref_slice %arg14[%dma_start3A_208, %dma_start3A_209] : memref<10112x32xf32, #tpu.memory_space<vmem_shared>> -> memref<10112x32xf32, #tpu.memory_space<vmem_shared>>
        tpu.enqueue_indirect_dma source(%arg12 : memref<125x32xf32, #tpu.memory_space<vmem>>) target(%dma_start3A_210 : memref<10112x32xf32, #tpu.memory_space<vmem_shared>>) offsets(%dma_start3A_207 : memref<125xi32, #tpu.memory_space<vmem>>) semaphore(%run_scoped3A_204 : memref<!tpu.dma_semaphore, #tpu.memory_space<semaphore_mem>>) {add = true}
        %dma_wait3A_211 = arith.constant 0 : i32
        %dma_wait3A_212 = tpu.memref_slice %arg8[%add3A_168, %dma_wait3A_211] : memref<160x125xi32, #tpu.memory_space<vmem>> -> memref<1x125xi32, #tpu.memory_space<vmem>>
        %dma_wait3A_213 = tpu.memref_squeeze %dma_wait3A_212 : memref<1x125xi32, #tpu.memory_space<vmem>> -> memref<125xi32, #tpu.memory_space<vmem>>
        %dma_wait3A_214 = arith.constant 0 : i32
        %dma_wait3A_215 = arith.constant 0 : i32
        %dma_wait3A_216 = tpu.memref_slice %arg14[%dma_wait3A_214, %dma_wait3A_215] : memref<10112x32xf32, #tpu.memory_space<vmem_shared>> -> memref<10112x32xf32, #tpu.memory_space<vmem_shared>>
        tpu.wait_indirect_dma semaphore(%run_scoped3A_204 : memref<!tpu.dma_semaphore, #tpu.memory_space<semaphore_mem>>) src(%arg12 : memref<125x32xf32, #tpu.memory_space<vmem>>) dst(%dma_wait3A_216 : memref<10112x32xf32, #tpu.memory_space<vmem_shared>>)
        tpu.yield
      }) : () -> ()
      %add3A_175 = arith.constant 5 : i32
      %add3A_176 = arith.addi %mul3A_113, %add3A_175 : i32
      %add3A_177 = arith.constant 3 : i32
      %add3A_178 = arith.addi %add3A_176, %add3A_177 : i32
      %dma_start3A_179 = arith.constant 0 : i32
      %dma_start3A_180 = tpu.memref_slice %arg7[%add3A_178, %dma_start3A_179] : memref<160x125xi32, #tpu.memory_space<vmem>> -> memref<1x125xi32, #tpu.memory_space<vmem>>
      %dma_start3A_181 = tpu.memref_squeeze %dma_start3A_180 : memref<1x125xi32, #tpu.memory_space<vmem>> -> memref<125xi32, #tpu.memory_space<vmem>>
      %dma_start3A_182 = arith.constant 0 : i32
      %dma_start3A_183 = arith.constant 0 : i32
      %dma_start3A_184 = tpu.memref_slice %arg2[%dma_start3A_182, %dma_start3A_183] : memref<20000x32xf32, #tpu.memory_space<hbm>> -> memref<20000x32xf32, #tpu.memory_space<hbm>>
      tpu.enqueue_indirect_dma source(%dma_start3A_184 : memref<20000x32xf32, #tpu.memory_space<hbm>>) target(%arg12 : memref<125x32xf32, #tpu.memory_space<vmem>>) offsets(%dma_start3A_181 : memref<125xi32, #tpu.memory_space<vmem>>) semaphore(%arg18 : memref<!tpu.dma_semaphore, #tpu.memory_space<semaphore_mem>>)
      %add3A_185 = arith.constant 4 : i32
      %add3A_186 = arith.addi %mul3A_113, %add3A_185 : i32
      %dma_wait3A_187 = arith.constant 0 : i32
      %dma_wait3A_188 = tpu.memref_slice %arg7[%add3A_186, %dma_wait3A_187] : memref<160x125xi32, #tpu.memory_space<vmem>> -> memref<1x125xi32, #tpu.memory_space<vmem>>
      %dma_wait3A_189 = tpu.memref_squeeze %dma_wait3A_188 : memref<1x125xi32, #tpu.memory_space<vmem>> -> memref<125xi32, #tpu.memory_space<vmem>>
      %dma_wait3A_190 = arith.constant 0 : i32
      %dma_wait3A_191 = arith.constant 0 : i32
      %dma_wait3A_192 = tpu.memref_slice %arg2[%dma_wait3A_190, %dma_wait3A_191] : memref<20000x32xf32, #tpu.memory_space<hbm>> -> memref<20000x32xf32, #tpu.memory_space<hbm>>
      tpu.wait_indirect_dma semaphore(%arg19 : memref<!tpu.dma_semaphore, #tpu.memory_space<semaphore_mem>>) src(%dma_wait3A_192 : memref<20000x32xf32, #tpu.memory_space<hbm>>) dst(%arg13 : memref<125x32xf32, #tpu.memory_space<vmem>>)
      "tpu.region"() ({
        %run_scoped3A_204 = tpu.sem_alloc : memref<!tpu.dma_semaphore, #tpu.memory_space<semaphore_mem>>
        %dma_start3A_205 = arith.constant 0 : i32
        %dma_start3A_206 = tpu.memref_slice %arg8[%add3A_186, %dma_start3A_205] : memref<160x125xi32, #tpu.memory_space<vmem>> -> memref<1x125xi32, #tpu.memory_space<vmem>>
        %dma_start3A_207 = tpu.memref_squeeze %dma_start3A_206 : memref<1x125xi32, #tpu.memory_space<vmem>> -> memref<125xi32, #tpu.memory_space<vmem>>
        %dma_start3A_208 = arith.constant 0 : i32
        %dma_start3A_209 = arith.constant 0 : i32
        %dma_start3A_210 = tpu.memref_slice %arg14[%dma_start3A_208, %dma_start3A_209] : memref<10112x32xf32, #tpu.memory_space<vmem_shared>> -> memref<10112x32xf32, #tpu.memory_space<vmem_shared>>
        tpu.enqueue_indirect_dma source(%arg13 : memref<125x32xf32, #tpu.memory_space<vmem>>) target(%dma_start3A_210 : memref<10112x32xf32, #tpu.memory_space<vmem_shared>>) offsets(%dma_start3A_207 : memref<125xi32, #tpu.memory_space<vmem>>) semaphore(%run_scoped3A_204 : memref<!tpu.dma_semaphore, #tpu.memory_space<semaphore_mem>>) {add = true}
        %dma_wait3A_211 = arith.constant 0 : i32
        %dma_wait3A_212 = tpu.memref_slice %arg8[%add3A_186, %dma_wait3A_211] : memref<160x125xi32, #tpu.memory_space<vmem>> -> memref<1x125xi32, #tpu.memory_space<vmem>>
        %dma_wait3A_213 = tpu.memref_squeeze %dma_wait3A_212 : memref<1x125xi32, #tpu.memory_space<vmem>> -> memref<125xi32, #tpu.memory_space<vmem>>
        %dma_wait3A_214 = arith.constant 0 : i32
        %dma_wait3A_215 = arith.constant 0 : i32
        %dma_wait3A_216 = tpu.memref_slice %arg14[%dma_wait3A_214, %dma_wait3A_215] : memref<10112x32xf32, #tpu.memory_space<vmem_shared>> -> memref<10112x32xf32, #tpu.memory_space<vmem_shared>>
        tpu.wait_indirect_dma semaphore(%run_scoped3A_204 : memref<!tpu.dma_semaphore, #tpu.memory_space<semaphore_mem>>) src(%arg13 : memref<125x32xf32, #tpu.memory_space<vmem>>) dst(%dma_wait3A_216 : memref<10112x32xf32, #tpu.memory_space<vmem_shared>>)
        tpu.yield
      }) : () -> ()
      %add3A_193 = arith.constant 5 : i32
      %add3A_194 = arith.addi %mul3A_113, %add3A_193 : i32
      %add3A_195 = arith.constant 4 : i32
      %add3A_196 = arith.addi %add3A_194, %add3A_195 : i32
      %dma_start3A_197 = arith.constant 0 : i32
      %dma_start3A_198 = tpu.memref_slice %arg7[%add3A_196, %dma_start3A_197] : memref<160x125xi32, #tpu.memory_space<vmem>> -> memref<1x125xi32, #tpu.memory_space<vmem>>
      %dma_start3A_199 = tpu.memref_squeeze %dma_start3A_198 : memref<1x125xi32, #tpu.memory_space<vmem>> -> memref<125xi32, #tpu.memory_space<vmem>>
      %dma_start3A_200 = arith.constant 0 : i32
      %dma_start3A_201 = arith.constant 0 : i32
      %dma_start3A_202 = tpu.memref_slice %arg2[%dma_start3A_200, %dma_start3A_201] : memref<20000x32xf32, #tpu.memory_space<hbm>> -> memref<20000x32xf32, #tpu.memory_space<hbm>>
      tpu.enqueue_indirect_dma source(%dma_start3A_202 : memref<20000x32xf32, #tpu.memory_space<hbm>>) target(%arg13 : memref<125x32xf32, #tpu.memory_space<vmem>>) offsets(%dma_start3A_199 : memref<125xi32, #tpu.memory_space<vmem>>) semaphore(%arg19 : memref<!tpu.dma_semaphore, #tpu.memory_space<semaphore_mem>>)
      %scan3A_203 = arith.constant 0 : i32
      scf.yield %scan3A_203 : i32
    }
    %scan3A_67 = arith.constant 31 : i32
    %dma_wait3A_68 = arith.constant 155 : i32
    %dma_wait3A_69 = arith.constant 0 : i32
    %dma_wait3A_70 = tpu.memref_slice %arg7[%dma_wait3A_68, %dma_wait3A_69] : memref<160x125xi32, #tpu.memory_space<vmem>> -> memref<1x125xi32, #tpu.memory_space<vmem>>
    %dma_wait3A_71 = tpu.memref_squeeze %dma_wait3A_70 : memref<1x125xi32, #tpu.memory_space<vmem>> -> memref<125xi32, #tpu.memory_space<vmem>>
    %dma_wait3A_72 = arith.constant 0 : i32
    %dma_wait3A_73 = arith.constant 0 : i32
    %dma_wait3A_74 = tpu.memref_slice %arg2[%dma_wait3A_72, %dma_wait3A_73] : memref<20000x32xf32, #tpu.memory_space<hbm>> -> memref<20000x32xf32, #tpu.memory_space<hbm>>
    tpu.wait_indirect_dma semaphore(%arg15 : memref<!tpu.dma_semaphore, #tpu.memory_space<semaphore_mem>>) src(%dma_wait3A_74 : memref<20000x32xf32, #tpu.memory_space<hbm>>) dst(%arg9 : memref<125x32xf32, #tpu.memory_space<vmem>>)
    %run_scoped3A = arith.constant 155 : i32
    "tpu.region"() ({
      %run_scoped3A_110 = tpu.sem_alloc : memref<!tpu.dma_semaphore, #tpu.memory_space<semaphore_mem>>
      %dma_start3A_111 = arith.constant 0 : i32
      %dma_start3A_112 = tpu.memref_slice %arg8[%run_scoped3A, %dma_start3A_111] : memref<160x125xi32, #tpu.memory_space<vmem>> -> memref<1x125xi32, #tpu.memory_space<vmem>>
      %dma_start3A_113 = tpu.memref_squeeze %dma_start3A_112 : memref<1x125xi32, #tpu.memory_space<vmem>> -> memref<125xi32, #tpu.memory_space<vmem>>
      %dma_start3A_114 = arith.constant 0 : i32
      %dma_start3A_115 = arith.constant 0 : i32
      %dma_start3A_116 = tpu.memref_slice %arg14[%dma_start3A_114, %dma_start3A_115] : memref<10112x32xf32, #tpu.memory_space<vmem_shared>> -> memref<10112x32xf32, #tpu.memory_space<vmem_shared>>
      tpu.enqueue_indirect_dma source(%arg9 : memref<125x32xf32, #tpu.memory_space<vmem>>) target(%dma_start3A_116 : memref<10112x32xf32, #tpu.memory_space<vmem_shared>>) offsets(%dma_start3A_113 : memref<125xi32, #tpu.memory_space<vmem>>) semaphore(%run_scoped3A_110 : memref<!tpu.dma_semaphore, #tpu.memory_space<semaphore_mem>>) {add = true}
      %dma_wait3A_117 = arith.constant 0 : i32
      %dma_wait3A_118 = tpu.memref_slice %arg8[%run_scoped3A, %dma_wait3A_117] : memref<160x125xi32, #tpu.memory_space<vmem>> -> memref<1x125xi32, #tpu.memory_space<vmem>>
      %dma_wait3A_119 = tpu.memref_squeeze %dma_wait3A_118 : memref<1x125xi32, #tpu.memory_space<vmem>> -> memref<125xi32, #tpu.memory_space<vmem>>
      %dma_wait3A_120 = arith.constant 0 : i32
      %dma_wait3A_121 = arith.constant 0 : i32
      %dma_wait3A_122 = tpu.memref_slice %arg14[%dma_wait3A_120, %dma_wait3A_121] : memref<10112x32xf32, #tpu.memory_space<vmem_shared>> -> memref<10112x32xf32, #tpu.memory_space<vmem_shared>>
      tpu.wait_indirect_dma semaphore(%run_scoped3A_110 : memref<!tpu.dma_semaphore, #tpu.memory_space<semaphore_mem>>) src(%arg9 : memref<125x32xf32, #tpu.memory_space<vmem>>) dst(%dma_wait3A_122 : memref<10112x32xf32, #tpu.memory_space<vmem_shared>>)
      tpu.yield
    }) : () -> ()
    %dma_wait3A_75 = arith.constant 156 : i32
    %dma_wait3A_76 = arith.constant 0 : i32
    %dma_wait3A_77 = tpu.memref_slice %arg7[%dma_wait3A_75, %dma_wait3A_76] : memref<160x125xi32, #tpu.memory_space<vmem>> -> memref<1x125xi32, #tpu.memory_space<vmem>>
    %dma_wait3A_78 = tpu.memref_squeeze %dma_wait3A_77 : memref<1x125xi32, #tpu.memory_space<vmem>> -> memref<125xi32, #tpu.memory_space<vmem>>
    %dma_wait3A_79 = arith.constant 0 : i32
    %dma_wait3A_80 = arith.constant 0 : i32
    %dma_wait3A_81 = tpu.memref_slice %arg2[%dma_wait3A_79, %dma_wait3A_80] : memref<20000x32xf32, #tpu.memory_space<hbm>> -> memref<20000x32xf32, #tpu.memory_space<hbm>>
    tpu.wait_indirect_dma semaphore(%arg16 : memref<!tpu.dma_semaphore, #tpu.memory_space<semaphore_mem>>) src(%dma_wait3A_81 : memref<20000x32xf32, #tpu.memory_space<hbm>>) dst(%arg10 : memref<125x32xf32, #tpu.memory_space<vmem>>)
    %run_scoped3A_82 = arith.constant 156 : i32
    "tpu.region"() ({
      %run_scoped3A_110 = tpu.sem_alloc : memref<!tpu.dma_semaphore, #tpu.memory_space<semaphore_mem>>
      %dma_start3A_111 = arith.constant 0 : i32
      %dma_start3A_112 = tpu.memref_slice %arg8[%run_scoped3A_82, %dma_start3A_111] : memref<160x125xi32, #tpu.memory_space<vmem>> -> memref<1x125xi32, #tpu.memory_space<vmem>>
      %dma_start3A_113 = tpu.memref_squeeze %dma_start3A_112 : memref<1x125xi32, #tpu.memory_space<vmem>> -> memref<125xi32, #tpu.memory_space<vmem>>
      %dma_start3A_114 = arith.constant 0 : i32
      %dma_start3A_115 = arith.constant 0 : i32
      %dma_start3A_116 = tpu.memref_slice %arg14[%dma_start3A_114, %dma_start3A_115] : memref<10112x32xf32, #tpu.memory_space<vmem_shared>> -> memref<10112x32xf32, #tpu.memory_space<vmem_shared>>
      tpu.enqueue_indirect_dma source(%arg10 : memref<125x32xf32, #tpu.memory_space<vmem>>) target(%dma_start3A_116 : memref<10112x32xf32, #tpu.memory_space<vmem_shared>>) offsets(%dma_start3A_113 : memref<125xi32, #tpu.memory_space<vmem>>) semaphore(%run_scoped3A_110 : memref<!tpu.dma_semaphore, #tpu.memory_space<semaphore_mem>>) {add = true}
      %dma_wait3A_117 = arith.constant 0 : i32
      %dma_wait3A_118 = tpu.memref_slice %arg8[%run_scoped3A_82, %dma_wait3A_117] : memref<160x125xi32, #tpu.memory_space<vmem>> -> memref<1x125xi32, #tpu.memory_space<vmem>>
      %dma_wait3A_119 = tpu.memref_squeeze %dma_wait3A_118 : memref<1x125xi32, #tpu.memory_space<vmem>> -> memref<125xi32, #tpu.memory_space<vmem>>
      %dma_wait3A_120 = arith.constant 0 : i32
      %dma_wait3A_121 = arith.constant 0 : i32
      %dma_wait3A_122 = tpu.memref_slice %arg14[%dma_wait3A_120, %dma_wait3A_121] : memref<10112x32xf32, #tpu.memory_space<vmem_shared>> -> memref<10112x32xf32, #tpu.memory_space<vmem_shared>>
      tpu.wait_indirect_dma semaphore(%run_scoped3A_110 : memref<!tpu.dma_semaphore, #tpu.memory_space<semaphore_mem>>) src(%arg10 : memref<125x32xf32, #tpu.memory_space<vmem>>) dst(%dma_wait3A_122 : memref<10112x32xf32, #tpu.memory_space<vmem_shared>>)
      tpu.yield
    }) : () -> ()
    %dma_wait3A_83 = arith.constant 157 : i32
    %dma_wait3A_84 = arith.constant 0 : i32
    %dma_wait3A_85 = tpu.memref_slice %arg7[%dma_wait3A_83, %dma_wait3A_84] : memref<160x125xi32, #tpu.memory_space<vmem>> -> memref<1x125xi32, #tpu.memory_space<vmem>>
    %dma_wait3A_86 = tpu.memref_squeeze %dma_wait3A_85 : memref<1x125xi32, #tpu.memory_space<vmem>> -> memref<125xi32, #tpu.memory_space<vmem>>
    %dma_wait3A_87 = arith.constant 0 : i32
    %dma_wait3A_88 = arith.constant 0 : i32
    %dma_wait3A_89 = tpu.memref_slice %arg2[%dma_wait3A_87, %dma_wait3A_88] : memref<20000x32xf32, #tpu.memory_space<hbm>> -> memref<20000x32xf32, #tpu.memory_space<hbm>>
    tpu.wait_indirect_dma semaphore(%arg17 : memref<!tpu.dma_semaphore, #tpu.memory_space<semaphore_mem>>) src(%dma_wait3A_89 : memref<20000x32xf32, #tpu.memory_space<hbm>>) dst(%arg11 : memref<125x32xf32, #tpu.memory_space<vmem>>)
    %run_scoped3A_90 = arith.constant 157 : i32
    "tpu.region"() ({
      %run_scoped3A_110 = tpu.sem_alloc : memref<!tpu.dma_semaphore, #tpu.memory_space<semaphore_mem>>
      %dma_start3A_111 = arith.constant 0 : i32
      %dma_start3A_112 = tpu.memref_slice %arg8[%run_scoped3A_90, %dma_start3A_111] : memref<160x125xi32, #tpu.memory_space<vmem>> -> memref<1x125xi32, #tpu.memory_space<vmem>>
      %dma_start3A_113 = tpu.memref_squeeze %dma_start3A_112 : memref<1x125xi32, #tpu.memory_space<vmem>> -> memref<125xi32, #tpu.memory_space<vmem>>
      %dma_start3A_114 = arith.constant 0 : i32
      %dma_start3A_115 = arith.constant 0 : i32
      %dma_start3A_116 = tpu.memref_slice %arg14[%dma_start3A_114, %dma_start3A_115] : memref<10112x32xf32, #tpu.memory_space<vmem_shared>> -> memref<10112x32xf32, #tpu.memory_space<vmem_shared>>
      tpu.enqueue_indirect_dma source(%arg11 : memref<125x32xf32, #tpu.memory_space<vmem>>) target(%dma_start3A_116 : memref<10112x32xf32, #tpu.memory_space<vmem_shared>>) offsets(%dma_start3A_113 : memref<125xi32, #tpu.memory_space<vmem>>) semaphore(%run_scoped3A_110 : memref<!tpu.dma_semaphore, #tpu.memory_space<semaphore_mem>>) {add = true}
      %dma_wait3A_117 = arith.constant 0 : i32
      %dma_wait3A_118 = tpu.memref_slice %arg8[%run_scoped3A_90, %dma_wait3A_117] : memref<160x125xi32, #tpu.memory_space<vmem>> -> memref<1x125xi32, #tpu.memory_space<vmem>>
      %dma_wait3A_119 = tpu.memref_squeeze %dma_wait3A_118 : memref<1x125xi32, #tpu.memory_space<vmem>> -> memref<125xi32, #tpu.memory_space<vmem>>
      %dma_wait3A_120 = arith.constant 0 : i32
      %dma_wait3A_121 = arith.constant 0 : i32
      %dma_wait3A_122 = tpu.memref_slice %arg14[%dma_wait3A_120, %dma_wait3A_121] : memref<10112x32xf32, #tpu.memory_space<vmem_shared>> -> memref<10112x32xf32, #tpu.memory_space<vmem_shared>>
      tpu.wait_indirect_dma semaphore(%run_scoped3A_110 : memref<!tpu.dma_semaphore, #tpu.memory_space<semaphore_mem>>) src(%arg11 : memref<125x32xf32, #tpu.memory_space<vmem>>) dst(%dma_wait3A_122 : memref<10112x32xf32, #tpu.memory_space<vmem_shared>>)
      tpu.yield
    }) : () -> ()
    %dma_wait3A_91 = arith.constant 158 : i32
    %dma_wait3A_92 = arith.constant 0 : i32
    %dma_wait3A_93 = tpu.memref_slice %arg7[%dma_wait3A_91, %dma_wait3A_92] : memref<160x125xi32, #tpu.memory_space<vmem>> -> memref<1x125xi32, #tpu.memory_space<vmem>>
    %dma_wait3A_94 = tpu.memref_squeeze %dma_wait3A_93 : memref<1x125xi32, #tpu.memory_space<vmem>> -> memref<125xi32, #tpu.memory_space<vmem>>
    %dma_wait3A_95 = arith.constant 0 : i32
    %dma_wait3A_96 = arith.constant 0 : i32
    %dma_wait3A_97 = tpu.memref_slice %arg2[%dma_wait3A_95, %dma_wait3A_96] : memref<20000x32xf32, #tpu.memory_space<hbm>> -> memref<20000x32xf32, #tpu.memory_space<hbm>>
    tpu.wait_indirect_dma semaphore(%arg18 : memref<!tpu.dma_semaphore, #tpu.memory_space<semaphore_mem>>) src(%dma_wait3A_97 : memref<20000x32xf32, #tpu.memory_space<hbm>>) dst(%arg12 : memref<125x32xf32, #tpu.memory_space<vmem>>)
    %run_scoped3A_98 = arith.constant 158 : i32
    "tpu.region"() ({
      %run_scoped3A_110 = tpu.sem_alloc : memref<!tpu.dma_semaphore, #tpu.memory_space<semaphore_mem>>
      %dma_start3A_111 = arith.constant 0 : i32
      %dma_start3A_112 = tpu.memref_slice %arg8[%run_scoped3A_98, %dma_start3A_111] : memref<160x125xi32, #tpu.memory_space<vmem>> -> memref<1x125xi32, #tpu.memory_space<vmem>>
      %dma_start3A_113 = tpu.memref_squeeze %dma_start3A_112 : memref<1x125xi32, #tpu.memory_space<vmem>> -> memref<125xi32, #tpu.memory_space<vmem>>
      %dma_start3A_114 = arith.constant 0 : i32
      %dma_start3A_115 = arith.constant 0 : i32
      %dma_start3A_116 = tpu.memref_slice %arg14[%dma_start3A_114, %dma_start3A_115] : memref<10112x32xf32, #tpu.memory_space<vmem_shared>> -> memref<10112x32xf32, #tpu.memory_space<vmem_shared>>
      tpu.enqueue_indirect_dma source(%arg12 : memref<125x32xf32, #tpu.memory_space<vmem>>) target(%dma_start3A_116 : memref<10112x32xf32, #tpu.memory_space<vmem_shared>>) offsets(%dma_start3A_113 : memref<125xi32, #tpu.memory_space<vmem>>) semaphore(%run_scoped3A_110 : memref<!tpu.dma_semaphore, #tpu.memory_space<semaphore_mem>>) {add = true}
      %dma_wait3A_117 = arith.constant 0 : i32
      %dma_wait3A_118 = tpu.memref_slice %arg8[%run_scoped3A_98, %dma_wait3A_117] : memref<160x125xi32, #tpu.memory_space<vmem>> -> memref<1x125xi32, #tpu.memory_space<vmem>>
      %dma_wait3A_119 = tpu.memref_squeeze %dma_wait3A_118 : memref<1x125xi32, #tpu.memory_space<vmem>> -> memref<125xi32, #tpu.memory_space<vmem>>
      %dma_wait3A_120 = arith.constant 0 : i32
      %dma_wait3A_121 = arith.constant 0 : i32
      %dma_wait3A_122 = tpu.memref_slice %arg14[%dma_wait3A_120, %dma_wait3A_121] : memref<10112x32xf32, #tpu.memory_space<vmem_shared>> -> memref<10112x32xf32, #tpu.memory_space<vmem_shared>>
      tpu.wait_indirect_dma semaphore(%run_scoped3A_110 : memref<!tpu.dma_semaphore, #tpu.memory_space<semaphore_mem>>) src(%arg12 : memref<125x32xf32, #tpu.memory_space<vmem>>) dst(%dma_wait3A_122 : memref<10112x32xf32, #tpu.memory_space<vmem_shared>>)
      tpu.yield
    }) : () -> ()
    %dma_wait3A_99 = arith.constant 159 : i32
    %dma_wait3A_100 = arith.constant 0 : i32
    %dma_wait3A_101 = tpu.memref_slice %arg7[%dma_wait3A_99, %dma_wait3A_100] : memref<160x125xi32, #tpu.memory_space<vmem>> -> memref<1x125xi32, #tpu.memory_space<vmem>>
    %dma_wait3A_102 = tpu.memref_squeeze %dma_wait3A_101 : memref<1x125xi32, #tpu.memory_space<vmem>> -> memref<125xi32, #tpu.memory_space<vmem>>
    %dma_wait3A_103 = arith.constant 0 : i32
    %dma_wait3A_104 = arith.constant 0 : i32
    %dma_wait3A_105 = tpu.memref_slice %arg2[%dma_wait3A_103, %dma_wait3A_104] : memref<20000x32xf32, #tpu.memory_space<hbm>> -> memref<20000x32xf32, #tpu.memory_space<hbm>>
    tpu.wait_indirect_dma semaphore(%arg19 : memref<!tpu.dma_semaphore, #tpu.memory_space<semaphore_mem>>) src(%dma_wait3A_105 : memref<20000x32xf32, #tpu.memory_space<hbm>>) dst(%arg13 : memref<125x32xf32, #tpu.memory_space<vmem>>)
    %run_scoped3A_106 = arith.constant 159 : i32
    "tpu.region"() ({
      %run_scoped3A_110 = tpu.sem_alloc : memref<!tpu.dma_semaphore, #tpu.memory_space<semaphore_mem>>
      %dma_start3A_111 = arith.constant 0 : i32
      %dma_start3A_112 = tpu.memref_slice %arg8[%run_scoped3A_106, %dma_start3A_111] : memref<160x125xi32, #tpu.memory_space<vmem>> -> memref<1x125xi32, #tpu.memory_space<vmem>>
      %dma_start3A_113 = tpu.memref_squeeze %dma_start3A_112 : memref<1x125xi32, #tpu.memory_space<vmem>> -> memref<125xi32, #tpu.memory_space<vmem>>
      %dma_start3A_114 = arith.constant 0 : i32
      %dma_start3A_115 = arith.constant 0 : i32
      %dma_start3A_116 = tpu.memref_slice %arg14[%dma_start3A_114, %dma_start3A_115] : memref<10112x32xf32, #tpu.memory_space<vmem_shared>> -> memref<10112x32xf32, #tpu.memory_space<vmem_shared>>
      tpu.enqueue_indirect_dma source(%arg13 : memref<125x32xf32, #tpu.memory_space<vmem>>) target(%dma_start3A_116 : memref<10112x32xf32, #tpu.memory_space<vmem_shared>>) offsets(%dma_start3A_113 : memref<125xi32, #tpu.memory_space<vmem>>) semaphore(%run_scoped3A_110 : memref<!tpu.dma_semaphore, #tpu.memory_space<semaphore_mem>>) {add = true}
      %dma_wait3A_117 = arith.constant 0 : i32
      %dma_wait3A_118 = tpu.memref_slice %arg8[%run_scoped3A_106, %dma_wait3A_117] : memref<160x125xi32, #tpu.memory_space<vmem>> -> memref<1x125xi32, #tpu.memory_space<vmem>>
      %dma_wait3A_119 = tpu.memref_squeeze %dma_wait3A_118 : memref<1x125xi32, #tpu.memory_space<vmem>> -> memref<125xi32, #tpu.memory_space<vmem>>
      %dma_wait3A_120 = arith.constant 0 : i32
      %dma_wait3A_121 = arith.constant 0 : i32
      %dma_wait3A_122 = tpu.memref_slice %arg14[%dma_wait3A_120, %dma_wait3A_121] : memref<10112x32xf32, #tpu.memory_space<vmem_shared>> -> memref<10112x32xf32, #tpu.memory_space<vmem_shared>>
      tpu.wait_indirect_dma semaphore(%run_scoped3A_110 : memref<!tpu.dma_semaphore, #tpu.memory_space<semaphore_mem>>) src(%arg13 : memref<125x32xf32, #tpu.memory_space<vmem>>) dst(%dma_wait3A_122 : memref<10112x32xf32, #tpu.memory_space<vmem_shared>>)
      tpu.yield
    }) : () -> ()
    %barrier3A_107 = arith.constant 0 : index
    tpu.barrier barrier_id(%barrier3A_107)
    %mul3A_108 = arith.constant 32 : i32
    %mul3A_109 = arith.muli %arg0, %mul3A_108 : i32
    "tpu.region"() ({
      %run_scoped3A_110 = tpu.sem_alloc : memref<!tpu.dma_semaphore, #tpu.memory_space<semaphore_mem>>
      %dma_start3A_111 = tpu.memref_slice %arg6[%mul3A_2, %mul3A_109] : memref<10112x64xf32, #tpu.memory_space<hbm>> -> memref<632x32xf32, #tpu.memory_space<hbm>>
      %dma_start3A_112 = arith.constant 0 : i32
      %dma_start3A_113 = tpu.memref_slice %arg14[%mul3A_2, %dma_start3A_112] : memref<10112x32xf32, #tpu.memory_space<vmem_shared>> -> memref<632x32xf32, #tpu.memory_space<vmem_shared>>
      tpu.enqueue_dma source(%dma_start3A_113 : memref<632x32xf32, #tpu.memory_space<vmem_shared>>) target(%dma_start3A_111 : memref<632x32xf32, #tpu.memory_space<hbm>>) target_semaphore(%run_scoped3A_110 : memref<!tpu.dma_semaphore, #tpu.memory_space<semaphore_mem>>)
      %dma_wait3A_114 = tpu.memref_slice %arg6[%mul3A_2, %mul3A_109] : memref<10112x64xf32, #tpu.memory_space<hbm>> -> memref<632x32xf32, #tpu.memory_space<hbm>>
      %dma_wait3A_115 = arith.constant 0 : i32
      %dma_wait3A_116 = tpu.memref_slice %arg14[%mul3A_2, %dma_wait3A_115] : memref<10112x32xf32, #tpu.memory_space<vmem_shared>> -> memref<632x32xf32, #tpu.memory_space<vmem_shared>>
      tpu.wait_dma2 semaphore(%run_scoped3A_110 : memref<!tpu.dma_semaphore, #tpu.memory_space<semaphore_mem>>) src(%dma_wait3A_116 : memref<632x32xf32, #tpu.memory_space<vmem_shared>>) dst(%dma_wait3A_114 : memref<632x32xf32, #tpu.memory_space<hbm>>)
      tpu.yield
    }) : () -> ()
    return
  }
}

module attributes {stable_mosaic.version = 14 : i64} {
  func.func @_tc1_body(%arg0: i32, %arg1: memref<2000x768xf32, #tpu.memory_space<vmem>>, %arg2: memref<2000x4xf32, #tpu.memory_space<vmem>>, %arg3: memref<2000x3xf32, #tpu.memory_space<vmem>>, %arg4: memref<768x32xf32, #tpu.memory_space<vmem>>, %arg5: memref<1x32xf32, #tpu.memory_space<vmem>>, %arg6: memref<4x42xf32, #tpu.memory_space<vmem>>, %arg7: memref<1x42xf32, #tpu.memory_space<vmem>>, %arg8: memref<3x42xf32, #tpu.memory_space<vmem>>, %arg9: memref<1x42xf32, #tpu.memory_space<vmem>>, %arg10: memref<32x128xf32, #tpu.memory_space<vmem>>, %arg11: memref<42x128xf32, #tpu.memory_space<vmem>>, %arg12: memref<42x128xf32, #tpu.memory_space<vmem>>, %arg13: memref<1x128xf32, #tpu.memory_space<vmem>>, %arg14: memref<128x80xf32, #tpu.memory_space<vmem>>, %arg15: memref<1x80xf32, #tpu.memory_space<vmem>>, %arg16: memref<128x64xf32, #tpu.memory_space<vmem>>, %arg17: memref<1x64xf32, #tpu.memory_space<vmem>>, %arg18: memref<2000x80xf32, #tpu.memory_space<vmem>>, %arg19: memref<2000x64xf32, #tpu.memory_space<vmem>>) attributes {dimension_semantics = [#tpu.dimension_semantics<arbitrary>], iteration_bounds = array<i64: 5>, scalar_prefetch = 0 : i64, scratch_operands = 0 : i64, tpu.core_type = #tpu.core_type<tc>, window_params = [{transform_indices = @transform_0, window_bounds = array<i64: 2000, 768>}, {transform_indices = @transform_1, window_bounds = array<i64: 2000, 4>}, {transform_indices = @transform_2, window_bounds = array<i64: 2000, 3>}, {pipeline_mode = #tpu.pipeline_mode<synchronous>, transform_indices = @transform_3, window_bounds = array<i64: 768, 32>}, {pipeline_mode = #tpu.pipeline_mode<synchronous>, transform_indices = @transform_4, window_bounds = array<i64: 1, 32>}, {pipeline_mode = #tpu.pipeline_mode<synchronous>, transform_indices = @transform_5, window_bounds = array<i64: 4, 42>}, {pipeline_mode = #tpu.pipeline_mode<synchronous>, transform_indices = @transform_6, window_bounds = array<i64: 1, 42>}, {pipeline_mode = #tpu.pipeline_mode<synchronous>, transform_indices = @transform_7, window_bounds = array<i64: 3, 42>}, {pipeline_mode = #tpu.pipeline_mode<synchronous>, transform_indices = @transform_8, window_bounds = array<i64: 1, 42>}, {pipeline_mode = #tpu.pipeline_mode<synchronous>, transform_indices = @transform_9, window_bounds = array<i64: 32, 128>}, {pipeline_mode = #tpu.pipeline_mode<synchronous>, transform_indices = @transform_10, window_bounds = array<i64: 42, 128>}, {pipeline_mode = #tpu.pipeline_mode<synchronous>, transform_indices = @transform_11, window_bounds = array<i64: 42, 128>}, {pipeline_mode = #tpu.pipeline_mode<synchronous>, transform_indices = @transform_12, window_bounds = array<i64: 1, 128>}, {pipeline_mode = #tpu.pipeline_mode<synchronous>, transform_indices = @transform_13, window_bounds = array<i64: 128, 80>}, {pipeline_mode = #tpu.pipeline_mode<synchronous>, transform_indices = @transform_14, window_bounds = array<i64: 1, 80>}, {pipeline_mode = #tpu.pipeline_mode<synchronous>, transform_indices = @transform_15, window_bounds = array<i64: 128, 64>}, {pipeline_mode = #tpu.pipeline_mode<synchronous>, transform_indices = @transform_16, window_bounds = array<i64: 1, 64>}, {transform_indices = @transform_17, window_bounds = array<i64: 2000, 80>}, {transform_indices = @transform_18, window_bounds = array<i64: 2000, 64>}]} {
    %get3A = arith.constant 0 : index
    %get3A_0 = arith.constant 0 : index
    %get3A_1 = vector.load %arg1[%get3A, %get3A_0] : memref<2000x768xf32, #tpu.memory_space<vmem>>, vector<2000x768xf32>
    %get3A_2 = arith.constant 0 : index
    %get3A_3 = arith.constant 0 : index
    %get3A_4 = vector.load %arg4[%get3A_2, %get3A_3] : memref<768x32xf32, #tpu.memory_space<vmem>>, vector<768x32xf32>
    %dot_general3A = arith.constant dense<0.000000e+00> : vector<2000x32xf32>
    %dot_general3A_5 = tpu.matmul %get3A_1, %get3A_4, %dot_general3A {dimension_numbers = #tpu.dot_dimension_numbers<[1], [0], [0], [1], [0, 0, 1, 1], [], []>, precision = #tpu.contract_precision<fp32>, transpose_lhs_hint = false} : vector<2000x768xf32>, vector<768x32xf32>, vector<2000x32xf32> -> vector<2000x32xf32>
    %get3A_6 = arith.constant 0 : index
    %get3A_7 = arith.constant 0 : index
    %get3A_8 = vector.load %arg5[%get3A_6, %get3A_7] : memref<1x32xf32, #tpu.memory_space<vmem>>, vector<1x32xf32>
    %add3A = vector.broadcast %get3A_8 : vector<1x32xf32> to vector<2000x32xf32>
    %add3A_9 = arith.addf %dot_general3A_5, %add3A : vector<2000x32xf32>
    %jit3A = arith.constant 0.00999999977 : f32
    %ge3A = arith.constant 0.000000e+00 : f32
    %ge3A_10 = vector.broadcast %ge3A : f32 to vector<2000x32xf32>
    %ge3A_11 = arith.cmpf oge, %add3A_9, %ge3A_10 : vector<2000x32xf32>
    %mul3A = vector.broadcast %jit3A : f32 to vector<2000x32xf32>
    %mul3A_12 = arith.mulf %mul3A, %add3A_9 : vector<2000x32xf32>
    %select_n3A = arith.select %ge3A_11, %add3A_9, %mul3A_12 : vector<2000x32xi1>, vector<2000x32xf32>
    %get3A_13 = arith.constant 0 : index
    %get3A_14 = arith.constant 0 : index
    %get3A_15 = vector.load %arg2[%get3A_13, %get3A_14] : memref<2000x4xf32, #tpu.memory_space<vmem>>, vector<2000x4xf32>
    %get3A_16 = arith.constant 0 : index
    %get3A_17 = arith.constant 0 : index
    %get3A_18 = vector.load %arg6[%get3A_16, %get3A_17] : memref<4x42xf32, #tpu.memory_space<vmem>>, vector<4x42xf32>
    %dot_general3A_19 = arith.constant dense<0.000000e+00> : vector<2000x42xf32>
    %dot_general3A_20 = tpu.matmul %get3A_15, %get3A_18, %dot_general3A_19 {dimension_numbers = #tpu.dot_dimension_numbers<[1], [0], [0], [1], [0, 0, 1, 1], [], []>, precision = #tpu.contract_precision<fp32>, transpose_lhs_hint = false} : vector<2000x4xf32>, vector<4x42xf32>, vector<2000x42xf32> -> vector<2000x42xf32>
    %get3A_21 = arith.constant 0 : index
    %get3A_22 = arith.constant 0 : index
    %get3A_23 = vector.load %arg7[%get3A_21, %get3A_22] : memref<1x42xf32, #tpu.memory_space<vmem>>, vector<1x42xf32>
    %add3A_24 = vector.broadcast %get3A_23 : vector<1x42xf32> to vector<2000x42xf32>
    %add3A_25 = arith.addf %dot_general3A_20, %add3A_24 : vector<2000x42xf32>
    %jit3A_26 = arith.constant 0.00999999977 : f32
    %ge3A_27 = arith.constant 0.000000e+00 : f32
    %ge3A_28 = vector.broadcast %ge3A_27 : f32 to vector<2000x42xf32>
    %ge3A_29 = arith.cmpf oge, %add3A_25, %ge3A_28 : vector<2000x42xf32>
    %mul3A_30 = vector.broadcast %jit3A_26 : f32 to vector<2000x42xf32>
    %mul3A_31 = arith.mulf %mul3A_30, %add3A_25 : vector<2000x42xf32>
    %select_n3A_32 = arith.select %ge3A_29, %add3A_25, %mul3A_31 : vector<2000x42xi1>, vector<2000x42xf32>
    %get3A_33 = arith.constant 0 : index
    %get3A_34 = arith.constant 0 : index
    %get3A_35 = vector.load %arg3[%get3A_33, %get3A_34] : memref<2000x3xf32, #tpu.memory_space<vmem>>, vector<2000x3xf32>
    %get3A_36 = arith.constant 0 : index
    %get3A_37 = arith.constant 0 : index
    %get3A_38 = vector.load %arg8[%get3A_36, %get3A_37] : memref<3x42xf32, #tpu.memory_space<vmem>>, vector<3x42xf32>
    %dot_general3A_39 = arith.constant dense<0.000000e+00> : vector<2000x42xf32>
    %dot_general3A_40 = tpu.matmul %get3A_35, %get3A_38, %dot_general3A_39 {dimension_numbers = #tpu.dot_dimension_numbers<[1], [0], [0], [1], [0, 0, 1, 1], [], []>, precision = #tpu.contract_precision<fp32>, transpose_lhs_hint = false} : vector<2000x3xf32>, vector<3x42xf32>, vector<2000x42xf32> -> vector<2000x42xf32>
    %get3A_41 = arith.constant 0 : index
    %get3A_42 = arith.constant 0 : index
    %get3A_43 = vector.load %arg9[%get3A_41, %get3A_42] : memref<1x42xf32, #tpu.memory_space<vmem>>, vector<1x42xf32>
    %add3A_44 = vector.broadcast %get3A_43 : vector<1x42xf32> to vector<2000x42xf32>
    %add3A_45 = arith.addf %dot_general3A_40, %add3A_44 : vector<2000x42xf32>
    %jit3A_46 = arith.constant 0.00999999977 : f32
    %ge3A_47 = arith.constant 0.000000e+00 : f32
    %ge3A_48 = vector.broadcast %ge3A_47 : f32 to vector<2000x42xf32>
    %ge3A_49 = arith.cmpf oge, %add3A_45, %ge3A_48 : vector<2000x42xf32>
    %mul3A_50 = vector.broadcast %jit3A_46 : f32 to vector<2000x42xf32>
    %mul3A_51 = arith.mulf %mul3A_50, %add3A_45 : vector<2000x42xf32>
    %select_n3A_52 = arith.select %ge3A_49, %add3A_45, %mul3A_51 : vector<2000x42xi1>, vector<2000x42xf32>
    %get3A_53 = arith.constant 0 : index
    %get3A_54 = arith.constant 0 : index
    %get3A_55 = vector.load %arg10[%get3A_53, %get3A_54] : memref<32x128xf32, #tpu.memory_space<vmem>>, vector<32x128xf32>
    %dot_general3A_56 = arith.constant dense<0.000000e+00> : vector<2000x128xf32>
    %dot_general3A_57 = tpu.matmul %select_n3A, %get3A_55, %dot_general3A_56 {dimension_numbers = #tpu.dot_dimension_numbers<[1], [0], [0], [1], [0, 0, 1, 1], [], []>, precision = #tpu.contract_precision<fp32>, transpose_lhs_hint = false} : vector<2000x32xf32>, vector<32x128xf32>, vector<2000x128xf32> -> vector<2000x128xf32>
    %get3A_58 = arith.constant 0 : index
    %get3A_59 = arith.constant 0 : index
    %get3A_60 = vector.load %arg11[%get3A_58, %get3A_59] : memref<42x128xf32, #tpu.memory_space<vmem>>, vector<42x128xf32>
    %dot_general3A_61 = arith.constant dense<0.000000e+00> : vector<2000x128xf32>
    %dot_general3A_62 = tpu.matmul %select_n3A_32, %get3A_60, %dot_general3A_61 {dimension_numbers = #tpu.dot_dimension_numbers<[1], [0], [0], [1], [0, 0, 1, 1], [], []>, precision = #tpu.contract_precision<fp32>, transpose_lhs_hint = false} : vector<2000x42xf32>, vector<42x128xf32>, vector<2000x128xf32> -> vector<2000x128xf32>
    %add3A_63 = arith.addf %dot_general3A_57, %dot_general3A_62 : vector<2000x128xf32>
    %get3A_64 = arith.constant 0 : index
    %get3A_65 = arith.constant 0 : index
    %get3A_66 = vector.load %arg12[%get3A_64, %get3A_65] : memref<42x128xf32, #tpu.memory_space<vmem>>, vector<42x128xf32>
    %dot_general3A_67 = arith.constant dense<0.000000e+00> : vector<2000x128xf32>
    %dot_general3A_68 = tpu.matmul %select_n3A_52, %get3A_66, %dot_general3A_67 {dimension_numbers = #tpu.dot_dimension_numbers<[1], [0], [0], [1], [0, 0, 1, 1], [], []>, precision = #tpu.contract_precision<fp32>, transpose_lhs_hint = false} : vector<2000x42xf32>, vector<42x128xf32>, vector<2000x128xf32> -> vector<2000x128xf32>
    %add3A_69 = arith.addf %add3A_63, %dot_general3A_68 : vector<2000x128xf32>
    %get3A_70 = arith.constant 0 : index
    %get3A_71 = arith.constant 0 : index
    %get3A_72 = vector.load %arg13[%get3A_70, %get3A_71] : memref<1x128xf32, #tpu.memory_space<vmem>>, vector<1x128xf32>
    %add3A_73 = vector.broadcast %get3A_72 : vector<1x128xf32> to vector<2000x128xf32>
    %add3A_74 = arith.addf %add3A_69, %add3A_73 : vector<2000x128xf32>
    %jit3A_75 = arith.constant 0.00999999977 : f32
    %ge3A_76 = arith.constant 0.000000e+00 : f32
    %ge3A_77 = vector.broadcast %ge3A_76 : f32 to vector<2000x128xf32>
    %ge3A_78 = arith.cmpf oge, %add3A_74, %ge3A_77 : vector<2000x128xf32>
    %mul3A_79 = vector.broadcast %jit3A_75 : f32 to vector<2000x128xf32>
    %mul3A_80 = arith.mulf %mul3A_79, %add3A_74 : vector<2000x128xf32>
    %select_n3A_81 = arith.select %ge3A_78, %add3A_74, %mul3A_80 : vector<2000x128xi1>, vector<2000x128xf32>
    %get3A_82 = arith.constant 0 : index
    %get3A_83 = arith.constant 0 : index
    %get3A_84 = vector.load %arg14[%get3A_82, %get3A_83] : memref<128x80xf32, #tpu.memory_space<vmem>>, vector<128x80xf32>
    %dot_general3A_85 = arith.constant dense<0.000000e+00> : vector<2000x80xf32>
    %dot_general3A_86 = tpu.matmul %select_n3A_81, %get3A_84, %dot_general3A_85 {dimension_numbers = #tpu.dot_dimension_numbers<[1], [0], [0], [1], [0, 0, 1, 1], [], []>, precision = #tpu.contract_precision<fp32>, transpose_lhs_hint = false} : vector<2000x128xf32>, vector<128x80xf32>, vector<2000x80xf32> -> vector<2000x80xf32>
    %get3A_87 = arith.constant 0 : index
    %get3A_88 = arith.constant 0 : index
    %get3A_89 = vector.load %arg15[%get3A_87, %get3A_88] : memref<1x80xf32, #tpu.memory_space<vmem>>, vector<1x80xf32>
    %add3A_90 = vector.broadcast %get3A_89 : vector<1x80xf32> to vector<2000x80xf32>
    %add3A_91 = arith.addf %dot_general3A_86, %add3A_90 : vector<2000x80xf32>
    %swap3A = arith.constant 0 : index
    %swap3A_92 = arith.constant 0 : index
    %swap3A_93 = vector.load %arg18[%swap3A, %swap3A_92] : memref<2000x80xf32, #tpu.memory_space<vmem>>, vector<2000x80xf32>
    tpu.vector_store %arg18[%swap3A, %swap3A_92], %add3A_91 {strides = array<i32>} : memref<2000x80xf32, #tpu.memory_space<vmem>>, vector<2000x80xf32>,
    %get3A_94 = arith.constant 0 : index
    %get3A_95 = arith.constant 0 : index
    %get3A_96 = vector.load %arg16[%get3A_94, %get3A_95] : memref<128x64xf32, #tpu.memory_space<vmem>>, vector<128x64xf32>
    %dot_general3A_97 = arith.constant dense<0.000000e+00> : vector<2000x64xf32>
    %dot_general3A_98 = tpu.matmul %select_n3A_81, %get3A_96, %dot_general3A_97 {dimension_numbers = #tpu.dot_dimension_numbers<[1], [0], [0], [1], [0, 0, 1, 1], [], []>, precision = #tpu.contract_precision<fp32>, transpose_lhs_hint = false} : vector<2000x128xf32>, vector<128x64xf32>, vector<2000x64xf32> -> vector<2000x64xf32>
    %get3A_99 = arith.constant 0 : index
    %get3A_100 = arith.constant 0 : index
    %get3A_101 = vector.load %arg17[%get3A_99, %get3A_100] : memref<1x64xf32, #tpu.memory_space<vmem>>, vector<1x64xf32>
    %add3A_102 = vector.broadcast %get3A_101 : vector<1x64xf32> to vector<2000x64xf32>
    %add3A_103 = arith.addf %dot_general3A_98, %add3A_102 : vector<2000x64xf32>
    %swap3A_104 = arith.constant 0 : index
    %swap3A_105 = arith.constant 0 : index
    %swap3A_106 = vector.load %arg19[%swap3A_104, %swap3A_105] : memref<2000x64xf32, #tpu.memory_space<vmem>>, vector<2000x64xf32>
    tpu.vector_store %arg19[%swap3A_104, %swap3A_105], %add3A_103 {strides = array<i32>} : memref<2000x64xf32, #tpu.memory_space<vmem>>, vector<2000x64xf32>,
    return
  }
  func.func @transform_0(%arg0: i32) -> (i32, i32) {
    %c0_i32 = arith.constant 0 : i32
    %c0_i32_0 = arith.constant 0 : i32
    return %arg0, %c0_i32 : i32, i32
  }
  func.func @transform_1(%arg0: i32) -> (i32, i32) {
    %c0_i32 = arith.constant 0 : i32
    %c0_i32_0 = arith.constant 0 : i32
    return %arg0, %c0_i32 : i32, i32
  }
  func.func @transform_2(%arg0: i32) -> (i32, i32) {
    %c0_i32 = arith.constant 0 : i32
    %c0_i32_0 = arith.constant 0 : i32
    return %arg0, %c0_i32 : i32, i32
  }
  func.func @transform_3(%arg0: i32) -> (i32, i32) {
    %c0_i32 = arith.constant 0 : i32
    %c0_i32_0 = arith.constant 0 : i32
    %c0_i32_1 = arith.constant 0 : i32
    return %c0_i32, %c0_i32_0 : i32, i32
  }
  func.func @transform_4(%arg0: i32) -> (i32, i32) {
    %c0_i32 = arith.constant 0 : i32
    %c0_i32_0 = arith.constant 0 : i32
    %c0_i32_1 = arith.constant 0 : i32
    return %c0_i32, %c0_i32_0 : i32, i32
  }
  func.func @transform_5(%arg0: i32) -> (i32, i32) {
    %c0_i32 = arith.constant 0 : i32
    %c0_i32_0 = arith.constant 0 : i32
    %c0_i32_1 = arith.constant 0 : i32
    return %c0_i32, %c0_i32_0 : i32, i32
  }
  func.func @transform_6(%arg0: i32) -> (i32, i32) {
    %c0_i32 = arith.constant 0 : i32
    %c0_i32_0 = arith.constant 0 : i32
    %c0_i32_1 = arith.constant 0 : i32
    return %c0_i32, %c0_i32_0 : i32, i32
  }
  func.func @transform_7(%arg0: i32) -> (i32, i32) {
    %c0_i32 = arith.constant 0 : i32
    %c0_i32_0 = arith.constant 0 : i32
    %c0_i32_1 = arith.constant 0 : i32
    return %c0_i32, %c0_i32_0 : i32, i32
  }
  func.func @transform_8(%arg0: i32) -> (i32, i32) {
    %c0_i32 = arith.constant 0 : i32
    %c0_i32_0 = arith.constant 0 : i32
    %c0_i32_1 = arith.constant 0 : i32
    return %c0_i32, %c0_i32_0 : i32, i32
  }
  func.func @transform_9(%arg0: i32) -> (i32, i32) {
    %c0_i32 = arith.constant 0 : i32
    %c0_i32_0 = arith.constant 0 : i32
    %c0_i32_1 = arith.constant 0 : i32
    return %c0_i32, %c0_i32_0 : i32, i32
  }
  func.func @transform_10(%arg0: i32) -> (i32, i32) {
    %c0_i32 = arith.constant 0 : i32
    %c0_i32_0 = arith.constant 0 : i32
    %c0_i32_1 = arith.constant 0 : i32
    return %c0_i32, %c0_i32_0 : i32, i32
  }
  func.func @transform_11(%arg0: i32) -> (i32, i32) {
    %c0_i32 = arith.constant 0 : i32
    %c0_i32_0 = arith.constant 0 : i32
    %c0_i32_1 = arith.constant 0 : i32
    return %c0_i32, %c0_i32_0 : i32, i32
  }
  func.func @transform_12(%arg0: i32) -> (i32, i32) {
    %c0_i32 = arith.constant 0 : i32
    %c0_i32_0 = arith.constant 0 : i32
    %c0_i32_1 = arith.constant 0 : i32
    return %c0_i32, %c0_i32_0 : i32, i32
  }
  func.func @transform_13(%arg0: i32) -> (i32, i32) {
    %c0_i32 = arith.constant 0 : i32
    %c0_i32_0 = arith.constant 0 : i32
    %c0_i32_1 = arith.constant 0 : i32
    return %c0_i32, %c0_i32_0 : i32, i32
  }
  func.func @transform_14(%arg0: i32) -> (i32, i32) {
    %c0_i32 = arith.constant 0 : i32
    %c0_i32_0 = arith.constant 0 : i32
    %c0_i32_1 = arith.constant 0 : i32
    return %c0_i32, %c0_i32_0 : i32, i32
  }
  func.func @transform_15(%arg0: i32) -> (i32, i32) {
    %c0_i32 = arith.constant 0 : i32
    %c0_i32_0 = arith.constant 0 : i32
    %c0_i32_1 = arith.constant 0 : i32
    return %c0_i32, %c0_i32_0 : i32, i32
  }
  func.func @transform_16(%arg0: i32) -> (i32, i32) {
    %c0_i32 = arith.constant 0 : i32
    %c0_i32_0 = arith.constant 0 : i32
    %c0_i32_1 = arith.constant 0 : i32
    return %c0_i32, %c0_i32_0 : i32, i32
  }
  func.func @transform_17(%arg0: i32) -> (i32, i32) {
    %c0_i32 = arith.constant 0 : i32
    %c0_i32_0 = arith.constant 0 : i32
    return %arg0, %c0_i32 : i32, i32
  }
  func.func @transform_18(%arg0: i32) -> (i32, i32) {
    %c0_i32 = arith.constant 0 : i32
    %c0_i32_0 = arith.constant 0 : i32
    return %arg0, %c0_i32 : i32, i32
  }
}

module attributes {stable_mosaic.version = 14 : i64} {
  func.func @_tc2_body(%arg0: i32, %arg1: memref<2x2000x80xf32, #tpu.memory_space<vmem>>, %arg2: memref<2000x64xf32, #tpu.memory_space<vmem>>, %arg3: memref<64x128xf32, #tpu.memory_space<vmem>>, %arg4: memref<1x128xf32, #tpu.memory_space<vmem>>, %arg5: memref<2000x64xf32, #tpu.memory_space<vmem>>, %arg6: memref<2000x128xf32, #tpu.memory_space<vmem>>, %arg7: memref<2000x1xf32, #tpu.memory_space<vmem>>) attributes {dimension_semantics = [#tpu.dimension_semantics<arbitrary>], iteration_bounds = array<i64: 5>, scalar_prefetch = 0 : i64, scratch_operands = 0 : i64, tpu.core_type = #tpu.core_type<tc>, window_params = [{transform_indices = @transform_0, window_bounds = array<i64: 2, 2000, 80>}, {transform_indices = @transform_1, window_bounds = array<i64: 2000, 64>}, {pipeline_mode = #tpu.pipeline_mode<synchronous>, transform_indices = @transform_2, window_bounds = array<i64: 64, 128>}, {pipeline_mode = #tpu.pipeline_mode<synchronous>, transform_indices = @transform_3, window_bounds = array<i64: 1, 128>}, {transform_indices = @transform_4, window_bounds = array<i64: 2000, 64>}, {transform_indices = @transform_5, window_bounds = array<i64: 2000, 128>}, {transform_indices = @transform_6, window_bounds = array<i64: 2000, 1>}]} {
    %get3A = arith.constant 0 : index
    %get3A_0 = arith.constant 0 : index
    %get3A_1 = arith.constant 0 : index
    %get3A_2 = vector.load %arg1[%get3A, %get3A_0, %get3A_1] : memref<2x2000x80xf32, #tpu.memory_space<vmem>>, vector<1x2000x80xf32>
    %get3A_3 = vector.shape_cast %get3A_2 : vector<1x2000x80xf32> to vector<2000x80xf32>
    %get3A_4 = arith.constant 1 : index
    %get3A_5 = arith.constant 0 : index
    %get3A_6 = arith.constant 0 : index
    %get3A_7 = vector.load %arg1[%get3A_4, %get3A_5, %get3A_6] : memref<2x2000x80xf32, #tpu.memory_space<vmem>>, vector<1x2000x80xf32>
    %get3A_8 = vector.shape_cast %get3A_7 : vector<1x2000x80xf32> to vector<2000x80xf32>
    %add3A = arith.addf %get3A_3, %get3A_8 : vector<2000x80xf32>
    %slice3A = vector.extract_strided_slice %add3A {offsets = [0, 64], sizes = [2000, 1], strides = [1, 1]} : vector<2000x80xf32> to vector<2000x1xf32>
    %max3A = arith.constant 1.000000e+00 : f32
    %max3A_9 = vector.broadcast %max3A : f32 to vector<2000x1xf32>
    %max3A_10 = arith.maximumf %slice3A, %max3A_9 : vector<2000x1xf32>
    %div3A = arith.constant 1.000000e+00 : f32
    %div3A_11 = vector.broadcast %div3A : f32 to vector<2000x1xf32>
    %div3A_12 = arith.divf %div3A_11, %max3A_10 : vector<2000x1xf32>
    %slice3A_13 = vector.extract_strided_slice %add3A {offsets = [0, 0], sizes = [2000, 64], strides = [1, 1]} : vector<2000x80xf32> to vector<2000x64xf32>
    %mul3A = vector.broadcast %div3A_12 : vector<2000x1xf32> to vector<2000x64xf32>
    %mul3A_14 = arith.mulf %slice3A_13, %mul3A : vector<2000x64xf32>
    %get3A_15 = arith.constant 0 : index
    %get3A_16 = arith.constant 0 : index
    %get3A_17 = vector.load %arg2[%get3A_15, %get3A_16] : memref<2000x64xf32, #tpu.memory_space<vmem>>, vector<2000x64xf32>
    %add3A_18 = arith.addf %mul3A_14, %get3A_17 : vector<2000x64xf32>
    %max3A_19 = arith.constant 0.000000e+00 : f32
    %max3A_20 = vector.broadcast %max3A_19 : f32 to vector<2000x64xf32>
    %max3A_21 = arith.maximumf %add3A_18, %max3A_20 : vector<2000x64xf32>
    %swap3A = arith.constant 0 : index
    %swap3A_22 = arith.constant 0 : index
    %swap3A_23 = vector.load %arg5[%swap3A, %swap3A_22] : memref<2000x64xf32, #tpu.memory_space<vmem>>, vector<2000x64xf32>
    tpu.vector_store %arg5[%swap3A, %swap3A_22], %max3A_21 {strides = array<i32>} : memref<2000x64xf32, #tpu.memory_space<vmem>>, vector<2000x64xf32>,
    %get3A_24 = arith.constant 0 : index
    %get3A_25 = arith.constant 0 : index
    %get3A_26 = vector.load %arg3[%get3A_24, %get3A_25] : memref<64x128xf32, #tpu.memory_space<vmem>>, vector<64x128xf32>
    %dot_general3A = arith.constant dense<0.000000e+00> : vector<2000x128xf32>
    %dot_general3A_27 = tpu.matmul %max3A_21, %get3A_26, %dot_general3A {dimension_numbers = #tpu.dot_dimension_numbers<[1], [0], [0], [1], [0, 0, 1, 1], [], []>, precision = #tpu.contract_precision<fp32>, transpose_lhs_hint = false} : vector<2000x64xf32>, vector<64x128xf32>, vector<2000x128xf32> -> vector<2000x128xf32>
    %get3A_28 = arith.constant 0 : index
    %get3A_29 = arith.constant 0 : index
    %get3A_30 = vector.load %arg4[%get3A_28, %get3A_29] : memref<1x128xf32, #tpu.memory_space<vmem>>, vector<1x128xf32>
    %add3A_31 = vector.broadcast %get3A_30 : vector<1x128xf32> to vector<2000x128xf32>
    %add3A_32 = arith.addf %dot_general3A_27, %add3A_31 : vector<2000x128xf32>
    %swap3A_33 = arith.constant 0 : index
    %swap3A_34 = arith.constant 0 : index
    %swap3A_35 = vector.load %arg6[%swap3A_33, %swap3A_34] : memref<2000x128xf32, #tpu.memory_space<vmem>>, vector<2000x128xf32>
    tpu.vector_store %arg6[%swap3A_33, %swap3A_34], %add3A_32 {strides = array<i32>} : memref<2000x128xf32, #tpu.memory_space<vmem>>, vector<2000x128xf32>,
    %swap3A_36 = arith.constant 0 : index
    %swap3A_37 = arith.constant 0 : index
    %swap3A_38 = vector.load %arg7[%swap3A_36, %swap3A_37] : memref<2000x1xf32, #tpu.memory_space<vmem>>, vector<2000x1xf32>
    tpu.vector_store %arg7[%swap3A_36, %swap3A_37], %div3A_12 {strides = array<i32>} : memref<2000x1xf32, #tpu.memory_space<vmem>>, vector<2000x1xf32>,
    return
  }
  func.func @transform_0(%arg0: i32) -> (i32, i32, i32) {
    %c0_i32 = arith.constant 0 : i32
    %c0_i32_0 = arith.constant 0 : i32
    %c0_i32_1 = arith.constant 0 : i32
    return %c0_i32, %arg0, %c0_i32_0 : i32, i32, i32
  }
  func.func @transform_1(%arg0: i32) -> (i32, i32) {
    %c0_i32 = arith.constant 0 : i32
    %c0_i32_0 = arith.constant 0 : i32
    return %arg0, %c0_i32 : i32, i32
  }
  func.func @transform_2(%arg0: i32) -> (i32, i32) {
    %c0_i32 = arith.constant 0 : i32
    %c0_i32_0 = arith.constant 0 : i32
    %c0_i32_1 = arith.constant 0 : i32
    return %c0_i32, %c0_i32_0 : i32, i32
  }
  func.func @transform_3(%arg0: i32) -> (i32, i32) {
    %c0_i32 = arith.constant 0 : i32
    %c0_i32_0 = arith.constant 0 : i32
    %c0_i32_1 = arith.constant 0 : i32
    return %c0_i32, %c0_i32_0 : i32, i32
  }
  func.func @transform_4(%arg0: i32) -> (i32, i32) {
    %c0_i32 = arith.constant 0 : i32
    %c0_i32_0 = arith.constant 0 : i32
    return %arg0, %c0_i32 : i32, i32
  }
  func.func @transform_5(%arg0: i32) -> (i32, i32) {
    %c0_i32 = arith.constant 0 : i32
    %c0_i32_0 = arith.constant 0 : i32
    return %arg0, %c0_i32 : i32, i32
  }
  func.func @transform_6(%arg0: i32) -> (i32, i32) {
    %c0_i32 = arith.constant 0 : i32
    %c0_i32_0 = arith.constant 0 : i32
    return %arg0, %c0_i32 : i32, i32
  }
}

module attributes {stable_mosaic.version = 14 : i64} {
  func.func @_tc3_body(%arg0: i32, %arg1: memref<2000x64xf32, #tpu.memory_space<vmem>>, %arg2: memref<2000x1xf32, #tpu.memory_space<vmem>>, %arg3: memref<2000x128xf32, #tpu.memory_space<vmem>>, %arg4: memref<64x128xf32, #tpu.memory_space<vmem>>, %arg5: memref<128x64xf32, #tpu.memory_space<vmem>>, %arg6: memref<128x64xf32, #tpu.memory_space<vmem>>, %arg7: memref<1x64xf32, #tpu.memory_space<vmem>>, %arg8: memref<2000x64xf32, #tpu.memory_space<vmem>>, %arg9: memref<2000x64xf32, #tpu.memory_space<vmem>>) attributes {dimension_semantics = [#tpu.dimension_semantics<arbitrary>], iteration_bounds = array<i64: 5>, scalar_prefetch = 0 : i64, scratch_operands = 0 : i64, tpu.core_type = #tpu.core_type<tc>, window_params = [{transform_indices = @transform_0, window_bounds = array<i64: 2000, 64>}, {transform_indices = @transform_1, window_bounds = array<i64: 2000, 1>}, {transform_indices = @transform_2, window_bounds = array<i64: 2000, 128>}, {pipeline_mode = #tpu.pipeline_mode<synchronous>, transform_indices = @transform_3, window_bounds = array<i64: 64, 128>}, {pipeline_mode = #tpu.pipeline_mode<synchronous>, transform_indices = @transform_4, window_bounds = array<i64: 128, 64>}, {pipeline_mode = #tpu.pipeline_mode<synchronous>, transform_indices = @transform_5, window_bounds = array<i64: 128, 64>}, {pipeline_mode = #tpu.pipeline_mode<synchronous>, transform_indices = @transform_6, window_bounds = array<i64: 1, 64>}, {transform_indices = @transform_7, window_bounds = array<i64: 2000, 64>}, {transform_indices = @transform_8, window_bounds = array<i64: 2000, 64>}]} {
    %get3A = arith.constant 0 : index
    %get3A_0 = arith.constant 0 : index
    %get3A_1 = vector.load %arg1[%get3A, %get3A_0] : memref<2000x64xf32, #tpu.memory_space<vmem>>, vector<2000x64xf32>
    %get3A_2 = arith.constant 0 : index
    %get3A_3 = arith.constant 0 : index
    %get3A_4 = vector.load %arg2[%get3A_2, %get3A_3] : memref<2000x1xf32, #tpu.memory_space<vmem>>, vector<2000x1xf32>
    %mul3A = vector.broadcast %get3A_4 : vector<2000x1xf32> to vector<2000x64xf32>
    %mul3A_5 = arith.mulf %get3A_1, %mul3A : vector<2000x64xf32>
    %get3A_6 = arith.constant 0 : index
    %get3A_7 = arith.constant 0 : index
    %get3A_8 = vector.load %arg4[%get3A_6, %get3A_7] : memref<64x128xf32, #tpu.memory_space<vmem>>, vector<64x128xf32>
    %dot_general3A = arith.constant dense<0.000000e+00> : vector<2000x128xf32>
    %dot_general3A_9 = tpu.matmul %mul3A_5, %get3A_8, %dot_general3A {dimension_numbers = #tpu.dot_dimension_numbers<[1], [0], [0], [1], [0, 0, 1, 1], [], []>, precision = #tpu.contract_precision<fp32>, transpose_lhs_hint = false} : vector<2000x64xf32>, vector<64x128xf32>, vector<2000x128xf32> -> vector<2000x128xf32>
    %get3A_10 = arith.constant 0 : index
    %get3A_11 = arith.constant 0 : index
    %get3A_12 = vector.load %arg3[%get3A_10, %get3A_11] : memref<2000x128xf32, #tpu.memory_space<vmem>>, vector<2000x128xf32>
    %add3A = arith.addf %dot_general3A_9, %get3A_12 : vector<2000x128xf32>
    %max3A = arith.constant 0.000000e+00 : f32
    %max3A_13 = vector.broadcast %max3A : f32 to vector<2000x128xf32>
    %max3A_14 = arith.maximumf %add3A, %max3A_13 : vector<2000x128xf32>
    %get3A_15 = arith.constant 0 : index
    %get3A_16 = arith.constant 0 : index
    %get3A_17 = vector.load %arg5[%get3A_15, %get3A_16] : memref<128x64xf32, #tpu.memory_space<vmem>>, vector<128x64xf32>
    %dot_general3A_18 = arith.constant dense<0.000000e+00> : vector<2000x64xf32>
    %dot_general3A_19 = tpu.matmul %max3A_14, %get3A_17, %dot_general3A_18 {dimension_numbers = #tpu.dot_dimension_numbers<[1], [0], [0], [1], [0, 0, 1, 1], [], []>, precision = #tpu.contract_precision<fp32>, transpose_lhs_hint = false} : vector<2000x128xf32>, vector<128x64xf32>, vector<2000x64xf32> -> vector<2000x64xf32>
    %swap3A = arith.constant 0 : index
    %swap3A_20 = arith.constant 0 : index
    %swap3A_21 = vector.load %arg8[%swap3A, %swap3A_20] : memref<2000x64xf32, #tpu.memory_space<vmem>>, vector<2000x64xf32>
    tpu.vector_store %arg8[%swap3A, %swap3A_20], %dot_general3A_19 {strides = array<i32>} : memref<2000x64xf32, #tpu.memory_space<vmem>>, vector<2000x64xf32>,
    %get3A_22 = arith.constant 0 : index
    %get3A_23 = arith.constant 0 : index
    %get3A_24 = vector.load %arg6[%get3A_22, %get3A_23] : memref<128x64xf32, #tpu.memory_space<vmem>>, vector<128x64xf32>
    %dot_general3A_25 = arith.constant dense<0.000000e+00> : vector<2000x64xf32>
    %dot_general3A_26 = tpu.matmul %max3A_14, %get3A_24, %dot_general3A_25 {dimension_numbers = #tpu.dot_dimension_numbers<[1], [0], [0], [1], [0, 0, 1, 1], [], []>, precision = #tpu.contract_precision<fp32>, transpose_lhs_hint = false} : vector<2000x128xf32>, vector<128x64xf32>, vector<2000x64xf32> -> vector<2000x64xf32>
    %get3A_27 = arith.constant 0 : index
    %get3A_28 = arith.constant 0 : index
    %get3A_29 = vector.load %arg7[%get3A_27, %get3A_28] : memref<1x64xf32, #tpu.memory_space<vmem>>, vector<1x64xf32>
    %add3A_30 = vector.broadcast %get3A_29 : vector<1x64xf32> to vector<2000x64xf32>
    %add3A_31 = arith.addf %dot_general3A_26, %add3A_30 : vector<2000x64xf32>
    %swap3A_32 = arith.constant 0 : index
    %swap3A_33 = arith.constant 0 : index
    %swap3A_34 = vector.load %arg9[%swap3A_32, %swap3A_33] : memref<2000x64xf32, #tpu.memory_space<vmem>>, vector<2000x64xf32>
    tpu.vector_store %arg9[%swap3A_32, %swap3A_33], %add3A_31 {strides = array<i32>} : memref<2000x64xf32, #tpu.memory_space<vmem>>, vector<2000x64xf32>,
    return
  }
  func.func @transform_0(%arg0: i32) -> (i32, i32) {
    %c0_i32 = arith.constant 0 : i32
    %c0_i32_0 = arith.constant 0 : i32
    return %arg0, %c0_i32 : i32, i32
  }
  func.func @transform_1(%arg0: i32) -> (i32, i32) {
    %c0_i32 = arith.constant 0 : i32
    %c0_i32_0 = arith.constant 0 : i32
    return %arg0, %c0_i32 : i32, i32
  }
  func.func @transform_2(%arg0: i32) -> (i32, i32) {
    %c0_i32 = arith.constant 0 : i32
    %c0_i32_0 = arith.constant 0 : i32
    return %arg0, %c0_i32 : i32, i32
  }
  func.func @transform_3(%arg0: i32) -> (i32, i32) {
    %c0_i32 = arith.constant 0 : i32
    %c0_i32_0 = arith.constant 0 : i32
    %c0_i32_1 = arith.constant 0 : i32
    return %c0_i32, %c0_i32_0 : i32, i32
  }
  func.func @transform_4(%arg0: i32) -> (i32, i32) {
    %c0_i32 = arith.constant 0 : i32
    %c0_i32_0 = arith.constant 0 : i32
    %c0_i32_1 = arith.constant 0 : i32
    return %c0_i32, %c0_i32_0 : i32, i32
  }
  func.func @transform_5(%arg0: i32) -> (i32, i32) {
    %c0_i32 = arith.constant 0 : i32
    %c0_i32_0 = arith.constant 0 : i32
    %c0_i32_1 = arith.constant 0 : i32
    return %c0_i32, %c0_i32_0 : i32, i32
  }
  func.func @transform_6(%arg0: i32) -> (i32, i32) {
    %c0_i32 = arith.constant 0 : i32
    %c0_i32_0 = arith.constant 0 : i32
    %c0_i32_1 = arith.constant 0 : i32
    return %c0_i32, %c0_i32_0 : i32, i32
  }
  func.func @transform_7(%arg0: i32) -> (i32, i32) {
    %c0_i32 = arith.constant 0 : i32
    %c0_i32_0 = arith.constant 0 : i32
    return %arg0, %c0_i32 : i32, i32
  }
  func.func @transform_8(%arg0: i32) -> (i32, i32) {
    %c0_i32 = arith.constant 0 : i32
    %c0_i32_0 = arith.constant 0 : i32
    return %arg0, %c0_i32 : i32, i32
  }
}

module attributes {stable_mosaic.version = 14 : i64} {
  func.func @_tc4_body(%arg0: i32, %arg1: memref<2000x64xf32, #tpu.memory_space<vmem>>, %arg2: memref<2000x1xf32, #tpu.memory_space<vmem>>, %arg3: memref<2000x64xf32, #tpu.memory_space<vmem>>, %arg4: memref<64x128xf32, #tpu.memory_space<vmem>>, %arg5: memref<1x128xf32, #tpu.memory_space<vmem>>, %arg6: memref<2000x64xf32, #tpu.memory_space<vmem>>, %arg7: memref<2000x128xf32, #tpu.memory_space<vmem>>) attributes {dimension_semantics = [#tpu.dimension_semantics<arbitrary>], iteration_bounds = array<i64: 5>, scalar_prefetch = 0 : i64, scratch_operands = 0 : i64, tpu.core_type = #tpu.core_type<tc>, window_params = [{transform_indices = @transform_0, window_bounds = array<i64: 2000, 64>}, {transform_indices = @transform_1, window_bounds = array<i64: 2000, 1>}, {transform_indices = @transform_2, window_bounds = array<i64: 2000, 64>}, {pipeline_mode = #tpu.pipeline_mode<synchronous>, transform_indices = @transform_3, window_bounds = array<i64: 64, 128>}, {pipeline_mode = #tpu.pipeline_mode<synchronous>, transform_indices = @transform_4, window_bounds = array<i64: 1, 128>}, {transform_indices = @transform_5, window_bounds = array<i64: 2000, 64>}, {transform_indices = @transform_6, window_bounds = array<i64: 2000, 128>}]} {
    %get3A = arith.constant 0 : index
    %get3A_0 = arith.constant 0 : index
    %get3A_1 = vector.load %arg1[%get3A, %get3A_0] : memref<2000x64xf32, #tpu.memory_space<vmem>>, vector<2000x64xf32>
    %get3A_2 = arith.constant 0 : index
    %get3A_3 = arith.constant 0 : index
    %get3A_4 = vector.load %arg2[%get3A_2, %get3A_3] : memref<2000x1xf32, #tpu.memory_space<vmem>>, vector<2000x1xf32>
    %mul3A = vector.broadcast %get3A_4 : vector<2000x1xf32> to vector<2000x64xf32>
    %mul3A_5 = arith.mulf %get3A_1, %mul3A : vector<2000x64xf32>
    %get3A_6 = arith.constant 0 : index
    %get3A_7 = arith.constant 0 : index
    %get3A_8 = vector.load %arg3[%get3A_6, %get3A_7] : memref<2000x64xf32, #tpu.memory_space<vmem>>, vector<2000x64xf32>
    %add3A = arith.addf %mul3A_5, %get3A_8 : vector<2000x64xf32>
    %max3A = arith.constant 0.000000e+00 : f32
    %max3A_9 = vector.broadcast %max3A : f32 to vector<2000x64xf32>
    %max3A_10 = arith.maximumf %add3A, %max3A_9 : vector<2000x64xf32>
    %swap3A = arith.constant 0 : index
    %swap3A_11 = arith.constant 0 : index
    %swap3A_12 = vector.load %arg6[%swap3A, %swap3A_11] : memref<2000x64xf32, #tpu.memory_space<vmem>>, vector<2000x64xf32>
    tpu.vector_store %arg6[%swap3A, %swap3A_11], %max3A_10 {strides = array<i32>} : memref<2000x64xf32, #tpu.memory_space<vmem>>, vector<2000x64xf32>,
    %get3A_13 = arith.constant 0 : index
    %get3A_14 = arith.constant 0 : index
    %get3A_15 = vector.load %arg4[%get3A_13, %get3A_14] : memref<64x128xf32, #tpu.memory_space<vmem>>, vector<64x128xf32>
    %dot_general3A = arith.constant dense<0.000000e+00> : vector<2000x128xf32>
    %dot_general3A_16 = tpu.matmul %max3A_10, %get3A_15, %dot_general3A {dimension_numbers = #tpu.dot_dimension_numbers<[1], [0], [0], [1], [0, 0, 1, 1], [], []>, precision = #tpu.contract_precision<fp32>, transpose_lhs_hint = false} : vector<2000x64xf32>, vector<64x128xf32>, vector<2000x128xf32> -> vector<2000x128xf32>
    %get3A_17 = arith.constant 0 : index
    %get3A_18 = arith.constant 0 : index
    %get3A_19 = vector.load %arg5[%get3A_17, %get3A_18] : memref<1x128xf32, #tpu.memory_space<vmem>>, vector<1x128xf32>
    %add3A_20 = vector.broadcast %get3A_19 : vector<1x128xf32> to vector<2000x128xf32>
    %add3A_21 = arith.addf %dot_general3A_16, %add3A_20 : vector<2000x128xf32>
    %swap3A_22 = arith.constant 0 : index
    %swap3A_23 = arith.constant 0 : index
    %swap3A_24 = vector.load %arg7[%swap3A_22, %swap3A_23] : memref<2000x128xf32, #tpu.memory_space<vmem>>, vector<2000x128xf32>
    tpu.vector_store %arg7[%swap3A_22, %swap3A_23], %add3A_21 {strides = array<i32>} : memref<2000x128xf32, #tpu.memory_space<vmem>>, vector<2000x128xf32>,
    return
  }
  func.func @transform_0(%arg0: i32) -> (i32, i32) {
    %c0_i32 = arith.constant 0 : i32
    %c0_i32_0 = arith.constant 0 : i32
    return %arg0, %c0_i32 : i32, i32
  }
  func.func @transform_1(%arg0: i32) -> (i32, i32) {
    %c0_i32 = arith.constant 0 : i32
    %c0_i32_0 = arith.constant 0 : i32
    return %arg0, %c0_i32 : i32, i32
  }
  func.func @transform_2(%arg0: i32) -> (i32, i32) {
    %c0_i32 = arith.constant 0 : i32
    %c0_i32_0 = arith.constant 0 : i32
    return %arg0, %c0_i32 : i32, i32
  }
  func.func @transform_3(%arg0: i32) -> (i32, i32) {
    %c0_i32 = arith.constant 0 : i32
    %c0_i32_0 = arith.constant 0 : i32
    %c0_i32_1 = arith.constant 0 : i32
    return %c0_i32, %c0_i32_0 : i32, i32
  }
  func.func @transform_4(%arg0: i32) -> (i32, i32) {
    %c0_i32 = arith.constant 0 : i32
    %c0_i32_0 = arith.constant 0 : i32
    %c0_i32_1 = arith.constant 0 : i32
    return %c0_i32, %c0_i32_0 : i32, i32
  }
  func.func @transform_5(%arg0: i32) -> (i32, i32) {
    %c0_i32 = arith.constant 0 : i32
    %c0_i32_0 = arith.constant 0 : i32
    return %arg0, %c0_i32 : i32, i32
  }
  func.func @transform_6(%arg0: i32) -> (i32, i32) {
    %c0_i32 = arith.constant 0 : i32
    %c0_i32_0 = arith.constant 0 : i32
    return %arg0, %c0_i32 : i32, i32
  }
}

module attributes {stable_mosaic.version = 14 : i64} {
  func.func @_tc5_body(%arg0: i32, %arg1: memref<2000x64xf32, #tpu.memory_space<vmem>>, %arg2: memref<2000x1xf32, #tpu.memory_space<vmem>>, %arg3: memref<2000x128xf32, #tpu.memory_space<vmem>>, %arg4: memref<64x128xf32, #tpu.memory_space<vmem>>, %arg5: memref<128x128xf32, #tpu.memory_space<vmem>>, %arg6: memref<1x128xf32, #tpu.memory_space<vmem>>, %arg7: memref<128x2xf32, #tpu.memory_space<vmem>>, %arg8: memref<1x2xf32, #tpu.memory_space<vmem>>, %arg9: memref<2000x2xf32, #tpu.memory_space<vmem>>) attributes {dimension_semantics = [#tpu.dimension_semantics<arbitrary>], iteration_bounds = array<i64: 5>, scalar_prefetch = 0 : i64, scratch_operands = 0 : i64, tpu.core_type = #tpu.core_type<tc>, window_params = [{transform_indices = @transform_0, window_bounds = array<i64: 2000, 64>}, {transform_indices = @transform_1, window_bounds = array<i64: 2000, 1>}, {transform_indices = @transform_2, window_bounds = array<i64: 2000, 128>}, {pipeline_mode = #tpu.pipeline_mode<synchronous>, transform_indices = @transform_3, window_bounds = array<i64: 64, 128>}, {pipeline_mode = #tpu.pipeline_mode<synchronous>, transform_indices = @transform_4, window_bounds = array<i64: 128, 128>}, {pipeline_mode = #tpu.pipeline_mode<synchronous>, transform_indices = @transform_5, window_bounds = array<i64: 1, 128>}, {pipeline_mode = #tpu.pipeline_mode<synchronous>, transform_indices = @transform_6, window_bounds = array<i64: 128, 2>}, {pipeline_mode = #tpu.pipeline_mode<synchronous>, transform_indices = @transform_7, window_bounds = array<i64: 1, 2>}, {transform_indices = @transform_8, window_bounds = array<i64: 2000, 2>}]} {
    %get3A = arith.constant 0 : index
    %get3A_0 = arith.constant 0 : index
    %get3A_1 = vector.load %arg1[%get3A, %get3A_0] : memref<2000x64xf32, #tpu.memory_space<vmem>>, vector<2000x64xf32>
    %get3A_2 = arith.constant 0 : index
    %get3A_3 = arith.constant 0 : index
    %get3A_4 = vector.load %arg2[%get3A_2, %get3A_3] : memref<2000x1xf32, #tpu.memory_space<vmem>>, vector<2000x1xf32>
    %mul3A = vector.broadcast %get3A_4 : vector<2000x1xf32> to vector<2000x64xf32>
    %mul3A_5 = arith.mulf %get3A_1, %mul3A : vector<2000x64xf32>
    %get3A_6 = arith.constant 0 : index
    %get3A_7 = arith.constant 0 : index
    %get3A_8 = vector.load %arg4[%get3A_6, %get3A_7] : memref<64x128xf32, #tpu.memory_space<vmem>>, vector<64x128xf32>
    %dot_general3A = arith.constant dense<0.000000e+00> : vector<2000x128xf32>
    %dot_general3A_9 = tpu.matmul %mul3A_5, %get3A_8, %dot_general3A {dimension_numbers = #tpu.dot_dimension_numbers<[1], [0], [0], [1], [0, 0, 1, 1], [], []>, precision = #tpu.contract_precision<fp32>, transpose_lhs_hint = false} : vector<2000x64xf32>, vector<64x128xf32>, vector<2000x128xf32> -> vector<2000x128xf32>
    %get3A_10 = arith.constant 0 : index
    %get3A_11 = arith.constant 0 : index
    %get3A_12 = vector.load %arg3[%get3A_10, %get3A_11] : memref<2000x128xf32, #tpu.memory_space<vmem>>, vector<2000x128xf32>
    %add3A = arith.addf %dot_general3A_9, %get3A_12 : vector<2000x128xf32>
    %max3A = arith.constant 0.000000e+00 : f32
    %max3A_13 = vector.broadcast %max3A : f32 to vector<2000x128xf32>
    %max3A_14 = arith.maximumf %add3A, %max3A_13 : vector<2000x128xf32>
    %get3A_15 = arith.constant 0 : index
    %get3A_16 = arith.constant 0 : index
    %get3A_17 = vector.load %arg5[%get3A_15, %get3A_16] : memref<128x128xf32, #tpu.memory_space<vmem>>, vector<128x128xf32>
    %dot_general3A_18 = arith.constant dense<0.000000e+00> : vector<2000x128xf32>
    %dot_general3A_19 = tpu.matmul %max3A_14, %get3A_17, %dot_general3A_18 {dimension_numbers = #tpu.dot_dimension_numbers<[1], [0], [0], [1], [0, 0, 1, 1], [], []>, precision = #tpu.contract_precision<fp32>, transpose_lhs_hint = false} : vector<2000x128xf32>, vector<128x128xf32>, vector<2000x128xf32> -> vector<2000x128xf32>
    %get3A_20 = arith.constant 0 : index
    %get3A_21 = arith.constant 0 : index
    %get3A_22 = vector.load %arg6[%get3A_20, %get3A_21] : memref<1x128xf32, #tpu.memory_space<vmem>>, vector<1x128xf32>
    %add3A_23 = vector.broadcast %get3A_22 : vector<1x128xf32> to vector<2000x128xf32>
    %add3A_24 = arith.addf %dot_general3A_19, %add3A_23 : vector<2000x128xf32>
    %jit3A = arith.constant 0.00999999977 : f32
    %ge3A = arith.constant 0.000000e+00 : f32
    %ge3A_25 = vector.broadcast %ge3A : f32 to vector<2000x128xf32>
    %ge3A_26 = arith.cmpf oge, %add3A_24, %ge3A_25 : vector<2000x128xf32>
    %mul3A_27 = vector.broadcast %jit3A : f32 to vector<2000x128xf32>
    %mul3A_28 = arith.mulf %mul3A_27, %add3A_24 : vector<2000x128xf32>
    %select_n3A = arith.select %ge3A_26, %add3A_24, %mul3A_28 : vector<2000x128xi1>, vector<2000x128xf32>
    %get3A_29 = arith.constant 0 : index
    %get3A_30 = arith.constant 0 : index
    %get3A_31 = vector.load %arg7[%get3A_29, %get3A_30] : memref<128x2xf32, #tpu.memory_space<vmem>>, vector<128x2xf32>
    %dot_general3A_32 = arith.constant dense<0.000000e+00> : vector<2000x2xf32>
    %dot_general3A_33 = tpu.matmul %select_n3A, %get3A_31, %dot_general3A_32 {dimension_numbers = #tpu.dot_dimension_numbers<[1], [0], [0], [1], [0, 0, 1, 1], [], []>, precision = #tpu.contract_precision<fp32>, transpose_lhs_hint = false} : vector<2000x128xf32>, vector<128x2xf32>, vector<2000x2xf32> -> vector<2000x2xf32>
    %get3A_34 = arith.constant 0 : index
    %get3A_35 = arith.constant 0 : index
    %get3A_36 = vector.load %arg8[%get3A_34, %get3A_35] : memref<1x2xf32, #tpu.memory_space<vmem>>, vector<1x2xf32>
    %add3A_37 = vector.broadcast %get3A_36 : vector<1x2xf32> to vector<2000x2xf32>
    %add3A_38 = arith.addf %dot_general3A_33, %add3A_37 : vector<2000x2xf32>
    %swap3A = arith.constant 0 : index
    %swap3A_39 = arith.constant 0 : index
    %swap3A_40 = vector.load %arg9[%swap3A, %swap3A_39] : memref<2000x2xf32, #tpu.memory_space<vmem>>, vector<2000x2xf32>
    tpu.vector_store %arg9[%swap3A, %swap3A_39], %add3A_38 {strides = array<i32>} : memref<2000x2xf32, #tpu.memory_space<vmem>>, vector<2000x2xf32>,
    return
  }
  func.func @transform_0(%arg0: i32) -> (i32, i32) {
    %c0_i32 = arith.constant 0 : i32
    %c0_i32_0 = arith.constant 0 : i32
    return %arg0, %c0_i32 : i32, i32
  }
  func.func @transform_1(%arg0: i32) -> (i32, i32) {
    %c0_i32 = arith.constant 0 : i32
    %c0_i32_0 = arith.constant 0 : i32
    return %arg0, %c0_i32 : i32, i32
  }
  func.func @transform_2(%arg0: i32) -> (i32, i32) {
    %c0_i32 = arith.constant 0 : i32
    %c0_i32_0 = arith.constant 0 : i32
    return %arg0, %c0_i32 : i32, i32
  }
  func.func @transform_3(%arg0: i32) -> (i32, i32) {
    %c0_i32 = arith.constant 0 : i32
    %c0_i32_0 = arith.constant 0 : i32
    %c0_i32_1 = arith.constant 0 : i32
    return %c0_i32, %c0_i32_0 : i32, i32
  }
  func.func @transform_4(%arg0: i32) -> (i32, i32) {
    %c0_i32 = arith.constant 0 : i32
    %c0_i32_0 = arith.constant 0 : i32
    %c0_i32_1 = arith.constant 0 : i32
    return %c0_i32, %c0_i32_0 : i32, i32
  }
  func.func @transform_5(%arg0: i32) -> (i32, i32) {
    %c0_i32 = arith.constant 0 : i32
    %c0_i32_0 = arith.constant 0 : i32
    %c0_i32_1 = arith.constant 0 : i32
    return %c0_i32, %c0_i32_0 : i32, i32
  }
  func.func @transform_6(%arg0: i32) -> (i32, i32) {
    %c0_i32 = arith.constant 0 : i32
    %c0_i32_0 = arith.constant 0 : i32
    %c0_i32_1 = arith.constant 0 : i32
    return %c0_i32, %c0_i32_0 : i32, i32
  }
  func.func @transform_7(%arg0: i32) -> (i32, i32) {
    %c0_i32 = arith.constant 0 : i32
    %c0_i32_0 = arith.constant 0 : i32
    %c0_i32_1 = arith.constant 0 : i32
    return %c0_i32, %c0_i32_0 : i32, i32
  }
  func.func @transform_8(%arg0: i32) -> (i32, i32) {
    %c0_i32 = arith.constant 0 : i32
    %c0_i32_0 = arith.constant 0 : i32
    return %arg0, %c0_i32 : i32, i32
  }
}

</mosaic_0001>

<sc_bundles>
// kernel: kernel.11.cloned.1.call-start
scs
__scs_entry_jumppad:
0x0: {  	(pc) =	sbr.rel $0x88, $3  }
0x1: {  	(tag) =	ssettag $0x0;
	lr =	simm.s32 $0x1  }
0x2: {  	[smem:$0x3F85] =	sst lr;
	_ =	strace $0xD0000000  }
0x3: {  	_ = 	snop  }
0x4: {  	_ = 	snop  }
0x5: {  	_ = 	snop  }
0x6: {  	_ = 	snop  }
0x7: {  	_ = 	snop  }
__scs_overlays_trampoline_lowered:
0x8: {  	[smem:$0x3F94] =	sst s0  }
0x9: {  	[smem:$0x3F95] =	sst s1  }
0xa: {  	[smem:$0x3F96] =	sst s2  }
0xb: {  	[smem:$0x3F97] =	sst s3  }
0xc: {  	[smem:$0x3F98] =	sst s4  }
0xd: {  	[smem:$0x3F99] =	sst s5  }
0xe: {  	[smem:$0x3F9A] =	sst s6  }
0xf: {  	[smem:$0x3F9B] =	sst s7  }
0x10: {  	[smem:$0x3F9C] =	sst s8  }
0x11: {  	[smem:$0x3F9D] =	sst s9;
	s0 =	simm.s32 @!p0 $0x0  }
0x12: {  	s1 =	sld [smem:$0x3F83];
	s0 =	simm.s32 @p0 $0x1  }
0x13: {  	[smem:$0x3F9E] =	sst s0;
	s0 =	simm.s32 @!p1 $0x0  }
0x14: {  	s2 =	sld [smem:$0x3F82];
	s0 =	simm.s32 @p1 $0x1  }
0x15: {  	[smem:$0x3F9F] =	sst s0;
	s0 =	simm.s32 @!p2 $0x0  }
0x16: {  	s3 =	sld [smem:$0x3FDB];
	s0 =	simm.s32 @p2 $0x1  }
0x17: {  	s4 =	simm.s32 $0x1BF5;
	[smem:$0x3FA1] =	sst s0  }
0x18: {  	s0 =	sld [smem:$0x3F84];
	_ =	swait.ge [sflag:s4], $0x0  }
0x19: {  	s7 =	sld [smem:$0x3F85]  }
0x1a: {  	s8 =	sadd.s32 $0xFFFFE003, lr  }
0x1b: {  	s9 =	sadd.s32 $0xFFFFFEF7, lr;
	s5 =	simm.s32 $0xFFFFFFFF;
	p2 =	slt.u32 s8, $0xFFFFF086  }
0x1c: {  	p1 =	slt.u32 s9, $0xF7A;
	s5 =	simm.s32 @!p2 $0x0  }
0x1d: {  	s5 =	simm.s32 @p1 $0x1;
	p0 =	seq.s32 s7, s2  }
0x1e: {  	s7 =	smul.u32 @!p0 $0xF7A, s2;
	p2 =	seq.s32 @!p0 s5, $0x0  }
0x1f: {  	s9 =	smul.u32 $0xF7A, s1;
	s8 =	simm.s32 @!p0 $0x1BF5;
	p2 =	por !p2, p0  }
0x20: {  	[sflag:s8] =	ssyncset.s32 @!p0 $0xFFFFF086;
	s6 =	sadd.s32 @!p0 s3, s7;
	s7 =	simm.s32 @!p0 $0x108  }
0x21: {  	s3 =	sadd.s32 s3, s9;
	s6 =	sadd.s32 @!p0 $0x88, s6;
	s7 =	simm.s32 @p2 $0x1082  }
0x22: {  	[simem:s7], [sflag:s8] =	dma.local @!p0 [hbm:s6], $0xF7A  }
0x23: {  	s9 =	sor.u32 $0xD0000000, s2;
	s6 =	simm.s32 $0x108;
	_ =	swait.ge @!p0 [sflag:s8], $0x0  }
0x24: {  	s3 =	sadd.s32 $0x88, s3;
	s6 =	simm.s32 @!p1 $0x1082;
	[sflag:s4] =	ssyncset.s32 $0xFFFFF086  }
0x25: {  	[simem:s6], [sflag:s4] =	dma.local [hbm:s3], $0xF7A  }
0x26: {  	[smem:$0x3F85] =	sst s1;
	(tag) =	ssettag s2;
	_ =	strace s9  }
0x27: {  	s1 =	sld [smem:$0x3F95]  }
0x28: {  	s2 =	sld [smem:$0x3F96]  }
0x29: {  	s4 =	sld [smem:$0x3F98]  }
0x2a: {  	p0 =	seq.s32 s5, $0x0;
	s5 =	sld [smem:$0x3F99]  }
0x2b: {  	s6 =	sld [smem:$0x3F9A]  }
0x2c: {  	s7 =	sld [smem:$0x3F9B]  }
0x2d: {  	s3 =	simm.s32 $0x108;
	s8 =	sld [smem:$0x3F9C]  }
0x2e: {  	s3 =	simm.s32 @!p0 $0x1082;
	s9 =	sld [smem:$0x3F9D]  }
0x2f: {  	lr =	sadd.s32 s0, s3;
	s0 =	sld [smem:$0x3F94]  }
0x30: {  	s3 =	sld [smem:$0x3F97]  }
0x31: {  	[smem:$0x3FA0] =	sst s10  }
0x32: {  	s10 =	sld [smem:$0x3F9E];
	_ =	sdelay $0x3  }
0x33: {  	p0 =	seq.s32 s10, $0x1;
	s10 =	sld [smem:$0x3FA0];
	_ =	sdelay $0x3  }
0x34: {  	[smem:$0x3FA0] =	sst s10  }
0x35: {  	s10 =	sld [smem:$0x3F9F];
	_ =	sdelay $0x3  }
0x36: {  	p1 =	seq.s32 s10, $0x1;
	s10 =	sld [smem:$0x3FA0];
	_ =	sdelay $0x3  }
0x37: {  	[smem:$0x3FA0] =	sst s10  }
0x38: {  	s10 =	sld [smem:$0x3FA1]  }
0x39: {  	_ = 	snop;
	(pc) =	sbr.ind lr, $3  }
0x3a: {  	_ = 	snop  }
0x3b: {  	_ = 	snop  }
0x3c: {  	p2 =	seq.s32 s10, $0x1;
	s10 =	sld [smem:$0x3FA0]  }
0x3d: {  	_ =	shalt  }
0x3e: {  	_ =	shalt  }
0x3f: {  	_ =	shalt  }
0x40: {  	_ =	shalt  }
0x41: {  	_ =	shalt  }
0x42: {  	_ =	shalt  }
0x43: {  	_ =	shalt  }
0x44: {  	_ =	shalt  }
0x45: {  	_ =	shalt  }
0x46: {  	_ =	shalt  }
0x47: {  	_ =	shalt  }
0x48: {  	_ =	shalt  }
0x49: {  	_ =	shalt  }
0x4a: {  	_ =	shalt  }
0x4b: {  	_ =	shalt  }
0x4c: {  	_ =	shalt  }
0x4d: {  	_ =	shalt  }
0x4e: {  	_ =	shalt  }
0x4f: {  	_ =	shalt  }
0x50: {  	_ =	shalt  }
0x51: {  	_ =	shalt  }
0x52: {  	_ =	shalt  }
0x53: {  	_ =	shalt  }
0x54: {  	_ =	shalt  }
0x55: {  	_ =	shalt  }
0x56: {  	_ =	shalt  }
0x57: {  	_ =	shalt  }
0x58: {  	_ =	shalt  }
0x59: {  	_ =	shalt  }
0x5a: {  	_ =	shalt  }
0x5b: {  	_ =	shalt  }
0x5c: {  	_ =	shalt  }
0x5d: {  	_ =	shalt  }
0x5e: {  	_ =	shalt  }
0x5f: {  	_ =	shalt  }
0x60: {  	_ =	shalt  }
0x61: {  	_ =	shalt  }
0x62: {  	_ =	shalt  }
0x63: {  	_ =	shalt  }
0x64: {  	_ =	shalt  }
0x65: {  	_ =	shalt  }
0x66: {  	_ =	shalt  }
0x67: {  	_ =	shalt  }
0x68: {  	_ =	shalt  }
0x69: {  	_ =	shalt  }
0x6a: {  	_ =	shalt  }
0x6b: {  	_ =	shalt  }
0x6c: {  	_ =	shalt  }
0x6d: {  	_ =	shalt  }
0x6e: {  	_ =	shalt  }
0x6f: {  	_ =	shalt  }
0x70: {  	_ =	shalt  }
0x71: {  	_ =	shalt  }
0x72: {  	_ =	shalt  }
0x73: {  	_ =	shalt  }
0x74: {  	_ =	shalt  }
0x75: {  	_ =	shalt  }
0x76: {  	_ =	shalt  }
0x77: {  	_ =	shalt  }
0x78: {  	_ =	shalt  }
0x79: {  	_ =	shalt  }
0x7a: {  	_ =	shalt  }
0x7b: {  	_ =	shalt  }
0x7c: {  	_ =	shalt  }
0x7d: {  	_ =	shalt  }
0x7e: {  	_ =	shalt  }
0x7f: {  	_ =	shalt  }
0x80: {  	_ =	shalt  }
0x81: {  	_ =	shalt  }
0x82: {  	_ =	shalt  }
0x83: {  	_ =	shalt  }
0x84: {  	_ =	shalt  }
0x85: {  	_ =	shalt  }
0x86: {  	_ =	shalt  }
0x87: {  	_ =	shalt  }
.Lfunc_end0:
.L_simem_size_0:
called_computation_lowered:
.L_overlay_start_0:
0x88: {  	s2 =	sld [smem:$0x3FD9]  }
0x89: {  	s3 =	sld [smem:$0x3FFE];
	_ =	sdelay $0x1  }
0x8a: {  	s1 =	srdreg.scid  }
0x8b: {  	s0 =	sand.u32 $0x1, s1  }
0x8c: {  	s16 =	sshll.u32 s0, $0xA;
	s2 =	sadd.s32 s3, s2  }
0x8d: {  	s2 =	sadd.s32 s2, s16  }
0x8e: {  	[smem:$0x3FAC] =	sst s2  }
0x8f: {  	_ = 	snop  }
0x90: {  	(tm) =	ssettm $0x1  }
0x91: {  	s17 =	sld [smem:$0x3FFB];
	_ =	sdelay $0x3  }
0x92: {  	_ =	strace s17  }
0x93: {  	s2 =	sld [smem:$0x3FFC];
	_ =	sdelay $0x3  }
0x94: {  	_ =	strace s2  }
0x95: {  	s2 =	sld [smem:$0x3FFD];
	_ =	sdelay $0x3  }
0x96: {  	_ =	strace s2  }
0x97: {  	_ =	strace $0x8FFFFFFF  }
0x98: {  	s18 =	sld [smem:$0x3FDB];
	_ =	sdelay $0x1  }
0x99: {  	s19 =	simm.s32 $_scs_section_size  }
0x9a: {  	s4 =	simm.s32 $_size__tile_overlayer_lowered;
	s5 =	simm.s32 $_tile_overlayer_lowered  }
0x9b: {  	s22 =	simm.s32 $0x1BFF;
	s21 =	sshll.u32 s5, $0x1;
	s2 =	sadd.s32 s19, s18  }
0x9c: {  	s6 =	simm.s32 $0x0;
	s20 =	sshll.u32 s4, $0x1;
	s4 =	sadd.s32 s21, s2  }
0x9d: {  	[timem:s6], [sflag:s22] =	dma.local [hbm:s4], s20  }
0x9e: {  	_ =	swait.ge [sflag:s22], s20  }
0x9f: {  	s3 =	ssub.s32 $0x0, s20;
	[sflag:s22] =	ssyncset.done $0x0  }
0xa0: {  	[sflag:s22] =	ssyncadd.s32 s3;
	_ =	sdelay $0x1  }
0xa1: {  	s23 =	simm.s32 $0x1B8B  }
0xa2: {  	_ =	swait.ge [sflag:s23], $0x1  }
0xa3: {  	[sflag:s23] =	ssyncset.done $0x0  }
0xa4: {  	s25 =	simm.s32 $0x1B8E;
	s24 =	sld [smem:$0x3FFE];
	[sflag:s23] =	ssyncadd.s32 $0xFFFFFFFF  }
0xa5: {  	s26 =	simm.s32 $execute0_lowered;
	[smem:$0x3FD2] =	sst s25  }
0xa6: {  	s4 =	sshll.u32 s26, $0x1;
	_ =	strace $0x80000046;
	[dreg:$0x1] =	wrdreg $0xFFFFFFFF  }
0xa7: {  	s28 =	simm.s32 $_size_execute0_lowered;
	s2 =	sadd.s32 s2, s4;
	[dreg:$0x0] =	wrdreg $0x0  }
0xa8: {  	s4 =	sshll.u32 s28, $0x1;
	[dreg:$0x2] =	wrdreg s2  }
0xa9: {  	[dreg:$0x3] =	wrdreg s4  }
0xaa: {  	[dreg:$0x4] =	wrdreg $0xC0  }
0xab: {  	_ =	task [dreg:s6], $0x5FFFF  }
0xac: {  	[dreg:$0x1] =	wrdreg $0xFFFFFFFF  }
0xad: {  	[dreg:$0x0] =	wrdreg $0x60  }
0xae: {  	[dreg:$0x2] =	wrdreg s24  }
0xaf: {  	[dreg:$0x3] =	wrdreg $0x113500  }
0xb0: {  	[dreg:$0x4] =	wrdreg $0x9  }
0xb1: {  	_ =	task.clear_ibuf [dreg:s6], $0x5FFFF;
	_ =	strace $0x90000046  }
0xb2: {  	s29 =	simm.s32 $0x9;
	_ =	strace $0x80000048  }
0xb3: {  	_ =	swait.ge [sflag:s29], $0x1  }
0xb4: {  	[sflag:s29] =	ssyncadd.s32 $0xFFFFFFFF  }
0xb5: {  	_ =	strace $0x90000048  }
0xb6: {  	_ =	sfence  }
0xb7: {  	s30 =	sld [smem:$0x0];
	_ =	sdelay $0x2  }
0xb8: {  	s31 =	sshll.u32 s1, $0xD;
	s1 =	sshrl.u32 s1, $0x2  }
0xb9: {  	s3 =	sand.u32 $0x4000, s31;
	s1 =	sadd.s32 s1, s30  }
0xba: {  	s0 =	sor.u32 s3, s0;
	s1 =	sshll.u32 s1, $0x11  }
0xbb: {  	s0 =	sor.u32 s1, s0  }
0xbc: {  	s0 =	sadd.s32 $0x8F2B, s0  }
0xbd: {  	[sflag:s0] =	ssyncadd.remote.s32 $0x1  }
0xbe: {  	_ =	sfence.sel $0xFFFF  }
0xbf: {  	[dreg:$0x0] =	wrdreg $0xFFFFFFFF;
	(pc) =	sbr.abs _section_cstart, $3  }
0xc0: {  	[dreg:$0x1] =	wrdreg $0xFFFFFFFF  }
0xc1: {  	_ =	task.clear_ibuf [dreg:s6], $0x2FFFF;
	_ =	strace $0x9FFFFFFF  }
0xc2: {  	(tm) =	ssettm $0x7FFFFFFF  }
0xc3: {  	_ =	shalt  }
tec
execute0_lowered:
.L_overlay_start_1:
0x0: {  	(tag) =	ssettag $0x1  }
0x1: {  	s0 =	srdreg.scid  }
0x2: {  	s11 =	stileid.u32;
	s5 =	rddreg [dreg:$0x0]  }
0x3: {  	s2 =	rddreg [dreg:$0x1];
	s3 =	simm.s32 $0x0;
	s13 =	simm.s32 $0x7  }
0x4: {  	s14 =	simm.s32 $0x6;
	s15 =	simm.s32 $0x7D;
	s16 =	simm.s32 $0x5000  }
0x5: {  	s18 =	simm.s32 $0x7710;
	s20 =	simm.s32 $0x9E20;
	s22 =	simm.s32 $0xC530  }
0x6: {  	s24 =	simm.s32 $0xEC40;
	s25 =	simm.s32 $0x1;
	s28 =	simm.s32 $0x3  }
0x7: {  	s29 =	simm.s32 $0x4;
	s30 =	simm.s32 $0x5;
	s17 =	simm.s32 $0x4F80  }
0x8: {  	s19 =	simm.s32 $0x0;
	s0 =	sand.u32 $0x1, s0;
	s7 =	smul.u32 $0xC580, s11  }
0x9: {  	[smem:$0x7FF] =	sst s3;
	s4 =	sadd.s32 $0x4600, s5;
	s26 =	sshll.u32 s11, $0x6  }
0xa: {  	s1 =	sshll.u32 s0, $0x4;
	s6 =	smul.u32 $0xC5800, s0;
	_ =	strace $0x80000047  }
0xb: {  	s0 =	ssub.s32 $0x2, s0;
	s1 =	sor.u32 s11, s1;
	s8 =	sshrl.u32 s7, $0x3  }
0xc: {  	s9 =	sshrl.u32 s0, $0x1;
	s31 =	sadd.s32 s7, s2;
	s11 =	simm.s32 $0x4F00  }
0xd: {  	s1 =	smul.u32 $0x2800, s1;
	s6 =	sadd.s32 s7, s6;
	s8 =	sadd.s32 s8, s5  }
0xe: {  	s0 =	ssub.s32 s0, s9;
	s12 =	sshrl.u32 s31, $0x3;
	s6 =	sshrl.u32 s6, $0x3  }
0xf: {  	s7 =	sadd.s32 $0x30E00, s8;
	s8 =	sor.u32 $0x1C07, s26;
	s1 =	sshrl.u32 s1, $0x3  }
0x10: {  	s26 =	simm.s32 $0x2;
	s10 =	sadd.s32 s6, s5;
	s1 =	sadd.s32 s1, s5  }
0x11: {  	s9 =	sadd.s32 $0x49A00, s10;
	s10 =	smax.u32 s0, $0x1;
	s0 =	simm.s32 $0x4E80  }
0x12: {  	s5 =	sadd.s32 $0x1CE00, s1;
	s6 =	sadd.s32 $0x26E00, s1;
	s1 =	simm.s32 $0x4E00  }
.LBB2_1:
0x13: {  	[tilespmem:s3], [sflag:$0x6] =	stream.linear.gather [hbm4b:s5+s3], $0x2800, $0x38;
	[tilespmem:$0x1D8D0] =	vst v63  }
0x14: {  	s21 =	simm.s32 $0x2800  }
0x15: {  	[tilespmem:s21], [sflag:$0x6] =	stream.linear.gather [hbm4b:s6+s3], $0x2800, $0x38;
	[tilespmem:$0x1D8D0] =	vst v63  }
0x16: {  	[spmem:s12], [sflag:s8] =	dma.local [hbm:s7], $0x18B0  }
0x17: {  	_ =	swait.ge [sflag:s13], $0x18B0  }
0x18: {  	[sflag:s13] =	ssyncset.done $0x0  }
0x19: {  	[sflag:s13] =	ssyncadd.s32 $0xFFFFE750  }
0x1a: {  	_ =	swait.ge [sflag:s14], $0x2800  }
0x1b: {  	[sflag:s14] =	ssyncset.done $0x0  }
0x1c: {  	[sflag:s14] =	ssyncadd.s32 $0xFFFFD800  }
0x1d: {  	_ =	swait.ge [sflag:s14], $0x2800  }
0x1e: {  	[sflag:s14] =	ssyncset.done $0x0  }
0x1f: {  	[sflag:s14] =	ssyncadd.s32 $0xFFFFD800  }
0x20: {  	[bflag:$0x0] =	sbarrier.arrive $0xFFFF  }
0x21: {  	[tilespmem:s16], [sflag:$0x1] =	stream.indirect.gather [hbm4b:s4+s15], $0x50, s3, s15, $0xb8;
	[tilespmem:$0x1D8D0] =	vst v63  }
0x22: {  	s31 =	simm.s32 $0x80  }
0x23: {  	[tilespmem:s18], [sflag:$0x2] =	stream.indirect.gather [hbm4b:s4+s15], $0x50, s31, s15, $0xb8;
	[tilespmem:$0x1D8D0] =	vst v63  }
0x24: {  	s23 =	simm.s32 $0x100  }
0x25: {  	[tilespmem:s20], [sflag:$0x3] =	stream.indirect.gather [hbm4b:s4+s15], $0x50, s23, s15, $0xb8;
	[tilespmem:$0x1D8D0] =	vst v63  }
0x26: {  	s31 =	simm.s32 $0x180  }
0x27: {  	[tilespmem:s22], [sflag:$0x4] =	stream.indirect.gather [hbm4b:s4+s15], $0x50, s31, s15, $0xb8;
	[tilespmem:$0x1D8D0] =	vst v63  }
0x28: {  	s23 =	simm.s32 $0x200  }
0x29: {  	[tilespmem:s24], [sflag:$0x5] =	stream.indirect.gather [hbm4b:s4+s15], $0x50, s23, s15, $0xb8;
	[tilespmem:$0x1D8D0] =	vst v63  }
0x2a: {  	_ =	swait.ge [sflag:s25], $0x2710  }
0x2b: {  	[sflag:s25] =	ssyncset.done $0x0  }
0x2c: {  	s31 =	simm.s32 $0x2800;
	[sflag:s25] =	ssyncadd.s32 $0xFFFFD8F0  }
0x2d: {  	[spmem:s2] =	stream.indirect.scatter.add.f32 [tilespmem:s16], [sflag:$0x7], $0x50, s31, s15, $0xb8;
	[tilespmem:$0x1D8D0] =	vst v63  }
0x2e: {  	_ =	swait.ge [sflag:s13], $0x2710  }
0x2f: {  	[sflag:s13] =	ssyncset.done $0x0  }
0x30: {  	s23 =	simm.s32 $0x280;
	[sflag:s13] =	ssyncadd.s32 $0xFFFFD8F0  }
0x31: {  	[tilespmem:s16], [sflag:$0x1] =	stream.indirect.gather [hbm4b:s4+s15], $0x50, s23, s15, $0xb8;
	[tilespmem:$0x1D8D0] =	vst v63  }
0x32: {  	_ =	swait.ge [sflag:s26], $0x2710  }
0x33: {  	[sflag:s26] =	ssyncset.done $0x0  }
0x34: {  	s31 =	simm.s32 $0x2880;
	[sflag:s26] =	ssyncadd.s32 $0xFFFFD8F0  }
0x35: {  	[spmem:s2] =	stream.indirect.scatter.add.f32 [tilespmem:s18], [sflag:$0x7], $0x50, s31, s15, $0xb8;
	[tilespmem:$0x1D8D0] =	vst v63  }
0x36: {  	_ =	swait.ge [sflag:s13], $0x2710  }
0x37: {  	[sflag:s13] =	ssyncset.done $0x0  }
0x38: {  	s23 =	simm.s32 $0x300;
	[sflag:s13] =	ssyncadd.s32 $0xFFFFD8F0  }
0x39: {  	[tilespmem:s18], [sflag:$0x2] =	stream.indirect.gather [hbm4b:s4+s15], $0x50, s23, s15, $0xb8;
	[tilespmem:$0x1D8D0] =	vst v63  }
0x3a: {  	_ =	swait.ge [sflag:s28], $0x2710  }
0x3b: {  	[sflag:s28] =	ssyncset.done $0x0  }
0x3c: {  	s31 =	simm.s32 $0x2900;
	[sflag:s28] =	ssyncadd.s32 $0xFFFFD8F0  }
0x3d: {  	[spmem:s2] =	stream.indirect.scatter.add.f32 [tilespmem:s20], [sflag:$0x7], $0x50, s31, s15, $0xb8;
	[tilespmem:$0x1D8D0] =	vst v63  }
0x3e: {  	_ =	swait.ge [sflag:s13], $0x2710  }
0x3f: {  	[sflag:s13] =	ssyncset.done $0x0  }
0x40: {  	s23 =	simm.s32 $0x380;
	[sflag:s13] =	ssyncadd.s32 $0xFFFFD8F0  }
0x41: {  	[tilespmem:s20], [sflag:$0x3] =	stream.indirect.gather [hbm4b:s4+s15], $0x50, s23, s15, $0xb8;
	[tilespmem:$0x1D8D0] =	vst v63  }
0x42: {  	_ =	swait.ge [sflag:s29], $0x2710  }
0x43: {  	[sflag:s29] =	ssyncset.done $0x0  }
0x44: {  	s31 =	simm.s32 $0x2980;
	[sflag:s29] =	ssyncadd.s32 $0xFFFFD8F0  }
0x45: {  	[spmem:s2] =	stream.indirect.scatter.add.f32 [tilespmem:s22], [sflag:$0x7], $0x50, s31, s15, $0xb8;
	[tilespmem:$0x1D8D0] =	vst v63  }
0x46: {  	_ =	swait.ge [sflag:s13], $0x2710  }
0x47: {  	[sflag:s13] =	ssyncset.done $0x0  }
0x48: {  	s23 =	simm.s32 $0x400;
	[sflag:s13] =	ssyncadd.s32 $0xFFFFD8F0  }
0x49: {  	[tilespmem:s22], [sflag:$0x4] =	stream.indirect.gather [hbm4b:s4+s15], $0x50, s23, s15, $0xb8;
	[tilespmem:$0x1D8D0] =	vst v63  }
0x4a: {  	_ =	swait.ge [sflag:s30], $0x2710  }
0x4b: {  	[sflag:s30] =	ssyncset.done $0x0  }
0x4c: {  	s31 =	simm.s32 $0x2A00;
	[sflag:s30] =	ssyncadd.s32 $0xFFFFD8F0  }
0x4d: {  	[spmem:s2] =	stream.indirect.scatter.add.f32 [tilespmem:s24], [sflag:$0x7], $0x50, s31, s15, $0xb8;
	[tilespmem:$0x1D8D0] =	vst v63  }
0x4e: {  	_ =	swait.ge [sflag:s13], $0x2710  }
0x4f: {  	[sflag:s13] =	ssyncset.done $0x0  }
0x50: {  	s21 =	simm.s32 $0xA00;
	s23 =	simm.s32 $0x480;
	[sflag:s13] =	ssyncadd.s32 $0xFFFFD8F0  }
.LBB2_2:
0x51: {  	[tilespmem:s24], [sflag:$0x5] =	stream.indirect.gather [hbm4b:s4+s15], $0x50, s23, s15, $0xb8;
	[tilespmem:$0x1D8D0] =	vst v63  }
0x52: {  	s23 =	smov.u32 s21  }
0x53: {  	p0 =	sne.s32 s21, $0x8C00;
	s21 =	sadd.s32 $0xA00, s21;
	_ =	swait.ge [sflag:s25], $0x2710  }
0x54: {  	s23 =	sshra.s32 s23, $0x2;
	[sflag:s25] =	ssyncset.done $0x0  }
0x55: {  	s31 =	sadd.s32 $0x2800, s23;
	[sflag:s25] =	ssyncadd.s32 $0xFFFFD8F0  }
0x56: {  	[spmem:s2] =	stream.indirect.scatter.add.f32 [tilespmem:s16], [sflag:$0x7], $0x50, s31, s15, $0xb8;
	[tilespmem:$0x1D8D0] =	vst v63  }
0x57: {  	_ =	swait.ge [sflag:s13], $0x2710  }
0x58: {  	[sflag:s13] =	ssyncset.done $0x0  }
0x59: {  	s31 =	sadd.s32 $0x280, s23;
	[sflag:s13] =	ssyncadd.s32 $0xFFFFD8F0  }
0x5a: {  	[tilespmem:s16], [sflag:$0x1] =	stream.indirect.gather [hbm4b:s4+s15], $0x50, s31, s15, $0xb8;
	[tilespmem:$0x1D8D0] =	vst v63  }
0x5b: {  	_ =	swait.ge [sflag:s26], $0x2710  }
0x5c: {  	[sflag:s26] =	ssyncset.done $0x0  }
0x5d: {  	s31 =	sadd.s32 $0x2880, s23;
	[sflag:s26] =	ssyncadd.s32 $0xFFFFD8F0  }
0x5e: {  	[spmem:s2] =	stream.indirect.scatter.add.f32 [tilespmem:s18], [sflag:$0x7], $0x50, s31, s15, $0xb8;
	[tilespmem:$0x1D8D0] =	vst v63  }
0x5f: {  	_ =	swait.ge [sflag:s13], $0x2710  }
0x60: {  	[sflag:s13] =	ssyncset.done $0x0  }
0x61: {  	s31 =	sadd.s32 $0x300, s23;
	[sflag:s13] =	ssyncadd.s32 $0xFFFFD8F0  }
0x62: {  	[tilespmem:s18], [sflag:$0x2] =	stream.indirect.gather [hbm4b:s4+s15], $0x50, s31, s15, $0xb8;
	[tilespmem:$0x1D8D0] =	vst v63  }
0x63: {  	_ =	swait.ge [sflag:s28], $0x2710  }
0x64: {  	[sflag:s28] =	ssyncset.done $0x0  }
0x65: {  	s31 =	sadd.s32 $0x2900, s23;
	[sflag:s28] =	ssyncadd.s32 $0xFFFFD8F0  }
0x66: {  	[spmem:s2] =	stream.indirect.scatter.add.f32 [tilespmem:s20], [sflag:$0x7], $0x50, s31, s15, $0xb8;
	[tilespmem:$0x1D8D0] =	vst v63  }
0x67: {  	_ =	swait.ge [sflag:s13], $0x2710  }
0x68: {  	[sflag:s13] =	ssyncset.done $0x0  }
0x69: {  	s31 =	sadd.s32 $0x380, s23;
	[sflag:s13] =	ssyncadd.s32 $0xFFFFD8F0  }
0x6a: {  	[tilespmem:s20], [sflag:$0x3] =	stream.indirect.gather [hbm4b:s4+s15], $0x50, s31, s15, $0xb8;
	[tilespmem:$0x1D8D0] =	vst v63  }
0x6b: {  	_ =	swait.ge [sflag:s29], $0x2710  }
0x6c: {  	[sflag:s29] =	ssyncset.done $0x0  }
0x6d: {  	s31 =	sadd.s32 $0x2980, s23;
	[sflag:s29] =	ssyncadd.s32 $0xFFFFD8F0  }
0x6e: {  	[spmem:s2] =	stream.indirect.scatter.add.f32 [tilespmem:s22], [sflag:$0x7], $0x50, s31, s15, $0xb8;
	[tilespmem:$0x1D8D0] =	vst v63  }
0x6f: {  	_ =	swait.ge [sflag:s13], $0x2710  }
0x70: {  	[sflag:s13] =	ssyncset.done $0x0  }
0x71: {  	s31 =	sadd.s32 $0x400, s23;
	[sflag:s13] =	ssyncadd.s32 $0xFFFFD8F0  }
0x72: {  	[tilespmem:s22], [sflag:$0x4] =	stream.indirect.gather [hbm4b:s4+s15], $0x50, s31, s15, $0xb8;
	[tilespmem:$0x1D8D0] =	vst v63  }
0x73: {  	_ =	swait.ge [sflag:s30], $0x2710  }
0x74: {  	[sflag:s30] =	ssyncset.done $0x0  }
.Ltmp0:
0x75: {  	s31 =	sadd.s32 $0x2A00, s23;
	[sflag:s30] =	ssyncadd.s32 $0xFFFFD8F0;
	(pc) =	sbr.rel @p0 .LBB2_2-.Ltmp0, $4  }
0x76: {  	[spmem:s2] =	stream.indirect.scatter.add.f32 [tilespmem:s24], [sflag:$0x7], $0x50, s31, s15, $0xb8;
	[tilespmem:$0x1D8D0] =	vst v63  }
0x77: {  	_ =	swait.ge [sflag:s13], $0x2710  }
0x78: {  	[sflag:s13] =	ssyncset.done $0x0  }
0x79: {  	s23 =	sadd.s32 $0x480, s23;
	[sflag:s13] =	ssyncadd.s32 $0xFFFFD8F0  }
0x7a: {  	[tilespmem:s24], [sflag:$0x5] =	stream.indirect.gather [hbm4b:s4+s15], $0x50, s23, s15, $0xb8;
	[tilespmem:$0x1D8D0] =	vst v63  }
0x7b: {  	_ =	swait.ge [sflag:s25], $0x2710  }
0x7c: {  	[sflag:s25] =	ssyncset.done $0x0  }
0x7d: {  	s21 =	simm.s32 $0x4D80;
	[sflag:s25] =	ssyncadd.s32 $0xFFFFD8F0  }
0x7e: {  	[spmem:s2] =	stream.indirect.scatter.add.f32 [tilespmem:s16], [sflag:$0x7], $0x50, s21, s15, $0xb8;
	[tilespmem:$0x1D8D0] =	vst v63  }
0x7f: {  	_ =	swait.ge [sflag:s13], $0x2710  }
0x80: {  	[sflag:s13] =	ssyncset.done $0x0  }
0x81: {  	[sflag:s13] =	ssyncadd.s32 $0xFFFFD8F0  }
0x82: {  	_ =	swait.ge [sflag:s26], $0x2710  }
0x83: {  	[sflag:s26] =	ssyncset.done $0x0  }
0x84: {  	[sflag:s26] =	ssyncadd.s32 $0xFFFFD8F0  }
0x85: {  	[spmem:s2] =	stream.indirect.scatter.add.f32 [tilespmem:s18], [sflag:$0x7], $0x50, s1, s15, $0xb8;
	[tilespmem:$0x1D8D0] =	vst v63  }
0x86: {  	_ =	swait.ge [sflag:s13], $0x2710  }
0x87: {  	[sflag:s13] =	ssyncset.done $0x0  }
0x88: {  	[sflag:s13] =	ssyncadd.s32 $0xFFFFD8F0  }
0x89: {  	_ =	swait.ge [sflag:s28], $0x2710  }
0x8a: {  	[sflag:s28] =	ssyncset.done $0x0  }
0x8b: {  	[sflag:s28] =	ssyncadd.s32 $0xFFFFD8F0  }
0x8c: {  	[spmem:s2] =	stream.indirect.scatter.add.f32 [tilespmem:s20], [sflag:$0x7], $0x50, s0, s15, $0xb8;
	[tilespmem:$0x1D8D0] =	vst v63  }
0x8d: {  	_ =	swait.ge [sflag:s13], $0x2710  }
0x8e: {  	[sflag:s13] =	ssyncset.done $0x0  }
0x8f: {  	[sflag:s13] =	ssyncadd.s32 $0xFFFFD8F0  }
0x90: {  	_ =	swait.ge [sflag:s29], $0x2710  }
0x91: {  	[sflag:s29] =	ssyncset.done $0x0  }
0x92: {  	[sflag:s29] =	ssyncadd.s32 $0xFFFFD8F0  }
0x93: {  	[spmem:s2] =	stream.indirect.scatter.add.f32 [tilespmem:s22], [sflag:$0x7], $0x50, s11, s15, $0xb8;
	[tilespmem:$0x1D8D0] =	vst v63  }
0x94: {  	_ =	swait.ge [sflag:s13], $0x2710  }
0x95: {  	[sflag:s13] =	ssyncset.done $0x0  }
0x96: {  	[sflag:s13] =	ssyncadd.s32 $0xFFFFD8F0  }
0x97: {  	_ =	swait.ge [sflag:s30], $0x2710  }
0x98: {  	[sflag:s30] =	ssyncset.done $0x0  }
0x99: {  	[sflag:s30] =	ssyncadd.s32 $0xFFFFD8F0  }
0x9a: {  	[spmem:s2] =	stream.indirect.scatter.add.f32 [tilespmem:s24], [sflag:$0x7], $0x50, s17, s15, $0xb8;
	[tilespmem:$0x1D8D0] =	vst v63  }
0x9b: {  	_ =	swait.ge [sflag:s13], $0x2710  }
0x9c: {  	s19 =	sadd.s32 $0x1, s19;
	[sflag:s13] =	ssyncset.done $0x0  }
0x9d: {  	p0 =	sne.s32 s19, s10;
	[sflag:s13] =	ssyncadd.s32 $0xFFFFD8F0  }
.Ltmp1:
0x9e: {  	[bflag:$0x0] =	sbarrier.arrive $0xFFFF;
	(pc) =	sbr.rel @p0 .LBB2_1-.Ltmp1, $4  }
0x9f: {  	[hbm:s9], [sflag:s8] =	dma.local [spmem:s12], $0x18B0  }
0xa0: {  	_ =	swait.ge [sflag:s13], $0x18B0  }
0xa1: {  	[sflag:s13] =	ssyncset.done $0x0  }
0xa2: {  	[sflag:s13] =	ssyncadd.s32 $0xFFFFE750  }
0xa3: {  	_ =	sfence.sel $0x180000  }
0xa4: {  	[bflag:$0x0] =	sbarrier.arrive $0xFFFF  }
0xa5: {  	_ =	strace $0x90000047  }
0xa6: {  	s0 =	stileid.u32;
	[bflag:$0x2] =	sbarrier.arrive $0xFFFF  }
0xa7: {  	p0 =	sne.s32 s0, $0x0;
	s0 =	rddreg [dreg:$0x2]  }
0xa8: {  	s0 =	sadd.s32 @!p0 $0x100000, s0  }
0xa9: {  	[sflag:s0] =	ssyncadd.tile.s32 @!p0 $0x1;
	_ =	shalt  }
.Lfunc_end2:
_tile_overlayer_lowered:
.L_overlay_start_2:
0xaa: {  	(tag) =	ssettag $0x2  }
0xab: {  	s0 =	rddreg [dreg:$0x0];
	s2 =	stileid.u32  }
0xac: {  	s1 =	rddreg [dreg:$0x1];
	p0 =	sne.s32 s2, $0x0  }
0xad: {  	s3 =	rddreg [dreg:$0x2];
	[bflag:$0x3] =	sbarrier.arrive $0xFFFF;
	s2 =	simm.s32 @!p0 $0x1C07  }
0xae: {  	[timem:s3], [sflag:s2] =	dma.local @!p0 [hbm:s0], s1  }
0xaf: {  	s0 =	simm.s32 @!p0 $0x7  }
0xb0: {  	_ =	swait.ge @!p0 [sflag:s0], s1  }
0xb1: {  	s1 =	ssub.s32 @!p0 $0x0, s1;
	[sflag:s0] =	ssyncset.done @!p0 $0x0  }
0xb2: {  	[sflag:s0] =	ssyncadd.s32 @!p0 s1  }
0xb3: {  	[bflag:$0x3] =	sbarrier.arrive $0xFFFF  }
0xb4: {  	_ =	shalt  }

// kernel: kernel.14.cloned.1.call-start
scs
__scs_entry_jumppad:
0x0: {  	(pc) =	sbr.rel $0x88, $3  }
0x1: {  	(tag) =	ssettag $0x0;
	lr =	simm.s32 $0x1  }
0x2: {  	[smem:$0x3F85] =	sst lr;
	_ =	strace $0xD0000000  }
0x3: {  	_ = 	snop  }
0x4: {  	_ = 	snop  }
0x5: {  	_ = 	snop  }
0x6: {  	_ = 	snop  }
0x7: {  	_ = 	snop  }
__scs_overlays_trampoline_lowered:
0x8: {  	[smem:$0x3F94] =	sst s0  }
0x9: {  	[smem:$0x3F95] =	sst s1  }
0xa: {  	[smem:$0x3F96] =	sst s2  }
0xb: {  	[smem:$0x3F97] =	sst s3  }
0xc: {  	[smem:$0x3F98] =	sst s4  }
0xd: {  	[smem:$0x3F99] =	sst s5  }
0xe: {  	[smem:$0x3F9A] =	sst s6  }
0xf: {  	[smem:$0x3F9B] =	sst s7  }
0x10: {  	[smem:$0x3F9C] =	sst s8  }
0x11: {  	[smem:$0x3F9D] =	sst s9;
	s0 =	simm.s32 @!p0 $0x0  }
0x12: {  	s1 =	sld [smem:$0x3F83];
	s0 =	simm.s32 @p0 $0x1  }
0x13: {  	[smem:$0x3F9E] =	sst s0;
	s0 =	simm.s32 @!p1 $0x0  }
0x14: {  	s2 =	sld [smem:$0x3F82];
	s0 =	simm.s32 @p1 $0x1  }
0x15: {  	[smem:$0x3F9F] =	sst s0;
	s0 =	simm.s32 @!p2 $0x0  }
0x16: {  	s3 =	sld [smem:$0x3FDB];
	s0 =	simm.s32 @p2 $0x1  }
0x17: {  	s4 =	simm.s32 $0x1BF5;
	[smem:$0x3FA1] =	sst s0  }
0x18: {  	s0 =	sld [smem:$0x3F84];
	_ =	swait.ge [sflag:s4], $0x0  }
0x19: {  	s7 =	sld [smem:$0x3F85]  }
0x1a: {  	s8 =	sadd.s32 $0xFFFFE003, lr  }
0x1b: {  	s9 =	sadd.s32 $0xFFFFFEF7, lr;
	s5 =	simm.s32 $0xFFFFFFFF;
	p2 =	slt.u32 s8, $0xFFFFF086  }
0x1c: {  	p1 =	slt.u32 s9, $0xF7A;
	s5 =	simm.s32 @!p2 $0x0  }
0x1d: {  	s5 =	simm.s32 @p1 $0x1;
	p0 =	seq.s32 s7, s2  }
0x1e: {  	s7 =	smul.u32 @!p0 $0xF7A, s2;
	p2 =	seq.s32 @!p0 s5, $0x0  }
0x1f: {  	s9 =	smul.u32 $0xF7A, s1;
	s8 =	simm.s32 @!p0 $0x1BF5;
	p2 =	por !p2, p0  }
0x20: {  	[sflag:s8] =	ssyncset.s32 @!p0 $0xFFFFF086;
	s6 =	sadd.s32 @!p0 s3, s7;
	s7 =	simm.s32 @!p0 $0x108  }
0x21: {  	s3 =	sadd.s32 s3, s9;
	s6 =	sadd.s32 @!p0 $0x88, s6;
	s7 =	simm.s32 @p2 $0x1082  }
0x22: {  	[simem:s7], [sflag:s8] =	dma.local @!p0 [hbm:s6], $0xF7A  }
0x23: {  	s9 =	sor.u32 $0xD0000000, s2;
	s6 =	simm.s32 $0x108;
	_ =	swait.ge @!p0 [sflag:s8], $0x0  }
0x24: {  	s3 =	sadd.s32 $0x88, s3;
	s6 =	simm.s32 @!p1 $0x1082;
	[sflag:s4] =	ssyncset.s32 $0xFFFFF086  }
0x25: {  	[simem:s6], [sflag:s4] =	dma.local [hbm:s3], $0xF7A  }
0x26: {  	[smem:$0x3F85] =	sst s1;
	(tag) =	ssettag s2;
	_ =	strace s9  }
0x27: {  	s1 =	sld [smem:$0x3F95]  }
0x28: {  	s2 =	sld [smem:$0x3F96]  }
0x29: {  	s4 =	sld [smem:$0x3F98]  }
0x2a: {  	p0 =	seq.s32 s5, $0x0;
	s5 =	sld [smem:$0x3F99]  }
0x2b: {  	s6 =	sld [smem:$0x3F9A]  }
0x2c: {  	s7 =	sld [smem:$0x3F9B]  }
0x2d: {  	s3 =	simm.s32 $0x108;
	s8 =	sld [smem:$0x3F9C]  }
0x2e: {  	s3 =	simm.s32 @!p0 $0x1082;
	s9 =	sld [smem:$0x3F9D]  }
0x2f: {  	lr =	sadd.s32 s0, s3;
	s0 =	sld [smem:$0x3F94]  }
0x30: {  	s3 =	sld [smem:$0x3F97]  }
0x31: {  	[smem:$0x3FA0] =	sst s10  }
0x32: {  	s10 =	sld [smem:$0x3F9E];
	_ =	sdelay $0x3  }
0x33: {  	p0 =	seq.s32 s10, $0x1;
	s10 =	sld [smem:$0x3FA0];
	_ =	sdelay $0x3  }
0x34: {  	[smem:$0x3FA0] =	sst s10  }
0x35: {  	s10 =	sld [smem:$0x3F9F];
	_ =	sdelay $0x3  }
0x36: {  	p1 =	seq.s32 s10, $0x1;
	s10 =	sld [smem:$0x3FA0];
	_ =	sdelay $0x3  }
0x37: {  	[smem:$0x3FA0] =	sst s10  }
0x38: {  	s10 =	sld [smem:$0x3FA1]  }
0x39: {  	_ = 	snop;
	(pc) =	sbr.ind lr, $3  }
0x3a: {  	_ = 	snop  }
0x3b: {  	_ = 	snop  }
0x3c: {  	p2 =	seq.s32 s10, $0x1;
	s10 =	sld [smem:$0x3FA0]  }
0x3d: {  	_ =	shalt  }
0x3e: {  	_ =	shalt  }
0x3f: {  	_ =	shalt  }
0x40: {  	_ =	shalt  }
0x41: {  	_ =	shalt  }
0x42: {  	_ =	shalt  }
0x43: {  	_ =	shalt  }
0x44: {  	_ =	shalt  }
0x45: {  	_ =	shalt  }
0x46: {  	_ =	shalt  }
0x47: {  	_ =	shalt  }
0x48: {  	_ =	shalt  }
0x49: {  	_ =	shalt  }
0x4a: {  	_ =	shalt  }
0x4b: {  	_ =	shalt  }
0x4c: {  	_ =	shalt  }
0x4d: {  	_ =	shalt  }
0x4e: {  	_ =	shalt  }
0x4f: {  	_ =	shalt  }
0x50: {  	_ =	shalt  }
0x51: {  	_ =	shalt  }
0x52: {  	_ =	shalt  }
0x53: {  	_ =	shalt  }
0x54: {  	_ =	shalt  }
0x55: {  	_ =	shalt  }
0x56: {  	_ =	shalt  }
0x57: {  	_ =	shalt  }
0x58: {  	_ =	shalt  }
0x59: {  	_ =	shalt  }
0x5a: {  	_ =	shalt  }
0x5b: {  	_ =	shalt  }
0x5c: {  	_ =	shalt  }
0x5d: {  	_ =	shalt  }
0x5e: {  	_ =	shalt  }
0x5f: {  	_ =	shalt  }
0x60: {  	_ =	shalt  }
0x61: {  	_ =	shalt  }
0x62: {  	_ =	shalt  }
0x63: {  	_ =	shalt  }
0x64: {  	_ =	shalt  }
0x65: {  	_ =	shalt  }
0x66: {  	_ =	shalt  }
0x67: {  	_ =	shalt  }
0x68: {  	_ =	shalt  }
0x69: {  	_ =	shalt  }
0x6a: {  	_ =	shalt  }
0x6b: {  	_ =	shalt  }
0x6c: {  	_ =	shalt  }
0x6d: {  	_ =	shalt  }
0x6e: {  	_ =	shalt  }
0x6f: {  	_ =	shalt  }
0x70: {  	_ =	shalt  }
0x71: {  	_ =	shalt  }
0x72: {  	_ =	shalt  }
0x73: {  	_ =	shalt  }
0x74: {  	_ =	shalt  }
0x75: {  	_ =	shalt  }
0x76: {  	_ =	shalt  }
0x77: {  	_ =	shalt  }
0x78: {  	_ =	shalt  }
0x79: {  	_ =	shalt  }
0x7a: {  	_ =	shalt  }
0x7b: {  	_ =	shalt  }
0x7c: {  	_ =	shalt  }
0x7d: {  	_ =	shalt  }
0x7e: {  	_ =	shalt  }
0x7f: {  	_ =	shalt  }
0x80: {  	_ =	shalt  }
0x81: {  	_ =	shalt  }
0x82: {  	_ =	shalt  }
0x83: {  	_ =	shalt  }
0x84: {  	_ =	shalt  }
0x85: {  	_ =	shalt  }
0x86: {  	_ =	shalt  }
0x87: {  	_ =	shalt  }
.Lfunc_end0:
.L_simem_size_0:
called_computation.1_lowered:
.L_overlay_start_0:
0x88: {  	s2 =	sld [smem:$0x3FD9]  }
0x89: {  	s3 =	sld [smem:$0x3FFE];
	_ =	sdelay $0x1  }
0x8a: {  	s1 =	srdreg.scid  }
0x8b: {  	s0 =	sand.u32 $0x1, s1  }
0x8c: {  	s16 =	sshll.u32 s0, $0xA;
	s2 =	sadd.s32 s3, s2  }
0x8d: {  	s2 =	sadd.s32 s2, s16  }
0x8e: {  	[smem:$0x3FAC] =	sst s2  }
0x8f: {  	_ = 	snop  }
0x90: {  	(tm) =	ssettm $0x1  }
0x91: {  	s17 =	sld [smem:$0x3FFB];
	_ =	sdelay $0x3  }
0x92: {  	_ =	strace s17  }
0x93: {  	s2 =	sld [smem:$0x3FFC];
	_ =	sdelay $0x3  }
0x94: {  	_ =	strace s2  }
0x95: {  	s2 =	sld [smem:$0x3FFD];
	_ =	sdelay $0x3  }
0x96: {  	_ =	strace s2  }
0x97: {  	_ =	strace $0x8FFFFFFF  }
0x98: {  	s18 =	sld [smem:$0x3FDB];
	_ =	sdelay $0x1  }
0x99: {  	s19 =	simm.s32 $_scs_section_size  }
0x9a: {  	s4 =	simm.s32 $_size__tile_overlayer_lowered;
	s5 =	simm.s32 $_tile_overlayer_lowered  }
0x9b: {  	s22 =	simm.s32 $0x1BFF;
	s21 =	sshll.u32 s5, $0x1;
	s2 =	sadd.s32 s19, s18  }
0x9c: {  	s6 =	simm.s32 $0x0;
	s20 =	sshll.u32 s4, $0x1;
	s4 =	sadd.s32 s21, s2  }
0x9d: {  	[timem:s6], [sflag:s22] =	dma.local [hbm:s4], s20  }
0x9e: {  	_ =	swait.ge [sflag:s22], s20  }
0x9f: {  	s3 =	ssub.s32 $0x0, s20;
	[sflag:s22] =	ssyncset.done $0x0  }
0xa0: {  	[sflag:s22] =	ssyncadd.s32 s3;
	_ =	sdelay $0x1  }
0xa1: {  	s23 =	simm.s32 $0x1B8B  }
0xa2: {  	_ =	swait.ge [sflag:s23], $0x1  }
0xa3: {  	[sflag:s23] =	ssyncset.done $0x0  }
0xa4: {  	s25 =	simm.s32 $0x1B8E;
	s24 =	sld [smem:$0x3FFE];
	[sflag:s23] =	ssyncadd.s32 $0xFFFFFFFF  }
0xa5: {  	s26 =	simm.s32 $execute0_lowered;
	[smem:$0x3FD2] =	sst s25  }
0xa6: {  	s4 =	sshll.u32 s26, $0x1;
	_ =	strace $0x80000049;
	[dreg:$0x1] =	wrdreg $0xFFFFFFFF  }
0xa7: {  	s28 =	simm.s32 $_size_execute0_lowered;
	s2 =	sadd.s32 s2, s4;
	[dreg:$0x0] =	wrdreg $0x0  }
0xa8: {  	s4 =	sshll.u32 s28, $0x1;
	[dreg:$0x2] =	wrdreg s2  }
0xa9: {  	[dreg:$0x3] =	wrdreg s4  }
0xaa: {  	[dreg:$0x4] =	wrdreg $0xC0  }
0xab: {  	_ =	task [dreg:s6], $0x5FFFF  }
0xac: {  	[dreg:$0x1] =	wrdreg $0xFFFFFFFF  }
0xad: {  	[dreg:$0x0] =	wrdreg $0x60  }
0xae: {  	[dreg:$0x2] =	wrdreg s24  }
0xaf: {  	[dreg:$0x3] =	wrdreg $0xEE200  }
0xb0: {  	[dreg:$0x4] =	wrdreg $0x9  }
0xb1: {  	_ =	task.clear_ibuf [dreg:s6], $0x5FFFF;
	_ =	strace $0x90000049  }
0xb2: {  	s29 =	simm.s32 $0x9;
	_ =	strace $0x8000004B  }
0xb3: {  	_ =	swait.ge [sflag:s29], $0x1  }
0xb4: {  	[sflag:s29] =	ssyncadd.s32 $0xFFFFFFFF  }
0xb5: {  	_ =	strace $0x9000004B  }
0xb6: {  	_ =	sfence  }
0xb7: {  	s30 =	sld [smem:$0x0];
	_ =	sdelay $0x2  }
0xb8: {  	s31 =	sshll.u32 s1, $0xD;
	s1 =	sshrl.u32 s1, $0x2  }
0xb9: {  	s3 =	sand.u32 $0x4000, s31;
	s1 =	sadd.s32 s1, s30  }
0xba: {  	s0 =	sor.u32 s3, s0;
	s1 =	sshll.u32 s1, $0x11  }
0xbb: {  	s0 =	sor.u32 s1, s0  }
0xbc: {  	s0 =	sadd.s32 $0x8F2B, s0  }
0xbd: {  	[sflag:s0] =	ssyncadd.remote.s32 $0x1  }
0xbe: {  	_ =	sfence.sel $0xFFFF  }
0xbf: {  	[dreg:$0x0] =	wrdreg $0xFFFFFFFF;
	(pc) =	sbr.abs _section_cstart, $3  }
0xc0: {  	[dreg:$0x1] =	wrdreg $0xFFFFFFFF  }
0xc1: {  	_ =	task.clear_ibuf [dreg:s6], $0x2FFFF;
	_ =	strace $0x9FFFFFFF  }
0xc2: {  	(tm) =	ssettm $0x7FFFFFFF  }
0xc3: {  	_ =	shalt  }
tec
execute0_lowered:
.L_overlay_start_1:
0x0: {  	(tag) =	ssettag $0x1  }
0x1: {  	s0 =	rddreg [dreg:$0x0]  }
0x2: {  	s1 =	srdreg.scid;
	s2 =	rddreg [dreg:$0x1]  }
0x3: {  	s12 =	stileid.u32;
	s3 =	simm.s32 $0x0;
	s13 =	simm.s32 $0x7  }
0x4: {  	s14 =	simm.s32 $0x6;
	s15 =	simm.s32 $0x7D;
	s16 =	simm.s32 $0xA000  }
0x5: {  	s18 =	simm.s32 $0xAFA0;
	s20 =	simm.s32 $0xBF40;
	s22 =	simm.s32 $0xCEE0  }
0x6: {  	s28 =	simm.s32 $0x3;
	s29 =	simm.s32 $0x4;
	s30 =	simm.s32 $0x5  }
0x7: {  	s17 =	simm.s32 $0x9F80;
	s19 =	simm.s32 $0x8;
	s5 =	smul.u32 $0x5000, s12  }
0x8: {  	s21 =	simm.s32 $0x0;
	s1 =	sand.u32 $0x1, s1;
	s7 =	smul.u32 $0x4F00, s12  }
0x9: {  	[smem:$0x7FF] =	sst s3;
	s8 =	smul.u32 $0x9E00, s12;
	s31 =	sshll.u32 s12, $0x6  }
0xa: {  	s4 =	smul.u32 $0x50000, s1;
	_ =	strace $0x8000004A;
	s9 =	sshll.u32 s1, $0x5  }
0xb: {  	s1 =	ssub.s32 $0x2, s1;
	s10 =	sshrl.u32 s7, $0x3;
	s8 =	sor.u32 s9, s8  }
0xc: {  	s25 =	sshrl.u32 s1, $0x1;
	s11 =	sshrl.u32 s5, $0x3;
	s26 =	sadd.s32 s7, s2  }
0xd: {  	s6 =	sadd.s32 s5, s4;
	s4 =	sadd.s32 $0x4600, s0;
	s23 =	sadd.s32 s10, s0  }
0xe: {  	s8 =	sshrl.u32 s8, $0x3;
	s1 =	ssub.s32 s1, s25;
	s12 =	sshrl.u32 s26, $0x3  }
0xf: {  	s25 =	simm.s32 $0x1;
	s26 =	simm.s32 $0x2;
	s6 =	sshrl.u32 s6, $0x3  }
0x10: {  	s24 =	sadd.s32 s8, s0;
	s7 =	sadd.s32 $0x30E00, s23;
	s8 =	sor.u32 $0x1C07, s31  }
0x11: {  	s10 =	smax.u32 s1, $0x1;
	s1 =	simm.s32 $0x9E80;
	s6 =	sadd.s32 s6, s0  }
0x12: {  	s0 =	sadd.s32 s0, s11;
	s9 =	sadd.s32 $0x3AC00, s24;
	s24 =	simm.s32 $0xDE80  }
0x13: {  	s11 =	simm.s32 $0x9F00;
	s5 =	sadd.s32 $0x7B000, s6;
	s6 =	sadd.s32 $0x26E00, s0  }
.LBB2_1:
0x14: {  	[tilespmem:s3], [sflag:$0x6] =	stream.linear.gather [hbm4b:s5+s3], $0x5000, $0x38;
	[tilespmem:$0x13D20] =	vst v63  }
0x15: {  	s0 =	simm.s32 $0x5000  }
0x16: {  	[tilespmem:s0], [sflag:$0x6] =	stream.linear.gather [hbm4b:s6+s3], $0x5000, $0x38;
	[tilespmem:$0x13D20] =	vst v63  }
0x17: {  	[spmem:s12], [sflag:s8] =	dma.local [hbm:s7], $0x9E0  }
0x18: {  	_ =	swait.ge [sflag:s13], $0x9E0  }
0x19: {  	[sflag:s13] =	ssyncset.done $0x0  }
0x1a: {  	[sflag:s13] =	ssyncadd.s32 $0xFFFFF620  }
0x1b: {  	_ =	swait.ge [sflag:s14], $0x5000  }
0x1c: {  	[sflag:s14] =	ssyncset.done $0x0  }
0x1d: {  	[sflag:s14] =	ssyncadd.s32 $0xFFFFB000  }
0x1e: {  	_ =	swait.ge [sflag:s14], $0x5000  }
0x1f: {  	[sflag:s14] =	ssyncset.done $0x0  }
0x20: {  	[sflag:s14] =	ssyncadd.s32 $0xFFFFB000  }
0x21: {  	[bflag:$0x0] =	sbarrier.arrive $0xFFFF  }
0x22: {  	[tilespmem:s16], [sflag:$0x1] =	stream.indirect.gather [hbm4b:s4+s15], $0x20, s3, s15, $0xb8;
	[tilespmem:$0x13D20] =	vst v63  }
0x23: {  	s23 =	simm.s32 $0x80  }
0x24: {  	[tilespmem:s18], [sflag:$0x2] =	stream.indirect.gather [hbm4b:s4+s15], $0x20, s23, s15, $0xb8;
	[tilespmem:$0x13D20] =	vst v63  }
0x25: {  	s23 =	simm.s32 $0x100  }
0x26: {  	[tilespmem:s20], [sflag:$0x3] =	stream.indirect.gather [hbm4b:s4+s15], $0x20, s23, s15, $0xb8;
	[tilespmem:$0x13D20] =	vst v63  }
0x27: {  	s23 =	simm.s32 $0x180  }
0x28: {  	[tilespmem:s22], [sflag:$0x4] =	stream.indirect.gather [hbm4b:s4+s15], $0x20, s23, s15, $0xb8;
	[tilespmem:$0x13D20] =	vst v63  }
0x29: {  	s23 =	simm.s32 $0x200  }
0x2a: {  	[tilespmem:s24], [sflag:$0x5] =	stream.indirect.gather [hbm4b:s4+s15], $0x20, s23, s15, $0xb8;
	[tilespmem:$0x13D20] =	vst v63  }
0x2b: {  	_ =	swait.ge [sflag:s25], $0xFA0  }
0x2c: {  	[sflag:s25] =	ssyncset.done $0x0  }
0x2d: {  	s23 =	simm.s32 $0x5000;
	[sflag:s25] =	ssyncadd.s32 $0xFFFFF060  }
0x2e: {  	[spmem:s2] =	stream.indirect.scatter.add.f32 [tilespmem:s16], [sflag:$0x7], $0x20, s23, s15, $0xb8;
	[tilespmem:$0x13D20] =	vst v63  }
0x2f: {  	_ =	swait.ge [sflag:s13], $0xFA0  }
0x30: {  	[sflag:s13] =	ssyncset.done $0x0  }
0x31: {  	s0 =	simm.s32 $0x280;
	[sflag:s13] =	ssyncadd.s32 $0xFFFFF060  }
0x32: {  	[tilespmem:s16], [sflag:$0x1] =	stream.indirect.gather [hbm4b:s4+s15], $0x20, s0, s15, $0xb8;
	[tilespmem:$0x13D20] =	vst v63  }
0x33: {  	_ =	swait.ge [sflag:s26], $0xFA0  }
0x34: {  	[sflag:s26] =	ssyncset.done $0x0  }
0x35: {  	s0 =	simm.s32 $0x5080;
	[sflag:s26] =	ssyncadd.s32 $0xFFFFF060  }
0x36: {  	[spmem:s2] =	stream.indirect.scatter.add.f32 [tilespmem:s18], [sflag:$0x7], $0x20, s0, s15, $0xb8;
	[tilespmem:$0x13D20] =	vst v63  }
0x37: {  	_ =	swait.ge [sflag:s13], $0xFA0  }
0x38: {  	[sflag:s13] =	ssyncset.done $0x0  }
0x39: {  	s0 =	simm.s32 $0x300;
	[sflag:s13] =	ssyncadd.s32 $0xFFFFF060  }
0x3a: {  	[tilespmem:s18], [sflag:$0x2] =	stream.indirect.gather [hbm4b:s4+s15], $0x20, s0, s15, $0xb8;
	[tilespmem:$0x13D20] =	vst v63  }
0x3b: {  	_ =	swait.ge [sflag:s28], $0xFA0  }
0x3c: {  	[sflag:s28] =	ssyncset.done $0x0  }
0x3d: {  	s0 =	simm.s32 $0x5100;
	[sflag:s28] =	ssyncadd.s32 $0xFFFFF060  }
0x3e: {  	[spmem:s2] =	stream.indirect.scatter.add.f32 [tilespmem:s20], [sflag:$0x7], $0x20, s0, s15, $0xb8;
	[tilespmem:$0x13D20] =	vst v63  }
0x3f: {  	_ =	swait.ge [sflag:s13], $0xFA0  }
0x40: {  	[sflag:s13] =	ssyncset.done $0x0  }
0x41: {  	s0 =	simm.s32 $0x380;
	[sflag:s13] =	ssyncadd.s32 $0xFFFFF060  }
0x42: {  	[tilespmem:s20], [sflag:$0x3] =	stream.indirect.gather [hbm4b:s4+s15], $0x20, s0, s15, $0xb8;
	[tilespmem:$0x13D20] =	vst v63  }
0x43: {  	_ =	swait.ge [sflag:s29], $0xFA0  }
0x44: {  	[sflag:s29] =	ssyncset.done $0x0  }
0x45: {  	s0 =	simm.s32 $0x5180;
	[sflag:s29] =	ssyncadd.s32 $0xFFFFF060  }
0x46: {  	[spmem:s2] =	stream.indirect.scatter.add.f32 [tilespmem:s22], [sflag:$0x7], $0x20, s0, s15, $0xb8;
	[tilespmem:$0x13D20] =	vst v63  }
0x47: {  	_ =	swait.ge [sflag:s13], $0xFA0  }
0x48: {  	[sflag:s13] =	ssyncset.done $0x0  }
0x49: {  	s0 =	simm.s32 $0x400;
	[sflag:s13] =	ssyncadd.s32 $0xFFFFF060  }
0x4a: {  	[tilespmem:s22], [sflag:$0x4] =	stream.indirect.gather [hbm4b:s4+s15], $0x20, s0, s15, $0xb8;
	[tilespmem:$0x13D20] =	vst v63  }
0x4b: {  	_ =	swait.ge [sflag:s30], $0xFA0  }
0x4c: {  	[sflag:s30] =	ssyncset.done $0x0  }
0x4d: {  	s0 =	simm.s32 $0x5200;
	[sflag:s30] =	ssyncadd.s32 $0xFFFFF060  }
0x4e: {  	[spmem:s2] =	stream.indirect.scatter.add.f32 [tilespmem:s24], [sflag:$0x7], $0x20, s0, s15, $0xb8;
	[tilespmem:$0x13D20] =	vst v63  }
0x4f: {  	_ =	swait.ge [sflag:s13], $0xFA0  }
0x50: {  	[sflag:s13] =	ssyncset.done $0x0  }
0x51: {  	s31 =	simm.s32 $0x480;
	s23 =	simm.s32 $0xA00;
	[sflag:s13] =	ssyncadd.s32 $0xFFFFF060  }
.LBB2_2:
0x52: {  	[tilespmem:s24], [sflag:$0x5] =	stream.indirect.gather [hbm4b:s4+s15], $0x20, s31, s15, $0xb8;
	[tilespmem:$0x13D20] =	vst v63  }
0x53: {  	s31 =	smov.u32 s23  }
0x54: {  	p0 =	sne.s32 s23, $0x12C00;
	s23 =	sadd.s32 $0xA00, s23;
	_ =	swait.ge [sflag:s25], $0xFA0  }
0x55: {  	s31 =	sshra.s32 s31, $0x2;
	[sflag:s25] =	ssyncset.done $0x0  }
0x56: {  	s0 =	sadd.s32 $0x5000, s31;
	[sflag:s25] =	ssyncadd.s32 $0xFFFFF060  }
0x57: {  	[spmem:s2] =	stream.indirect.scatter.add.f32 [tilespmem:s16], [sflag:$0x7], $0x20, s0, s15, $0xb8;
	[tilespmem:$0x13D20] =	vst v63  }
0x58: {  	_ =	swait.ge [sflag:s13], $0xFA0  }
0x59: {  	[sflag:s13] =	ssyncset.done $0x0  }
0x5a: {  	s0 =	sadd.s32 $0x280, s31;
	[sflag:s13] =	ssyncadd.s32 $0xFFFFF060  }
0x5b: {  	[tilespmem:s16], [sflag:$0x1] =	stream.indirect.gather [hbm4b:s4+s15], $0x20, s0, s15, $0xb8;
	[tilespmem:$0x13D20] =	vst v63  }
0x5c: {  	_ =	swait.ge [sflag:s26], $0xFA0  }
0x5d: {  	[sflag:s26] =	ssyncset.done $0x0  }
0x5e: {  	s0 =	sadd.s32 $0x5080, s31;
	[sflag:s26] =	ssyncadd.s32 $0xFFFFF060  }
0x5f: {  	[spmem:s2] =	stream.indirect.scatter.add.f32 [tilespmem:s18], [sflag:$0x7], $0x20, s0, s15, $0xb8;
	[tilespmem:$0x13D20] =	vst v63  }
0x60: {  	_ =	swait.ge [sflag:s13], $0xFA0  }
0x61: {  	[sflag:s13] =	ssyncset.done $0x0  }
0x62: {  	s0 =	sadd.s32 $0x300, s31;
	[sflag:s13] =	ssyncadd.s32 $0xFFFFF060  }
0x63: {  	[tilespmem:s18], [sflag:$0x2] =	stream.indirect.gather [hbm4b:s4+s15], $0x20, s0, s15, $0xb8;
	[tilespmem:$0x13D20] =	vst v63  }
0x64: {  	_ =	swait.ge [sflag:s28], $0xFA0  }
0x65: {  	[sflag:s28] =	ssyncset.done $0x0  }
0x66: {  	s0 =	sadd.s32 $0x5100, s31;
	[sflag:s28] =	ssyncadd.s32 $0xFFFFF060  }
0x67: {  	[spmem:s2] =	stream.indirect.scatter.add.f32 [tilespmem:s20], [sflag:$0x7], $0x20, s0, s15, $0xb8;
	[tilespmem:$0x13D20] =	vst v63  }
0x68: {  	_ =	swait.ge [sflag:s13], $0xFA0  }
0x69: {  	[sflag:s13] =	ssyncset.done $0x0  }
0x6a: {  	s0 =	sadd.s32 $0x380, s31;
	[sflag:s13] =	ssyncadd.s32 $0xFFFFF060  }
0x6b: {  	[tilespmem:s20], [sflag:$0x3] =	stream.indirect.gather [hbm4b:s4+s15], $0x20, s0, s15, $0xb8;
	[tilespmem:$0x13D20] =	vst v63  }
0x6c: {  	_ =	swait.ge [sflag:s29], $0xFA0  }
0x6d: {  	[sflag:s29] =	ssyncset.done $0x0  }
0x6e: {  	s0 =	sadd.s32 $0x5180, s31;
	[sflag:s29] =	ssyncadd.s32 $0xFFFFF060  }
0x6f: {  	[spmem:s2] =	stream.indirect.scatter.add.f32 [tilespmem:s22], [sflag:$0x7], $0x20, s0, s15, $0xb8;
	[tilespmem:$0x13D20] =	vst v63  }
0x70: {  	_ =	swait.ge [sflag:s13], $0xFA0  }
0x71: {  	[sflag:s13] =	ssyncset.done $0x0  }
0x72: {  	s0 =	sadd.s32 $0x400, s31;
	[sflag:s13] =	ssyncadd.s32 $0xFFFFF060  }
0x73: {  	[tilespmem:s22], [sflag:$0x4] =	stream.indirect.gather [hbm4b:s4+s15], $0x20, s0, s15, $0xb8;
	[tilespmem:$0x13D20] =	vst v63  }
0x74: {  	_ =	swait.ge [sflag:s30], $0xFA0  }
0x75: {  	[sflag:s30] =	ssyncset.done $0x0  }
.Ltmp0:
0x76: {  	s0 =	sadd.s32 $0x5200, s31;
	[sflag:s30] =	ssyncadd.s32 $0xFFFFF060;
	(pc) =	sbr.rel @p0 .LBB2_2-.Ltmp0, $4  }
0x77: {  	[spmem:s2] =	stream.indirect.scatter.add.f32 [tilespmem:s24], [sflag:$0x7], $0x20, s0, s15, $0xb8;
	[tilespmem:$0x13D20] =	vst v63  }
0x78: {  	_ =	swait.ge [sflag:s13], $0xFA0  }
0x79: {  	[sflag:s13] =	ssyncset.done $0x0  }
0x7a: {  	s31 =	sadd.s32 $0x480, s31;
	[sflag:s13] =	ssyncadd.s32 $0xFFFFF060  }
0x7b: {  	[tilespmem:s24], [sflag:$0x5] =	stream.indirect.gather [hbm4b:s4+s15], $0x20, s31, s15, $0xb8;
	[tilespmem:$0x13D20] =	vst v63  }
0x7c: {  	_ =	swait.ge [sflag:s25], $0xFA0  }
0x7d: {  	[sflag:s25] =	ssyncset.done $0x0  }
0x7e: {  	s0 =	simm.s32 $0x9D80;
	[sflag:s25] =	ssyncadd.s32 $0xFFFFF060  }
0x7f: {  	[spmem:s2] =	stream.indirect.scatter.add.f32 [tilespmem:s16], [sflag:$0x7], $0x20, s0, s15, $0xb8;
	[tilespmem:$0x13D20] =	vst v63  }
0x80: {  	_ =	swait.ge [sflag:s13], $0xFA0  }
0x81: {  	[sflag:s13] =	ssyncset.done $0x0  }
0x82: {  	[sflag:s13] =	ssyncadd.s32 $0xFFFFF060  }
0x83: {  	_ =	swait.ge [sflag:s26], $0xFA0  }
0x84: {  	[sflag:s26] =	ssyncset.done $0x0  }
0x85: {  	s31 =	simm.s32 $0x9E00;
	[sflag:s26] =	ssyncadd.s32 $0xFFFFF060  }
0x86: {  	[spmem:s2] =	stream.indirect.scatter.add.f32 [tilespmem:s18], [sflag:$0x7], $0x20, s31, s15, $0xb8;
	[tilespmem:$0x13D20] =	vst v63  }
0x87: {  	_ =	swait.ge [sflag:s13], $0xFA0  }
0x88: {  	[sflag:s13] =	ssyncset.done $0x0  }
0x89: {  	[sflag:s13] =	ssyncadd.s32 $0xFFFFF060  }
0x8a: {  	_ =	swait.ge [sflag:s28], $0xFA0  }
0x8b: {  	[sflag:s28] =	ssyncset.done $0x0  }
0x8c: {  	[sflag:s28] =	ssyncadd.s32 $0xFFFFF060  }
0x8d: {  	[spmem:s2] =	stream.indirect.scatter.add.f32 [tilespmem:s20], [sflag:$0x7], $0x20, s1, s15, $0xb8;
	[tilespmem:$0x13D20] =	vst v63  }
0x8e: {  	_ =	swait.ge [sflag:s13], $0xFA0  }
0x8f: {  	[sflag:s13] =	ssyncset.done $0x0  }
0x90: {  	[sflag:s13] =	ssyncadd.s32 $0xFFFFF060  }
0x91: {  	_ =	swait.ge [sflag:s29], $0xFA0  }
0x92: {  	[sflag:s29] =	ssyncset.done $0x0  }
0x93: {  	[sflag:s29] =	ssyncadd.s32 $0xFFFFF060  }
0x94: {  	[spmem:s2] =	stream.indirect.scatter.add.f32 [tilespmem:s22], [sflag:$0x7], $0x20, s11, s15, $0xb8;
	[tilespmem:$0x13D20] =	vst v63  }
0x95: {  	_ =	swait.ge [sflag:s13], $0xFA0  }
0x96: {  	[sflag:s13] =	ssyncset.done $0x0  }
0x97: {  	[sflag:s13] =	ssyncadd.s32 $0xFFFFF060  }
0x98: {  	_ =	swait.ge [sflag:s30], $0xFA0  }
0x99: {  	[sflag:s30] =	ssyncset.done $0x0  }
0x9a: {  	[sflag:s30] =	ssyncadd.s32 $0xFFFFF060  }
0x9b: {  	[spmem:s2] =	stream.indirect.scatter.add.f32 [tilespmem:s24], [sflag:$0x7], $0x20, s17, s15, $0xb8;
	[tilespmem:$0x13D20] =	vst v63  }
0x9c: {  	_ =	swait.ge [sflag:s13], $0xFA0  }
0x9d: {  	s21 =	sadd.s32 $0x1, s21;
	[sflag:s13] =	ssyncset.done $0x0  }
0x9e: {  	p0 =	sne.s32 s21, s10;
	[sflag:s13] =	ssyncadd.s32 $0xFFFFF060  }
.Ltmp1:
0x9f: {  	[bflag:$0x0] =	sbarrier.arrive $0xFFFF;
	(pc) =	sbr.rel @p0 .LBB2_1-.Ltmp1, $4  }
0xa0: {  	[hbm:s9@s19], [sflag:s8] =	dma.strided [spmem:s12@s29], $0x9E0, s25, $0x4   }
0xa1: {  	_ =	swait.ge [sflag:s13], $0x9E0  }
0xa2: {  	[sflag:s13] =	ssyncset.done $0x0  }
0xa3: {  	[sflag:s13] =	ssyncadd.s32 $0xFFFFF620  }
0xa4: {  	_ =	sfence.sel $0x180000  }
0xa5: {  	[bflag:$0x0] =	sbarrier.arrive $0xFFFF  }
0xa6: {  	_ =	strace $0x9000004A  }
0xa7: {  	s0 =	stileid.u32;
	[bflag:$0x2] =	sbarrier.arrive $0xFFFF  }
0xa8: {  	p0 =	sne.s32 s0, $0x0;
	s0 =	rddreg [dreg:$0x2]  }
0xa9: {  	s0 =	sadd.s32 @!p0 $0x100000, s0  }
0xaa: {  	[sflag:s0] =	ssyncadd.tile.s32 @!p0 $0x1;
	_ =	shalt  }
.Lfunc_end2:
_tile_overlayer_lowered:
.L_overlay_start_2:
0xab: {  	(tag) =	ssettag $0x2  }
0xac: {  	s0 =	rddreg [dreg:$0x0];
	s2 =	stileid.u32  }
0xad: {  	s1 =	rddreg [dreg:$0x1];
	p0 =	sne.s32 s2, $0x0  }
0xae: {  	s3 =	rddreg [dreg:$0x2];
	[bflag:$0x3] =	sbarrier.arrive $0xFFFF;
	s2 =	simm.s32 @!p0 $0x1C07  }
0xaf: {  	[timem:s3], [sflag:s2] =	dma.local @!p0 [hbm:s0], s1  }
0xb0: {  	s0 =	simm.s32 @!p0 $0x7  }
0xb1: {  	_ =	swait.ge @!p0 [sflag:s0], s1  }
0xb2: {  	s1 =	ssub.s32 @!p0 $0x0, s1;
	[sflag:s0] =	ssyncset.done @!p0 $0x0  }
0xb3: {  	[sflag:s0] =	ssyncadd.s32 @!p0 s1  }
0xb4: {  	[bflag:$0x3] =	sbarrier.arrive $0xFFFF  }
0xb5: {  	_ =	shalt  }

// kernel: kernel.17.cloned.1.call-start
scs
__scs_entry_jumppad:
0x0: {  	(pc) =	sbr.rel $0x88, $3  }
0x1: {  	(tag) =	ssettag $0x0;
	lr =	simm.s32 $0x1  }
0x2: {  	[smem:$0x3F85] =	sst lr;
	_ =	strace $0xD0000000  }
0x3: {  	_ = 	snop  }
0x4: {  	_ = 	snop  }
0x5: {  	_ = 	snop  }
0x6: {  	_ = 	snop  }
0x7: {  	_ = 	snop  }
__scs_overlays_trampoline_lowered:
0x8: {  	[smem:$0x3F94] =	sst s0  }
0x9: {  	[smem:$0x3F95] =	sst s1  }
0xa: {  	[smem:$0x3F96] =	sst s2  }
0xb: {  	[smem:$0x3F97] =	sst s3  }
0xc: {  	[smem:$0x3F98] =	sst s4  }
0xd: {  	[smem:$0x3F99] =	sst s5  }
0xe: {  	[smem:$0x3F9A] =	sst s6  }
0xf: {  	[smem:$0x3F9B] =	sst s7  }
0x10: {  	[smem:$0x3F9C] =	sst s8  }
0x11: {  	[smem:$0x3F9D] =	sst s9;
	s0 =	simm.s32 @!p0 $0x0  }
0x12: {  	s1 =	sld [smem:$0x3F83];
	s0 =	simm.s32 @p0 $0x1  }
0x13: {  	[smem:$0x3F9E] =	sst s0;
	s0 =	simm.s32 @!p1 $0x0  }
0x14: {  	s2 =	sld [smem:$0x3F82];
	s0 =	simm.s32 @p1 $0x1  }
0x15: {  	[smem:$0x3F9F] =	sst s0;
	s0 =	simm.s32 @!p2 $0x0  }
0x16: {  	s3 =	sld [smem:$0x3FDB];
	s0 =	simm.s32 @p2 $0x1  }
0x17: {  	s4 =	simm.s32 $0x1BF5;
	[smem:$0x3FA1] =	sst s0  }
0x18: {  	s0 =	sld [smem:$0x3F84];
	_ =	swait.ge [sflag:s4], $0x0  }
0x19: {  	s7 =	sld [smem:$0x3F85]  }
0x1a: {  	s8 =	sadd.s32 $0xFFFFE003, lr  }
0x1b: {  	s9 =	sadd.s32 $0xFFFFFEF7, lr;
	s5 =	simm.s32 $0xFFFFFFFF;
	p2 =	slt.u32 s8, $0xFFFFF086  }
0x1c: {  	p1 =	slt.u32 s9, $0xF7A;
	s5 =	simm.s32 @!p2 $0x0  }
0x1d: {  	s5 =	simm.s32 @p1 $0x1;
	p0 =	seq.s32 s7, s2  }
0x1e: {  	s7 =	smul.u32 @!p0 $0xF7A, s2;
	p2 =	seq.s32 @!p0 s5, $0x0  }
0x1f: {  	s9 =	smul.u32 $0xF7A, s1;
	s8 =	simm.s32 @!p0 $0x1BF5;
	p2 =	por !p2, p0  }
0x20: {  	[sflag:s8] =	ssyncset.s32 @!p0 $0xFFFFF086;
	s6 =	sadd.s32 @!p0 s3, s7;
	s7 =	simm.s32 @!p0 $0x108  }
0x21: {  	s3 =	sadd.s32 s3, s9;
	s6 =	sadd.s32 @!p0 $0x88, s6;
	s7 =	simm.s32 @p2 $0x1082  }
0x22: {  	[simem:s7], [sflag:s8] =	dma.local @!p0 [hbm:s6], $0xF7A  }
0x23: {  	s9 =	sor.u32 $0xD0000000, s2;
	s6 =	simm.s32 $0x108;
	_ =	swait.ge @!p0 [sflag:s8], $0x0  }
0x24: {  	s3 =	sadd.s32 $0x88, s3;
	s6 =	simm.s32 @!p1 $0x1082;
	[sflag:s4] =	ssyncset.s32 $0xFFFFF086  }
0x25: {  	[simem:s6], [sflag:s4] =	dma.local [hbm:s3], $0xF7A  }
0x26: {  	[smem:$0x3F85] =	sst s1;
	(tag) =	ssettag s2;
	_ =	strace s9  }
0x27: {  	s1 =	sld [smem:$0x3F95]  }
0x28: {  	s2 =	sld [smem:$0x3F96]  }
0x29: {  	s4 =	sld [smem:$0x3F98]  }
0x2a: {  	p0 =	seq.s32 s5, $0x0;
	s5 =	sld [smem:$0x3F99]  }
0x2b: {  	s6 =	sld [smem:$0x3F9A]  }
0x2c: {  	s7 =	sld [smem:$0x3F9B]  }
0x2d: {  	s3 =	simm.s32 $0x108;
	s8 =	sld [smem:$0x3F9C]  }
0x2e: {  	s3 =	simm.s32 @!p0 $0x1082;
	s9 =	sld [smem:$0x3F9D]  }
0x2f: {  	lr =	sadd.s32 s0, s3;
	s0 =	sld [smem:$0x3F94]  }
0x30: {  	s3 =	sld [smem:$0x3F97]  }
0x31: {  	[smem:$0x3FA0] =	sst s10  }
0x32: {  	s10 =	sld [smem:$0x3F9E];
	_ =	sdelay $0x3  }
0x33: {  	p0 =	seq.s32 s10, $0x1;
	s10 =	sld [smem:$0x3FA0];
	_ =	sdelay $0x3  }
0x34: {  	[smem:$0x3FA0] =	sst s10  }
0x35: {  	s10 =	sld [smem:$0x3F9F];
	_ =	sdelay $0x3  }
0x36: {  	p1 =	seq.s32 s10, $0x1;
	s10 =	sld [smem:$0x3FA0];
	_ =	sdelay $0x3  }
0x37: {  	[smem:$0x3FA0] =	sst s10  }
0x38: {  	s10 =	sld [smem:$0x3FA1]  }
0x39: {  	_ = 	snop;
	(pc) =	sbr.ind lr, $3  }
0x3a: {  	_ = 	snop  }
0x3b: {  	_ = 	snop  }
0x3c: {  	p2 =	seq.s32 s10, $0x1;
	s10 =	sld [smem:$0x3FA0]  }
0x3d: {  	_ =	shalt  }
0x3e: {  	_ =	shalt  }
0x3f: {  	_ =	shalt  }
0x40: {  	_ =	shalt  }
0x41: {  	_ =	shalt  }
0x42: {  	_ =	shalt  }
0x43: {  	_ =	shalt  }
0x44: {  	_ =	shalt  }
0x45: {  	_ =	shalt  }
0x46: {  	_ =	shalt  }
0x47: {  	_ =	shalt  }
0x48: {  	_ =	shalt  }
0x49: {  	_ =	shalt  }
0x4a: {  	_ =	shalt  }
0x4b: {  	_ =	shalt  }
0x4c: {  	_ =	shalt  }
0x4d: {  	_ =	shalt  }
0x4e: {  	_ =	shalt  }
0x4f: {  	_ =	shalt  }
0x50: {  	_ =	shalt  }
0x51: {  	_ =	shalt  }
0x52: {  	_ =	shalt  }
0x53: {  	_ =	shalt  }
0x54: {  	_ =	shalt  }
0x55: {  	_ =	shalt  }
0x56: {  	_ =	shalt  }
0x57: {  	_ =	shalt  }
0x58: {  	_ =	shalt  }
0x59: {  	_ =	shalt  }
0x5a: {  	_ =	shalt  }
0x5b: {  	_ =	shalt  }
0x5c: {  	_ =	shalt  }
0x5d: {  	_ =	shalt  }
0x5e: {  	_ =	shalt  }
0x5f: {  	_ =	shalt  }
0x60: {  	_ =	shalt  }
0x61: {  	_ =	shalt  }
0x62: {  	_ =	shalt  }
0x63: {  	_ =	shalt  }
0x64: {  	_ =	shalt  }
0x65: {  	_ =	shalt  }
0x66: {  	_ =	shalt  }
0x67: {  	_ =	shalt  }
0x68: {  	_ =	shalt  }
0x69: {  	_ =	shalt  }
0x6a: {  	_ =	shalt  }
0x6b: {  	_ =	shalt  }
0x6c: {  	_ =	shalt  }
0x6d: {  	_ =	shalt  }
0x6e: {  	_ =	shalt  }
0x6f: {  	_ =	shalt  }
0x70: {  	_ =	shalt  }
0x71: {  	_ =	shalt  }
0x72: {  	_ =	shalt  }
0x73: {  	_ =	shalt  }
0x74: {  	_ =	shalt  }
0x75: {  	_ =	shalt  }
0x76: {  	_ =	shalt  }
0x77: {  	_ =	shalt  }
0x78: {  	_ =	shalt  }
0x79: {  	_ =	shalt  }
0x7a: {  	_ =	shalt  }
0x7b: {  	_ =	shalt  }
0x7c: {  	_ =	shalt  }
0x7d: {  	_ =	shalt  }
0x7e: {  	_ =	shalt  }
0x7f: {  	_ =	shalt  }
0x80: {  	_ =	shalt  }
0x81: {  	_ =	shalt  }
0x82: {  	_ =	shalt  }
0x83: {  	_ =	shalt  }
0x84: {  	_ =	shalt  }
0x85: {  	_ =	shalt  }
0x86: {  	_ =	shalt  }
0x87: {  	_ =	shalt  }
.Lfunc_end0:
.L_simem_size_0:
called_computation.2_lowered:
.L_overlay_start_0:
0x88: {  	s2 =	sld [smem:$0x3FD9]  }
0x89: {  	s3 =	sld [smem:$0x3FFE];
	_ =	sdelay $0x1  }
0x8a: {  	s1 =	srdreg.scid  }
0x8b: {  	s0 =	sand.u32 $0x1, s1  }
0x8c: {  	s16 =	sshll.u32 s0, $0xA;
	s2 =	sadd.s32 s3, s2  }
0x8d: {  	s2 =	sadd.s32 s2, s16  }
0x8e: {  	[smem:$0x3FAC] =	sst s2  }
0x8f: {  	_ = 	snop  }
0x90: {  	(tm) =	ssettm $0x1  }
0x91: {  	s17 =	sld [smem:$0x3FFB];
	_ =	sdelay $0x3  }
0x92: {  	_ =	strace s17  }
0x93: {  	s2 =	sld [smem:$0x3FFC];
	_ =	sdelay $0x3  }
0x94: {  	_ =	strace s2  }
0x95: {  	s2 =	sld [smem:$0x3FFD];
	_ =	sdelay $0x3  }
0x96: {  	_ =	strace s2  }
0x97: {  	_ =	strace $0x8FFFFFFF  }
0x98: {  	s18 =	sld [smem:$0x3FDB];
	_ =	sdelay $0x1  }
0x99: {  	s19 =	simm.s32 $_scs_section_size  }
0x9a: {  	s4 =	simm.s32 $_size__tile_overlayer_lowered;
	s5 =	simm.s32 $_tile_overlayer_lowered  }
0x9b: {  	s22 =	simm.s32 $0x1BFF;
	s21 =	sshll.u32 s5, $0x1;
	s2 =	sadd.s32 s19, s18  }
0x9c: {  	s6 =	simm.s32 $0x0;
	s20 =	sshll.u32 s4, $0x1;
	s4 =	sadd.s32 s21, s2  }
0x9d: {  	[timem:s6], [sflag:s22] =	dma.local [hbm:s4], s20  }
0x9e: {  	_ =	swait.ge [sflag:s22], s20  }
0x9f: {  	s3 =	ssub.s32 $0x0, s20;
	[sflag:s22] =	ssyncset.done $0x0  }
0xa0: {  	[sflag:s22] =	ssyncadd.s32 s3;
	_ =	sdelay $0x1  }
0xa1: {  	s23 =	simm.s32 $0x1B8B  }
0xa2: {  	_ =	swait.ge [sflag:s23], $0x1  }
0xa3: {  	[sflag:s23] =	ssyncset.done $0x0  }
0xa4: {  	s25 =	simm.s32 $0x1B8E;
	s24 =	sld [smem:$0x3FFE];
	[sflag:s23] =	ssyncadd.s32 $0xFFFFFFFF  }
0xa5: {  	s26 =	simm.s32 $execute0_lowered;
	[smem:$0x3FD2] =	sst s25  }
0xa6: {  	s4 =	sshll.u32 s26, $0x1;
	_ =	strace $0x8000004C;
	[dreg:$0x1] =	wrdreg $0xFFFFFFFF  }
0xa7: {  	s28 =	simm.s32 $_size_execute0_lowered;
	s2 =	sadd.s32 s2, s4;
	[dreg:$0x0] =	wrdreg $0x0  }
0xa8: {  	s4 =	sshll.u32 s28, $0x1;
	[dreg:$0x2] =	wrdreg s2  }
0xa9: {  	[dreg:$0x3] =	wrdreg s4  }
0xaa: {  	[dreg:$0x4] =	wrdreg $0xC0  }
0xab: {  	_ =	task [dreg:s6], $0x5FFFF  }
0xac: {  	[dreg:$0x1] =	wrdreg $0xFFFFFFFF  }
0xad: {  	[dreg:$0x0] =	wrdreg $0x60  }
0xae: {  	[dreg:$0x2] =	wrdreg s24  }
0xaf: {  	[dreg:$0x3] =	wrdreg $0xEE200  }
0xb0: {  	[dreg:$0x4] =	wrdreg $0x9  }
0xb1: {  	_ =	task.clear_ibuf [dreg:s6], $0x5FFFF;
	_ =	strace $0x9000004C  }
0xb2: {  	s29 =	simm.s32 $0x9;
	_ =	strace $0x8000004E  }
0xb3: {  	_ =	swait.ge [sflag:s29], $0x1  }
0xb4: {  	[sflag:s29] =	ssyncadd.s32 $0xFFFFFFFF  }
0xb5: {  	_ =	strace $0x9000004E  }
0xb6: {  	_ =	sfence  }
0xb7: {  	s30 =	sld [smem:$0x0];
	_ =	sdelay $0x2  }
0xb8: {  	s31 =	sshll.u32 s1, $0xD;
	s1 =	sshrl.u32 s1, $0x2  }
0xb9: {  	s3 =	sand.u32 $0x4000, s31;
	s1 =	sadd.s32 s1, s30  }
0xba: {  	s0 =	sor.u32 s3, s0;
	s1 =	sshll.u32 s1, $0x11  }
0xbb: {  	s0 =	sor.u32 s1, s0  }
0xbc: {  	s0 =	sadd.s32 $0x8F2B, s0  }
0xbd: {  	[sflag:s0] =	ssyncadd.remote.s32 $0x1  }
0xbe: {  	_ =	sfence.sel $0xFFFF  }
0xbf: {  	[dreg:$0x0] =	wrdreg $0xFFFFFFFF;
	(pc) =	sbr.abs _section_cstart, $3  }
0xc0: {  	[dreg:$0x1] =	wrdreg $0xFFFFFFFF  }
0xc1: {  	_ =	task.clear_ibuf [dreg:s6], $0x2FFFF;
	_ =	strace $0x9FFFFFFF  }
0xc2: {  	(tm) =	ssettm $0x7FFFFFFF  }
0xc3: {  	_ =	shalt  }
tec
execute0_lowered:
.L_overlay_start_1:
0x0: {  	(tag) =	ssettag $0x1  }
0x1: {  	s0 =	rddreg [dreg:$0x0]  }
0x2: {  	s1 =	srdreg.scid;
	s2 =	rddreg [dreg:$0x1]  }
0x3: {  	s12 =	stileid.u32;
	s3 =	simm.s32 $0x0;
	s13 =	simm.s32 $0x7  }
0x4: {  	s14 =	simm.s32 $0x6;
	s15 =	simm.s32 $0x7D;
	s16 =	simm.s32 $0xA000  }
0x5: {  	s18 =	simm.s32 $0xAFA0;
	s20 =	simm.s32 $0xBF40;
	s22 =	simm.s32 $0xCEE0  }
0x6: {  	s28 =	simm.s32 $0x3;
	s29 =	simm.s32 $0x4;
	s30 =	simm.s32 $0x5  }
0x7: {  	s17 =	simm.s32 $0x9F80;
	s19 =	simm.s32 $0x8;
	s5 =	smul.u32 $0x5000, s12  }
0x8: {  	s21 =	simm.s32 $0x0;
	s1 =	sand.u32 $0x1, s1;
	s7 =	smul.u32 $0x4F00, s12  }
0x9: {  	[smem:$0x7FF] =	sst s3;
	s8 =	smul.u32 $0x9E00, s12;
	s31 =	sshll.u32 s12, $0x6  }
0xa: {  	s4 =	smul.u32 $0x50000, s1;
	_ =	strace $0x8000004D;
	s9 =	sshll.u32 s1, $0x5  }
0xb: {  	s1 =	ssub.s32 $0x2, s1;
	s10 =	sshrl.u32 s7, $0x3;
	s8 =	sor.u32 s9, s8  }
0xc: {  	s25 =	sshrl.u32 s1, $0x1;
	s11 =	sshrl.u32 s5, $0x3;
	s26 =	sadd.s32 s7, s2  }
0xd: {  	s6 =	sadd.s32 s5, s4;
	s4 =	sadd.s32 $0x4600, s0;
	s23 =	sadd.s32 s10, s0  }
0xe: {  	s8 =	sshrl.u32 s8, $0x3;
	s1 =	ssub.s32 s1, s25;
	s12 =	sshrl.u32 s26, $0x3  }
0xf: {  	s25 =	simm.s32 $0x1;
	s26 =	simm.s32 $0x2;
	s6 =	sshrl.u32 s6, $0x3  }
0x10: {  	s24 =	sadd.s32 s8, s0;
	s7 =	sadd.s32 $0x30E00, s23;
	s8 =	sor.u32 $0x1C07, s31  }
0x11: {  	s10 =	smax.u32 s1, $0x1;
	s1 =	simm.s32 $0x9E80;
	s6 =	sadd.s32 s6, s0  }
0x12: {  	s0 =	sadd.s32 s0, s11;
	s9 =	sadd.s32 $0x3AC00, s24;
	s24 =	simm.s32 $0xDE80  }
0x13: {  	s11 =	simm.s32 $0x9F00;
	s5 =	sadd.s32 $0x7B000, s6;
	s6 =	sadd.s32 $0x26E00, s0  }
.LBB2_1:
0x14: {  	[tilespmem:s3], [sflag:$0x6] =	stream.linear.gather [hbm4b:s5+s3], $0x5000, $0x38;
	[tilespmem:$0x13D20] =	vst v63  }
0x15: {  	s0 =	simm.s32 $0x5000  }
0x16: {  	[tilespmem:s0], [sflag:$0x6] =	stream.linear.gather [hbm4b:s6+s3], $0x5000, $0x38;
	[tilespmem:$0x13D20] =	vst v63  }
0x17: {  	[spmem:s12], [sflag:s8] =	dma.local [hbm:s7], $0x9E0  }
0x18: {  	_ =	swait.ge [sflag:s13], $0x9E0  }
0x19: {  	[sflag:s13] =	ssyncset.done $0x0  }
0x1a: {  	[sflag:s13] =	ssyncadd.s32 $0xFFFFF620  }
0x1b: {  	_ =	swait.ge [sflag:s14], $0x5000  }
0x1c: {  	[sflag:s14] =	ssyncset.done $0x0  }
0x1d: {  	[sflag:s14] =	ssyncadd.s32 $0xFFFFB000  }
0x1e: {  	_ =	swait.ge [sflag:s14], $0x5000  }
0x1f: {  	[sflag:s14] =	ssyncset.done $0x0  }
0x20: {  	[sflag:s14] =	ssyncadd.s32 $0xFFFFB000  }
0x21: {  	[bflag:$0x0] =	sbarrier.arrive $0xFFFF  }
0x22: {  	[tilespmem:s16], [sflag:$0x1] =	stream.indirect.gather [hbm4b:s4+s15], $0x20, s3, s15, $0xb8;
	[tilespmem:$0x13D20] =	vst v63  }
0x23: {  	s23 =	simm.s32 $0x80  }
0x24: {  	[tilespmem:s18], [sflag:$0x2] =	stream.indirect.gather [hbm4b:s4+s15], $0x20, s23, s15, $0xb8;
	[tilespmem:$0x13D20] =	vst v63  }
0x25: {  	s23 =	simm.s32 $0x100  }
0x26: {  	[tilespmem:s20], [sflag:$0x3] =	stream.indirect.gather [hbm4b:s4+s15], $0x20, s23, s15, $0xb8;
	[tilespmem:$0x13D20] =	vst v63  }
0x27: {  	s23 =	simm.s32 $0x180  }
0x28: {  	[tilespmem:s22], [sflag:$0x4] =	stream.indirect.gather [hbm4b:s4+s15], $0x20, s23, s15, $0xb8;
	[tilespmem:$0x13D20] =	vst v63  }
0x29: {  	s23 =	simm.s32 $0x200  }
0x2a: {  	[tilespmem:s24], [sflag:$0x5] =	stream.indirect.gather [hbm4b:s4+s15], $0x20, s23, s15, $0xb8;
	[tilespmem:$0x13D20] =	vst v63  }
0x2b: {  	_ =	swait.ge [sflag:s25], $0xFA0  }
0x2c: {  	[sflag:s25] =	ssyncset.done $0x0  }
0x2d: {  	s23 =	simm.s32 $0x5000;
	[sflag:s25] =	ssyncadd.s32 $0xFFFFF060  }
0x2e: {  	[spmem:s2] =	stream.indirect.scatter.add.f32 [tilespmem:s16], [sflag:$0x7], $0x20, s23, s15, $0xb8;
	[tilespmem:$0x13D20] =	vst v63  }
0x2f: {  	_ =	swait.ge [sflag:s13], $0xFA0  }
0x30: {  	[sflag:s13] =	ssyncset.done $0x0  }
0x31: {  	s0 =	simm.s32 $0x280;
	[sflag:s13] =	ssyncadd.s32 $0xFFFFF060  }
0x32: {  	[tilespmem:s16], [sflag:$0x1] =	stream.indirect.gather [hbm4b:s4+s15], $0x20, s0, s15, $0xb8;
	[tilespmem:$0x13D20] =	vst v63  }
0x33: {  	_ =	swait.ge [sflag:s26], $0xFA0  }
0x34: {  	[sflag:s26] =	ssyncset.done $0x0  }
0x35: {  	s0 =	simm.s32 $0x5080;
	[sflag:s26] =	ssyncadd.s32 $0xFFFFF060  }
0x36: {  	[spmem:s2] =	stream.indirect.scatter.add.f32 [tilespmem:s18], [sflag:$0x7], $0x20, s0, s15, $0xb8;
	[tilespmem:$0x13D20] =	vst v63  }
0x37: {  	_ =	swait.ge [sflag:s13], $0xFA0  }
0x38: {  	[sflag:s13] =	ssyncset.done $0x0  }
0x39: {  	s0 =	simm.s32 $0x300;
	[sflag:s13] =	ssyncadd.s32 $0xFFFFF060  }
0x3a: {  	[tilespmem:s18], [sflag:$0x2] =	stream.indirect.gather [hbm4b:s4+s15], $0x20, s0, s15, $0xb8;
	[tilespmem:$0x13D20] =	vst v63  }
0x3b: {  	_ =	swait.ge [sflag:s28], $0xFA0  }
0x3c: {  	[sflag:s28] =	ssyncset.done $0x0  }
0x3d: {  	s0 =	simm.s32 $0x5100;
	[sflag:s28] =	ssyncadd.s32 $0xFFFFF060  }
0x3e: {  	[spmem:s2] =	stream.indirect.scatter.add.f32 [tilespmem:s20], [sflag:$0x7], $0x20, s0, s15, $0xb8;
	[tilespmem:$0x13D20] =	vst v63  }
0x3f: {  	_ =	swait.ge [sflag:s13], $0xFA0  }
0x40: {  	[sflag:s13] =	ssyncset.done $0x0  }
0x41: {  	s0 =	simm.s32 $0x380;
	[sflag:s13] =	ssyncadd.s32 $0xFFFFF060  }
0x42: {  	[tilespmem:s20], [sflag:$0x3] =	stream.indirect.gather [hbm4b:s4+s15], $0x20, s0, s15, $0xb8;
	[tilespmem:$0x13D20] =	vst v63  }
0x43: {  	_ =	swait.ge [sflag:s29], $0xFA0  }
0x44: {  	[sflag:s29] =	ssyncset.done $0x0  }
0x45: {  	s0 =	simm.s32 $0x5180;
	[sflag:s29] =	ssyncadd.s32 $0xFFFFF060  }
0x46: {  	[spmem:s2] =	stream.indirect.scatter.add.f32 [tilespmem:s22], [sflag:$0x7], $0x20, s0, s15, $0xb8;
	[tilespmem:$0x13D20] =	vst v63  }
0x47: {  	_ =	swait.ge [sflag:s13], $0xFA0  }
0x48: {  	[sflag:s13] =	ssyncset.done $0x0  }
0x49: {  	s0 =	simm.s32 $0x400;
	[sflag:s13] =	ssyncadd.s32 $0xFFFFF060  }
0x4a: {  	[tilespmem:s22], [sflag:$0x4] =	stream.indirect.gather [hbm4b:s4+s15], $0x20, s0, s15, $0xb8;
	[tilespmem:$0x13D20] =	vst v63  }
0x4b: {  	_ =	swait.ge [sflag:s30], $0xFA0  }
0x4c: {  	[sflag:s30] =	ssyncset.done $0x0  }
0x4d: {  	s0 =	simm.s32 $0x5200;
	[sflag:s30] =	ssyncadd.s32 $0xFFFFF060  }
0x4e: {  	[spmem:s2] =	stream.indirect.scatter.add.f32 [tilespmem:s24], [sflag:$0x7], $0x20, s0, s15, $0xb8;
	[tilespmem:$0x13D20] =	vst v63  }
0x4f: {  	_ =	swait.ge [sflag:s13], $0xFA0  }
0x50: {  	[sflag:s13] =	ssyncset.done $0x0  }
0x51: {  	s31 =	simm.s32 $0x480;
	s23 =	simm.s32 $0xA00;
	[sflag:s13] =	ssyncadd.s32 $0xFFFFF060  }
.LBB2_2:
0x52: {  	[tilespmem:s24], [sflag:$0x5] =	stream.indirect.gather [hbm4b:s4+s15], $0x20, s31, s15, $0xb8;
	[tilespmem:$0x13D20] =	vst v63  }
0x53: {  	s31 =	smov.u32 s23  }
0x54: {  	p0 =	sne.s32 s23, $0x12C00;
	s23 =	sadd.s32 $0xA00, s23;
	_ =	swait.ge [sflag:s25], $0xFA0  }
0x55: {  	s31 =	sshra.s32 s31, $0x2;
	[sflag:s25] =	ssyncset.done $0x0  }
0x56: {  	s0 =	sadd.s32 $0x5000, s31;
	[sflag:s25] =	ssyncadd.s32 $0xFFFFF060  }
0x57: {  	[spmem:s2] =	stream.indirect.scatter.add.f32 [tilespmem:s16], [sflag:$0x7], $0x20, s0, s15, $0xb8;
	[tilespmem:$0x13D20] =	vst v63  }
0x58: {  	_ =	swait.ge [sflag:s13], $0xFA0  }
0x59: {  	[sflag:s13] =	ssyncset.done $0x0  }
0x5a: {  	s0 =	sadd.s32 $0x280, s31;
	[sflag:s13] =	ssyncadd.s32 $0xFFFFF060  }
0x5b: {  	[tilespmem:s16], [sflag:$0x1] =	stream.indirect.gather [hbm4b:s4+s15], $0x20, s0, s15, $0xb8;
	[tilespmem:$0x13D20] =	vst v63  }
0x5c: {  	_ =	swait.ge [sflag:s26], $0xFA0  }
0x5d: {  	[sflag:s26] =	ssyncset.done $0x0  }
0x5e: {  	s0 =	sadd.s32 $0x5080, s31;
	[sflag:s26] =	ssyncadd.s32 $0xFFFFF060  }
0x5f: {  	[spmem:s2] =	stream.indirect.scatter.add.f32 [tilespmem:s18], [sflag:$0x7], $0x20, s0, s15, $0xb8;
	[tilespmem:$0x13D20] =	vst v63  }
0x60: {  	_ =	swait.ge [sflag:s13], $0xFA0  }
0x61: {  	[sflag:s13] =	ssyncset.done $0x0  }
0x62: {  	s0 =	sadd.s32 $0x300, s31;
	[sflag:s13] =	ssyncadd.s32 $0xFFFFF060  }
0x63: {  	[tilespmem:s18], [sflag:$0x2] =	stream.indirect.gather [hbm4b:s4+s15], $0x20, s0, s15, $0xb8;
	[tilespmem:$0x13D20] =	vst v63  }
0x64: {  	_ =	swait.ge [sflag:s28], $0xFA0  }
0x65: {  	[sflag:s28] =	ssyncset.done $0x0  }
0x66: {  	s0 =	sadd.s32 $0x5100, s31;
	[sflag:s28] =	ssyncadd.s32 $0xFFFFF060  }
0x67: {  	[spmem:s2] =	stream.indirect.scatter.add.f32 [tilespmem:s20], [sflag:$0x7], $0x20, s0, s15, $0xb8;
	[tilespmem:$0x13D20] =	vst v63  }
0x68: {  	_ =	swait.ge [sflag:s13], $0xFA0  }
0x69: {  	[sflag:s13] =	ssyncset.done $0x0  }
0x6a: {  	s0 =	sadd.s32 $0x380, s31;
	[sflag:s13] =	ssyncadd.s32 $0xFFFFF060  }
0x6b: {  	[tilespmem:s20], [sflag:$0x3] =	stream.indirect.gather [hbm4b:s4+s15], $0x20, s0, s15, $0xb8;
	[tilespmem:$0x13D20] =	vst v63  }
0x6c: {  	_ =	swait.ge [sflag:s29], $0xFA0  }
0x6d: {  	[sflag:s29] =	ssyncset.done $0x0  }
0x6e: {  	s0 =	sadd.s32 $0x5180, s31;
	[sflag:s29] =	ssyncadd.s32 $0xFFFFF060  }
0x6f: {  	[spmem:s2] =	stream.indirect.scatter.add.f32 [tilespmem:s22], [sflag:$0x7], $0x20, s0, s15, $0xb8;
	[tilespmem:$0x13D20] =	vst v63  }
0x70: {  	_ =	swait.ge [sflag:s13], $0xFA0  }
0x71: {  	[sflag:s13] =	ssyncset.done $0x0  }
0x72: {  	s0 =	sadd.s32 $0x400, s31;
	[sflag:s13] =	ssyncadd.s32 $0xFFFFF060  }
0x73: {  	[tilespmem:s22], [sflag:$0x4] =	stream.indirect.gather [hbm4b:s4+s15], $0x20, s0, s15, $0xb8;
	[tilespmem:$0x13D20] =	vst v63  }
0x74: {  	_ =	swait.ge [sflag:s30], $0xFA0  }
0x75: {  	[sflag:s30] =	ssyncset.done $0x0  }
.Ltmp0:
0x76: {  	s0 =	sadd.s32 $0x5200, s31;
	[sflag:s30] =	ssyncadd.s32 $0xFFFFF060;
	(pc) =	sbr.rel @p0 .LBB2_2-.Ltmp0, $4  }
0x77: {  	[spmem:s2] =	stream.indirect.scatter.add.f32 [tilespmem:s24], [sflag:$0x7], $0x20, s0, s15, $0xb8;
	[tilespmem:$0x13D20] =	vst v63  }
0x78: {  	_ =	swait.ge [sflag:s13], $0xFA0  }
0x79: {  	[sflag:s13] =	ssyncset.done $0x0  }
0x7a: {  	s31 =	sadd.s32 $0x480, s31;
	[sflag:s13] =	ssyncadd.s32 $0xFFFFF060  }
0x7b: {  	[tilespmem:s24], [sflag:$0x5] =	stream.indirect.gather [hbm4b:s4+s15], $0x20, s31, s15, $0xb8;
	[tilespmem:$0x13D20] =	vst v63  }
0x7c: {  	_ =	swait.ge [sflag:s25], $0xFA0  }
0x7d: {  	[sflag:s25] =	ssyncset.done $0x0  }
0x7e: {  	s0 =	simm.s32 $0x9D80;
	[sflag:s25] =	ssyncadd.s32 $0xFFFFF060  }
0x7f: {  	[spmem:s2] =	stream.indirect.scatter.add.f32 [tilespmem:s16], [sflag:$0x7], $0x20, s0, s15, $0xb8;
	[tilespmem:$0x13D20] =	vst v63  }
0x80: {  	_ =	swait.ge [sflag:s13], $0xFA0  }
0x81: {  	[sflag:s13] =	ssyncset.done $0x0  }
0x82: {  	[sflag:s13] =	ssyncadd.s32 $0xFFFFF060  }
0x83: {  	_ =	swait.ge [sflag:s26], $0xFA0  }
0x84: {  	[sflag:s26] =	ssyncset.done $0x0  }
0x85: {  	s31 =	simm.s32 $0x9E00;
	[sflag:s26] =	ssyncadd.s32 $0xFFFFF060  }
0x86: {  	[spmem:s2] =	stream.indirect.scatter.add.f32 [tilespmem:s18], [sflag:$0x7], $0x20, s31, s15, $0xb8;
	[tilespmem:$0x13D20] =	vst v63  }
0x87: {  	_ =	swait.ge [sflag:s13], $0xFA0  }
0x88: {  	[sflag:s13] =	ssyncset.done $0x0  }
0x89: {  	[sflag:s13] =	ssyncadd.s32 $0xFFFFF060  }
0x8a: {  	_ =	swait.ge [sflag:s28], $0xFA0  }
0x8b: {  	[sflag:s28] =	ssyncset.done $0x0  }
0x8c: {  	[sflag:s28] =	ssyncadd.s32 $0xFFFFF060  }
0x8d: {  	[spmem:s2] =	stream.indirect.scatter.add.f32 [tilespmem:s20], [sflag:$0x7], $0x20, s1, s15, $0xb8;
	[tilespmem:$0x13D20] =	vst v63  }
0x8e: {  	_ =	swait.ge [sflag:s13], $0xFA0  }
0x8f: {  	[sflag:s13] =	ssyncset.done $0x0  }
0x90: {  	[sflag:s13] =	ssyncadd.s32 $0xFFFFF060  }
0x91: {  	_ =	swait.ge [sflag:s29], $0xFA0  }
0x92: {  	[sflag:s29] =	ssyncset.done $0x0  }
0x93: {  	[sflag:s29] =	ssyncadd.s32 $0xFFFFF060  }
0x94: {  	[spmem:s2] =	stream.indirect.scatter.add.f32 [tilespmem:s22], [sflag:$0x7], $0x20, s11, s15, $0xb8;
	[tilespmem:$0x13D20] =	vst v63  }
0x95: {  	_ =	swait.ge [sflag:s13], $0xFA0  }
0x96: {  	[sflag:s13] =	ssyncset.done $0x0  }
0x97: {  	[sflag:s13] =	ssyncadd.s32 $0xFFFFF060  }
0x98: {  	_ =	swait.ge [sflag:s30], $0xFA0  }
0x99: {  	[sflag:s30] =	ssyncset.done $0x0  }
0x9a: {  	[sflag:s30] =	ssyncadd.s32 $0xFFFFF060  }
0x9b: {  	[spmem:s2] =	stream.indirect.scatter.add.f32 [tilespmem:s24], [sflag:$0x7], $0x20, s17, s15, $0xb8;
	[tilespmem:$0x13D20] =	vst v63  }
0x9c: {  	_ =	swait.ge [sflag:s13], $0xFA0  }
0x9d: {  	s21 =	sadd.s32 $0x1, s21;
	[sflag:s13] =	ssyncset.done $0x0  }
0x9e: {  	p0 =	sne.s32 s21, s10;
	[sflag:s13] =	ssyncadd.s32 $0xFFFFF060  }
.Ltmp1:
0x9f: {  	[bflag:$0x0] =	sbarrier.arrive $0xFFFF;
	(pc) =	sbr.rel @p0 .LBB2_1-.Ltmp1, $4  }
0xa0: {  	[hbm:s9@s19], [sflag:s8] =	dma.strided [spmem:s12@s29], $0x9E0, s25, $0x4   }
0xa1: {  	_ =	swait.ge [sflag:s13], $0x9E0  }
0xa2: {  	[sflag:s13] =	ssyncset.done $0x0  }
0xa3: {  	[sflag:s13] =	ssyncadd.s32 $0xFFFFF620  }
0xa4: {  	_ =	sfence.sel $0x180000  }
0xa5: {  	[bflag:$0x0] =	sbarrier.arrive $0xFFFF  }
0xa6: {  	_ =	strace $0x9000004D  }
0xa7: {  	s0 =	stileid.u32;
	[bflag:$0x2] =	sbarrier.arrive $0xFFFF  }
0xa8: {  	p0 =	sne.s32 s0, $0x0;
	s0 =	rddreg [dreg:$0x2]  }
0xa9: {  	s0 =	sadd.s32 @!p0 $0x100000, s0  }
0xaa: {  	[sflag:s0] =	ssyncadd.tile.s32 @!p0 $0x1;
	_ =	shalt  }
.Lfunc_end2:
_tile_overlayer_lowered:
.L_overlay_start_2:
0xab: {  	(tag) =	ssettag $0x2  }
0xac: {  	s0 =	rddreg [dreg:$0x0];
	s2 =	stileid.u32  }
0xad: {  	s1 =	rddreg [dreg:$0x1];
	p0 =	sne.s32 s2, $0x0  }
0xae: {  	s3 =	rddreg [dreg:$0x2];
	[bflag:$0x3] =	sbarrier.arrive $0xFFFF;
	s2 =	simm.s32 @!p0 $0x1C07  }
0xaf: {  	[timem:s3], [sflag:s2] =	dma.local @!p0 [hbm:s0], s1  }
0xb0: {  	s0 =	simm.s32 @!p0 $0x7  }
0xb1: {  	_ =	swait.ge @!p0 [sflag:s0], s1  }
0xb2: {  	s1 =	ssub.s32 @!p0 $0x0, s1;
	[sflag:s0] =	ssyncset.done @!p0 $0x0  }
0xb3: {  	[sflag:s0] =	ssyncadd.s32 @!p0 s1  }
0xb4: {  	[bflag:$0x3] =	sbarrier.arrive $0xFFFF  }
0xb5: {  	_ =	shalt  }

// kernel: kernel.20.cloned.1.call-start
scs
__scs_entry_jumppad:
0x0: {  	(pc) =	sbr.rel $0x88, $3  }
0x1: {  	(tag) =	ssettag $0x0;
	lr =	simm.s32 $0x1  }
0x2: {  	[smem:$0x3F85] =	sst lr;
	_ =	strace $0xD0000000  }
0x3: {  	_ = 	snop  }
0x4: {  	_ = 	snop  }
0x5: {  	_ = 	snop  }
0x6: {  	_ = 	snop  }
0x7: {  	_ = 	snop  }
__scs_overlays_trampoline_lowered:
0x8: {  	[smem:$0x3F94] =	sst s0  }
0x9: {  	[smem:$0x3F95] =	sst s1  }
0xa: {  	[smem:$0x3F96] =	sst s2  }
0xb: {  	[smem:$0x3F97] =	sst s3  }
0xc: {  	[smem:$0x3F98] =	sst s4  }
0xd: {  	[smem:$0x3F99] =	sst s5  }
0xe: {  	[smem:$0x3F9A] =	sst s6  }
0xf: {  	[smem:$0x3F9B] =	sst s7  }
0x10: {  	[smem:$0x3F9C] =	sst s8  }
0x11: {  	[smem:$0x3F9D] =	sst s9;
	s0 =	simm.s32 @!p0 $0x0  }
0x12: {  	s1 =	sld [smem:$0x3F83];
	s0 =	simm.s32 @p0 $0x1  }
0x13: {  	[smem:$0x3F9E] =	sst s0;
	s0 =	simm.s32 @!p1 $0x0  }
0x14: {  	s2 =	sld [smem:$0x3F82];
	s0 =	simm.s32 @p1 $0x1  }
0x15: {  	[smem:$0x3F9F] =	sst s0;
	s0 =	simm.s32 @!p2 $0x0  }
0x16: {  	s3 =	sld [smem:$0x3FDB];
	s0 =	simm.s32 @p2 $0x1  }
0x17: {  	s4 =	simm.s32 $0x1BF5;
	[smem:$0x3FA1] =	sst s0  }
0x18: {  	s0 =	sld [smem:$0x3F84];
	_ =	swait.ge [sflag:s4], $0x0  }
0x19: {  	s7 =	sld [smem:$0x3F85]  }
0x1a: {  	s8 =	sadd.s32 $0xFFFFE003, lr  }
0x1b: {  	s9 =	sadd.s32 $0xFFFFFEF7, lr;
	s5 =	simm.s32 $0xFFFFFFFF;
	p2 =	slt.u32 s8, $0xFFFFF086  }
0x1c: {  	p1 =	slt.u32 s9, $0xF7A;
	s5 =	simm.s32 @!p2 $0x0  }
0x1d: {  	s5 =	simm.s32 @p1 $0x1;
	p0 =	seq.s32 s7, s2  }
0x1e: {  	s7 =	smul.u32 @!p0 $0xF7A, s2;
	p2 =	seq.s32 @!p0 s5, $0x0  }
0x1f: {  	s9 =	smul.u32 $0xF7A, s1;
	s8 =	simm.s32 @!p0 $0x1BF5;
	p2 =	por !p2, p0  }
0x20: {  	[sflag:s8] =	ssyncset.s32 @!p0 $0xFFFFF086;
	s6 =	sadd.s32 @!p0 s3, s7;
	s7 =	simm.s32 @!p0 $0x108  }
0x21: {  	s3 =	sadd.s32 s3, s9;
	s6 =	sadd.s32 @!p0 $0x88, s6;
	s7 =	simm.s32 @p2 $0x1082  }
0x22: {  	[simem:s7], [sflag:s8] =	dma.local @!p0 [hbm:s6], $0xF7A  }
0x23: {  	s9 =	sor.u32 $0xD0000000, s2;
	s6 =	simm.s32 $0x108;
	_ =	swait.ge @!p0 [sflag:s8], $0x0  }
0x24: {  	s3 =	sadd.s32 $0x88, s3;
	s6 =	simm.s32 @!p1 $0x1082;
	[sflag:s4] =	ssyncset.s32 $0xFFFFF086  }
0x25: {  	[simem:s6], [sflag:s4] =	dma.local [hbm:s3], $0xF7A  }
0x26: {  	[smem:$0x3F85] =	sst s1;
	(tag) =	ssettag s2;
	_ =	strace s9  }
0x27: {  	s1 =	sld [smem:$0x3F95]  }
0x28: {  	s2 =	sld [smem:$0x3F96]  }
0x29: {  	s4 =	sld [smem:$0x3F98]  }
0x2a: {  	p0 =	seq.s32 s5, $0x0;
	s5 =	sld [smem:$0x3F99]  }
0x2b: {  	s6 =	sld [smem:$0x3F9A]  }
0x2c: {  	s7 =	sld [smem:$0x3F9B]  }
0x2d: {  	s3 =	simm.s32 $0x108;
	s8 =	sld [smem:$0x3F9C]  }
0x2e: {  	s3 =	simm.s32 @!p0 $0x1082;
	s9 =	sld [smem:$0x3F9D]  }
0x2f: {  	lr =	sadd.s32 s0, s3;
	s0 =	sld [smem:$0x3F94]  }
0x30: {  	s3 =	sld [smem:$0x3F97]  }
0x31: {  	[smem:$0x3FA0] =	sst s10  }
0x32: {  	s10 =	sld [smem:$0x3F9E];
	_ =	sdelay $0x3  }
0x33: {  	p0 =	seq.s32 s10, $0x1;
	s10 =	sld [smem:$0x3FA0];
	_ =	sdelay $0x3  }
0x34: {  	[smem:$0x3FA0] =	sst s10  }
0x35: {  	s10 =	sld [smem:$0x3F9F];
	_ =	sdelay $0x3  }
0x36: {  	p1 =	seq.s32 s10, $0x1;
	s10 =	sld [smem:$0x3FA0];
	_ =	sdelay $0x3  }
0x37: {  	[smem:$0x3FA0] =	sst s10  }
0x38: {  	s10 =	sld [smem:$0x3FA1]  }
0x39: {  	_ = 	snop;
	(pc) =	sbr.ind lr, $3  }
0x3a: {  	_ = 	snop  }
0x3b: {  	_ = 	snop  }
0x3c: {  	p2 =	seq.s32 s10, $0x1;
	s10 =	sld [smem:$0x3FA0]  }
0x3d: {  	_ =	shalt  }
0x3e: {  	_ =	shalt  }
0x3f: {  	_ =	shalt  }
0x40: {  	_ =	shalt  }
0x41: {  	_ =	shalt  }
0x42: {  	_ =	shalt  }
0x43: {  	_ =	shalt  }
0x44: {  	_ =	shalt  }
0x45: {  	_ =	shalt  }
0x46: {  	_ =	shalt  }
0x47: {  	_ =	shalt  }
0x48: {  	_ =	shalt  }
0x49: {  	_ =	shalt  }
0x4a: {  	_ =	shalt  }
0x4b: {  	_ =	shalt  }
0x4c: {  	_ =	shalt  }
0x4d: {  	_ =	shalt  }
0x4e: {  	_ =	shalt  }
0x4f: {  	_ =	shalt  }
0x50: {  	_ =	shalt  }
0x51: {  	_ =	shalt  }
0x52: {  	_ =	shalt  }
0x53: {  	_ =	shalt  }
0x54: {  	_ =	shalt  }
0x55: {  	_ =	shalt  }
0x56: {  	_ =	shalt  }
0x57: {  	_ =	shalt  }
0x58: {  	_ =	shalt  }
0x59: {  	_ =	shalt  }
0x5a: {  	_ =	shalt  }
0x5b: {  	_ =	shalt  }
0x5c: {  	_ =	shalt  }
0x5d: {  	_ =	shalt  }
0x5e: {  	_ =	shalt  }
0x5f: {  	_ =	shalt  }
0x60: {  	_ =	shalt  }
0x61: {  	_ =	shalt  }
0x62: {  	_ =	shalt  }
0x63: {  	_ =	shalt  }
0x64: {  	_ =	shalt  }
0x65: {  	_ =	shalt  }
0x66: {  	_ =	shalt  }
0x67: {  	_ =	shalt  }
0x68: {  	_ =	shalt  }
0x69: {  	_ =	shalt  }
0x6a: {  	_ =	shalt  }
0x6b: {  	_ =	shalt  }
0x6c: {  	_ =	shalt  }
0x6d: {  	_ =	shalt  }
0x6e: {  	_ =	shalt  }
0x6f: {  	_ =	shalt  }
0x70: {  	_ =	shalt  }
0x71: {  	_ =	shalt  }
0x72: {  	_ =	shalt  }
0x73: {  	_ =	shalt  }
0x74: {  	_ =	shalt  }
0x75: {  	_ =	shalt  }
0x76: {  	_ =	shalt  }
0x77: {  	_ =	shalt  }
0x78: {  	_ =	shalt  }
0x79: {  	_ =	shalt  }
0x7a: {  	_ =	shalt  }
0x7b: {  	_ =	shalt  }
0x7c: {  	_ =	shalt  }
0x7d: {  	_ =	shalt  }
0x7e: {  	_ =	shalt  }
0x7f: {  	_ =	shalt  }
0x80: {  	_ =	shalt  }
0x81: {  	_ =	shalt  }
0x82: {  	_ =	shalt  }
0x83: {  	_ =	shalt  }
0x84: {  	_ =	shalt  }
0x85: {  	_ =	shalt  }
0x86: {  	_ =	shalt  }
0x87: {  	_ =	shalt  }
.Lfunc_end0:
.L_simem_size_0:
called_computation.3_lowered:
.L_overlay_start_0:
0x88: {  	s2 =	sld [smem:$0x3FD9]  }
0x89: {  	s3 =	sld [smem:$0x3FFE];
	_ =	sdelay $0x1  }
0x8a: {  	s1 =	srdreg.scid  }
0x8b: {  	s0 =	sand.u32 $0x1, s1  }
0x8c: {  	s16 =	sshll.u32 s0, $0xA;
	s2 =	sadd.s32 s3, s2  }
0x8d: {  	s2 =	sadd.s32 s2, s16  }
0x8e: {  	[smem:$0x3FAC] =	sst s2  }
0x8f: {  	_ = 	snop  }
0x90: {  	(tm) =	ssettm $0x1  }
0x91: {  	s17 =	sld [smem:$0x3FFB];
	_ =	sdelay $0x3  }
0x92: {  	_ =	strace s17  }
0x93: {  	s2 =	sld [smem:$0x3FFC];
	_ =	sdelay $0x3  }
0x94: {  	_ =	strace s2  }
0x95: {  	s2 =	sld [smem:$0x3FFD];
	_ =	sdelay $0x3  }
0x96: {  	_ =	strace s2  }
0x97: {  	_ =	strace $0x8FFFFFFF  }
0x98: {  	s18 =	sld [smem:$0x3FDB];
	_ =	sdelay $0x1  }
0x99: {  	s19 =	simm.s32 $_scs_section_size  }
0x9a: {  	s4 =	simm.s32 $_size__tile_overlayer_lowered;
	s5 =	simm.s32 $_tile_overlayer_lowered  }
0x9b: {  	s22 =	simm.s32 $0x1BFF;
	s21 =	sshll.u32 s5, $0x1;
	s2 =	sadd.s32 s19, s18  }
0x9c: {  	s6 =	simm.s32 $0x0;
	s20 =	sshll.u32 s4, $0x1;
	s4 =	sadd.s32 s21, s2  }
0x9d: {  	[timem:s6], [sflag:s22] =	dma.local [hbm:s4], s20  }
0x9e: {  	_ =	swait.ge [sflag:s22], s20  }
0x9f: {  	s3 =	ssub.s32 $0x0, s20;
	[sflag:s22] =	ssyncset.done $0x0  }
0xa0: {  	[sflag:s22] =	ssyncadd.s32 s3;
	_ =	sdelay $0x1  }
0xa1: {  	s23 =	simm.s32 $0x1B8B  }
0xa2: {  	_ =	swait.ge [sflag:s23], $0x1  }
0xa3: {  	[sflag:s23] =	ssyncset.done $0x0  }
0xa4: {  	s25 =	simm.s32 $0x1B8E;
	s24 =	sld [smem:$0x3FFE];
	[sflag:s23] =	ssyncadd.s32 $0xFFFFFFFF  }
0xa5: {  	s26 =	simm.s32 $execute0_lowered;
	[smem:$0x3FD2] =	sst s25  }
0xa6: {  	s4 =	sshll.u32 s26, $0x1;
	_ =	strace $0x8000004F;
	[dreg:$0x1] =	wrdreg $0xFFFFFFFF  }
0xa7: {  	s28 =	simm.s32 $_size_execute0_lowered;
	s2 =	sadd.s32 s2, s4;
	[dreg:$0x0] =	wrdreg $0x0  }
0xa8: {  	s4 =	sshll.u32 s28, $0x1;
	[dreg:$0x2] =	wrdreg s2  }
0xa9: {  	[dreg:$0x3] =	wrdreg s4  }
0xaa: {  	[dreg:$0x4] =	wrdreg $0xC0  }
0xab: {  	_ =	task [dreg:s6], $0x5FFFF  }
0xac: {  	[dreg:$0x1] =	wrdreg $0xFFFFFFFF  }
0xad: {  	[dreg:$0x0] =	wrdreg $0x60  }
0xae: {  	[dreg:$0x2] =	wrdreg s24  }
0xaf: {  	[dreg:$0x3] =	wrdreg $0xEE200  }
0xb0: {  	[dreg:$0x4] =	wrdreg $0x9  }
0xb1: {  	_ =	task.clear_ibuf [dreg:s6], $0x5FFFF;
	_ =	strace $0x9000004F  }
0xb2: {  	s29 =	simm.s32 $0x9;
	_ =	strace $0x80000051  }
0xb3: {  	_ =	swait.ge [sflag:s29], $0x1  }
0xb4: {  	[sflag:s29] =	ssyncadd.s32 $0xFFFFFFFF  }
0xb5: {  	_ =	strace $0x90000051  }
0xb6: {  	_ =	sfence  }
0xb7: {  	s30 =	sld [smem:$0x0];
	_ =	sdelay $0x2  }
0xb8: {  	s31 =	sshll.u32 s1, $0xD;
	s1 =	sshrl.u32 s1, $0x2  }
0xb9: {  	s3 =	sand.u32 $0x4000, s31;
	s1 =	sadd.s32 s1, s30  }
0xba: {  	s0 =	sor.u32 s3, s0;
	s1 =	sshll.u32 s1, $0x11  }
0xbb: {  	s0 =	sor.u32 s1, s0  }
0xbc: {  	s0 =	sadd.s32 $0x8F2B, s0  }
0xbd: {  	[sflag:s0] =	ssyncadd.remote.s32 $0x1  }
0xbe: {  	_ =	sfence.sel $0xFFFF  }
0xbf: {  	[dreg:$0x0] =	wrdreg $0xFFFFFFFF;
	(pc) =	sbr.abs _section_cstart, $3  }
0xc0: {  	[dreg:$0x1] =	wrdreg $0xFFFFFFFF  }
0xc1: {  	_ =	task.clear_ibuf [dreg:s6], $0x2FFFF;
	_ =	strace $0x9FFFFFFF  }
0xc2: {  	(tm) =	ssettm $0x7FFFFFFF  }
0xc3: {  	_ =	shalt  }
tec
execute0_lowered:
.L_overlay_start_1:
0x0: {  	(tag) =	ssettag $0x1  }
0x1: {  	s0 =	rddreg [dreg:$0x0]  }
0x2: {  	s1 =	srdreg.scid;
	s2 =	rddreg [dreg:$0x1]  }
0x3: {  	s12 =	stileid.u32;
	s3 =	simm.s32 $0x0;
	s13 =	simm.s32 $0x7  }
0x4: {  	s14 =	simm.s32 $0x6;
	s15 =	simm.s32 $0x7D;
	s16 =	simm.s32 $0xA000  }
0x5: {  	s18 =	simm.s32 $0xAFA0;
	s20 =	simm.s32 $0xBF40;
	s22 =	simm.s32 $0xCEE0  }
0x6: {  	s28 =	simm.s32 $0x3;
	s29 =	simm.s32 $0x4;
	s30 =	simm.s32 $0x5  }
0x7: {  	s17 =	simm.s32 $0x9F80;
	s19 =	simm.s32 $0x8;
	s5 =	smul.u32 $0x5000, s12  }
0x8: {  	s21 =	simm.s32 $0x0;
	s1 =	sand.u32 $0x1, s1;
	s7 =	smul.u32 $0x4F00, s12  }
0x9: {  	[smem:$0x7FF] =	sst s3;
	s8 =	smul.u32 $0x9E00, s12;
	s31 =	sshll.u32 s12, $0x6  }
0xa: {  	s4 =	smul.u32 $0x50000, s1;
	_ =	strace $0x80000050;
	s9 =	sshll.u32 s1, $0x5  }
0xb: {  	s1 =	ssub.s32 $0x2, s1;
	s10 =	sshrl.u32 s7, $0x3;
	s8 =	sor.u32 s9, s8  }
0xc: {  	s25 =	sshrl.u32 s1, $0x1;
	s11 =	sshrl.u32 s5, $0x3;
	s26 =	sadd.s32 s7, s2  }
0xd: {  	s6 =	sadd.s32 s5, s4;
	s4 =	sadd.s32 $0x4600, s0;
	s23 =	sadd.s32 s10, s0  }
0xe: {  	s8 =	sshrl.u32 s8, $0x3;
	s1 =	ssub.s32 s1, s25;
	s12 =	sshrl.u32 s26, $0x3  }
0xf: {  	s25 =	simm.s32 $0x1;
	s26 =	simm.s32 $0x2;
	s6 =	sshrl.u32 s6, $0x3  }
0x10: {  	s24 =	sadd.s32 s8, s0;
	s7 =	sadd.s32 $0x30E00, s23;
	s8 =	sor.u32 $0x1C07, s31  }
0x11: {  	s10 =	smax.u32 s1, $0x1;
	s1 =	simm.s32 $0x9E80;
	s6 =	sadd.s32 s6, s0  }
0x12: {  	s0 =	sadd.s32 s0, s11;
	s9 =	sadd.s32 $0x3AC00, s24;
	s24 =	simm.s32 $0xDE80  }
0x13: {  	s11 =	simm.s32 $0x9F00;
	s5 =	sadd.s32 $0x7B000, s6;
	s6 =	sadd.s32 $0x26E00, s0  }
.LBB2_1:
0x14: {  	[tilespmem:s3], [sflag:$0x6] =	stream.linear.gather [hbm4b:s5+s3], $0x5000, $0x38;
	[tilespmem:$0x13D20] =	vst v63  }
0x15: {  	s0 =	simm.s32 $0x5000  }
0x16: {  	[tilespmem:s0], [sflag:$0x6] =	stream.linear.gather [hbm4b:s6+s3], $0x5000, $0x38;
	[tilespmem:$0x13D20] =	vst v63  }
0x17: {  	[spmem:s12], [sflag:s8] =	dma.local [hbm:s7], $0x9E0  }
0x18: {  	_ =	swait.ge [sflag:s13], $0x9E0  }
0x19: {  	[sflag:s13] =	ssyncset.done $0x0  }
0x1a: {  	[sflag:s13] =	ssyncadd.s32 $0xFFFFF620  }
0x1b: {  	_ =	swait.ge [sflag:s14], $0x5000  }
0x1c: {  	[sflag:s14] =	ssyncset.done $0x0  }
0x1d: {  	[sflag:s14] =	ssyncadd.s32 $0xFFFFB000  }
0x1e: {  	_ =	swait.ge [sflag:s14], $0x5000  }
0x1f: {  	[sflag:s14] =	ssyncset.done $0x0  }
0x20: {  	[sflag:s14] =	ssyncadd.s32 $0xFFFFB000  }
0x21: {  	[bflag:$0x0] =	sbarrier.arrive $0xFFFF  }
0x22: {  	[tilespmem:s16], [sflag:$0x1] =	stream.indirect.gather [hbm4b:s4+s15], $0x20, s3, s15, $0xb8;
	[tilespmem:$0x13D20] =	vst v63  }
0x23: {  	s23 =	simm.s32 $0x80  }
0x24: {  	[tilespmem:s18], [sflag:$0x2] =	stream.indirect.gather [hbm4b:s4+s15], $0x20, s23, s15, $0xb8;
	[tilespmem:$0x13D20] =	vst v63  }
0x25: {  	s23 =	simm.s32 $0x100  }
0x26: {  	[tilespmem:s20], [sflag:$0x3] =	stream.indirect.gather [hbm4b:s4+s15], $0x20, s23, s15, $0xb8;
	[tilespmem:$0x13D20] =	vst v63  }
0x27: {  	s23 =	simm.s32 $0x180  }
0x28: {  	[tilespmem:s22], [sflag:$0x4] =	stream.indirect.gather [hbm4b:s4+s15], $0x20, s23, s15, $0xb8;
	[tilespmem:$0x13D20] =	vst v63  }
0x29: {  	s23 =	simm.s32 $0x200  }
0x2a: {  	[tilespmem:s24], [sflag:$0x5] =	stream.indirect.gather [hbm4b:s4+s15], $0x20, s23, s15, $0xb8;
	[tilespmem:$0x13D20] =	vst v63  }
0x2b: {  	_ =	swait.ge [sflag:s25], $0xFA0  }
0x2c: {  	[sflag:s25] =	ssyncset.done $0x0  }
0x2d: {  	s23 =	simm.s32 $0x5000;
	[sflag:s25] =	ssyncadd.s32 $0xFFFFF060  }
0x2e: {  	[spmem:s2] =	stream.indirect.scatter.add.f32 [tilespmem:s16], [sflag:$0x7], $0x20, s23, s15, $0xb8;
	[tilespmem:$0x13D20] =	vst v63  }
0x2f: {  	_ =	swait.ge [sflag:s13], $0xFA0  }
0x30: {  	[sflag:s13] =	ssyncset.done $0x0  }
0x31: {  	s0 =	simm.s32 $0x280;
	[sflag:s13] =	ssyncadd.s32 $0xFFFFF060  }
0x32: {  	[tilespmem:s16], [sflag:$0x1] =	stream.indirect.gather [hbm4b:s4+s15], $0x20, s0, s15, $0xb8;
	[tilespmem:$0x13D20] =	vst v63  }
0x33: {  	_ =	swait.ge [sflag:s26], $0xFA0  }
0x34: {  	[sflag:s26] =	ssyncset.done $0x0  }
0x35: {  	s0 =	simm.s32 $0x5080;
	[sflag:s26] =	ssyncadd.s32 $0xFFFFF060  }
0x36: {  	[spmem:s2] =	stream.indirect.scatter.add.f32 [tilespmem:s18], [sflag:$0x7], $0x20, s0, s15, $0xb8;
	[tilespmem:$0x13D20] =	vst v63  }
0x37: {  	_ =	swait.ge [sflag:s13], $0xFA0  }
0x38: {  	[sflag:s13] =	ssyncset.done $0x0  }
0x39: {  	s0 =	simm.s32 $0x300;
	[sflag:s13] =	ssyncadd.s32 $0xFFFFF060  }
0x3a: {  	[tilespmem:s18], [sflag:$0x2] =	stream.indirect.gather [hbm4b:s4+s15], $0x20, s0, s15, $0xb8;
	[tilespmem:$0x13D20] =	vst v63  }
0x3b: {  	_ =	swait.ge [sflag:s28], $0xFA0  }
0x3c: {  	[sflag:s28] =	ssyncset.done $0x0  }
0x3d: {  	s0 =	simm.s32 $0x5100;
	[sflag:s28] =	ssyncadd.s32 $0xFFFFF060  }
0x3e: {  	[spmem:s2] =	stream.indirect.scatter.add.f32 [tilespmem:s20], [sflag:$0x7], $0x20, s0, s15, $0xb8;
	[tilespmem:$0x13D20] =	vst v63  }
0x3f: {  	_ =	swait.ge [sflag:s13], $0xFA0  }
0x40: {  	[sflag:s13] =	ssyncset.done $0x0  }
0x41: {  	s0 =	simm.s32 $0x380;
	[sflag:s13] =	ssyncadd.s32 $0xFFFFF060  }
0x42: {  	[tilespmem:s20], [sflag:$0x3] =	stream.indirect.gather [hbm4b:s4+s15], $0x20, s0, s15, $0xb8;
	[tilespmem:$0x13D20] =	vst v63  }
0x43: {  	_ =	swait.ge [sflag:s29], $0xFA0  }
0x44: {  	[sflag:s29] =	ssyncset.done $0x0  }
0x45: {  	s0 =	simm.s32 $0x5180;
	[sflag:s29] =	ssyncadd.s32 $0xFFFFF060  }
0x46: {  	[spmem:s2] =	stream.indirect.scatter.add.f32 [tilespmem:s22], [sflag:$0x7], $0x20, s0, s15, $0xb8;
	[tilespmem:$0x13D20] =	vst v63  }
0x47: {  	_ =	swait.ge [sflag:s13], $0xFA0  }
0x48: {  	[sflag:s13] =	ssyncset.done $0x0  }
0x49: {  	s0 =	simm.s32 $0x400;
	[sflag:s13] =	ssyncadd.s32 $0xFFFFF060  }
0x4a: {  	[tilespmem:s22], [sflag:$0x4] =	stream.indirect.gather [hbm4b:s4+s15], $0x20, s0, s15, $0xb8;
	[tilespmem:$0x13D20] =	vst v63  }
0x4b: {  	_ =	swait.ge [sflag:s30], $0xFA0  }
0x4c: {  	[sflag:s30] =	ssyncset.done $0x0  }
0x4d: {  	s0 =	simm.s32 $0x5200;
	[sflag:s30] =	ssyncadd.s32 $0xFFFFF060  }
0x4e: {  	[spmem:s2] =	stream.indirect.scatter.add.f32 [tilespmem:s24], [sflag:$0x7], $0x20, s0, s15, $0xb8;
	[tilespmem:$0x13D20] =	vst v63  }
0x4f: {  	_ =	swait.ge [sflag:s13], $0xFA0  }
0x50: {  	[sflag:s13] =	ssyncset.done $0x0  }
0x51: {  	s31 =	simm.s32 $0x480;
	s23 =	simm.s32 $0xA00;
	[sflag:s13] =	ssyncadd.s32 $0xFFFFF060  }
.LBB2_2:
0x52: {  	[tilespmem:s24], [sflag:$0x5] =	stream.indirect.gather [hbm4b:s4+s15], $0x20, s31, s15, $0xb8;
	[tilespmem:$0x13D20] =	vst v63  }
0x53: {  	s31 =	smov.u32 s23  }
0x54: {  	p0 =	sne.s32 s23, $0x12C00;
	s23 =	sadd.s32 $0xA00, s23;
	_ =	swait.ge [sflag:s25], $0xFA0  }
0x55: {  	s31 =	sshra.s32 s31, $0x2;
	[sflag:s25] =	ssyncset.done $0x0  }
0x56: {  	s0 =	sadd.s32 $0x5000, s31;
	[sflag:s25] =	ssyncadd.s32 $0xFFFFF060  }
0x57: {  	[spmem:s2] =	stream.indirect.scatter.add.f32 [tilespmem:s16], [sflag:$0x7], $0x20, s0, s15, $0xb8;
	[tilespmem:$0x13D20] =	vst v63  }
0x58: {  	_ =	swait.ge [sflag:s13], $0xFA0  }
0x59: {  	[sflag:s13] =	ssyncset.done $0x0  }
0x5a: {  	s0 =	sadd.s32 $0x280, s31;
	[sflag:s13] =	ssyncadd.s32 $0xFFFFF060  }
0x5b: {  	[tilespmem:s16], [sflag:$0x1] =	stream.indirect.gather [hbm4b:s4+s15], $0x20, s0, s15, $0xb8;
	[tilespmem:$0x13D20] =	vst v63  }
0x5c: {  	_ =	swait.ge [sflag:s26], $0xFA0  }
0x5d: {  	[sflag:s26] =	ssyncset.done $0x0  }
0x5e: {  	s0 =	sadd.s32 $0x5080, s31;
	[sflag:s26] =	ssyncadd.s32 $0xFFFFF060  }
0x5f: {  	[spmem:s2] =	stream.indirect.scatter.add.f32 [tilespmem:s18], [sflag:$0x7], $0x20, s0, s15, $0xb8;
	[tilespmem:$0x13D20] =	vst v63  }
0x60: {  	_ =	swait.ge [sflag:s13], $0xFA0  }
0x61: {  	[sflag:s13] =	ssyncset.done $0x0  }
0x62: {  	s0 =	sadd.s32 $0x300, s31;
	[sflag:s13] =	ssyncadd.s32 $0xFFFFF060  }
0x63: {  	[tilespmem:s18], [sflag:$0x2] =	stream.indirect.gather [hbm4b:s4+s15], $0x20, s0, s15, $0xb8;
	[tilespmem:$0x13D20] =	vst v63  }
0x64: {  	_ =	swait.ge [sflag:s28], $0xFA0  }
0x65: {  	[sflag:s28] =	ssyncset.done $0x0  }
0x66: {  	s0 =	sadd.s32 $0x5100, s31;
	[sflag:s28] =	ssyncadd.s32 $0xFFFFF060  }
0x67: {  	[spmem:s2] =	stream.indirect.scatter.add.f32 [tilespmem:s20], [sflag:$0x7], $0x20, s0, s15, $0xb8;
	[tilespmem:$0x13D20] =	vst v63  }
0x68: {  	_ =	swait.ge [sflag:s13], $0xFA0  }
0x69: {  	[sflag:s13] =	ssyncset.done $0x0  }
0x6a: {  	s0 =	sadd.s32 $0x380, s31;
	[sflag:s13] =	ssyncadd.s32 $0xFFFFF060  }
0x6b: {  	[tilespmem:s20], [sflag:$0x3] =	stream.indirect.gather [hbm4b:s4+s15], $0x20, s0, s15, $0xb8;
	[tilespmem:$0x13D20] =	vst v63  }
0x6c: {  	_ =	swait.ge [sflag:s29], $0xFA0  }
0x6d: {  	[sflag:s29] =	ssyncset.done $0x0  }
0x6e: {  	s0 =	sadd.s32 $0x5180, s31;
	[sflag:s29] =	ssyncadd.s32 $0xFFFFF060  }
0x6f: {  	[spmem:s2] =	stream.indirect.scatter.add.f32 [tilespmem:s22], [sflag:$0x7], $0x20, s0, s15, $0xb8;
	[tilespmem:$0x13D20] =	vst v63  }
0x70: {  	_ =	swait.ge [sflag:s13], $0xFA0  }
0x71: {  	[sflag:s13] =	ssyncset.done $0x0  }
0x72: {  	s0 =	sadd.s32 $0x400, s31;
	[sflag:s13] =	ssyncadd.s32 $0xFFFFF060  }
0x73: {  	[tilespmem:s22], [sflag:$0x4] =	stream.indirect.gather [hbm4b:s4+s15], $0x20, s0, s15, $0xb8;
	[tilespmem:$0x13D20] =	vst v63  }
0x74: {  	_ =	swait.ge [sflag:s30], $0xFA0  }
0x75: {  	[sflag:s30] =	ssyncset.done $0x0  }
.Ltmp0:
0x76: {  	s0 =	sadd.s32 $0x5200, s31;
	[sflag:s30] =	ssyncadd.s32 $0xFFFFF060;
	(pc) =	sbr.rel @p0 .LBB2_2-.Ltmp0, $4  }
0x77: {  	[spmem:s2] =	stream.indirect.scatter.add.f32 [tilespmem:s24], [sflag:$0x7], $0x20, s0, s15, $0xb8;
	[tilespmem:$0x13D20] =	vst v63  }
0x78: {  	_ =	swait.ge [sflag:s13], $0xFA0  }
0x79: {  	[sflag:s13] =	ssyncset.done $0x0  }
0x7a: {  	s31 =	sadd.s32 $0x480, s31;
	[sflag:s13] =	ssyncadd.s32 $0xFFFFF060  }
0x7b: {  	[tilespmem:s24], [sflag:$0x5] =	stream.indirect.gather [hbm4b:s4+s15], $0x20, s31, s15, $0xb8;
	[tilespmem:$0x13D20] =	vst v63  }
0x7c: {  	_ =	swait.ge [sflag:s25], $0xFA0  }
0x7d: {  	[sflag:s25] =	ssyncset.done $0x0  }
0x7e: {  	s0 =	simm.s32 $0x9D80;
	[sflag:s25] =	ssyncadd.s32 $0xFFFFF060  }
0x7f: {  	[spmem:s2] =	stream.indirect.scatter.add.f32 [tilespmem:s16], [sflag:$0x7], $0x20, s0, s15, $0xb8;
	[tilespmem:$0x13D20] =	vst v63  }
0x80: {  	_ =	swait.ge [sflag:s13], $0xFA0  }
0x81: {  	[sflag:s13] =	ssyncset.done $0x0  }
0x82: {  	[sflag:s13] =	ssyncadd.s32 $0xFFFFF060  }
0x83: {  	_ =	swait.ge [sflag:s26], $0xFA0  }
0x84: {  	[sflag:s26] =	ssyncset.done $0x0  }
0x85: {  	s31 =	simm.s32 $0x9E00;
	[sflag:s26] =	ssyncadd.s32 $0xFFFFF060  }
0x86: {  	[spmem:s2] =	stream.indirect.scatter.add.f32 [tilespmem:s18], [sflag:$0x7], $0x20, s31, s15, $0xb8;
	[tilespmem:$0x13D20] =	vst v63  }
0x87: {  	_ =	swait.ge [sflag:s13], $0xFA0  }
0x88: {  	[sflag:s13] =	ssyncset.done $0x0  }
0x89: {  	[sflag:s13] =	ssyncadd.s32 $0xFFFFF060  }
0x8a: {  	_ =	swait.ge [sflag:s28], $0xFA0  }
0x8b: {  	[sflag:s28] =	ssyncset.done $0x0  }
0x8c: {  	[sflag:s28] =	ssyncadd.s32 $0xFFFFF060  }
0x8d: {  	[spmem:s2] =	stream.indirect.scatter.add.f32 [tilespmem:s20], [sflag:$0x7], $0x20, s1, s15, $0xb8;
	[tilespmem:$0x13D20] =	vst v63  }
0x8e: {  	_ =	swait.ge [sflag:s13], $0xFA0  }
0x8f: {  	[sflag:s13] =	ssyncset.done $0x0  }
0x90: {  	[sflag:s13] =	ssyncadd.s32 $0xFFFFF060  }
0x91: {  	_ =	swait.ge [sflag:s29], $0xFA0  }
0x92: {  	[sflag:s29] =	ssyncset.done $0x0  }
0x93: {  	[sflag:s29] =	ssyncadd.s32 $0xFFFFF060  }
0x94: {  	[spmem:s2] =	stream.indirect.scatter.add.f32 [tilespmem:s22], [sflag:$0x7], $0x20, s11, s15, $0xb8;
	[tilespmem:$0x13D20] =	vst v63  }
0x95: {  	_ =	swait.ge [sflag:s13], $0xFA0  }
0x96: {  	[sflag:s13] =	ssyncset.done $0x0  }
0x97: {  	[sflag:s13] =	ssyncadd.s32 $0xFFFFF060  }
0x98: {  	_ =	swait.ge [sflag:s30], $0xFA0  }
0x99: {  	[sflag:s30] =	ssyncset.done $0x0  }
0x9a: {  	[sflag:s30] =	ssyncadd.s32 $0xFFFFF060  }
0x9b: {  	[spmem:s2] =	stream.indirect.scatter.add.f32 [tilespmem:s24], [sflag:$0x7], $0x20, s17, s15, $0xb8;
	[tilespmem:$0x13D20] =	vst v63  }
0x9c: {  	_ =	swait.ge [sflag:s13], $0xFA0  }
0x9d: {  	s21 =	sadd.s32 $0x1, s21;
	[sflag:s13] =	ssyncset.done $0x0  }
0x9e: {  	p0 =	sne.s32 s21, s10;
	[sflag:s13] =	ssyncadd.s32 $0xFFFFF060  }
.Ltmp1:
0x9f: {  	[bflag:$0x0] =	sbarrier.arrive $0xFFFF;
	(pc) =	sbr.rel @p0 .LBB2_1-.Ltmp1, $4  }
0xa0: {  	[hbm:s9@s19], [sflag:s8] =	dma.strided [spmem:s12@s29], $0x9E0, s25, $0x4   }
0xa1: {  	_ =	swait.ge [sflag:s13], $0x9E0  }
0xa2: {  	[sflag:s13] =	ssyncset.done $0x0  }
0xa3: {  	[sflag:s13] =	ssyncadd.s32 $0xFFFFF620  }
0xa4: {  	_ =	sfence.sel $0x180000  }
0xa5: {  	[bflag:$0x0] =	sbarrier.arrive $0xFFFF  }
0xa6: {  	_ =	strace $0x90000050  }
0xa7: {  	s0 =	stileid.u32;
	[bflag:$0x2] =	sbarrier.arrive $0xFFFF  }
0xa8: {  	p0 =	sne.s32 s0, $0x0;
	s0 =	rddreg [dreg:$0x2]  }
0xa9: {  	s0 =	sadd.s32 @!p0 $0x100000, s0  }
0xaa: {  	[sflag:s0] =	ssyncadd.tile.s32 @!p0 $0x1;
	_ =	shalt  }
.Lfunc_end2:
_tile_overlayer_lowered:
.L_overlay_start_2:
0xab: {  	(tag) =	ssettag $0x2  }
0xac: {  	s0 =	rddreg [dreg:$0x0];
	s2 =	stileid.u32  }
0xad: {  	s1 =	rddreg [dreg:$0x1];
	p0 =	sne.s32 s2, $0x0  }
0xae: {  	s3 =	rddreg [dreg:$0x2];
	[bflag:$0x3] =	sbarrier.arrive $0xFFFF;
	s2 =	simm.s32 @!p0 $0x1C07  }
0xaf: {  	[timem:s3], [sflag:s2] =	dma.local @!p0 [hbm:s0], s1  }
0xb0: {  	s0 =	simm.s32 @!p0 $0x7  }
0xb1: {  	_ =	swait.ge @!p0 [sflag:s0], s1  }
0xb2: {  	s1 =	ssub.s32 @!p0 $0x0, s1;
	[sflag:s0] =	ssyncset.done @!p0 $0x0  }
0xb3: {  	[sflag:s0] =	ssyncadd.s32 @!p0 s1  }
0xb4: {  	[bflag:$0x3] =	sbarrier.arrive $0xFFFF  }
0xb5: {  	_ =	shalt  }

</sc_bundles>
